<compile_context>
chip_gen: v7x
topology: tpu7x:2x2x1
jax: 0.10.2.dev20260603
libtpu: 0.0.44.dev20260713+nightly
codegen_flags: <defaults>
</compile_context>

<pallas_src>
import functools

import jax
import jax.numpy as jnp
from jax import lax
from jax.experimental import pallas as pl
from jax.experimental.pallas import tpu as pltpu
from jax.experimental.pallas import tpu_sc as plsc

N = 10000
E = 320000
D = 128
H = 128

NC = 2
NS = 16
CH = 128
TCH = 160
GB = 16
NG = TCH // GB
NCHUNKS = NS * TCH
EP = NCHUNKS * CH
NPAD = 10240
RPT = NPAD // NS
ZR = 128
CPT = NPAD // NS

_MM_BLK = 2000


def _mm3_body(x_ref, w1_ref, w2_ref, wr_ref, br_ref, h1_ref, h2_ref, xr_ref):
    xb = x_ref[...]
    dn = (((1,), (1,)), ((), ()))
    h1_ref[...] = lax.dot_general(xb, w1_ref[...], dn,
                                  preferred_element_type=jnp.float32)
    h2_ref[...] = lax.dot_general(xb, w2_ref[...], dn,
                                  preferred_element_type=jnp.float32)
    xr_ref[...] = lax.dot_general(xb, wr_ref[...], dn,
                                  preferred_element_type=jnp.float32) + br_ref[...]


def _combine_body(xr_ref, s1_ref, c1_ref, s2_ref, c2_ref, o_ref):
    c1 = jnp.maximum(c1_ref[...], 1.0)
    c2 = jnp.maximum(c2_ref[...], 1.0)
    o_ref[...] = jnp.maximum(
        xr_ref[...] + s1_ref[...] / c1 + s2_ref[...] / c2, 0.0)


_sc_mesh = plsc.VectorSubcoreMesh(
    core_axis_name="c", subcore_axis_name="s", num_cores=NC, num_subcores=NS)


@functools.partial(
    pl.kernel,
    out_type=(
        jax.ShapeDtypeStruct((NPAD, D), jnp.float32),
        jax.ShapeDtypeStruct((NPAD,), jnp.float32),
        jax.ShapeDtypeStruct((NPAD, D), jnp.float32),
        jax.ShapeDtypeStruct((NPAD,), jnp.float32),
    ),
    mesh=_sc_mesh,
    scratch_types=[
        pltpu.VMEM((GB, CH), jnp.int32),
        pltpu.VMEM((GB, CH), jnp.int32),
        pltpu.VMEM((GB, CH), jnp.int32),
        pltpu.VMEM((GB, CH), jnp.int32),
        pltpu.VMEM((CH, D), jnp.float32),
        pltpu.VMEM((CH, D), jnp.float32),
        pltpu.VMEM((CH,), jnp.float32),
        pltpu.VMEM_SHARED((NPAD, D), jnp.float32),
        pltpu.VMEM_SHARED((NPAD,), jnp.float32),
        pltpu.SemaphoreType.DMA,
        pltpu.SemaphoreType.DMA,
        pltpu.SemaphoreType.DMA,
        pltpu.SemaphoreType.DMA,
        pltpu.SemaphoreType.DMA,
        pltpu.SemaphoreType.DMA,
        pltpu.SemaphoreType.DMA,
    ],
)
def _sc_segsum(h1, h2, src_g, dst_s, dst_g, src_s, zrow_h, zcnt_h,
               sum1, cnt1, sum2, cnt2,
               gidxA, sidxA, gidxB, sidxB, rows0, rows1, ones_v,
               acc_sh, cnt_sh, sem0, sem1, semiA, semiB, sems0, sems1, semc):
    s = lax.axis_index("s")
    c = lax.axis_index("c")

    ov = jnp.ones((16,), jnp.float32)

    def fill_ones(k, _):
        ones_v[pl.ds(k * 16, 16)] = ov
        return 0
    lax.fori_loop(0, CH // 16, fill_ones, 0)

    def run_direction(h_hbm, g2d, s2d, sum_out, cnt_out):
        idx_bufs = ((gidxA, sidxA, semiA), (gidxB, sidxB, semiB))
        bufs = ((rows0, sem0, sems0), (rows1, sem1, sems1))

        def stage(gq, p):
            gI, sI, smi = idx_bufs[p]
            r0 = s * TCH + gq * GB
            pltpu.async_copy(g2d.at[pl.ds(r0, GB)], gI, smi)
            pltpu.async_copy(s2d.at[pl.ds(r0, GB)], sI, smi)

        def wait_stage(gq, p):
            gI, sI, smi = idx_bufs[p]
            r0 = s * TCH + gq * GB
            pltpu.make_async_copy(g2d.at[pl.ds(r0, GB)], gI, smi).wait()
            pltpu.make_async_copy(s2d.at[pl.ds(r0, GB)], sI, smi).wait()

        stage(0, 0)
        for t in range(RPT // ZR):
            pltpu.sync_copy(zrow_h, acc_sh.at[pl.ds(s * RPT + t * ZR, ZR)])
        pltpu.sync_copy(zcnt_h.at[pl.ds(s * CPT, CPT)],
                        cnt_sh.at[pl.ds(s * CPT, CPT)])
        wait_stage(0, 0)

        def fire_gather(gI, i, rb, sg):
            pltpu.async_copy(h_hbm.at[gI.at[i]], rb, sg)

        def wait_gather(gI, i, rb, sg):
            pltpu.make_async_copy(h_hbm.at[gI.at[i]], rb, sg).wait()

        fire_gather(gidxA, 0, rows0, sem0)
        plsc.subcore_barrier()

        def outer(t, _):
            for p in range(2):
                g = 2 * t + p
                gI, sI, _ = idx_bufs[p]
                gN = idx_bufs[1 - p][0]

                @pl.when(g > 0)
                def _():
                    wait_stage(g, p)

                def pair(u, _):
                    for b in range(2):
                        i = 2 * u + b
                        rb, sg, ss = bufs[b]
                        ro, so, os_ = bufs[1 - b]
                        wait_gather(gI, i, rb, sg)
                        pltpu.async_copy(rb, acc_sh.at[sI.at[i]], ss, add=True)
                        pltpu.async_copy(ones_v, cnt_sh.at[sI.at[i]], semc,
                                         add=True)
                        if b == 0:
                            @pl.when((u == 1) & (g + 1 < NG))
                            def _():
                                stage(g + 1, 1 - p)

                            @pl.when((g > 0) | (u > 0))
                            def _():
                                pltpu.make_async_copy(
                                    ro, acc_sh.at[sI.at[i]], os_).wait()
                            fire_gather(gI, i + 1, ro, so)
                        else:
                            pltpu.make_async_copy(
                                ro, acc_sh.at[sI.at[i]], os_).wait()

                            @pl.when(u < GB // 2 - 1)
                            def _():
                                fire_gather(gI, i + 1, ro, so)

                            @pl.when((u == GB // 2 - 1) & (g + 1 < NG))
                            def _():
                                fire_gather(gN, 0, ro, so)
                    return 0
                lax.fori_loop(0, GB // 2, pair, 0)

                def cdrain(k, _):
                    pltpu.make_async_copy(
                        ones_v, cnt_sh.at[sI.at[k]], semc).wait()
                    return 0
                lax.fori_loop(0, GB, cdrain, 0)
            return 0
        lax.fori_loop(0, NG // 2, outer, 0)

        pltpu.make_async_copy(rows1, acc_sh.at[sidxB.at[0]], sems1).wait()

        plsc.subcore_barrier()
        for t in range(RPT // ZR):
            r0 = s * RPT + t * ZR
            pltpu.sync_copy(acc_sh.at[pl.ds(r0, ZR)], sum_out.at[pl.ds(r0, ZR)])
        pltpu.sync_copy(cnt_sh.at[pl.ds(s * CPT, CPT)],
                        cnt_out.at[pl.ds(s * CPT, CPT)])

    @pl.when(c == 0)
    def _():
        run_direction(h1, src_g, dst_s, sum1, cnt1)

    @pl.when(c == 1)
    def _():
        run_direction(h2, dst_g, src_s, sum2, cnt2)


def kernel(x, edge_index, W1, W2, Wr, br):
    src = edge_index[0]
    dst = edge_index[1]
    pad_g = jnp.zeros((EP - E,), jnp.int32)
    pad_s = jnp.full((EP - E,), NPAD - 1, jnp.int32)
    src_g = jnp.concatenate([src, pad_g]).reshape(NCHUNKS, CH)
    dst_s = jnp.concatenate([dst, pad_s]).reshape(NCHUNKS, CH)
    dst_g = jnp.concatenate([dst, pad_g]).reshape(NCHUNKS, CH)
    src_s = jnp.concatenate([src, pad_s]).reshape(NCHUNKS, CH)
    br2 = br.reshape(1, H)

    nblk = N // _MM_BLK
    h1, h2, xr = pl.pallas_call(
        _mm3_body,
        grid=(nblk,),
        in_specs=[
            pl.BlockSpec((_MM_BLK, D), lambda i: (i, 0)),
            pl.BlockSpec((H, D), lambda i: (0, 0)),
            pl.BlockSpec((H, D), lambda i: (0, 0)),
            pl.BlockSpec((H, D), lambda i: (0, 0)),
            pl.BlockSpec((1, H), lambda i: (0, 0)),
        ],
        out_specs=[
            pl.BlockSpec((_MM_BLK, H), lambda i: (i, 0)),
            pl.BlockSpec((_MM_BLK, H), lambda i: (i, 0)),
            pl.BlockSpec((_MM_BLK, H), lambda i: (i, 0)),
        ],
        out_shape=[
            jax.ShapeDtypeStruct((N, H), jnp.float32),
            jax.ShapeDtypeStruct((N, H), jnp.float32),
            jax.ShapeDtypeStruct((N, H), jnp.float32),
        ],
    )(x, W1, W2, Wr, br2)

    zrow_h = jnp.zeros((ZR, D), jnp.float32)
    zcnt_h = jnp.zeros((NPAD,), jnp.float32)
    sum1, cnt1, sum2, cnt2 = _sc_segsum(h1, h2, src_g, dst_s, dst_g, src_s,
                                        zrow_h, zcnt_h)

    c1 = cnt1[:N].reshape(N, 1)
    c2 = cnt2[:N].reshape(N, 1)
    out = pl.pallas_call(
        _combine_body,
        grid=(nblk,),
        in_specs=[
            pl.BlockSpec((_MM_BLK, H), lambda i: (i, 0)),
            pl.BlockSpec((_MM_BLK, H), lambda i: (i, 0)),
            pl.BlockSpec((_MM_BLK, 1), lambda i: (i, 0)),
            pl.BlockSpec((_MM_BLK, H), lambda i: (i, 0)),
            pl.BlockSpec((_MM_BLK, 1), lambda i: (i, 0)),
        ],
        out_specs=pl.BlockSpec((_MM_BLK, H), lambda i: (i, 0)),
        out_shape=jax.ShapeDtypeStruct((N, H), jnp.float32),
    )(xr, sum1, c1, sum2, c2)
    return out

# --- scband reference (transcript-rebuilt; emitter-appended) ---
"""Pipeline reference for scband-node-encoder-3401614098589 (READ-ONLY COPY).

The authoritative reference and input builder live on the scoring server;
editing this copy changes nothing except your own understanding.
"""

import jax, jax.numpy as jnp
import numpy as np

N = 10000
E = 320000
D = 128
H = 128


def setup_inputs(seed: int = 0) -> dict:
    key = jax.random.key(seed)
    k1, k2, k3, k4, k5, k6 = jax.random.split(key, 6)
    x = jax.random.normal(k1, (N, D), dtype=jnp.float32)
    edge_index = jax.random.randint(k2, (2, E), 0, N, dtype=jnp.int32)
    s = 1.0 / np.sqrt(D)
    W1 = jax.random.uniform(k3, (H, D), dtype=jnp.float32, minval=-s, maxval=s)
    W2 = jax.random.uniform(k4, (H, D), dtype=jnp.float32, minval=-s, maxval=s)
    Wr = jax.random.uniform(k5, (H, D), dtype=jnp.float32, minval=-s, maxval=s)
    br = jax.random.uniform(k6, (H,), dtype=jnp.float32, minval=-s, maxval=s)
    return {"x": x, "edge_index": edge_index, "W1": W1, "W2": W2, "Wr": Wr, "br": br}


def _segment_mean(vals, idx, n):
    s = jax.ops.segment_sum(vals, idx, num_segments=n)
    cnt = jax.ops.segment_sum(jnp.ones((idx.shape[0], 1), vals.dtype), idx, num_segments=n)
    return s / jnp.clip(cnt, 1.0, None)


def reference(x, edge_index, W1, W2, Wr, br):
    n = x.shape[0]
    src = edge_index[0]
    dst = edge_index[1]
    # flow = source_to_target: message x_j = lin1(x)[src], aggregate (mean) at dst
    h1 = x @ W1.T
    out1 = _segment_mean(h1[src], dst, n)
    # flow = target_to_source: message x_j = lin2(x)[dst], aggregate (mean) at src
    h2 = x @ W2.T
    out2 = _segment_mean(h2[dst], src, n)
    out = (x @ Wr.T + br) + out1 + out2
    return jax.nn.relu(out)

if __name__ == "__main__":
    import jax
    _d = setup_inputs()
    print(jax.jit(kernel)(*tuple(_d.values())))

</pallas_src>

<mosaic_0001>
#map = affine_map<(d0, d1) -> (0, 0)>
#map1 = affine_map<(d0, d1) -> (0)>
module attributes {stable_mosaic.version = 14 : i64} {
  func.func @_sc_segsum(%arg0: i32, %arg1: i32, %arg2: memref<10000x128xf32, #tpu.memory_space<hbm>>, %arg3: memref<10000x128xf32, #tpu.memory_space<hbm>>, %arg4: memref<2560x128xi32, #tpu.memory_space<hbm>>, %arg5: memref<2560x128xi32, #tpu.memory_space<hbm>>, %arg6: memref<2560x128xi32, #tpu.memory_space<hbm>>, %arg7: memref<2560x128xi32, #tpu.memory_space<hbm>>, %arg8: memref<128x128xf32, #tpu.memory_space<hbm>>, %arg9: memref<10240xf32, #tpu.memory_space<hbm>>, %arg10: memref<10240x128xf32, #tpu.memory_space<hbm>>, %arg11: memref<10240xf32, #tpu.memory_space<hbm>>, %arg12: memref<10240x128xf32, #tpu.memory_space<hbm>>, %arg13: memref<10240xf32, #tpu.memory_space<hbm>>, %arg14: memref<16x128xi32, #tpu.memory_space<vmem>>, %arg15: memref<16x128xi32, #tpu.memory_space<vmem>>, %arg16: memref<16x128xi32, #tpu.memory_space<vmem>>, %arg17: memref<16x128xi32, #tpu.memory_space<vmem>>, %arg18: memref<128x128xf32, #tpu.memory_space<vmem>>, %arg19: memref<128x128xf32, #tpu.memory_space<vmem>>, %arg20: memref<128xf32, #tpu.memory_space<vmem>>, %arg21: memref<10240x128xf32, #tpu.memory_space<vmem_shared>>, %arg22: memref<10240xf32, #tpu.memory_space<vmem_shared>>, %arg23: memref<!tpu.dma_semaphore, #tpu.memory_space<semaphore_mem>>, %arg24: memref<!tpu.dma_semaphore, #tpu.memory_space<semaphore_mem>>, %arg25: memref<!tpu.dma_semaphore, #tpu.memory_space<semaphore_mem>>, %arg26: memref<!tpu.dma_semaphore, #tpu.memory_space<semaphore_mem>>, %arg27: memref<!tpu.dma_semaphore, #tpu.memory_space<semaphore_mem>>, %arg28: memref<!tpu.dma_semaphore, #tpu.memory_space<semaphore_mem>>, %arg29: memref<!tpu.dma_semaphore, #tpu.memory_space<semaphore_mem>>) attributes {dimension_semantics = [#tpu.dimension_semantics<core_parallel>, #tpu.dimension_semantics<subcore_parallel>], iteration_bounds = array<i64: 2, 16>, scalar_prefetch = 0 : i64, scratch_operands = 16 : i64, tpu.core_type = #tpu.core_type<sc_vector_subcore>, window_params = [{transform_indices = #map}, {transform_indices = #map}, {transform_indices = #map}, {transform_indices = #map}, {transform_indices = #map}, {transform_indices = #map}, {transform_indices = #map}, {transform_indices = #map1}, {transform_indices = #map}, {transform_indices = #map1}, {transform_indices = #map}, {transform_indices = #map1}]} {
    %broadcast_in_dim3A = arith.constant 1.000000e+00 : f32
    %broadcast_in_dim3A_0 = vector.broadcast %broadcast_in_dim3A : f32 to vector<16xf32>
    %scan3A = arith.constant 0 : i32
    %scan3A_1 = arith.constant 0 : i32
    %scan3A_2 = arith.constant 8 : i32
    %scan3A_3 = arith.addi %scan3A_1, %scan3A_2 : i32
    %scan3A_4 = arith.constant 1 : i32
    %scan3A_5 = scf.for %scan3A_14 = %scan3A_1 to %scan3A_3 step %scan3A_4 iter_args(%scan3A_15 = %scan3A) -> (i32)  : i32 {
      %mul3A = arith.constant 16 : i32
      %mul3A_16 = arith.muli %scan3A_14, %mul3A : i32
      %swap3A = arith.index_cast %mul3A_16 : i32 to index
      %swap3A_17 = tpu.vector_load %arg20[%swap3A] {strides = array<i32>} : memref<128xf32, #tpu.memory_space<vmem>>, vector<16xf32>,
      %swap3A_18 = vector.shape_cast %swap3A_17 : vector<16xf32> to vector<16xf32>
      %swap3A_19 = vector.shape_cast %broadcast_in_dim3A_0 : vector<16xf32> to vector<16xf32>
      tpu.vector_store %arg20[%swap3A], %swap3A_19 {strides = array<i32>} : memref<128xf32, #tpu.memory_space<vmem>>, vector<16xf32>,
      %scan3A_20 = arith.constant 0 : i32
      scf.yield %scan3A_20 : i32
    }
    %scan3A_6 = arith.constant 8 : i32
    %eq3A = arith.constant 0 : i32
    %eq3A_7 = arith.cmpi eq, %arg0, %eq3A : i32
    %convert_element_type3A = arith.extui %eq3A_7 : i1 to i32
    %cond3A = arith.constant 0 : i32
    %cond3A_8 = arith.cmpi ne, %convert_element_type3A, %cond3A : i32
    scf.if %cond3A_8 {
      %mul3A = arith.constant 160 : i32
      %mul3A_14 = arith.muli %arg1, %mul3A : i32
      %add3A = arith.constant 0 : i32
      %add3A_15 = arith.addi %mul3A_14, %add3A : i32
      %dma_start3A = arith.constant 0 : i32
      %dma_start3A_16 = tpu.memref_slice %arg4[%add3A_15, %dma_start3A] : memref<2560x128xi32, #tpu.memory_space<hbm>> -> memref<16x128xi32, #tpu.memory_space<hbm>>
      %dma_start3A_17 = arith.constant 0 : i32
      %dma_start3A_18 = tpu.memref_slice %arg4[%add3A_15, %dma_start3A_17] : memref<2560x128xi32, #tpu.memory_space<hbm>> -> memref<16x128xi32, #tpu.memory_space<hbm>>
      tpu.enqueue_dma source(%dma_start3A_18 : memref<16x128xi32, #tpu.memory_space<hbm>>) target(%arg14 : memref<16x128xi32, #tpu.memory_space<vmem>>) target_semaphore(%arg25 : memref<!tpu.dma_semaphore, #tpu.memory_space<semaphore_mem>>)
      %dma_start3A_19 = arith.constant 0 : i32
      %dma_start3A_20 = tpu.memref_slice %arg5[%add3A_15, %dma_start3A_19] : memref<2560x128xi32, #tpu.memory_space<hbm>> -> memref<16x128xi32, #tpu.memory_space<hbm>>
      %dma_start3A_21 = arith.constant 0 : i32
      %dma_start3A_22 = tpu.memref_slice %arg5[%add3A_15, %dma_start3A_21] : memref<2560x128xi32, #tpu.memory_space<hbm>> -> memref<16x128xi32, #tpu.memory_space<hbm>>
      tpu.enqueue_dma source(%dma_start3A_22 : memref<16x128xi32, #tpu.memory_space<hbm>>) target(%arg15 : memref<16x128xi32, #tpu.memory_space<vmem>>) target_semaphore(%arg25 : memref<!tpu.dma_semaphore, #tpu.memory_space<semaphore_mem>>)
      %mul3A_23 = arith.constant 640 : i32
      %mul3A_24 = arith.muli %arg1, %mul3A_23 : i32
      %add3A_25 = arith.constant 0 : i32
      %add3A_26 = arith.addi %mul3A_24, %add3A_25 : i32
      "tpu.region"() ({
        %run_scoped3A = tpu.sem_alloc : memref<!tpu.dma_semaphore, #tpu.memory_space<semaphore_mem>>
        %dma_start3A_104 = arith.constant 0 : i32
        %dma_start3A_105 = tpu.memref_slice %arg21[%add3A_26, %dma_start3A_104] : memref<10240x128xf32, #tpu.memory_space<vmem_shared>> -> memref<128x128xf32, #tpu.memory_space<vmem_shared>>
        tpu.enqueue_dma source(%arg8 : memref<128x128xf32, #tpu.memory_space<hbm>>) target(%dma_start3A_105 : memref<128x128xf32, #tpu.memory_space<vmem_shared>>) target_semaphore(%run_scoped3A : memref<!tpu.dma_semaphore, #tpu.memory_space<semaphore_mem>>)
        %dma_wait3A_106 = arith.constant 0 : i32
        %dma_wait3A_107 = tpu.memref_slice %arg21[%add3A_26, %dma_wait3A_106] : memref<10240x128xf32, #tpu.memory_space<vmem_shared>> -> memref<128x128xf32, #tpu.memory_space<vmem_shared>>
        tpu.wait_dma2 semaphore(%run_scoped3A : memref<!tpu.dma_semaphore, #tpu.memory_space<semaphore_mem>>) src(%arg8 : memref<128x128xf32, #tpu.memory_space<hbm>>) dst(%dma_wait3A_107 : memref<128x128xf32, #tpu.memory_space<vmem_shared>>)
        tpu.yield
      }) : () -> ()
      %mul3A_27 = arith.constant 640 : i32
      %mul3A_28 = arith.muli %arg1, %mul3A_27 : i32
      %add3A_29 = arith.constant 128 : i32
      %add3A_30 = arith.addi %mul3A_28, %add3A_29 : i32
      "tpu.region"() ({
        %run_scoped3A = tpu.sem_alloc : memref<!tpu.dma_semaphore, #tpu.memory_space<semaphore_mem>>
        %dma_start3A_104 = arith.constant 0 : i32
        %dma_start3A_105 = tpu.memref_slice %arg21[%add3A_30, %dma_start3A_104] : memref<10240x128xf32, #tpu.memory_space<vmem_shared>> -> memref<128x128xf32, #tpu.memory_space<vmem_shared>>
        tpu.enqueue_dma source(%arg8 : memref<128x128xf32, #tpu.memory_space<hbm>>) target(%dma_start3A_105 : memref<128x128xf32, #tpu.memory_space<vmem_shared>>) target_semaphore(%run_scoped3A : memref<!tpu.dma_semaphore, #tpu.memory_space<semaphore_mem>>)
        %dma_wait3A_106 = arith.constant 0 : i32
        %dma_wait3A_107 = tpu.memref_slice %arg21[%add3A_30, %dma_wait3A_106] : memref<10240x128xf32, #tpu.memory_space<vmem_shared>> -> memref<128x128xf32, #tpu.memory_space<vmem_shared>>
        tpu.wait_dma2 semaphore(%run_scoped3A : memref<!tpu.dma_semaphore, #tpu.memory_space<semaphore_mem>>) src(%arg8 : memref<128x128xf32, #tpu.memory_space<hbm>>) dst(%dma_wait3A_107 : memref<128x128xf32, #tpu.memory_space<vmem_shared>>)
        tpu.yield
      }) : () -> ()
      %mul3A_31 = arith.constant 640 : i32
      %mul3A_32 = arith.muli %arg1, %mul3A_31 : i32
      %add3A_33 = arith.constant 256 : i32
      %add3A_34 = arith.addi %mul3A_32, %add3A_33 : i32
      "tpu.region"() ({
        %run_scoped3A = tpu.sem_alloc : memref<!tpu.dma_semaphore, #tpu.memory_space<semaphore_mem>>
        %dma_start3A_104 = arith.constant 0 : i32
        %dma_start3A_105 = tpu.memref_slice %arg21[%add3A_34, %dma_start3A_104] : memref<10240x128xf32, #tpu.memory_space<vmem_shared>> -> memref<128x128xf32, #tpu.memory_space<vmem_shared>>
        tpu.enqueue_dma source(%arg8 : memref<128x128xf32, #tpu.memory_space<hbm>>) target(%dma_start3A_105 : memref<128x128xf32, #tpu.memory_space<vmem_shared>>) target_semaphore(%run_scoped3A : memref<!tpu.dma_semaphore, #tpu.memory_space<semaphore_mem>>)
        %dma_wait3A_106 = arith.constant 0 : i32
        %dma_wait3A_107 = tpu.memref_slice %arg21[%add3A_34, %dma_wait3A_106] : memref<10240x128xf32, #tpu.memory_space<vmem_shared>> -> memref<128x128xf32, #tpu.memory_space<vmem_shared>>
        tpu.wait_dma2 semaphore(%run_scoped3A : memref<!tpu.dma_semaphore, #tpu.memory_space<semaphore_mem>>) src(%arg8 : memref<128x128xf32, #tpu.memory_space<hbm>>) dst(%dma_wait3A_107 : memref<128x128xf32, #tpu.memory_space<vmem_shared>>)
        tpu.yield
      }) : () -> ()
      %mul3A_35 = arith.constant 640 : i32
      %mul3A_36 = arith.muli %arg1, %mul3A_35 : i32
      %add3A_37 = arith.constant 384 : i32
      %add3A_38 = arith.addi %mul3A_36, %add3A_37 : i32
      "tpu.region"() ({
        %run_scoped3A = tpu.sem_alloc : memref<!tpu.dma_semaphore, #tpu.memory_space<semaphore_mem>>
        %dma_start3A_104 = arith.constant 0 : i32
        %dma_start3A_105 = tpu.memref_slice %arg21[%add3A_38, %dma_start3A_104] : memref<10240x128xf32, #tpu.memory_space<vmem_shared>> -> memref<128x128xf32, #tpu.memory_space<vmem_shared>>
        tpu.enqueue_dma source(%arg8 : memref<128x128xf32, #tpu.memory_space<hbm>>) target(%dma_start3A_105 : memref<128x128xf32, #tpu.memory_space<vmem_shared>>) target_semaphore(%run_scoped3A : memref<!tpu.dma_semaphore, #tpu.memory_space<semaphore_mem>>)
        %dma_wait3A_106 = arith.constant 0 : i32
        %dma_wait3A_107 = tpu.memref_slice %arg21[%add3A_38, %dma_wait3A_106] : memref<10240x128xf32, #tpu.memory_space<vmem_shared>> -> memref<128x128xf32, #tpu.memory_space<vmem_shared>>
        tpu.wait_dma2 semaphore(%run_scoped3A : memref<!tpu.dma_semaphore, #tpu.memory_space<semaphore_mem>>) src(%arg8 : memref<128x128xf32, #tpu.memory_space<hbm>>) dst(%dma_wait3A_107 : memref<128x128xf32, #tpu.memory_space<vmem_shared>>)
        tpu.yield
      }) : () -> ()
      %mul3A_39 = arith.constant 640 : i32
      %mul3A_40 = arith.muli %arg1, %mul3A_39 : i32
      %add3A_41 = arith.constant 512 : i32
      %add3A_42 = arith.addi %mul3A_40, %add3A_41 : i32
      "tpu.region"() ({
        %run_scoped3A = tpu.sem_alloc : memref<!tpu.dma_semaphore, #tpu.memory_space<semaphore_mem>>
        %dma_start3A_104 = arith.constant 0 : i32
        %dma_start3A_105 = tpu.memref_slice %arg21[%add3A_42, %dma_start3A_104] : memref<10240x128xf32, #tpu.memory_space<vmem_shared>> -> memref<128x128xf32, #tpu.memory_space<vmem_shared>>
        tpu.enqueue_dma source(%arg8 : memref<128x128xf32, #tpu.memory_space<hbm>>) target(%dma_start3A_105 : memref<128x128xf32, #tpu.memory_space<vmem_shared>>) target_semaphore(%run_scoped3A : memref<!tpu.dma_semaphore, #tpu.memory_space<semaphore_mem>>)
        %dma_wait3A_106 = arith.constant 0 : i32
        %dma_wait3A_107 = tpu.memref_slice %arg21[%add3A_42, %dma_wait3A_106] : memref<10240x128xf32, #tpu.memory_space<vmem_shared>> -> memref<128x128xf32, #tpu.memory_space<vmem_shared>>
        tpu.wait_dma2 semaphore(%run_scoped3A : memref<!tpu.dma_semaphore, #tpu.memory_space<semaphore_mem>>) src(%arg8 : memref<128x128xf32, #tpu.memory_space<hbm>>) dst(%dma_wait3A_107 : memref<128x128xf32, #tpu.memory_space<vmem_shared>>)
        tpu.yield
      }) : () -> ()
      %mul3A_43 = arith.constant 640 : i32
      %mul3A_44 = arith.muli %arg1, %mul3A_43 : i32
      %mul3A_45 = arith.constant 640 : i32
      %mul3A_46 = arith.muli %arg1, %mul3A_45 : i32
      "tpu.region"() ({
        %run_scoped3A = tpu.sem_alloc : memref<!tpu.dma_semaphore, #tpu.memory_space<semaphore_mem>>
        %dma_start3A_104 = tpu.memref_slice %arg22[%mul3A_46] : memref<10240xf32, #tpu.memory_space<vmem_shared>> -> memref<640xf32, #tpu.memory_space<vmem_shared>>
        %dma_start3A_105 = tpu.memref_slice %arg9[%mul3A_44] : memref<10240xf32, #tpu.memory_space<hbm>> -> memref<640xf32, #tpu.memory_space<hbm>>
        tpu.enqueue_dma source(%dma_start3A_105 : memref<640xf32, #tpu.memory_space<hbm>>) target(%dma_start3A_104 : memref<640xf32, #tpu.memory_space<vmem_shared>>) target_semaphore(%run_scoped3A : memref<!tpu.dma_semaphore, #tpu.memory_space<semaphore_mem>>)
        %dma_wait3A_106 = tpu.memref_slice %arg22[%mul3A_46] : memref<10240xf32, #tpu.memory_space<vmem_shared>> -> memref<640xf32, #tpu.memory_space<vmem_shared>>
        %dma_wait3A_107 = tpu.memref_slice %arg9[%mul3A_44] : memref<10240xf32, #tpu.memory_space<hbm>> -> memref<640xf32, #tpu.memory_space<hbm>>
        tpu.wait_dma2 semaphore(%run_scoped3A : memref<!tpu.dma_semaphore, #tpu.memory_space<semaphore_mem>>) src(%dma_wait3A_107 : memref<640xf32, #tpu.memory_space<hbm>>) dst(%dma_wait3A_106 : memref<640xf32, #tpu.memory_space<vmem_shared>>)
        tpu.yield
      }) : () -> ()
      %mul3A_47 = arith.constant 160 : i32
      %mul3A_48 = arith.muli %arg1, %mul3A_47 : i32
      %add3A_49 = arith.constant 0 : i32
      %add3A_50 = arith.addi %mul3A_48, %add3A_49 : i32
      %dma_wait3A = arith.constant 0 : i32
      %dma_wait3A_51 = tpu.memref_slice %arg4[%add3A_50, %dma_wait3A] : memref<2560x128xi32, #tpu.memory_space<hbm>> -> memref<16x128xi32, #tpu.memory_space<hbm>>
      %dma_wait3A_52 = arith.constant 0 : i32
      %dma_wait3A_53 = tpu.memref_slice %arg4[%add3A_50, %dma_wait3A_52] : memref<2560x128xi32, #tpu.memory_space<hbm>> -> memref<16x128xi32, #tpu.memory_space<hbm>>
      tpu.wait_dma2 semaphore(%arg25 : memref<!tpu.dma_semaphore, #tpu.memory_space<semaphore_mem>>) src(%dma_wait3A_53 : memref<16x128xi32, #tpu.memory_space<hbm>>) dst(%arg14 : memref<16x128xi32, #tpu.memory_space<vmem>>)
      %dma_wait3A_54 = arith.constant 0 : i32
      %dma_wait3A_55 = tpu.memref_slice %arg5[%add3A_50, %dma_wait3A_54] : memref<2560x128xi32, #tpu.memory_space<hbm>> -> memref<16x128xi32, #tpu.memory_space<hbm>>
      %dma_wait3A_56 = arith.constant 0 : i32
      %dma_wait3A_57 = tpu.memref_slice %arg5[%add3A_50, %dma_wait3A_56] : memref<2560x128xi32, #tpu.memory_space<hbm>> -> memref<16x128xi32, #tpu.memory_space<hbm>>
      tpu.wait_dma2 semaphore(%arg25 : memref<!tpu.dma_semaphore, #tpu.memory_space<semaphore_mem>>) src(%dma_wait3A_57 : memref<16x128xi32, #tpu.memory_space<hbm>>) dst(%arg15 : memref<16x128xi32, #tpu.memory_space<vmem>>)
      %dma_start3A_58 = arith.constant 0 : i32
      %dma_start3A_59 = arith.constant 0 : i32
      %dma_start3A_60 = tpu.memref_slice %arg14[%dma_start3A_58, %dma_start3A_59] : memref<16x128xi32, #tpu.memory_space<vmem>> -> memref<1x128xi32, #tpu.memory_space<vmem>>
      %dma_start3A_61 = tpu.memref_squeeze %dma_start3A_60 : memref<1x128xi32, #tpu.memory_space<vmem>> -> memref<128xi32, #tpu.memory_space<vmem>>
      %dma_start3A_62 = arith.constant 0 : i32
      %dma_start3A_63 = arith.constant 0 : i32
      %dma_start3A_64 = tpu.memref_slice %arg2[%dma_start3A_62, %dma_start3A_63] : memref<10000x128xf32, #tpu.memory_space<hbm>> -> memref<10000x128xf32, #tpu.memory_space<hbm>>
      tpu.enqueue_indirect_dma source(%dma_start3A_64 : memref<10000x128xf32, #tpu.memory_space<hbm>>) target(%arg18 : memref<128x128xf32, #tpu.memory_space<vmem>>) offsets(%dma_start3A_61 : memref<128xi32, #tpu.memory_space<vmem>>) semaphore(%arg23 : memref<!tpu.dma_semaphore, #tpu.memory_space<semaphore_mem>>)
      %barrier3A = arith.constant 0 : index
      tpu.barrier barrier_id(%barrier3A)
      %scan3A_65 = arith.constant 0 : i32
      %scan3A_66 = arith.constant 0 : i32
      %scan3A_67 = arith.constant 5 : i32
      %scan3A_68 = arith.addi %scan3A_66, %scan3A_67 : i32
      %scan3A_69 = arith.constant 1 : i32
      %scan3A_70 = scf.for %scan3A_104 = %scan3A_66 to %scan3A_68 step %scan3A_69 iter_args(%scan3A_105 = %scan3A_65) -> (i32)  : i32 {
        %mul3A_106 = arith.constant 2 : i32
        %mul3A_107 = arith.muli %mul3A_106, %scan3A_104 : i32
        %add3A_108 = arith.constant 0 : i32
        %add3A_109 = arith.addi %mul3A_107, %add3A_108 : i32
        %gt3A = arith.constant 0 : i32
        %gt3A_110 = arith.cmpi sgt, %add3A_109, %gt3A : i32
        %convert_element_type3A_111 = arith.extui %gt3A_110 : i1 to i32
        %cond3A_112 = arith.constant 0 : i32
        %cond3A_113 = arith.cmpi ne, %convert_element_type3A_111, %cond3A_112 : i32
        scf.if %cond3A_113 {
          %mul3A_152 = arith.constant 160 : i32
          %mul3A_153 = arith.muli %arg1, %mul3A_152 : i32
          %mul3A_154 = arith.constant 16 : i32
          %mul3A_155 = arith.muli %add3A_109, %mul3A_154 : i32
          %add3A_156 = arith.addi %mul3A_153, %mul3A_155 : i32
          %dma_wait3A_157 = arith.constant 0 : i32
          %dma_wait3A_158 = tpu.memref_slice %arg4[%add3A_156, %dma_wait3A_157] : memref<2560x128xi32, #tpu.memory_space<hbm>> -> memref<16x128xi32, #tpu.memory_space<hbm>>
          %dma_wait3A_159 = arith.constant 0 : i32
          %dma_wait3A_160 = tpu.memref_slice %arg4[%add3A_156, %dma_wait3A_159] : memref<2560x128xi32, #tpu.memory_space<hbm>> -> memref<16x128xi32, #tpu.memory_space<hbm>>
          tpu.wait_dma2 semaphore(%arg25 : memref<!tpu.dma_semaphore, #tpu.memory_space<semaphore_mem>>) src(%dma_wait3A_160 : memref<16x128xi32, #tpu.memory_space<hbm>>) dst(%arg14 : memref<16x128xi32, #tpu.memory_space<vmem>>)
          %dma_wait3A_161 = arith.constant 0 : i32
          %dma_wait3A_162 = tpu.memref_slice %arg5[%add3A_156, %dma_wait3A_161] : memref<2560x128xi32, #tpu.memory_space<hbm>> -> memref<16x128xi32, #tpu.memory_space<hbm>>
          %dma_wait3A_163 = arith.constant 0 : i32
          %dma_wait3A_164 = tpu.memref_slice %arg5[%add3A_156, %dma_wait3A_163] : memref<2560x128xi32, #tpu.memory_space<hbm>> -> memref<16x128xi32, #tpu.memory_space<hbm>>
          tpu.wait_dma2 semaphore(%arg25 : memref<!tpu.dma_semaphore, #tpu.memory_space<semaphore_mem>>) src(%dma_wait3A_164 : memref<16x128xi32, #tpu.memory_space<hbm>>) dst(%arg15 : memref<16x128xi32, #tpu.memory_space<vmem>>)
        } else {
        }
        %scan3A_114 = arith.constant 0 : i32
        %scan3A_115 = arith.constant 0 : i32
        %scan3A_116 = arith.constant 8 : i32
        %scan3A_117 = arith.addi %scan3A_115, %scan3A_116 : i32
        %scan3A_118 = arith.constant 1 : i32
        %scan3A_119 = scf.for %scan3A_152 = %scan3A_115 to %scan3A_117 step %scan3A_118 iter_args(%scan3A_153 = %scan3A_114) -> (i32)  : i32 {
          %mul3A_154 = arith.constant 2 : i32
          %mul3A_155 = arith.muli %mul3A_154, %scan3A_152 : i32
          %add3A_156 = arith.constant 0 : i32
          %add3A_157 = arith.addi %mul3A_155, %add3A_156 : i32
          %dma_wait3A_158 = arith.constant 0 : i32
          %dma_wait3A_159 = tpu.memref_slice %arg14[%add3A_157, %dma_wait3A_158] : memref<16x128xi32, #tpu.memory_space<vmem>> -> memref<1x128xi32, #tpu.memory_space<vmem>>
          %dma_wait3A_160 = tpu.memref_squeeze %dma_wait3A_159 : memref<1x128xi32, #tpu.memory_space<vmem>> -> memref<128xi32, #tpu.memory_space<vmem>>
          %dma_wait3A_161 = arith.constant 0 : i32
          %dma_wait3A_162 = arith.constant 0 : i32
          %dma_wait3A_163 = tpu.memref_slice %arg2[%dma_wait3A_161, %dma_wait3A_162] : memref<10000x128xf32, #tpu.memory_space<hbm>> -> memref<10000x128xf32, #tpu.memory_space<hbm>>
          tpu.wait_indirect_dma semaphore(%arg23 : memref<!tpu.dma_semaphore, #tpu.memory_space<semaphore_mem>>) src(%dma_wait3A_163 : memref<10000x128xf32, #tpu.memory_space<hbm>>) dst(%arg18 : memref<128x128xf32, #tpu.memory_space<vmem>>)
          %dma_start3A_164 = arith.constant 0 : i32
          %dma_start3A_165 = tpu.memref_slice %arg15[%add3A_157, %dma_start3A_164] : memref<16x128xi32, #tpu.memory_space<vmem>> -> memref<1x128xi32, #tpu.memory_space<vmem>>
          %dma_start3A_166 = tpu.memref_squeeze %dma_start3A_165 : memref<1x128xi32, #tpu.memory_space<vmem>> -> memref<128xi32, #tpu.memory_space<vmem>>
          %dma_start3A_167 = arith.constant 0 : i32
          %dma_start3A_168 = arith.constant 0 : i32
          %dma_start3A_169 = tpu.memref_slice %arg21[%dma_start3A_167, %dma_start3A_168] : memref<10240x128xf32, #tpu.memory_space<vmem_shared>> -> memref<10240x128xf32, #tpu.memory_space<vmem_shared>>
          tpu.enqueue_indirect_dma source(%arg18 : memref<128x128xf32, #tpu.memory_space<vmem>>) target(%dma_start3A_169 : memref<10240x128xf32, #tpu.memory_space<vmem_shared>>) offsets(%dma_start3A_166 : memref<128xi32, #tpu.memory_space<vmem>>) semaphore(%arg27 : memref<!tpu.dma_semaphore, #tpu.memory_space<semaphore_mem>>) {add = true}
          %dma_start3A_170 = arith.constant 0 : i32
          %dma_start3A_171 = tpu.memref_slice %arg15[%add3A_157, %dma_start3A_170] : memref<16x128xi32, #tpu.memory_space<vmem>> -> memref<1x128xi32, #tpu.memory_space<vmem>>
          %dma_start3A_172 = tpu.memref_squeeze %dma_start3A_171 : memref<1x128xi32, #tpu.memory_space<vmem>> -> memref<128xi32, #tpu.memory_space<vmem>>
          %dma_start3A_173 = arith.constant 0 : i32
          %dma_start3A_174 = tpu.memref_slice %arg22[%dma_start3A_173] : memref<10240xf32, #tpu.memory_space<vmem_shared>> -> memref<10240xf32, #tpu.memory_space<vmem_shared>>
          tpu.enqueue_indirect_dma source(%arg20 : memref<128xf32, #tpu.memory_space<vmem>>) target(%dma_start3A_174 : memref<10240xf32, #tpu.memory_space<vmem_shared>>) offsets(%dma_start3A_172 : memref<128xi32, #tpu.memory_space<vmem>>) semaphore(%arg29 : memref<!tpu.dma_semaphore, #tpu.memory_space<semaphore_mem>>) {add = true}
          %eq3A_175 = arith.constant 1 : i32
          %eq3A_176 = arith.cmpi eq, %scan3A_152, %eq3A_175 : i32
          %add3A_177 = arith.constant 1 : i32
          %add3A_178 = arith.addi %add3A_109, %add3A_177 : i32
          %lt3A = arith.constant 10 : i32
          %lt3A_179 = arith.cmpi slt, %add3A_178, %lt3A : i32
          %and3A = arith.andi %eq3A_176, %lt3A_179 : i1
          %convert_element_type3A_180 = arith.extui %and3A : i1 to i32
          %cond3A_181 = arith.constant 0 : i32
          %cond3A_182 = arith.cmpi ne, %convert_element_type3A_180, %cond3A_181 : i32
          scf.if %cond3A_182 {
            %add3A_241 = arith.constant 1 : i32
            %add3A_242 = arith.addi %add3A_109, %add3A_241 : i32
            %mul3A_243 = arith.constant 160 : i32
            %mul3A_244 = arith.muli %arg1, %mul3A_243 : i32
            %mul3A_245 = arith.constant 16 : i32
            %mul3A_246 = arith.muli %add3A_242, %mul3A_245 : i32
            %add3A_247 = arith.addi %mul3A_244, %mul3A_246 : i32
            %dma_start3A_248 = arith.constant 0 : i32
            %dma_start3A_249 = tpu.memref_slice %arg4[%add3A_247, %dma_start3A_248] : memref<2560x128xi32, #tpu.memory_space<hbm>> -> memref<16x128xi32, #tpu.memory_space<hbm>>
            %dma_start3A_250 = arith.constant 0 : i32
            %dma_start3A_251 = tpu.memref_slice %arg4[%add3A_247, %dma_start3A_250] : memref<2560x128xi32, #tpu.memory_space<hbm>> -> memref<16x128xi32, #tpu.memory_space<hbm>>
            tpu.enqueue_dma source(%dma_start3A_251 : memref<16x128xi32, #tpu.memory_space<hbm>>) target(%arg16 : memref<16x128xi32, #tpu.memory_space<vmem>>) target_semaphore(%arg26 : memref<!tpu.dma_semaphore, #tpu.memory_space<semaphore_mem>>)
            %dma_start3A_252 = arith.constant 0 : i32
            %dma_start3A_253 = tpu.memref_slice %arg5[%add3A_247, %dma_start3A_252] : memref<2560x128xi32, #tpu.memory_space<hbm>> -> memref<16x128xi32, #tpu.memory_space<hbm>>
            %dma_start3A_254 = arith.constant 0 : i32
            %dma_start3A_255 = tpu.memref_slice %arg5[%add3A_247, %dma_start3A_254] : memref<2560x128xi32, #tpu.memory_space<hbm>> -> memref<16x128xi32, #tpu.memory_space<hbm>>
            tpu.enqueue_dma source(%dma_start3A_255 : memref<16x128xi32, #tpu.memory_space<hbm>>) target(%arg17 : memref<16x128xi32, #tpu.memory_space<vmem>>) target_semaphore(%arg26 : memref<!tpu.dma_semaphore, #tpu.memory_space<semaphore_mem>>)
          } else {
          }
          %gt3A_183 = arith.constant 0 : i32
          %gt3A_184 = arith.cmpi sgt, %add3A_109, %gt3A_183 : i32
          %gt3A_185 = arith.constant 0 : i32
          %gt3A_186 = arith.cmpi sgt, %scan3A_152, %gt3A_185 : i32
          %or3A = arith.ori %gt3A_184, %gt3A_186 : i1
          %convert_element_type3A_187 = arith.extui %or3A : i1 to i32
          %cond3A_188 = arith.constant 0 : i32
          %cond3A_189 = arith.cmpi ne, %convert_element_type3A_187, %cond3A_188 : i32
          scf.if %cond3A_189 {
            %dma_wait3A_241 = arith.constant 0 : i32
            %dma_wait3A_242 = tpu.memref_slice %arg15[%add3A_157, %dma_wait3A_241] : memref<16x128xi32, #tpu.memory_space<vmem>> -> memref<1x128xi32, #tpu.memory_space<vmem>>
            %dma_wait3A_243 = tpu.memref_squeeze %dma_wait3A_242 : memref<1x128xi32, #tpu.memory_space<vmem>> -> memref<128xi32, #tpu.memory_space<vmem>>
            %dma_wait3A_244 = arith.constant 0 : i32
            %dma_wait3A_245 = arith.constant 0 : i32
            %dma_wait3A_246 = tpu.memref_slice %arg21[%dma_wait3A_244, %dma_wait3A_245] : memref<10240x128xf32, #tpu.memory_space<vmem_shared>> -> memref<10240x128xf32, #tpu.memory_space<vmem_shared>>
            tpu.wait_indirect_dma semaphore(%arg28 : memref<!tpu.dma_semaphore, #tpu.memory_space<semaphore_mem>>) src(%arg19 : memref<128x128xf32, #tpu.memory_space<vmem>>) dst(%dma_wait3A_246 : memref<10240x128xf32, #tpu.memory_space<vmem_shared>>)
          } else {
          }
          %add3A_190 = arith.constant 1 : i32
          %add3A_191 = arith.addi %add3A_157, %add3A_190 : i32
          %dma_start3A_192 = arith.constant 0 : i32
          %dma_start3A_193 = tpu.memref_slice %arg14[%add3A_191, %dma_start3A_192] : memref<16x128xi32, #tpu.memory_space<vmem>> -> memref<1x128xi32, #tpu.memory_space<vmem>>
          %dma_start3A_194 = tpu.memref_squeeze %dma_start3A_193 : memref<1x128xi32, #tpu.memory_space<vmem>> -> memref<128xi32, #tpu.memory_space<vmem>>
          %dma_start3A_195 = arith.constant 0 : i32
          %dma_start3A_196 = arith.constant 0 : i32
          %dma_start3A_197 = tpu.memref_slice %arg2[%dma_start3A_195, %dma_start3A_196] : memref<10000x128xf32, #tpu.memory_space<hbm>> -> memref<10000x128xf32, #tpu.memory_space<hbm>>
          tpu.enqueue_indirect_dma source(%dma_start3A_197 : memref<10000x128xf32, #tpu.memory_space<hbm>>) target(%arg19 : memref<128x128xf32, #tpu.memory_space<vmem>>) offsets(%dma_start3A_194 : memref<128xi32, #tpu.memory_space<vmem>>) semaphore(%arg24 : memref<!tpu.dma_semaphore, #tpu.memory_space<semaphore_mem>>)
          %mul3A_198 = arith.constant 2 : i32
          %mul3A_199 = arith.muli %mul3A_198, %scan3A_152 : i32
          %add3A_200 = arith.constant 1 : i32
          %add3A_201 = arith.addi %mul3A_199, %add3A_200 : i32
          %dma_wait3A_202 = arith.constant 0 : i32
          %dma_wait3A_203 = tpu.memref_slice %arg14[%add3A_201, %dma_wait3A_202] : memref<16x128xi32, #tpu.memory_space<vmem>> -> memref<1x128xi32, #tpu.memory_space<vmem>>
          %dma_wait3A_204 = tpu.memref_squeeze %dma_wait3A_203 : memref<1x128xi32, #tpu.memory_space<vmem>> -> memref<128xi32, #tpu.memory_space<vmem>>
          %dma_wait3A_205 = arith.constant 0 : i32
          %dma_wait3A_206 = arith.constant 0 : i32
          %dma_wait3A_207 = tpu.memref_slice %arg2[%dma_wait3A_205, %dma_wait3A_206] : memref<10000x128xf32, #tpu.memory_space<hbm>> -> memref<10000x128xf32, #tpu.memory_space<hbm>>
          tpu.wait_indirect_dma semaphore(%arg24 : memref<!tpu.dma_semaphore, #tpu.memory_space<semaphore_mem>>) src(%dma_wait3A_207 : memref<10000x128xf32, #tpu.memory_space<hbm>>) dst(%arg19 : memref<128x128xf32, #tpu.memory_space<vmem>>)
          %dma_start3A_208 = arith.constant 0 : i32
          %dma_start3A_209 = tpu.memref_slice %arg15[%add3A_201, %dma_start3A_208] : memref<16x128xi32, #tpu.memory_space<vmem>> -> memref<1x128xi32, #tpu.memory_space<vmem>>
          %dma_start3A_210 = tpu.memref_squeeze %dma_start3A_209 : memref<1x128xi32, #tpu.memory_space<vmem>> -> memref<128xi32, #tpu.memory_space<vmem>>
          %dma_start3A_211 = arith.constant 0 : i32
          %dma_start3A_212 = arith.constant 0 : i32
          %dma_start3A_213 = tpu.memref_slice %arg21[%dma_start3A_211, %dma_start3A_212] : memref<10240x128xf32, #tpu.memory_space<vmem_shared>> -> memref<10240x128xf32, #tpu.memory_space<vmem_shared>>
          tpu.enqueue_indirect_dma source(%arg19 : memref<128x128xf32, #tpu.memory_space<vmem>>) target(%dma_start3A_213 : memref<10240x128xf32, #tpu.memory_space<vmem_shared>>) offsets(%dma_start3A_210 : memref<128xi32, #tpu.memory_space<vmem>>) semaphore(%arg28 : memref<!tpu.dma_semaphore, #tpu.memory_space<semaphore_mem>>) {add = true}
          %dma_start3A_214 = arith.constant 0 : i32
          %dma_start3A_215 = tpu.memref_slice %arg15[%add3A_201, %dma_start3A_214] : memref<16x128xi32, #tpu.memory_space<vmem>> -> memref<1x128xi32, #tpu.memory_space<vmem>>
          %dma_start3A_216 = tpu.memref_squeeze %dma_start3A_215 : memref<1x128xi32, #tpu.memory_space<vmem>> -> memref<128xi32, #tpu.memory_space<vmem>>
          %dma_start3A_217 = arith.constant 0 : i32
          %dma_start3A_218 = tpu.memref_slice %arg22[%dma_start3A_217] : memref<10240xf32, #tpu.memory_space<vmem_shared>> -> memref<10240xf32, #tpu.memory_space<vmem_shared>>
          tpu.enqueue_indirect_dma source(%arg20 : memref<128xf32, #tpu.memory_space<vmem>>) target(%dma_start3A_218 : memref<10240xf32, #tpu.memory_space<vmem_shared>>) offsets(%dma_start3A_216 : memref<128xi32, #tpu.memory_space<vmem>>) semaphore(%arg29 : memref<!tpu.dma_semaphore, #tpu.memory_space<semaphore_mem>>) {add = true}
          %dma_wait3A_219 = arith.constant 0 : i32
          %dma_wait3A_220 = tpu.memref_slice %arg15[%add3A_201, %dma_wait3A_219] : memref<16x128xi32, #tpu.memory_space<vmem>> -> memref<1x128xi32, #tpu.memory_space<vmem>>
          %dma_wait3A_221 = tpu.memref_squeeze %dma_wait3A_220 : memref<1x128xi32, #tpu.memory_space<vmem>> -> memref<128xi32, #tpu.memory_space<vmem>>
          %dma_wait3A_222 = arith.constant 0 : i32
          %dma_wait3A_223 = arith.constant 0 : i32
          %dma_wait3A_224 = tpu.memref_slice %arg21[%dma_wait3A_222, %dma_wait3A_223] : memref<10240x128xf32, #tpu.memory_space<vmem_shared>> -> memref<10240x128xf32, #tpu.memory_space<vmem_shared>>
          tpu.wait_indirect_dma semaphore(%arg27 : memref<!tpu.dma_semaphore, #tpu.memory_space<semaphore_mem>>) src(%arg18 : memref<128x128xf32, #tpu.memory_space<vmem>>) dst(%dma_wait3A_224 : memref<10240x128xf32, #tpu.memory_space<vmem_shared>>)
          %lt3A_225 = arith.constant 7 : i32
          %lt3A_226 = arith.cmpi slt, %scan3A_152, %lt3A_225 : i32
          %convert_element_type3A_227 = arith.extui %lt3A_226 : i1 to i32
          %cond3A_228 = arith.constant 0 : i32
          %cond3A_229 = arith.cmpi ne, %convert_element_type3A_227, %cond3A_228 : i32
          scf.if %cond3A_229 {
            %add3A_241 = arith.constant 1 : i32
            %add3A_242 = arith.addi %add3A_201, %add3A_241 : i32
            %dma_start3A_243 = arith.constant 0 : i32
            %dma_start3A_244 = tpu.memref_slice %arg14[%add3A_242, %dma_start3A_243] : memref<16x128xi32, #tpu.memory_space<vmem>> -> memref<1x128xi32, #tpu.memory_space<vmem>>
            %dma_start3A_245 = tpu.memref_squeeze %dma_start3A_244 : memref<1x128xi32, #tpu.memory_space<vmem>> -> memref<128xi32, #tpu.memory_space<vmem>>
            %dma_start3A_246 = arith.constant 0 : i32
            %dma_start3A_247 = arith.constant 0 : i32
            %dma_start3A_248 = tpu.memref_slice %arg2[%dma_start3A_246, %dma_start3A_247] : memref<10000x128xf32, #tpu.memory_space<hbm>> -> memref<10000x128xf32, #tpu.memory_space<hbm>>
            tpu.enqueue_indirect_dma source(%dma_start3A_248 : memref<10000x128xf32, #tpu.memory_space<hbm>>) target(%arg18 : memref<128x128xf32, #tpu.memory_space<vmem>>) offsets(%dma_start3A_245 : memref<128xi32, #tpu.memory_space<vmem>>) semaphore(%arg23 : memref<!tpu.dma_semaphore, #tpu.memory_space<semaphore_mem>>)
          } else {
          }
          %eq3A_230 = arith.constant 7 : i32
          %eq3A_231 = arith.cmpi eq, %scan3A_152, %eq3A_230 : i32
          %add3A_232 = arith.constant 1 : i32
          %add3A_233 = arith.addi %add3A_109, %add3A_232 : i32
          %lt3A_234 = arith.constant 10 : i32
          %lt3A_235 = arith.cmpi slt, %add3A_233, %lt3A_234 : i32
          %and3A_236 = arith.andi %eq3A_231, %lt3A_235 : i1
          %convert_element_type3A_237 = arith.extui %and3A_236 : i1 to i32
          %cond3A_238 = arith.constant 0 : i32
          %cond3A_239 = arith.cmpi ne, %convert_element_type3A_237, %cond3A_238 : i32
          scf.if %cond3A_239 {
            %dma_start3A_241 = arith.constant 0 : i32
            %dma_start3A_242 = arith.constant 0 : i32
            %dma_start3A_243 = tpu.memref_slice %arg16[%dma_start3A_241, %dma_start3A_242] : memref<16x128xi32, #tpu.memory_space<vmem>> -> memref<1x128xi32, #tpu.memory_space<vmem>>
            %dma_start3A_244 = tpu.memref_squeeze %dma_start3A_243 : memref<1x128xi32, #tpu.memory_space<vmem>> -> memref<128xi32, #tpu.memory_space<vmem>>
            %dma_start3A_245 = arith.constant 0 : i32
            %dma_start3A_246 = arith.constant 0 : i32
            %dma_start3A_247 = tpu.memref_slice %arg2[%dma_start3A_245, %dma_start3A_246] : memref<10000x128xf32, #tpu.memory_space<hbm>> -> memref<10000x128xf32, #tpu.memory_space<hbm>>
            tpu.enqueue_indirect_dma source(%dma_start3A_247 : memref<10000x128xf32, #tpu.memory_space<hbm>>) target(%arg18 : memref<128x128xf32, #tpu.memory_space<vmem>>) offsets(%dma_start3A_244 : memref<128xi32, #tpu.memory_space<vmem>>) semaphore(%arg23 : memref<!tpu.dma_semaphore, #tpu.memory_space<semaphore_mem>>)
          } else {
          }
          %scan3A_240 = arith.constant 0 : i32
          scf.yield %scan3A_240 : i32
        }
        %scan3A_120 = arith.constant 8 : i32
        %scan3A_121 = arith.constant 0 : i32
        %scan3A_122 = arith.constant 0 : i32
        %scan3A_123 = arith.constant 16 : i32
        %scan3A_124 = arith.addi %scan3A_122, %scan3A_123 : i32
        %scan3A_125 = arith.constant 1 : i32
        %scan3A_126 = scf.for %scan3A_152 = %scan3A_122 to %scan3A_124 step %scan3A_125 iter_args(%scan3A_153 = %scan3A_121) -> (i32)  : i32 {
          %dma_wait3A_154 = arith.constant 0 : i32
          %dma_wait3A_155 = tpu.memref_slice %arg15[%scan3A_152, %dma_wait3A_154] : memref<16x128xi32, #tpu.memory_space<vmem>> -> memref<1x128xi32, #tpu.memory_space<vmem>>
          %dma_wait3A_156 = tpu.memref_squeeze %dma_wait3A_155 : memref<1x128xi32, #tpu.memory_space<vmem>> -> memref<128xi32, #tpu.memory_space<vmem>>
          %dma_wait3A_157 = arith.constant 0 : i32
          %dma_wait3A_158 = tpu.memref_slice %arg22[%dma_wait3A_157] : memref<10240xf32, #tpu.memory_space<vmem_shared>> -> memref<10240xf32, #tpu.memory_space<vmem_shared>>
          tpu.wait_indirect_dma semaphore(%arg29 : memref<!tpu.dma_semaphore, #tpu.memory_space<semaphore_mem>>) src(%arg20 : memref<128xf32, #tpu.memory_space<vmem>>) dst(%dma_wait3A_158 : memref<10240xf32, #tpu.memory_space<vmem_shared>>)
          %scan3A_159 = arith.constant 0 : i32
          scf.yield %scan3A_159 : i32
        }
        %scan3A_127 = arith.constant 16 : i32
        %mul3A_128 = arith.constant 2 : i32
        %mul3A_129 = arith.muli %mul3A_128, %scan3A_104 : i32
        %add3A_130 = arith.constant 1 : i32
        %add3A_131 = arith.addi %mul3A_129, %add3A_130 : i32
        %gt3A_132 = arith.constant 0 : i32
        %gt3A_133 = arith.cmpi sgt, %add3A_131, %gt3A_132 : i32
        %convert_element_type3A_134 = arith.extui %gt3A_133 : i1 to i32
        %cond3A_135 = arith.constant 0 : i32
        %cond3A_136 = arith.cmpi ne, %convert_element_type3A_134, %cond3A_135 : i32
        scf.if %cond3A_136 {
          %mul3A_152 = arith.constant 160 : i32
          %mul3A_153 = arith.muli %arg1, %mul3A_152 : i32
          %mul3A_154 = arith.constant 16 : i32
          %mul3A_155 = arith.muli %add3A_131, %mul3A_154 : i32
          %add3A_156 = arith.addi %mul3A_153, %mul3A_155 : i32
          %dma_wait3A_157 = arith.constant 0 : i32
          %dma_wait3A_158 = tpu.memref_slice %arg4[%add3A_156, %dma_wait3A_157] : memref<2560x128xi32, #tpu.memory_space<hbm>> -> memref<16x128xi32, #tpu.memory_space<hbm>>
          %dma_wait3A_159 = arith.constant 0 : i32
          %dma_wait3A_160 = tpu.memref_slice %arg4[%add3A_156, %dma_wait3A_159] : memref<2560x128xi32, #tpu.memory_space<hbm>> -> memref<16x128xi32, #tpu.memory_space<hbm>>
          tpu.wait_dma2 semaphore(%arg26 : memref<!tpu.dma_semaphore, #tpu.memory_space<semaphore_mem>>) src(%dma_wait3A_160 : memref<16x128xi32, #tpu.memory_space<hbm>>) dst(%arg16 : memref<16x128xi32, #tpu.memory_space<vmem>>)
          %dma_wait3A_161 = arith.constant 0 : i32
          %dma_wait3A_162 = tpu.memref_slice %arg5[%add3A_156, %dma_wait3A_161] : memref<2560x128xi32, #tpu.memory_space<hbm>> -> memref<16x128xi32, #tpu.memory_space<hbm>>
          %dma_wait3A_163 = arith.constant 0 : i32
          %dma_wait3A_164 = tpu.memref_slice %arg5[%add3A_156, %dma_wait3A_163] : memref<2560x128xi32, #tpu.memory_space<hbm>> -> memref<16x128xi32, #tpu.memory_space<hbm>>
          tpu.wait_dma2 semaphore(%arg26 : memref<!tpu.dma_semaphore, #tpu.memory_space<semaphore_mem>>) src(%dma_wait3A_164 : memref<16x128xi32, #tpu.memory_space<hbm>>) dst(%arg17 : memref<16x128xi32, #tpu.memory_space<vmem>>)
        } else {
        }
        %scan3A_137 = arith.constant 0 : i32
        %scan3A_138 = arith.constant 0 : i32
        %scan3A_139 = arith.constant 8 : i32
        %scan3A_140 = arith.addi %scan3A_138, %scan3A_139 : i32
        %scan3A_141 = arith.constant 1 : i32
        %scan3A_142 = scf.for %scan3A_152 = %scan3A_138 to %scan3A_140 step %scan3A_141 iter_args(%scan3A_153 = %scan3A_137) -> (i32)  : i32 {
          %mul3A_154 = arith.constant 2 : i32
          %mul3A_155 = arith.muli %mul3A_154, %scan3A_152 : i32
          %add3A_156 = arith.constant 0 : i32
          %add3A_157 = arith.addi %mul3A_155, %add3A_156 : i32
          %dma_wait3A_158 = arith.constant 0 : i32
          %dma_wait3A_159 = tpu.memref_slice %arg16[%add3A_157, %dma_wait3A_158] : memref<16x128xi32, #tpu.memory_space<vmem>> -> memref<1x128xi32, #tpu.memory_space<vmem>>
          %dma_wait3A_160 = tpu.memref_squeeze %dma_wait3A_159 : memref<1x128xi32, #tpu.memory_space<vmem>> -> memref<128xi32, #tpu.memory_space<vmem>>
          %dma_wait3A_161 = arith.constant 0 : i32
          %dma_wait3A_162 = arith.constant 0 : i32
          %dma_wait3A_163 = tpu.memref_slice %arg2[%dma_wait3A_161, %dma_wait3A_162] : memref<10000x128xf32, #tpu.memory_space<hbm>> -> memref<10000x128xf32, #tpu.memory_space<hbm>>
          tpu.wait_indirect_dma semaphore(%arg23 : memref<!tpu.dma_semaphore, #tpu.memory_space<semaphore_mem>>) src(%dma_wait3A_163 : memref<10000x128xf32, #tpu.memory_space<hbm>>) dst(%arg18 : memref<128x128xf32, #tpu.memory_space<vmem>>)
          %dma_start3A_164 = arith.constant 0 : i32
          %dma_start3A_165 = tpu.memref_slice %arg17[%add3A_157, %dma_start3A_164] : memref<16x128xi32, #tpu.memory_space<vmem>> -> memref<1x128xi32, #tpu.memory_space<vmem>>
          %dma_start3A_166 = tpu.memref_squeeze %dma_start3A_165 : memref<1x128xi32, #tpu.memory_space<vmem>> -> memref<128xi32, #tpu.memory_space<vmem>>
          %dma_start3A_167 = arith.constant 0 : i32
          %dma_start3A_168 = arith.constant 0 : i32
          %dma_start3A_169 = tpu.memref_slice %arg21[%dma_start3A_167, %dma_start3A_168] : memref<10240x128xf32, #tpu.memory_space<vmem_shared>> -> memref<10240x128xf32, #tpu.memory_space<vmem_shared>>
          tpu.enqueue_indirect_dma source(%arg18 : memref<128x128xf32, #tpu.memory_space<vmem>>) target(%dma_start3A_169 : memref<10240x128xf32, #tpu.memory_space<vmem_shared>>) offsets(%dma_start3A_166 : memref<128xi32, #tpu.memory_space<vmem>>) semaphore(%arg27 : memref<!tpu.dma_semaphore, #tpu.memory_space<semaphore_mem>>) {add = true}
          %dma_start3A_170 = arith.constant 0 : i32
          %dma_start3A_171 = tpu.memref_slice %arg17[%add3A_157, %dma_start3A_170] : memref<16x128xi32, #tpu.memory_space<vmem>> -> memref<1x128xi32, #tpu.memory_space<vmem>>
          %dma_start3A_172 = tpu.memref_squeeze %dma_start3A_171 : memref<1x128xi32, #tpu.memory_space<vmem>> -> memref<128xi32, #tpu.memory_space<vmem>>
          %dma_start3A_173 = arith.constant 0 : i32
          %dma_start3A_174 = tpu.memref_slice %arg22[%dma_start3A_173] : memref<10240xf32, #tpu.memory_space<vmem_shared>> -> memref<10240xf32, #tpu.memory_space<vmem_shared>>
          tpu.enqueue_indirect_dma source(%arg20 : memref<128xf32, #tpu.memory_space<vmem>>) target(%dma_start3A_174 : memref<10240xf32, #tpu.memory_space<vmem_shared>>) offsets(%dma_start3A_172 : memref<128xi32, #tpu.memory_space<vmem>>) semaphore(%arg29 : memref<!tpu.dma_semaphore, #tpu.memory_space<semaphore_mem>>) {add = true}
          %eq3A_175 = arith.constant 1 : i32
          %eq3A_176 = arith.cmpi eq, %scan3A_152, %eq3A_175 : i32
          %add3A_177 = arith.constant 1 : i32
          %add3A_178 = arith.addi %add3A_131, %add3A_177 : i32
          %lt3A = arith.constant 10 : i32
          %lt3A_179 = arith.cmpi slt, %add3A_178, %lt3A : i32
          %and3A = arith.andi %eq3A_176, %lt3A_179 : i1
          %convert_element_type3A_180 = arith.extui %and3A : i1 to i32
          %cond3A_181 = arith.constant 0 : i32
          %cond3A_182 = arith.cmpi ne, %convert_element_type3A_180, %cond3A_181 : i32
          scf.if %cond3A_182 {
            %add3A_241 = arith.constant 1 : i32
            %add3A_242 = arith.addi %add3A_131, %add3A_241 : i32
            %mul3A_243 = arith.constant 160 : i32
            %mul3A_244 = arith.muli %arg1, %mul3A_243 : i32
            %mul3A_245 = arith.constant 16 : i32
            %mul3A_246 = arith.muli %add3A_242, %mul3A_245 : i32
            %add3A_247 = arith.addi %mul3A_244, %mul3A_246 : i32
            %dma_start3A_248 = arith.constant 0 : i32
            %dma_start3A_249 = tpu.memref_slice %arg4[%add3A_247, %dma_start3A_248] : memref<2560x128xi32, #tpu.memory_space<hbm>> -> memref<16x128xi32, #tpu.memory_space<hbm>>
            %dma_start3A_250 = arith.constant 0 : i32
            %dma_start3A_251 = tpu.memref_slice %arg4[%add3A_247, %dma_start3A_250] : memref<2560x128xi32, #tpu.memory_space<hbm>> -> memref<16x128xi32, #tpu.memory_space<hbm>>
            tpu.enqueue_dma source(%dma_start3A_251 : memref<16x128xi32, #tpu.memory_space<hbm>>) target(%arg14 : memref<16x128xi32, #tpu.memory_space<vmem>>) target_semaphore(%arg25 : memref<!tpu.dma_semaphore, #tpu.memory_space<semaphore_mem>>)
            %dma_start3A_252 = arith.constant 0 : i32
            %dma_start3A_253 = tpu.memref_slice %arg5[%add3A_247, %dma_start3A_252] : memref<2560x128xi32, #tpu.memory_space<hbm>> -> memref<16x128xi32, #tpu.memory_space<hbm>>
            %dma_start3A_254 = arith.constant 0 : i32
            %dma_start3A_255 = tpu.memref_slice %arg5[%add3A_247, %dma_start3A_254] : memref<2560x128xi32, #tpu.memory_space<hbm>> -> memref<16x128xi32, #tpu.memory_space<hbm>>
            tpu.enqueue_dma source(%dma_start3A_255 : memref<16x128xi32, #tpu.memory_space<hbm>>) target(%arg15 : memref<16x128xi32, #tpu.memory_space<vmem>>) target_semaphore(%arg25 : memref<!tpu.dma_semaphore, #tpu.memory_space<semaphore_mem>>)
          } else {
          }
          %gt3A_183 = arith.constant 0 : i32
          %gt3A_184 = arith.cmpi sgt, %add3A_131, %gt3A_183 : i32
          %gt3A_185 = arith.constant 0 : i32
          %gt3A_186 = arith.cmpi sgt, %scan3A_152, %gt3A_185 : i32
          %or3A = arith.ori %gt3A_184, %gt3A_186 : i1
          %convert_element_type3A_187 = arith.extui %or3A : i1 to i32
          %cond3A_188 = arith.constant 0 : i32
          %cond3A_189 = arith.cmpi ne, %convert_element_type3A_187, %cond3A_188 : i32
          scf.if %cond3A_189 {
            %dma_wait3A_241 = arith.constant 0 : i32
            %dma_wait3A_242 = tpu.memref_slice %arg17[%add3A_157, %dma_wait3A_241] : memref<16x128xi32, #tpu.memory_space<vmem>> -> memref<1x128xi32, #tpu.memory_space<vmem>>
            %dma_wait3A_243 = tpu.memref_squeeze %dma_wait3A_242 : memref<1x128xi32, #tpu.memory_space<vmem>> -> memref<128xi32, #tpu.memory_space<vmem>>
            %dma_wait3A_244 = arith.constant 0 : i32
            %dma_wait3A_245 = arith.constant 0 : i32
            %dma_wait3A_246 = tpu.memref_slice %arg21[%dma_wait3A_244, %dma_wait3A_245] : memref<10240x128xf32, #tpu.memory_space<vmem_shared>> -> memref<10240x128xf32, #tpu.memory_space<vmem_shared>>
            tpu.wait_indirect_dma semaphore(%arg28 : memref<!tpu.dma_semaphore, #tpu.memory_space<semaphore_mem>>) src(%arg19 : memref<128x128xf32, #tpu.memory_space<vmem>>) dst(%dma_wait3A_246 : memref<10240x128xf32, #tpu.memory_space<vmem_shared>>)
          } else {
          }
          %add3A_190 = arith.constant 1 : i32
          %add3A_191 = arith.addi %add3A_157, %add3A_190 : i32
          %dma_start3A_192 = arith.constant 0 : i32
          %dma_start3A_193 = tpu.memref_slice %arg16[%add3A_191, %dma_start3A_192] : memref<16x128xi32, #tpu.memory_space<vmem>> -> memref<1x128xi32, #tpu.memory_space<vmem>>
          %dma_start3A_194 = tpu.memref_squeeze %dma_start3A_193 : memref<1x128xi32, #tpu.memory_space<vmem>> -> memref<128xi32, #tpu.memory_space<vmem>>
          %dma_start3A_195 = arith.constant 0 : i32
          %dma_start3A_196 = arith.constant 0 : i32
          %dma_start3A_197 = tpu.memref_slice %arg2[%dma_start3A_195, %dma_start3A_196] : memref<10000x128xf32, #tpu.memory_space<hbm>> -> memref<10000x128xf32, #tpu.memory_space<hbm>>
          tpu.enqueue_indirect_dma source(%dma_start3A_197 : memref<10000x128xf32, #tpu.memory_space<hbm>>) target(%arg19 : memref<128x128xf32, #tpu.memory_space<vmem>>) offsets(%dma_start3A_194 : memref<128xi32, #tpu.memory_space<vmem>>) semaphore(%arg24 : memref<!tpu.dma_semaphore, #tpu.memory_space<semaphore_mem>>)
          %mul3A_198 = arith.constant 2 : i32
          %mul3A_199 = arith.muli %mul3A_198, %scan3A_152 : i32
          %add3A_200 = arith.constant 1 : i32
          %add3A_201 = arith.addi %mul3A_199, %add3A_200 : i32
          %dma_wait3A_202 = arith.constant 0 : i32
          %dma_wait3A_203 = tpu.memref_slice %arg16[%add3A_201, %dma_wait3A_202] : memref<16x128xi32, #tpu.memory_space<vmem>> -> memref<1x128xi32, #tpu.memory_space<vmem>>
          %dma_wait3A_204 = tpu.memref_squeeze %dma_wait3A_203 : memref<1x128xi32, #tpu.memory_space<vmem>> -> memref<128xi32, #tpu.memory_space<vmem>>
          %dma_wait3A_205 = arith.constant 0 : i32
          %dma_wait3A_206 = arith.constant 0 : i32
          %dma_wait3A_207 = tpu.memref_slice %arg2[%dma_wait3A_205, %dma_wait3A_206] : memref<10000x128xf32, #tpu.memory_space<hbm>> -> memref<10000x128xf32, #tpu.memory_space<hbm>>
          tpu.wait_indirect_dma semaphore(%arg24 : memref<!tpu.dma_semaphore, #tpu.memory_space<semaphore_mem>>) src(%dma_wait3A_207 : memref<10000x128xf32, #tpu.memory_space<hbm>>) dst(%arg19 : memref<128x128xf32, #tpu.memory_space<vmem>>)
          %dma_start3A_208 = arith.constant 0 : i32
          %dma_start3A_209 = tpu.memref_slice %arg17[%add3A_201, %dma_start3A_208] : memref<16x128xi32, #tpu.memory_space<vmem>> -> memref<1x128xi32, #tpu.memory_space<vmem>>
          %dma_start3A_210 = tpu.memref_squeeze %dma_start3A_209 : memref<1x128xi32, #tpu.memory_space<vmem>> -> memref<128xi32, #tpu.memory_space<vmem>>
          %dma_start3A_211 = arith.constant 0 : i32
          %dma_start3A_212 = arith.constant 0 : i32
          %dma_start3A_213 = tpu.memref_slice %arg21[%dma_start3A_211, %dma_start3A_212] : memref<10240x128xf32, #tpu.memory_space<vmem_shared>> -> memref<10240x128xf32, #tpu.memory_space<vmem_shared>>
          tpu.enqueue_indirect_dma source(%arg19 : memref<128x128xf32, #tpu.memory_space<vmem>>) target(%dma_start3A_213 : memref<10240x128xf32, #tpu.memory_space<vmem_shared>>) offsets(%dma_start3A_210 : memref<128xi32, #tpu.memory_space<vmem>>) semaphore(%arg28 : memref<!tpu.dma_semaphore, #tpu.memory_space<semaphore_mem>>) {add = true}
          %dma_start3A_214 = arith.constant 0 : i32
          %dma_start3A_215 = tpu.memref_slice %arg17[%add3A_201, %dma_start3A_214] : memref<16x128xi32, #tpu.memory_space<vmem>> -> memref<1x128xi32, #tpu.memory_space<vmem>>
          %dma_start3A_216 = tpu.memref_squeeze %dma_start3A_215 : memref<1x128xi32, #tpu.memory_space<vmem>> -> memref<128xi32, #tpu.memory_space<vmem>>
          %dma_start3A_217 = arith.constant 0 : i32
          %dma_start3A_218 = tpu.memref_slice %arg22[%dma_start3A_217] : memref<10240xf32, #tpu.memory_space<vmem_shared>> -> memref<10240xf32, #tpu.memory_space<vmem_shared>>
          tpu.enqueue_indirect_dma source(%arg20 : memref<128xf32, #tpu.memory_space<vmem>>) target(%dma_start3A_218 : memref<10240xf32, #tpu.memory_space<vmem_shared>>) offsets(%dma_start3A_216 : memref<128xi32, #tpu.memory_space<vmem>>) semaphore(%arg29 : memref<!tpu.dma_semaphore, #tpu.memory_space<semaphore_mem>>) {add = true}
          %dma_wait3A_219 = arith.constant 0 : i32
          %dma_wait3A_220 = tpu.memref_slice %arg17[%add3A_201, %dma_wait3A_219] : memref<16x128xi32, #tpu.memory_space<vmem>> -> memref<1x128xi32, #tpu.memory_space<vmem>>
          %dma_wait3A_221 = tpu.memref_squeeze %dma_wait3A_220 : memref<1x128xi32, #tpu.memory_space<vmem>> -> memref<128xi32, #tpu.memory_space<vmem>>
          %dma_wait3A_222 = arith.constant 0 : i32
          %dma_wait3A_223 = arith.constant 0 : i32
          %dma_wait3A_224 = tpu.memref_slice %arg21[%dma_wait3A_222, %dma_wait3A_223] : memref<10240x128xf32, #tpu.memory_space<vmem_shared>> -> memref<10240x128xf32, #tpu.memory_space<vmem_shared>>
          tpu.wait_indirect_dma semaphore(%arg27 : memref<!tpu.dma_semaphore, #tpu.memory_space<semaphore_mem>>) src(%arg18 : memref<128x128xf32, #tpu.memory_space<vmem>>) dst(%dma_wait3A_224 : memref<10240x128xf32, #tpu.memory_space<vmem_shared>>)
          %lt3A_225 = arith.constant 7 : i32
          %lt3A_226 = arith.cmpi slt, %scan3A_152, %lt3A_225 : i32
          %convert_element_type3A_227 = arith.extui %lt3A_226 : i1 to i32
          %cond3A_228 = arith.constant 0 : i32
          %cond3A_229 = arith.cmpi ne, %convert_element_type3A_227, %cond3A_228 : i32
          scf.if %cond3A_229 {
            %add3A_241 = arith.constant 1 : i32
            %add3A_242 = arith.addi %add3A_201, %add3A_241 : i32
            %dma_start3A_243 = arith.constant 0 : i32
            %dma_start3A_244 = tpu.memref_slice %arg16[%add3A_242, %dma_start3A_243] : memref<16x128xi32, #tpu.memory_space<vmem>> -> memref<1x128xi32, #tpu.memory_space<vmem>>
            %dma_start3A_245 = tpu.memref_squeeze %dma_start3A_244 : memref<1x128xi32, #tpu.memory_space<vmem>> -> memref<128xi32, #tpu.memory_space<vmem>>
            %dma_start3A_246 = arith.constant 0 : i32
            %dma_start3A_247 = arith.constant 0 : i32
            %dma_start3A_248 = tpu.memref_slice %arg2[%dma_start3A_246, %dma_start3A_247] : memref<10000x128xf32, #tpu.memory_space<hbm>> -> memref<10000x128xf32, #tpu.memory_space<hbm>>
            tpu.enqueue_indirect_dma source(%dma_start3A_248 : memref<10000x128xf32, #tpu.memory_space<hbm>>) target(%arg18 : memref<128x128xf32, #tpu.memory_space<vmem>>) offsets(%dma_start3A_245 : memref<128xi32, #tpu.memory_space<vmem>>) semaphore(%arg23 : memref<!tpu.dma_semaphore, #tpu.memory_space<semaphore_mem>>)
          } else {
          }
          %eq3A_230 = arith.constant 7 : i32
          %eq3A_231 = arith.cmpi eq, %scan3A_152, %eq3A_230 : i32
          %add3A_232 = arith.constant 1 : i32
          %add3A_233 = arith.addi %add3A_131, %add3A_232 : i32
          %lt3A_234 = arith.constant 10 : i32
          %lt3A_235 = arith.cmpi slt, %add3A_233, %lt3A_234 : i32
          %and3A_236 = arith.andi %eq3A_231, %lt3A_235 : i1
          %convert_element_type3A_237 = arith.extui %and3A_236 : i1 to i32
          %cond3A_238 = arith.constant 0 : i32
          %cond3A_239 = arith.cmpi ne, %convert_element_type3A_237, %cond3A_238 : i32
          scf.if %cond3A_239 {
            %dma_start3A_241 = arith.constant 0 : i32
            %dma_start3A_242 = arith.constant 0 : i32
            %dma_start3A_243 = tpu.memref_slice %arg14[%dma_start3A_241, %dma_start3A_242] : memref<16x128xi32, #tpu.memory_space<vmem>> -> memref<1x128xi32, #tpu.memory_space<vmem>>
            %dma_start3A_244 = tpu.memref_squeeze %dma_start3A_243 : memref<1x128xi32, #tpu.memory_space<vmem>> -> memref<128xi32, #tpu.memory_space<vmem>>
            %dma_start3A_245 = arith.constant 0 : i32
            %dma_start3A_246 = arith.constant 0 : i32
            %dma_start3A_247 = tpu.memref_slice %arg2[%dma_start3A_245, %dma_start3A_246] : memref<10000x128xf32, #tpu.memory_space<hbm>> -> memref<10000x128xf32, #tpu.memory_space<hbm>>
            tpu.enqueue_indirect_dma source(%dma_start3A_247 : memref<10000x128xf32, #tpu.memory_space<hbm>>) target(%arg18 : memref<128x128xf32, #tpu.memory_space<vmem>>) offsets(%dma_start3A_244 : memref<128xi32, #tpu.memory_space<vmem>>) semaphore(%arg23 : memref<!tpu.dma_semaphore, #tpu.memory_space<semaphore_mem>>)
          } else {
          }
          %scan3A_240 = arith.constant 0 : i32
          scf.yield %scan3A_240 : i32
        }
        %scan3A_143 = arith.constant 8 : i32
        %scan3A_144 = arith.constant 0 : i32
        %scan3A_145 = arith.constant 0 : i32
        %scan3A_146 = arith.constant 16 : i32
        %scan3A_147 = arith.addi %scan3A_145, %scan3A_146 : i32
        %scan3A_148 = arith.constant 1 : i32
        %scan3A_149 = scf.for %scan3A_152 = %scan3A_145 to %scan3A_147 step %scan3A_148 iter_args(%scan3A_153 = %scan3A_144) -> (i32)  : i32 {
          %dma_wait3A_154 = arith.constant 0 : i32
          %dma_wait3A_155 = tpu.memref_slice %arg17[%scan3A_152, %dma_wait3A_154] : memref<16x128xi32, #tpu.memory_space<vmem>> -> memref<1x128xi32, #tpu.memory_space<vmem>>
          %dma_wait3A_156 = tpu.memref_squeeze %dma_wait3A_155 : memref<1x128xi32, #tpu.memory_space<vmem>> -> memref<128xi32, #tpu.memory_space<vmem>>
          %dma_wait3A_157 = arith.constant 0 : i32
          %dma_wait3A_158 = tpu.memref_slice %arg22[%dma_wait3A_157] : memref<10240xf32, #tpu.memory_space<vmem_shared>> -> memref<10240xf32, #tpu.memory_space<vmem_shared>>
          tpu.wait_indirect_dma semaphore(%arg29 : memref<!tpu.dma_semaphore, #tpu.memory_space<semaphore_mem>>) src(%arg20 : memref<128xf32, #tpu.memory_space<vmem>>) dst(%dma_wait3A_158 : memref<10240xf32, #tpu.memory_space<vmem_shared>>)
          %scan3A_159 = arith.constant 0 : i32
          scf.yield %scan3A_159 : i32
        }
        %scan3A_150 = arith.constant 16 : i32
        %scan3A_151 = arith.constant 0 : i32
        scf.yield %scan3A_151 : i32
      }
      %scan3A_71 = arith.constant 5 : i32
      %dma_wait3A_72 = arith.constant 0 : i32
      %dma_wait3A_73 = arith.constant 0 : i32
      %dma_wait3A_74 = tpu.memref_slice %arg17[%dma_wait3A_72, %dma_wait3A_73] : memref<16x128xi32, #tpu.memory_space<vmem>> -> memref<1x128xi32, #tpu.memory_space<vmem>>
      %dma_wait3A_75 = tpu.memref_squeeze %dma_wait3A_74 : memref<1x128xi32, #tpu.memory_space<vmem>> -> memref<128xi32, #tpu.memory_space<vmem>>
      %dma_wait3A_76 = arith.constant 0 : i32
      %dma_wait3A_77 = arith.constant 0 : i32
      %dma_wait3A_78 = tpu.memref_slice %arg21[%dma_wait3A_76, %dma_wait3A_77] : memref<10240x128xf32, #tpu.memory_space<vmem_shared>> -> memref<10240x128xf32, #tpu.memory_space<vmem_shared>>
      tpu.wait_indirect_dma semaphore(%arg28 : memref<!tpu.dma_semaphore, #tpu.memory_space<semaphore_mem>>) src(%arg19 : memref<128x128xf32, #tpu.memory_space<vmem>>) dst(%dma_wait3A_78 : memref<10240x128xf32, #tpu.memory_space<vmem_shared>>)
      %barrier3A_79 = arith.constant 0 : index
      tpu.barrier barrier_id(%barrier3A_79)
      %mul3A_80 = arith.constant 640 : i32
      %mul3A_81 = arith.muli %arg1, %mul3A_80 : i32
      %add3A_82 = arith.constant 0 : i32
      %add3A_83 = arith.addi %mul3A_81, %add3A_82 : i32
      "tpu.region"() ({
        %run_scoped3A = tpu.sem_alloc : memref<!tpu.dma_semaphore, #tpu.memory_space<semaphore_mem>>
        %dma_start3A_104 = arith.constant 0 : i32
        %dma_start3A_105 = tpu.memref_slice %arg10[%add3A_83, %dma_start3A_104] : memref<10240x128xf32, #tpu.memory_space<hbm>> -> memref<128x128xf32, #tpu.memory_space<hbm>>
        %dma_start3A_106 = arith.constant 0 : i32
        %dma_start3A_107 = tpu.memref_slice %arg21[%add3A_83, %dma_start3A_106] : memref<10240x128xf32, #tpu.memory_space<vmem_shared>> -> memref<128x128xf32, #tpu.memory_space<vmem_shared>>
        tpu.enqueue_dma source(%dma_start3A_107 : memref<128x128xf32, #tpu.memory_space<vmem_shared>>) target(%dma_start3A_105 : memref<128x128xf32, #tpu.memory_space<hbm>>) target_semaphore(%run_scoped3A : memref<!tpu.dma_semaphore, #tpu.memory_space<semaphore_mem>>)
        %dma_wait3A_108 = arith.constant 0 : i32
        %dma_wait3A_109 = tpu.memref_slice %arg10[%add3A_83, %dma_wait3A_108] : memref<10240x128xf32, #tpu.memory_space<hbm>> -> memref<128x128xf32, #tpu.memory_space<hbm>>
        %dma_wait3A_110 = arith.constant 0 : i32
        %dma_wait3A_111 = tpu.memref_slice %arg21[%add3A_83, %dma_wait3A_110] : memref<10240x128xf32, #tpu.memory_space<vmem_shared>> -> memref<128x128xf32, #tpu.memory_space<vmem_shared>>
        tpu.wait_dma2 semaphore(%run_scoped3A : memref<!tpu.dma_semaphore, #tpu.memory_space<semaphore_mem>>) src(%dma_wait3A_111 : memref<128x128xf32, #tpu.memory_space<vmem_shared>>) dst(%dma_wait3A_109 : memref<128x128xf32, #tpu.memory_space<hbm>>)
        tpu.yield
      }) : () -> ()
      %mul3A_84 = arith.constant 640 : i32
      %mul3A_85 = arith.muli %arg1, %mul3A_84 : i32
      %add3A_86 = arith.constant 128 : i32
      %add3A_87 = arith.addi %mul3A_85, %add3A_86 : i32
      "tpu.region"() ({
        %run_scoped3A = tpu.sem_alloc : memref<!tpu.dma_semaphore, #tpu.memory_space<semaphore_mem>>
        %dma_start3A_104 = arith.constant 0 : i32
        %dma_start3A_105 = tpu.memref_slice %arg10[%add3A_87, %dma_start3A_104] : memref<10240x128xf32, #tpu.memory_space<hbm>> -> memref<128x128xf32, #tpu.memory_space<hbm>>
        %dma_start3A_106 = arith.constant 0 : i32
        %dma_start3A_107 = tpu.memref_slice %arg21[%add3A_87, %dma_start3A_106] : memref<10240x128xf32, #tpu.memory_space<vmem_shared>> -> memref<128x128xf32, #tpu.memory_space<vmem_shared>>
        tpu.enqueue_dma source(%dma_start3A_107 : memref<128x128xf32, #tpu.memory_space<vmem_shared>>) target(%dma_start3A_105 : memref<128x128xf32, #tpu.memory_space<hbm>>) target_semaphore(%run_scoped3A : memref<!tpu.dma_semaphore, #tpu.memory_space<semaphore_mem>>)
        %dma_wait3A_108 = arith.constant 0 : i32
        %dma_wait3A_109 = tpu.memref_slice %arg10[%add3A_87, %dma_wait3A_108] : memref<10240x128xf32, #tpu.memory_space<hbm>> -> memref<128x128xf32, #tpu.memory_space<hbm>>
        %dma_wait3A_110 = arith.constant 0 : i32
        %dma_wait3A_111 = tpu.memref_slice %arg21[%add3A_87, %dma_wait3A_110] : memref<10240x128xf32, #tpu.memory_space<vmem_shared>> -> memref<128x128xf32, #tpu.memory_space<vmem_shared>>
        tpu.wait_dma2 semaphore(%run_scoped3A : memref<!tpu.dma_semaphore, #tpu.memory_space<semaphore_mem>>) src(%dma_wait3A_111 : memref<128x128xf32, #tpu.memory_space<vmem_shared>>) dst(%dma_wait3A_109 : memref<128x128xf32, #tpu.memory_space<hbm>>)
        tpu.yield
      }) : () -> ()
      %mul3A_88 = arith.constant 640 : i32
      %mul3A_89 = arith.muli %arg1, %mul3A_88 : i32
      %add3A_90 = arith.constant 256 : i32
      %add3A_91 = arith.addi %mul3A_89, %add3A_90 : i32
      "tpu.region"() ({
        %run_scoped3A = tpu.sem_alloc : memref<!tpu.dma_semaphore, #tpu.memory_space<semaphore_mem>>
        %dma_start3A_104 = arith.constant 0 : i32
        %dma_start3A_105 = tpu.memref_slice %arg10[%add3A_91, %dma_start3A_104] : memref<10240x128xf32, #tpu.memory_space<hbm>> -> memref<128x128xf32, #tpu.memory_space<hbm>>
        %dma_start3A_106 = arith.constant 0 : i32
        %dma_start3A_107 = tpu.memref_slice %arg21[%add3A_91, %dma_start3A_106] : memref<10240x128xf32, #tpu.memory_space<vmem_shared>> -> memref<128x128xf32, #tpu.memory_space<vmem_shared>>
        tpu.enqueue_dma source(%dma_start3A_107 : memref<128x128xf32, #tpu.memory_space<vmem_shared>>) target(%dma_start3A_105 : memref<128x128xf32, #tpu.memory_space<hbm>>) target_semaphore(%run_scoped3A : memref<!tpu.dma_semaphore, #tpu.memory_space<semaphore_mem>>)
        %dma_wait3A_108 = arith.constant 0 : i32
        %dma_wait3A_109 = tpu.memref_slice %arg10[%add3A_91, %dma_wait3A_108] : memref<10240x128xf32, #tpu.memory_space<hbm>> -> memref<128x128xf32, #tpu.memory_space<hbm>>
        %dma_wait3A_110 = arith.constant 0 : i32
        %dma_wait3A_111 = tpu.memref_slice %arg21[%add3A_91, %dma_wait3A_110] : memref<10240x128xf32, #tpu.memory_space<vmem_shared>> -> memref<128x128xf32, #tpu.memory_space<vmem_shared>>
        tpu.wait_dma2 semaphore(%run_scoped3A : memref<!tpu.dma_semaphore, #tpu.memory_space<semaphore_mem>>) src(%dma_wait3A_111 : memref<128x128xf32, #tpu.memory_space<vmem_shared>>) dst(%dma_wait3A_109 : memref<128x128xf32, #tpu.memory_space<hbm>>)
        tpu.yield
      }) : () -> ()
      %mul3A_92 = arith.constant 640 : i32
      %mul3A_93 = arith.muli %arg1, %mul3A_92 : i32
      %add3A_94 = arith.constant 384 : i32
      %add3A_95 = arith.addi %mul3A_93, %add3A_94 : i32
      "tpu.region"() ({
        %run_scoped3A = tpu.sem_alloc : memref<!tpu.dma_semaphore, #tpu.memory_space<semaphore_mem>>
        %dma_start3A_104 = arith.constant 0 : i32
        %dma_start3A_105 = tpu.memref_slice %arg10[%add3A_95, %dma_start3A_104] : memref<10240x128xf32, #tpu.memory_space<hbm>> -> memref<128x128xf32, #tpu.memory_space<hbm>>
        %dma_start3A_106 = arith.constant 0 : i32
        %dma_start3A_107 = tpu.memref_slice %arg21[%add3A_95, %dma_start3A_106] : memref<10240x128xf32, #tpu.memory_space<vmem_shared>> -> memref<128x128xf32, #tpu.memory_space<vmem_shared>>
        tpu.enqueue_dma source(%dma_start3A_107 : memref<128x128xf32, #tpu.memory_space<vmem_shared>>) target(%dma_start3A_105 : memref<128x128xf32, #tpu.memory_space<hbm>>) target_semaphore(%run_scoped3A : memref<!tpu.dma_semaphore, #tpu.memory_space<semaphore_mem>>)
        %dma_wait3A_108 = arith.constant 0 : i32
        %dma_wait3A_109 = tpu.memref_slice %arg10[%add3A_95, %dma_wait3A_108] : memref<10240x128xf32, #tpu.memory_space<hbm>> -> memref<128x128xf32, #tpu.memory_space<hbm>>
        %dma_wait3A_110 = arith.constant 0 : i32
        %dma_wait3A_111 = tpu.memref_slice %arg21[%add3A_95, %dma_wait3A_110] : memref<10240x128xf32, #tpu.memory_space<vmem_shared>> -> memref<128x128xf32, #tpu.memory_space<vmem_shared>>
        tpu.wait_dma2 semaphore(%run_scoped3A : memref<!tpu.dma_semaphore, #tpu.memory_space<semaphore_mem>>) src(%dma_wait3A_111 : memref<128x128xf32, #tpu.memory_space<vmem_shared>>) dst(%dma_wait3A_109 : memref<128x128xf32, #tpu.memory_space<hbm>>)
        tpu.yield
      }) : () -> ()
      %mul3A_96 = arith.constant 640 : i32
      %mul3A_97 = arith.muli %arg1, %mul3A_96 : i32
      %add3A_98 = arith.constant 512 : i32
      %add3A_99 = arith.addi %mul3A_97, %add3A_98 : i32
      "tpu.region"() ({
        %run_scoped3A = tpu.sem_alloc : memref<!tpu.dma_semaphore, #tpu.memory_space<semaphore_mem>>
        %dma_start3A_104 = arith.constant 0 : i32
        %dma_start3A_105 = tpu.memref_slice %arg10[%add3A_99, %dma_start3A_104] : memref<10240x128xf32, #tpu.memory_space<hbm>> -> memref<128x128xf32, #tpu.memory_space<hbm>>
        %dma_start3A_106 = arith.constant 0 : i32
        %dma_start3A_107 = tpu.memref_slice %arg21[%add3A_99, %dma_start3A_106] : memref<10240x128xf32, #tpu.memory_space<vmem_shared>> -> memref<128x128xf32, #tpu.memory_space<vmem_shared>>
        tpu.enqueue_dma source(%dma_start3A_107 : memref<128x128xf32, #tpu.memory_space<vmem_shared>>) target(%dma_start3A_105 : memref<128x128xf32, #tpu.memory_space<hbm>>) target_semaphore(%run_scoped3A : memref<!tpu.dma_semaphore, #tpu.memory_space<semaphore_mem>>)
        %dma_wait3A_108 = arith.constant 0 : i32
        %dma_wait3A_109 = tpu.memref_slice %arg10[%add3A_99, %dma_wait3A_108] : memref<10240x128xf32, #tpu.memory_space<hbm>> -> memref<128x128xf32, #tpu.memory_space<hbm>>
        %dma_wait3A_110 = arith.constant 0 : i32
        %dma_wait3A_111 = tpu.memref_slice %arg21[%add3A_99, %dma_wait3A_110] : memref<10240x128xf32, #tpu.memory_space<vmem_shared>> -> memref<128x128xf32, #tpu.memory_space<vmem_shared>>
        tpu.wait_dma2 semaphore(%run_scoped3A : memref<!tpu.dma_semaphore, #tpu.memory_space<semaphore_mem>>) src(%dma_wait3A_111 : memref<128x128xf32, #tpu.memory_space<vmem_shared>>) dst(%dma_wait3A_109 : memref<128x128xf32, #tpu.memory_space<hbm>>)
        tpu.yield
      }) : () -> ()
      %mul3A_100 = arith.constant 640 : i32
      %mul3A_101 = arith.muli %arg1, %mul3A_100 : i32
      %mul3A_102 = arith.constant 640 : i32
      %mul3A_103 = arith.muli %arg1, %mul3A_102 : i32
      "tpu.region"() ({
        %run_scoped3A = tpu.sem_alloc : memref<!tpu.dma_semaphore, #tpu.memory_space<semaphore_mem>>
        %dma_start3A_104 = tpu.memref_slice %arg11[%mul3A_103] : memref<10240xf32, #tpu.memory_space<hbm>> -> memref<640xf32, #tpu.memory_space<hbm>>
        %dma_start3A_105 = tpu.memref_slice %arg22[%mul3A_101] : memref<10240xf32, #tpu.memory_space<vmem_shared>> -> memref<640xf32, #tpu.memory_space<vmem_shared>>
        tpu.enqueue_dma source(%dma_start3A_105 : memref<640xf32, #tpu.memory_space<vmem_shared>>) target(%dma_start3A_104 : memref<640xf32, #tpu.memory_space<hbm>>) target_semaphore(%run_scoped3A : memref<!tpu.dma_semaphore, #tpu.memory_space<semaphore_mem>>)
        %dma_wait3A_106 = tpu.memref_slice %arg11[%mul3A_103] : memref<10240xf32, #tpu.memory_space<hbm>> -> memref<640xf32, #tpu.memory_space<hbm>>
        %dma_wait3A_107 = tpu.memref_slice %arg22[%mul3A_101] : memref<10240xf32, #tpu.memory_space<vmem_shared>> -> memref<640xf32, #tpu.memory_space<vmem_shared>>
        tpu.wait_dma2 semaphore(%run_scoped3A : memref<!tpu.dma_semaphore, #tpu.memory_space<semaphore_mem>>) src(%dma_wait3A_107 : memref<640xf32, #tpu.memory_space<vmem_shared>>) dst(%dma_wait3A_106 : memref<640xf32, #tpu.memory_space<hbm>>)
        tpu.yield
      }) : () -> ()
    } else {
    }
    %eq3A_9 = arith.constant 1 : i32
    %eq3A_10 = arith.cmpi eq, %arg0, %eq3A_9 : i32
    %convert_element_type3A_11 = arith.extui %eq3A_10 : i1 to i32
    %cond3A_12 = arith.constant 0 : i32
    %cond3A_13 = arith.cmpi ne, %convert_element_type3A_11, %cond3A_12 : i32
    scf.if %cond3A_13 {
      %mul3A = arith.constant 160 : i32
      %mul3A_14 = arith.muli %arg1, %mul3A : i32
      %add3A = arith.constant 0 : i32
      %add3A_15 = arith.addi %mul3A_14, %add3A : i32
      %dma_start3A = arith.constant 0 : i32
      %dma_start3A_16 = tpu.memref_slice %arg6[%add3A_15, %dma_start3A] : memref<2560x128xi32, #tpu.memory_space<hbm>> -> memref<16x128xi32, #tpu.memory_space<hbm>>
      %dma_start3A_17 = arith.constant 0 : i32
      %dma_start3A_18 = tpu.memref_slice %arg6[%add3A_15, %dma_start3A_17] : memref<2560x128xi32, #tpu.memory_space<hbm>> -> memref<16x128xi32, #tpu.memory_space<hbm>>
      tpu.enqueue_dma source(%dma_start3A_18 : memref<16x128xi32, #tpu.memory_space<hbm>>) target(%arg14 : memref<16x128xi32, #tpu.memory_space<vmem>>) target_semaphore(%arg25 : memref<!tpu.dma_semaphore, #tpu.memory_space<semaphore_mem>>)
      %dma_start3A_19 = arith.constant 0 : i32
      %dma_start3A_20 = tpu.memref_slice %arg7[%add3A_15, %dma_start3A_19] : memref<2560x128xi32, #tpu.memory_space<hbm>> -> memref<16x128xi32, #tpu.memory_space<hbm>>
      %dma_start3A_21 = arith.constant 0 : i32
      %dma_start3A_22 = tpu.memref_slice %arg7[%add3A_15, %dma_start3A_21] : memref<2560x128xi32, #tpu.memory_space<hbm>> -> memref<16x128xi32, #tpu.memory_space<hbm>>
      tpu.enqueue_dma source(%dma_start3A_22 : memref<16x128xi32, #tpu.memory_space<hbm>>) target(%arg15 : memref<16x128xi32, #tpu.memory_space<vmem>>) target_semaphore(%arg25 : memref<!tpu.dma_semaphore, #tpu.memory_space<semaphore_mem>>)
      %mul3A_23 = arith.constant 640 : i32
      %mul3A_24 = arith.muli %arg1, %mul3A_23 : i32
      %add3A_25 = arith.constant 0 : i32
      %add3A_26 = arith.addi %mul3A_24, %add3A_25 : i32
      "tpu.region"() ({
        %run_scoped3A = tpu.sem_alloc : memref<!tpu.dma_semaphore, #tpu.memory_space<semaphore_mem>>
        %dma_start3A_104 = arith.constant 0 : i32
        %dma_start3A_105 = tpu.memref_slice %arg21[%add3A_26, %dma_start3A_104] : memref<10240x128xf32, #tpu.memory_space<vmem_shared>> -> memref<128x128xf32, #tpu.memory_space<vmem_shared>>
        tpu.enqueue_dma source(%arg8 : memref<128x128xf32, #tpu.memory_space<hbm>>) target(%dma_start3A_105 : memref<128x128xf32, #tpu.memory_space<vmem_shared>>) target_semaphore(%run_scoped3A : memref<!tpu.dma_semaphore, #tpu.memory_space<semaphore_mem>>)
        %dma_wait3A_106 = arith.constant 0 : i32
        %dma_wait3A_107 = tpu.memref_slice %arg21[%add3A_26, %dma_wait3A_106] : memref<10240x128xf32, #tpu.memory_space<vmem_shared>> -> memref<128x128xf32, #tpu.memory_space<vmem_shared>>
        tpu.wait_dma2 semaphore(%run_scoped3A : memref<!tpu.dma_semaphore, #tpu.memory_space<semaphore_mem>>) src(%arg8 : memref<128x128xf32, #tpu.memory_space<hbm>>) dst(%dma_wait3A_107 : memref<128x128xf32, #tpu.memory_space<vmem_shared>>)
        tpu.yield
      }) : () -> ()
      %mul3A_27 = arith.constant 640 : i32
      %mul3A_28 = arith.muli %arg1, %mul3A_27 : i32
      %add3A_29 = arith.constant 128 : i32
      %add3A_30 = arith.addi %mul3A_28, %add3A_29 : i32
      "tpu.region"() ({
        %run_scoped3A = tpu.sem_alloc : memref<!tpu.dma_semaphore, #tpu.memory_space<semaphore_mem>>
        %dma_start3A_104 = arith.constant 0 : i32
        %dma_start3A_105 = tpu.memref_slice %arg21[%add3A_30, %dma_start3A_104] : memref<10240x128xf32, #tpu.memory_space<vmem_shared>> -> memref<128x128xf32, #tpu.memory_space<vmem_shared>>
        tpu.enqueue_dma source(%arg8 : memref<128x128xf32, #tpu.memory_space<hbm>>) target(%dma_start3A_105 : memref<128x128xf32, #tpu.memory_space<vmem_shared>>) target_semaphore(%run_scoped3A : memref<!tpu.dma_semaphore, #tpu.memory_space<semaphore_mem>>)
        %dma_wait3A_106 = arith.constant 0 : i32
        %dma_wait3A_107 = tpu.memref_slice %arg21[%add3A_30, %dma_wait3A_106] : memref<10240x128xf32, #tpu.memory_space<vmem_shared>> -> memref<128x128xf32, #tpu.memory_space<vmem_shared>>
        tpu.wait_dma2 semaphore(%run_scoped3A : memref<!tpu.dma_semaphore, #tpu.memory_space<semaphore_mem>>) src(%arg8 : memref<128x128xf32, #tpu.memory_space<hbm>>) dst(%dma_wait3A_107 : memref<128x128xf32, #tpu.memory_space<vmem_shared>>)
        tpu.yield
      }) : () -> ()
      %mul3A_31 = arith.constant 640 : i32
      %mul3A_32 = arith.muli %arg1, %mul3A_31 : i32
      %add3A_33 = arith.constant 256 : i32
      %add3A_34 = arith.addi %mul3A_32, %add3A_33 : i32
      "tpu.region"() ({
        %run_scoped3A = tpu.sem_alloc : memref<!tpu.dma_semaphore, #tpu.memory_space<semaphore_mem>>
        %dma_start3A_104 = arith.constant 0 : i32
        %dma_start3A_105 = tpu.memref_slice %arg21[%add3A_34, %dma_start3A_104] : memref<10240x128xf32, #tpu.memory_space<vmem_shared>> -> memref<128x128xf32, #tpu.memory_space<vmem_shared>>
        tpu.enqueue_dma source(%arg8 : memref<128x128xf32, #tpu.memory_space<hbm>>) target(%dma_start3A_105 : memref<128x128xf32, #tpu.memory_space<vmem_shared>>) target_semaphore(%run_scoped3A : memref<!tpu.dma_semaphore, #tpu.memory_space<semaphore_mem>>)
        %dma_wait3A_106 = arith.constant 0 : i32
        %dma_wait3A_107 = tpu.memref_slice %arg21[%add3A_34, %dma_wait3A_106] : memref<10240x128xf32, #tpu.memory_space<vmem_shared>> -> memref<128x128xf32, #tpu.memory_space<vmem_shared>>
        tpu.wait_dma2 semaphore(%run_scoped3A : memref<!tpu.dma_semaphore, #tpu.memory_space<semaphore_mem>>) src(%arg8 : memref<128x128xf32, #tpu.memory_space<hbm>>) dst(%dma_wait3A_107 : memref<128x128xf32, #tpu.memory_space<vmem_shared>>)
        tpu.yield
      }) : () -> ()
      %mul3A_35 = arith.constant 640 : i32
      %mul3A_36 = arith.muli %arg1, %mul3A_35 : i32
      %add3A_37 = arith.constant 384 : i32
      %add3A_38 = arith.addi %mul3A_36, %add3A_37 : i32
      "tpu.region"() ({
        %run_scoped3A = tpu.sem_alloc : memref<!tpu.dma_semaphore, #tpu.memory_space<semaphore_mem>>
        %dma_start3A_104 = arith.constant 0 : i32
        %dma_start3A_105 = tpu.memref_slice %arg21[%add3A_38, %dma_start3A_104] : memref<10240x128xf32, #tpu.memory_space<vmem_shared>> -> memref<128x128xf32, #tpu.memory_space<vmem_shared>>
        tpu.enqueue_dma source(%arg8 : memref<128x128xf32, #tpu.memory_space<hbm>>) target(%dma_start3A_105 : memref<128x128xf32, #tpu.memory_space<vmem_shared>>) target_semaphore(%run_scoped3A : memref<!tpu.dma_semaphore, #tpu.memory_space<semaphore_mem>>)
        %dma_wait3A_106 = arith.constant 0 : i32
        %dma_wait3A_107 = tpu.memref_slice %arg21[%add3A_38, %dma_wait3A_106] : memref<10240x128xf32, #tpu.memory_space<vmem_shared>> -> memref<128x128xf32, #tpu.memory_space<vmem_shared>>
        tpu.wait_dma2 semaphore(%run_scoped3A : memref<!tpu.dma_semaphore, #tpu.memory_space<semaphore_mem>>) src(%arg8 : memref<128x128xf32, #tpu.memory_space<hbm>>) dst(%dma_wait3A_107 : memref<128x128xf32, #tpu.memory_space<vmem_shared>>)
        tpu.yield
      }) : () -> ()
      %mul3A_39 = arith.constant 640 : i32
      %mul3A_40 = arith.muli %arg1, %mul3A_39 : i32
      %add3A_41 = arith.constant 512 : i32
      %add3A_42 = arith.addi %mul3A_40, %add3A_41 : i32
      "tpu.region"() ({
        %run_scoped3A = tpu.sem_alloc : memref<!tpu.dma_semaphore, #tpu.memory_space<semaphore_mem>>
        %dma_start3A_104 = arith.constant 0 : i32
        %dma_start3A_105 = tpu.memref_slice %arg21[%add3A_42, %dma_start3A_104] : memref<10240x128xf32, #tpu.memory_space<vmem_shared>> -> memref<128x128xf32, #tpu.memory_space<vmem_shared>>
        tpu.enqueue_dma source(%arg8 : memref<128x128xf32, #tpu.memory_space<hbm>>) target(%dma_start3A_105 : memref<128x128xf32, #tpu.memory_space<vmem_shared>>) target_semaphore(%run_scoped3A : memref<!tpu.dma_semaphore, #tpu.memory_space<semaphore_mem>>)
        %dma_wait3A_106 = arith.constant 0 : i32
        %dma_wait3A_107 = tpu.memref_slice %arg21[%add3A_42, %dma_wait3A_106] : memref<10240x128xf32, #tpu.memory_space<vmem_shared>> -> memref<128x128xf32, #tpu.memory_space<vmem_shared>>
        tpu.wait_dma2 semaphore(%run_scoped3A : memref<!tpu.dma_semaphore, #tpu.memory_space<semaphore_mem>>) src(%arg8 : memref<128x128xf32, #tpu.memory_space<hbm>>) dst(%dma_wait3A_107 : memref<128x128xf32, #tpu.memory_space<vmem_shared>>)
        tpu.yield
      }) : () -> ()
      %mul3A_43 = arith.constant 640 : i32
      %mul3A_44 = arith.muli %arg1, %mul3A_43 : i32
      %mul3A_45 = arith.constant 640 : i32
      %mul3A_46 = arith.muli %arg1, %mul3A_45 : i32
      "tpu.region"() ({
        %run_scoped3A = tpu.sem_alloc : memref<!tpu.dma_semaphore, #tpu.memory_space<semaphore_mem>>
        %dma_start3A_104 = tpu.memref_slice %arg22[%mul3A_46] : memref<10240xf32, #tpu.memory_space<vmem_shared>> -> memref<640xf32, #tpu.memory_space<vmem_shared>>
        %dma_start3A_105 = tpu.memref_slice %arg9[%mul3A_44] : memref<10240xf32, #tpu.memory_space<hbm>> -> memref<640xf32, #tpu.memory_space<hbm>>
        tpu.enqueue_dma source(%dma_start3A_105 : memref<640xf32, #tpu.memory_space<hbm>>) target(%dma_start3A_104 : memref<640xf32, #tpu.memory_space<vmem_shared>>) target_semaphore(%run_scoped3A : memref<!tpu.dma_semaphore, #tpu.memory_space<semaphore_mem>>)
        %dma_wait3A_106 = tpu.memref_slice %arg22[%mul3A_46] : memref<10240xf32, #tpu.memory_space<vmem_shared>> -> memref<640xf32, #tpu.memory_space<vmem_shared>>
        %dma_wait3A_107 = tpu.memref_slice %arg9[%mul3A_44] : memref<10240xf32, #tpu.memory_space<hbm>> -> memref<640xf32, #tpu.memory_space<hbm>>
        tpu.wait_dma2 semaphore(%run_scoped3A : memref<!tpu.dma_semaphore, #tpu.memory_space<semaphore_mem>>) src(%dma_wait3A_107 : memref<640xf32, #tpu.memory_space<hbm>>) dst(%dma_wait3A_106 : memref<640xf32, #tpu.memory_space<vmem_shared>>)
        tpu.yield
      }) : () -> ()
      %mul3A_47 = arith.constant 160 : i32
      %mul3A_48 = arith.muli %arg1, %mul3A_47 : i32
      %add3A_49 = arith.constant 0 : i32
      %add3A_50 = arith.addi %mul3A_48, %add3A_49 : i32
      %dma_wait3A = arith.constant 0 : i32
      %dma_wait3A_51 = tpu.memref_slice %arg6[%add3A_50, %dma_wait3A] : memref<2560x128xi32, #tpu.memory_space<hbm>> -> memref<16x128xi32, #tpu.memory_space<hbm>>
      %dma_wait3A_52 = arith.constant 0 : i32
      %dma_wait3A_53 = tpu.memref_slice %arg6[%add3A_50, %dma_wait3A_52] : memref<2560x128xi32, #tpu.memory_space<hbm>> -> memref<16x128xi32, #tpu.memory_space<hbm>>
      tpu.wait_dma2 semaphore(%arg25 : memref<!tpu.dma_semaphore, #tpu.memory_space<semaphore_mem>>) src(%dma_wait3A_53 : memref<16x128xi32, #tpu.memory_space<hbm>>) dst(%arg14 : memref<16x128xi32, #tpu.memory_space<vmem>>)
      %dma_wait3A_54 = arith.constant 0 : i32
      %dma_wait3A_55 = tpu.memref_slice %arg7[%add3A_50, %dma_wait3A_54] : memref<2560x128xi32, #tpu.memory_space<hbm>> -> memref<16x128xi32, #tpu.memory_space<hbm>>
      %dma_wait3A_56 = arith.constant 0 : i32
      %dma_wait3A_57 = tpu.memref_slice %arg7[%add3A_50, %dma_wait3A_56] : memref<2560x128xi32, #tpu.memory_space<hbm>> -> memref<16x128xi32, #tpu.memory_space<hbm>>
      tpu.wait_dma2 semaphore(%arg25 : memref<!tpu.dma_semaphore, #tpu.memory_space<semaphore_mem>>) src(%dma_wait3A_57 : memref<16x128xi32, #tpu.memory_space<hbm>>) dst(%arg15 : memref<16x128xi32, #tpu.memory_space<vmem>>)
      %dma_start3A_58 = arith.constant 0 : i32
      %dma_start3A_59 = arith.constant 0 : i32
      %dma_start3A_60 = tpu.memref_slice %arg14[%dma_start3A_58, %dma_start3A_59] : memref<16x128xi32, #tpu.memory_space<vmem>> -> memref<1x128xi32, #tpu.memory_space<vmem>>
      %dma_start3A_61 = tpu.memref_squeeze %dma_start3A_60 : memref<1x128xi32, #tpu.memory_space<vmem>> -> memref<128xi32, #tpu.memory_space<vmem>>
      %dma_start3A_62 = arith.constant 0 : i32
      %dma_start3A_63 = arith.constant 0 : i32
      %dma_start3A_64 = tpu.memref_slice %arg3[%dma_start3A_62, %dma_start3A_63] : memref<10000x128xf32, #tpu.memory_space<hbm>> -> memref<10000x128xf32, #tpu.memory_space<hbm>>
      tpu.enqueue_indirect_dma source(%dma_start3A_64 : memref<10000x128xf32, #tpu.memory_space<hbm>>) target(%arg18 : memref<128x128xf32, #tpu.memory_space<vmem>>) offsets(%dma_start3A_61 : memref<128xi32, #tpu.memory_space<vmem>>) semaphore(%arg23 : memref<!tpu.dma_semaphore, #tpu.memory_space<semaphore_mem>>)
      %barrier3A = arith.constant 0 : index
      tpu.barrier barrier_id(%barrier3A)
      %scan3A_65 = arith.constant 0 : i32
      %scan3A_66 = arith.constant 0 : i32
      %scan3A_67 = arith.constant 5 : i32
      %scan3A_68 = arith.addi %scan3A_66, %scan3A_67 : i32
      %scan3A_69 = arith.constant 1 : i32
      %scan3A_70 = scf.for %scan3A_104 = %scan3A_66 to %scan3A_68 step %scan3A_69 iter_args(%scan3A_105 = %scan3A_65) -> (i32)  : i32 {
        %mul3A_106 = arith.constant 2 : i32
        %mul3A_107 = arith.muli %mul3A_106, %scan3A_104 : i32
        %add3A_108 = arith.constant 0 : i32
        %add3A_109 = arith.addi %mul3A_107, %add3A_108 : i32
        %gt3A = arith.constant 0 : i32
        %gt3A_110 = arith.cmpi sgt, %add3A_109, %gt3A : i32
        %convert_element_type3A_111 = arith.extui %gt3A_110 : i1 to i32
        %cond3A_112 = arith.constant 0 : i32
        %cond3A_113 = arith.cmpi ne, %convert_element_type3A_111, %cond3A_112 : i32
        scf.if %cond3A_113 {
          %mul3A_152 = arith.constant 160 : i32
          %mul3A_153 = arith.muli %arg1, %mul3A_152 : i32
          %mul3A_154 = arith.constant 16 : i32
          %mul3A_155 = arith.muli %add3A_109, %mul3A_154 : i32
          %add3A_156 = arith.addi %mul3A_153, %mul3A_155 : i32
          %dma_wait3A_157 = arith.constant 0 : i32
          %dma_wait3A_158 = tpu.memref_slice %arg6[%add3A_156, %dma_wait3A_157] : memref<2560x128xi32, #tpu.memory_space<hbm>> -> memref<16x128xi32, #tpu.memory_space<hbm>>
          %dma_wait3A_159 = arith.constant 0 : i32
          %dma_wait3A_160 = tpu.memref_slice %arg6[%add3A_156, %dma_wait3A_159] : memref<2560x128xi32, #tpu.memory_space<hbm>> -> memref<16x128xi32, #tpu.memory_space<hbm>>
          tpu.wait_dma2 semaphore(%arg25 : memref<!tpu.dma_semaphore, #tpu.memory_space<semaphore_mem>>) src(%dma_wait3A_160 : memref<16x128xi32, #tpu.memory_space<hbm>>) dst(%arg14 : memref<16x128xi32, #tpu.memory_space<vmem>>)
          %dma_wait3A_161 = arith.constant 0 : i32
          %dma_wait3A_162 = tpu.memref_slice %arg7[%add3A_156, %dma_wait3A_161] : memref<2560x128xi32, #tpu.memory_space<hbm>> -> memref<16x128xi32, #tpu.memory_space<hbm>>
          %dma_wait3A_163 = arith.constant 0 : i32
          %dma_wait3A_164 = tpu.memref_slice %arg7[%add3A_156, %dma_wait3A_163] : memref<2560x128xi32, #tpu.memory_space<hbm>> -> memref<16x128xi32, #tpu.memory_space<hbm>>
          tpu.wait_dma2 semaphore(%arg25 : memref<!tpu.dma_semaphore, #tpu.memory_space<semaphore_mem>>) src(%dma_wait3A_164 : memref<16x128xi32, #tpu.memory_space<hbm>>) dst(%arg15 : memref<16x128xi32, #tpu.memory_space<vmem>>)
        } else {
        }
        %scan3A_114 = arith.constant 0 : i32
        %scan3A_115 = arith.constant 0 : i32
        %scan3A_116 = arith.constant 8 : i32
        %scan3A_117 = arith.addi %scan3A_115, %scan3A_116 : i32
        %scan3A_118 = arith.constant 1 : i32
        %scan3A_119 = scf.for %scan3A_152 = %scan3A_115 to %scan3A_117 step %scan3A_118 iter_args(%scan3A_153 = %scan3A_114) -> (i32)  : i32 {
          %mul3A_154 = arith.constant 2 : i32
          %mul3A_155 = arith.muli %mul3A_154, %scan3A_152 : i32
          %add3A_156 = arith.constant 0 : i32
          %add3A_157 = arith.addi %mul3A_155, %add3A_156 : i32
          %dma_wait3A_158 = arith.constant 0 : i32
          %dma_wait3A_159 = tpu.memref_slice %arg14[%add3A_157, %dma_wait3A_158] : memref<16x128xi32, #tpu.memory_space<vmem>> -> memref<1x128xi32, #tpu.memory_space<vmem>>
          %dma_wait3A_160 = tpu.memref_squeeze %dma_wait3A_159 : memref<1x128xi32, #tpu.memory_space<vmem>> -> memref<128xi32, #tpu.memory_space<vmem>>
          %dma_wait3A_161 = arith.constant 0 : i32
          %dma_wait3A_162 = arith.constant 0 : i32
          %dma_wait3A_163 = tpu.memref_slice %arg3[%dma_wait3A_161, %dma_wait3A_162] : memref<10000x128xf32, #tpu.memory_space<hbm>> -> memref<10000x128xf32, #tpu.memory_space<hbm>>
          tpu.wait_indirect_dma semaphore(%arg23 : memref<!tpu.dma_semaphore, #tpu.memory_space<semaphore_mem>>) src(%dma_wait3A_163 : memref<10000x128xf32, #tpu.memory_space<hbm>>) dst(%arg18 : memref<128x128xf32, #tpu.memory_space<vmem>>)
          %dma_start3A_164 = arith.constant 0 : i32
          %dma_start3A_165 = tpu.memref_slice %arg15[%add3A_157, %dma_start3A_164] : memref<16x128xi32, #tpu.memory_space<vmem>> -> memref<1x128xi32, #tpu.memory_space<vmem>>
          %dma_start3A_166 = tpu.memref_squeeze %dma_start3A_165 : memref<1x128xi32, #tpu.memory_space<vmem>> -> memref<128xi32, #tpu.memory_space<vmem>>
          %dma_start3A_167 = arith.constant 0 : i32
          %dma_start3A_168 = arith.constant 0 : i32
          %dma_start3A_169 = tpu.memref_slice %arg21[%dma_start3A_167, %dma_start3A_168] : memref<10240x128xf32, #tpu.memory_space<vmem_shared>> -> memref<10240x128xf32, #tpu.memory_space<vmem_shared>>
          tpu.enqueue_indirect_dma source(%arg18 : memref<128x128xf32, #tpu.memory_space<vmem>>) target(%dma_start3A_169 : memref<10240x128xf32, #tpu.memory_space<vmem_shared>>) offsets(%dma_start3A_166 : memref<128xi32, #tpu.memory_space<vmem>>) semaphore(%arg27 : memref<!tpu.dma_semaphore, #tpu.memory_space<semaphore_mem>>) {add = true}
          %dma_start3A_170 = arith.constant 0 : i32
          %dma_start3A_171 = tpu.memref_slice %arg15[%add3A_157, %dma_start3A_170] : memref<16x128xi32, #tpu.memory_space<vmem>> -> memref<1x128xi32, #tpu.memory_space<vmem>>
          %dma_start3A_172 = tpu.memref_squeeze %dma_start3A_171 : memref<1x128xi32, #tpu.memory_space<vmem>> -> memref<128xi32, #tpu.memory_space<vmem>>
          %dma_start3A_173 = arith.constant 0 : i32
          %dma_start3A_174 = tpu.memref_slice %arg22[%dma_start3A_173] : memref<10240xf32, #tpu.memory_space<vmem_shared>> -> memref<10240xf32, #tpu.memory_space<vmem_shared>>
          tpu.enqueue_indirect_dma source(%arg20 : memref<128xf32, #tpu.memory_space<vmem>>) target(%dma_start3A_174 : memref<10240xf32, #tpu.memory_space<vmem_shared>>) offsets(%dma_start3A_172 : memref<128xi32, #tpu.memory_space<vmem>>) semaphore(%arg29 : memref<!tpu.dma_semaphore, #tpu.memory_space<semaphore_mem>>) {add = true}
          %eq3A_175 = arith.constant 1 : i32
          %eq3A_176 = arith.cmpi eq, %scan3A_152, %eq3A_175 : i32
          %add3A_177 = arith.constant 1 : i32
          %add3A_178 = arith.addi %add3A_109, %add3A_177 : i32
          %lt3A = arith.constant 10 : i32
          %lt3A_179 = arith.cmpi slt, %add3A_178, %lt3A : i32
          %and3A = arith.andi %eq3A_176, %lt3A_179 : i1
          %convert_element_type3A_180 = arith.extui %and3A : i1 to i32
          %cond3A_181 = arith.constant 0 : i32
          %cond3A_182 = arith.cmpi ne, %convert_element_type3A_180, %cond3A_181 : i32
          scf.if %cond3A_182 {
            %add3A_241 = arith.constant 1 : i32
            %add3A_242 = arith.addi %add3A_109, %add3A_241 : i32
            %mul3A_243 = arith.constant 160 : i32
            %mul3A_244 = arith.muli %arg1, %mul3A_243 : i32
            %mul3A_245 = arith.constant 16 : i32
            %mul3A_246 = arith.muli %add3A_242, %mul3A_245 : i32
            %add3A_247 = arith.addi %mul3A_244, %mul3A_246 : i32
            %dma_start3A_248 = arith.constant 0 : i32
            %dma_start3A_249 = tpu.memref_slice %arg6[%add3A_247, %dma_start3A_248] : memref<2560x128xi32, #tpu.memory_space<hbm>> -> memref<16x128xi32, #tpu.memory_space<hbm>>
            %dma_start3A_250 = arith.constant 0 : i32
            %dma_start3A_251 = tpu.memref_slice %arg6[%add3A_247, %dma_start3A_250] : memref<2560x128xi32, #tpu.memory_space<hbm>> -> memref<16x128xi32, #tpu.memory_space<hbm>>
            tpu.enqueue_dma source(%dma_start3A_251 : memref<16x128xi32, #tpu.memory_space<hbm>>) target(%arg16 : memref<16x128xi32, #tpu.memory_space<vmem>>) target_semaphore(%arg26 : memref<!tpu.dma_semaphore, #tpu.memory_space<semaphore_mem>>)
            %dma_start3A_252 = arith.constant 0 : i32
            %dma_start3A_253 = tpu.memref_slice %arg7[%add3A_247, %dma_start3A_252] : memref<2560x128xi32, #tpu.memory_space<hbm>> -> memref<16x128xi32, #tpu.memory_space<hbm>>
            %dma_start3A_254 = arith.constant 0 : i32
            %dma_start3A_255 = tpu.memref_slice %arg7[%add3A_247, %dma_start3A_254] : memref<2560x128xi32, #tpu.memory_space<hbm>> -> memref<16x128xi32, #tpu.memory_space<hbm>>
            tpu.enqueue_dma source(%dma_start3A_255 : memref<16x128xi32, #tpu.memory_space<hbm>>) target(%arg17 : memref<16x128xi32, #tpu.memory_space<vmem>>) target_semaphore(%arg26 : memref<!tpu.dma_semaphore, #tpu.memory_space<semaphore_mem>>)
          } else {
          }
          %gt3A_183 = arith.constant 0 : i32
          %gt3A_184 = arith.cmpi sgt, %add3A_109, %gt3A_183 : i32
          %gt3A_185 = arith.constant 0 : i32
          %gt3A_186 = arith.cmpi sgt, %scan3A_152, %gt3A_185 : i32
          %or3A = arith.ori %gt3A_184, %gt3A_186 : i1
          %convert_element_type3A_187 = arith.extui %or3A : i1 to i32
          %cond3A_188 = arith.constant 0 : i32
          %cond3A_189 = arith.cmpi ne, %convert_element_type3A_187, %cond3A_188 : i32
          scf.if %cond3A_189 {
            %dma_wait3A_241 = arith.constant 0 : i32
            %dma_wait3A_242 = tpu.memref_slice %arg15[%add3A_157, %dma_wait3A_241] : memref<16x128xi32, #tpu.memory_space<vmem>> -> memref<1x128xi32, #tpu.memory_space<vmem>>
            %dma_wait3A_243 = tpu.memref_squeeze %dma_wait3A_242 : memref<1x128xi32, #tpu.memory_space<vmem>> -> memref<128xi32, #tpu.memory_space<vmem>>
            %dma_wait3A_244 = arith.constant 0 : i32
            %dma_wait3A_245 = arith.constant 0 : i32
            %dma_wait3A_246 = tpu.memref_slice %arg21[%dma_wait3A_244, %dma_wait3A_245] : memref<10240x128xf32, #tpu.memory_space<vmem_shared>> -> memref<10240x128xf32, #tpu.memory_space<vmem_shared>>
            tpu.wait_indirect_dma semaphore(%arg28 : memref<!tpu.dma_semaphore, #tpu.memory_space<semaphore_mem>>) src(%arg19 : memref<128x128xf32, #tpu.memory_space<vmem>>) dst(%dma_wait3A_246 : memref<10240x128xf32, #tpu.memory_space<vmem_shared>>)
          } else {
          }
          %add3A_190 = arith.constant 1 : i32
          %add3A_191 = arith.addi %add3A_157, %add3A_190 : i32
          %dma_start3A_192 = arith.constant 0 : i32
          %dma_start3A_193 = tpu.memref_slice %arg14[%add3A_191, %dma_start3A_192] : memref<16x128xi32, #tpu.memory_space<vmem>> -> memref<1x128xi32, #tpu.memory_space<vmem>>
          %dma_start3A_194 = tpu.memref_squeeze %dma_start3A_193 : memref<1x128xi32, #tpu.memory_space<vmem>> -> memref<128xi32, #tpu.memory_space<vmem>>
          %dma_start3A_195 = arith.constant 0 : i32
          %dma_start3A_196 = arith.constant 0 : i32
          %dma_start3A_197 = tpu.memref_slice %arg3[%dma_start3A_195, %dma_start3A_196] : memref<10000x128xf32, #tpu.memory_space<hbm>> -> memref<10000x128xf32, #tpu.memory_space<hbm>>
          tpu.enqueue_indirect_dma source(%dma_start3A_197 : memref<10000x128xf32, #tpu.memory_space<hbm>>) target(%arg19 : memref<128x128xf32, #tpu.memory_space<vmem>>) offsets(%dma_start3A_194 : memref<128xi32, #tpu.memory_space<vmem>>) semaphore(%arg24 : memref<!tpu.dma_semaphore, #tpu.memory_space<semaphore_mem>>)
          %mul3A_198 = arith.constant 2 : i32
          %mul3A_199 = arith.muli %mul3A_198, %scan3A_152 : i32
          %add3A_200 = arith.constant 1 : i32
          %add3A_201 = arith.addi %mul3A_199, %add3A_200 : i32
          %dma_wait3A_202 = arith.constant 0 : i32
          %dma_wait3A_203 = tpu.memref_slice %arg14[%add3A_201, %dma_wait3A_202] : memref<16x128xi32, #tpu.memory_space<vmem>> -> memref<1x128xi32, #tpu.memory_space<vmem>>
          %dma_wait3A_204 = tpu.memref_squeeze %dma_wait3A_203 : memref<1x128xi32, #tpu.memory_space<vmem>> -> memref<128xi32, #tpu.memory_space<vmem>>
          %dma_wait3A_205 = arith.constant 0 : i32
          %dma_wait3A_206 = arith.constant 0 : i32
          %dma_wait3A_207 = tpu.memref_slice %arg3[%dma_wait3A_205, %dma_wait3A_206] : memref<10000x128xf32, #tpu.memory_space<hbm>> -> memref<10000x128xf32, #tpu.memory_space<hbm>>
          tpu.wait_indirect_dma semaphore(%arg24 : memref<!tpu.dma_semaphore, #tpu.memory_space<semaphore_mem>>) src(%dma_wait3A_207 : memref<10000x128xf32, #tpu.memory_space<hbm>>) dst(%arg19 : memref<128x128xf32, #tpu.memory_space<vmem>>)
          %dma_start3A_208 = arith.constant 0 : i32
          %dma_start3A_209 = tpu.memref_slice %arg15[%add3A_201, %dma_start3A_208] : memref<16x128xi32, #tpu.memory_space<vmem>> -> memref<1x128xi32, #tpu.memory_space<vmem>>
          %dma_start3A_210 = tpu.memref_squeeze %dma_start3A_209 : memref<1x128xi32, #tpu.memory_space<vmem>> -> memref<128xi32, #tpu.memory_space<vmem>>
          %dma_start3A_211 = arith.constant 0 : i32
          %dma_start3A_212 = arith.constant 0 : i32
          %dma_start3A_213 = tpu.memref_slice %arg21[%dma_start3A_211, %dma_start3A_212] : memref<10240x128xf32, #tpu.memory_space<vmem_shared>> -> memref<10240x128xf32, #tpu.memory_space<vmem_shared>>
          tpu.enqueue_indirect_dma source(%arg19 : memref<128x128xf32, #tpu.memory_space<vmem>>) target(%dma_start3A_213 : memref<10240x128xf32, #tpu.memory_space<vmem_shared>>) offsets(%dma_start3A_210 : memref<128xi32, #tpu.memory_space<vmem>>) semaphore(%arg28 : memref<!tpu.dma_semaphore, #tpu.memory_space<semaphore_mem>>) {add = true}
          %dma_start3A_214 = arith.constant 0 : i32
          %dma_start3A_215 = tpu.memref_slice %arg15[%add3A_201, %dma_start3A_214] : memref<16x128xi32, #tpu.memory_space<vmem>> -> memref<1x128xi32, #tpu.memory_space<vmem>>
          %dma_start3A_216 = tpu.memref_squeeze %dma_start3A_215 : memref<1x128xi32, #tpu.memory_space<vmem>> -> memref<128xi32, #tpu.memory_space<vmem>>
          %dma_start3A_217 = arith.constant 0 : i32
          %dma_start3A_218 = tpu.memref_slice %arg22[%dma_start3A_217] : memref<10240xf32, #tpu.memory_space<vmem_shared>> -> memref<10240xf32, #tpu.memory_space<vmem_shared>>
          tpu.enqueue_indirect_dma source(%arg20 : memref<128xf32, #tpu.memory_space<vmem>>) target(%dma_start3A_218 : memref<10240xf32, #tpu.memory_space<vmem_shared>>) offsets(%dma_start3A_216 : memref<128xi32, #tpu.memory_space<vmem>>) semaphore(%arg29 : memref<!tpu.dma_semaphore, #tpu.memory_space<semaphore_mem>>) {add = true}
          %dma_wait3A_219 = arith.constant 0 : i32
          %dma_wait3A_220 = tpu.memref_slice %arg15[%add3A_201, %dma_wait3A_219] : memref<16x128xi32, #tpu.memory_space<vmem>> -> memref<1x128xi32, #tpu.memory_space<vmem>>
          %dma_wait3A_221 = tpu.memref_squeeze %dma_wait3A_220 : memref<1x128xi32, #tpu.memory_space<vmem>> -> memref<128xi32, #tpu.memory_space<vmem>>
          %dma_wait3A_222 = arith.constant 0 : i32
          %dma_wait3A_223 = arith.constant 0 : i32
          %dma_wait3A_224 = tpu.memref_slice %arg21[%dma_wait3A_222, %dma_wait3A_223] : memref<10240x128xf32, #tpu.memory_space<vmem_shared>> -> memref<10240x128xf32, #tpu.memory_space<vmem_shared>>
          tpu.wait_indirect_dma semaphore(%arg27 : memref<!tpu.dma_semaphore, #tpu.memory_space<semaphore_mem>>) src(%arg18 : memref<128x128xf32, #tpu.memory_space<vmem>>) dst(%dma_wait3A_224 : memref<10240x128xf32, #tpu.memory_space<vmem_shared>>)
          %lt3A_225 = arith.constant 7 : i32
          %lt3A_226 = arith.cmpi slt, %scan3A_152, %lt3A_225 : i32
          %convert_element_type3A_227 = arith.extui %lt3A_226 : i1 to i32
          %cond3A_228 = arith.constant 0 : i32
          %cond3A_229 = arith.cmpi ne, %convert_element_type3A_227, %cond3A_228 : i32
          scf.if %cond3A_229 {
            %add3A_241 = arith.constant 1 : i32
            %add3A_242 = arith.addi %add3A_201, %add3A_241 : i32
            %dma_start3A_243 = arith.constant 0 : i32
            %dma_start3A_244 = tpu.memref_slice %arg14[%add3A_242, %dma_start3A_243] : memref<16x128xi32, #tpu.memory_space<vmem>> -> memref<1x128xi32, #tpu.memory_space<vmem>>
            %dma_start3A_245 = tpu.memref_squeeze %dma_start3A_244 : memref<1x128xi32, #tpu.memory_space<vmem>> -> memref<128xi32, #tpu.memory_space<vmem>>
            %dma_start3A_246 = arith.constant 0 : i32
            %dma_start3A_247 = arith.constant 0 : i32
            %dma_start3A_248 = tpu.memref_slice %arg3[%dma_start3A_246, %dma_start3A_247] : memref<10000x128xf32, #tpu.memory_space<hbm>> -> memref<10000x128xf32, #tpu.memory_space<hbm>>
            tpu.enqueue_indirect_dma source(%dma_start3A_248 : memref<10000x128xf32, #tpu.memory_space<hbm>>) target(%arg18 : memref<128x128xf32, #tpu.memory_space<vmem>>) offsets(%dma_start3A_245 : memref<128xi32, #tpu.memory_space<vmem>>) semaphore(%arg23 : memref<!tpu.dma_semaphore, #tpu.memory_space<semaphore_mem>>)
          } else {
          }
          %eq3A_230 = arith.constant 7 : i32
          %eq3A_231 = arith.cmpi eq, %scan3A_152, %eq3A_230 : i32
          %add3A_232 = arith.constant 1 : i32
          %add3A_233 = arith.addi %add3A_109, %add3A_232 : i32
          %lt3A_234 = arith.constant 10 : i32
          %lt3A_235 = arith.cmpi slt, %add3A_233, %lt3A_234 : i32
          %and3A_236 = arith.andi %eq3A_231, %lt3A_235 : i1
          %convert_element_type3A_237 = arith.extui %and3A_236 : i1 to i32
          %cond3A_238 = arith.constant 0 : i32
          %cond3A_239 = arith.cmpi ne, %convert_element_type3A_237, %cond3A_238 : i32
          scf.if %cond3A_239 {
            %dma_start3A_241 = arith.constant 0 : i32
            %dma_start3A_242 = arith.constant 0 : i32
            %dma_start3A_243 = tpu.memref_slice %arg16[%dma_start3A_241, %dma_start3A_242] : memref<16x128xi32, #tpu.memory_space<vmem>> -> memref<1x128xi32, #tpu.memory_space<vmem>>
            %dma_start3A_244 = tpu.memref_squeeze %dma_start3A_243 : memref<1x128xi32, #tpu.memory_space<vmem>> -> memref<128xi32, #tpu.memory_space<vmem>>
            %dma_start3A_245 = arith.constant 0 : i32
            %dma_start3A_246 = arith.constant 0 : i32
            %dma_start3A_247 = tpu.memref_slice %arg3[%dma_start3A_245, %dma_start3A_246] : memref<10000x128xf32, #tpu.memory_space<hbm>> -> memref<10000x128xf32, #tpu.memory_space<hbm>>
            tpu.enqueue_indirect_dma source(%dma_start3A_247 : memref<10000x128xf32, #tpu.memory_space<hbm>>) target(%arg18 : memref<128x128xf32, #tpu.memory_space<vmem>>) offsets(%dma_start3A_244 : memref<128xi32, #tpu.memory_space<vmem>>) semaphore(%arg23 : memref<!tpu.dma_semaphore, #tpu.memory_space<semaphore_mem>>)
          } else {
          }
          %scan3A_240 = arith.constant 0 : i32
          scf.yield %scan3A_240 : i32
        }
        %scan3A_120 = arith.constant 8 : i32
        %scan3A_121 = arith.constant 0 : i32
        %scan3A_122 = arith.constant 0 : i32
        %scan3A_123 = arith.constant 16 : i32
        %scan3A_124 = arith.addi %scan3A_122, %scan3A_123 : i32
        %scan3A_125 = arith.constant 1 : i32
        %scan3A_126 = scf.for %scan3A_152 = %scan3A_122 to %scan3A_124 step %scan3A_125 iter_args(%scan3A_153 = %scan3A_121) -> (i32)  : i32 {
          %dma_wait3A_154 = arith.constant 0 : i32
          %dma_wait3A_155 = tpu.memref_slice %arg15[%scan3A_152, %dma_wait3A_154] : memref<16x128xi32, #tpu.memory_space<vmem>> -> memref<1x128xi32, #tpu.memory_space<vmem>>
          %dma_wait3A_156 = tpu.memref_squeeze %dma_wait3A_155 : memref<1x128xi32, #tpu.memory_space<vmem>> -> memref<128xi32, #tpu.memory_space<vmem>>
          %dma_wait3A_157 = arith.constant 0 : i32
          %dma_wait3A_158 = tpu.memref_slice %arg22[%dma_wait3A_157] : memref<10240xf32, #tpu.memory_space<vmem_shared>> -> memref<10240xf32, #tpu.memory_space<vmem_shared>>
          tpu.wait_indirect_dma semaphore(%arg29 : memref<!tpu.dma_semaphore, #tpu.memory_space<semaphore_mem>>) src(%arg20 : memref<128xf32, #tpu.memory_space<vmem>>) dst(%dma_wait3A_158 : memref<10240xf32, #tpu.memory_space<vmem_shared>>)
          %scan3A_159 = arith.constant 0 : i32
          scf.yield %scan3A_159 : i32
        }
        %scan3A_127 = arith.constant 16 : i32
        %mul3A_128 = arith.constant 2 : i32
        %mul3A_129 = arith.muli %mul3A_128, %scan3A_104 : i32
        %add3A_130 = arith.constant 1 : i32
        %add3A_131 = arith.addi %mul3A_129, %add3A_130 : i32
        %gt3A_132 = arith.constant 0 : i32
        %gt3A_133 = arith.cmpi sgt, %add3A_131, %gt3A_132 : i32
        %convert_element_type3A_134 = arith.extui %gt3A_133 : i1 to i32
        %cond3A_135 = arith.constant 0 : i32
        %cond3A_136 = arith.cmpi ne, %convert_element_type3A_134, %cond3A_135 : i32
        scf.if %cond3A_136 {
          %mul3A_152 = arith.constant 160 : i32
          %mul3A_153 = arith.muli %arg1, %mul3A_152 : i32
          %mul3A_154 = arith.constant 16 : i32
          %mul3A_155 = arith.muli %add3A_131, %mul3A_154 : i32
          %add3A_156 = arith.addi %mul3A_153, %mul3A_155 : i32
          %dma_wait3A_157 = arith.constant 0 : i32
          %dma_wait3A_158 = tpu.memref_slice %arg6[%add3A_156, %dma_wait3A_157] : memref<2560x128xi32, #tpu.memory_space<hbm>> -> memref<16x128xi32, #tpu.memory_space<hbm>>
          %dma_wait3A_159 = arith.constant 0 : i32
          %dma_wait3A_160 = tpu.memref_slice %arg6[%add3A_156, %dma_wait3A_159] : memref<2560x128xi32, #tpu.memory_space<hbm>> -> memref<16x128xi32, #tpu.memory_space<hbm>>
          tpu.wait_dma2 semaphore(%arg26 : memref<!tpu.dma_semaphore, #tpu.memory_space<semaphore_mem>>) src(%dma_wait3A_160 : memref<16x128xi32, #tpu.memory_space<hbm>>) dst(%arg16 : memref<16x128xi32, #tpu.memory_space<vmem>>)
          %dma_wait3A_161 = arith.constant 0 : i32
          %dma_wait3A_162 = tpu.memref_slice %arg7[%add3A_156, %dma_wait3A_161] : memref<2560x128xi32, #tpu.memory_space<hbm>> -> memref<16x128xi32, #tpu.memory_space<hbm>>
          %dma_wait3A_163 = arith.constant 0 : i32
          %dma_wait3A_164 = tpu.memref_slice %arg7[%add3A_156, %dma_wait3A_163] : memref<2560x128xi32, #tpu.memory_space<hbm>> -> memref<16x128xi32, #tpu.memory_space<hbm>>
          tpu.wait_dma2 semaphore(%arg26 : memref<!tpu.dma_semaphore, #tpu.memory_space<semaphore_mem>>) src(%dma_wait3A_164 : memref<16x128xi32, #tpu.memory_space<hbm>>) dst(%arg17 : memref<16x128xi32, #tpu.memory_space<vmem>>)
        } else {
        }
        %scan3A_137 = arith.constant 0 : i32
        %scan3A_138 = arith.constant 0 : i32
        %scan3A_139 = arith.constant 8 : i32
        %scan3A_140 = arith.addi %scan3A_138, %scan3A_139 : i32
        %scan3A_141 = arith.constant 1 : i32
        %scan3A_142 = scf.for %scan3A_152 = %scan3A_138 to %scan3A_140 step %scan3A_141 iter_args(%scan3A_153 = %scan3A_137) -> (i32)  : i32 {
          %mul3A_154 = arith.constant 2 : i32
          %mul3A_155 = arith.muli %mul3A_154, %scan3A_152 : i32
          %add3A_156 = arith.constant 0 : i32
          %add3A_157 = arith.addi %mul3A_155, %add3A_156 : i32
          %dma_wait3A_158 = arith.constant 0 : i32
          %dma_wait3A_159 = tpu.memref_slice %arg16[%add3A_157, %dma_wait3A_158] : memref<16x128xi32, #tpu.memory_space<vmem>> -> memref<1x128xi32, #tpu.memory_space<vmem>>
          %dma_wait3A_160 = tpu.memref_squeeze %dma_wait3A_159 : memref<1x128xi32, #tpu.memory_space<vmem>> -> memref<128xi32, #tpu.memory_space<vmem>>
          %dma_wait3A_161 = arith.constant 0 : i32
          %dma_wait3A_162 = arith.constant 0 : i32
          %dma_wait3A_163 = tpu.memref_slice %arg3[%dma_wait3A_161, %dma_wait3A_162] : memref<10000x128xf32, #tpu.memory_space<hbm>> -> memref<10000x128xf32, #tpu.memory_space<hbm>>
          tpu.wait_indirect_dma semaphore(%arg23 : memref<!tpu.dma_semaphore, #tpu.memory_space<semaphore_mem>>) src(%dma_wait3A_163 : memref<10000x128xf32, #tpu.memory_space<hbm>>) dst(%arg18 : memref<128x128xf32, #tpu.memory_space<vmem>>)
          %dma_start3A_164 = arith.constant 0 : i32
          %dma_start3A_165 = tpu.memref_slice %arg17[%add3A_157, %dma_start3A_164] : memref<16x128xi32, #tpu.memory_space<vmem>> -> memref<1x128xi32, #tpu.memory_space<vmem>>
          %dma_start3A_166 = tpu.memref_squeeze %dma_start3A_165 : memref<1x128xi32, #tpu.memory_space<vmem>> -> memref<128xi32, #tpu.memory_space<vmem>>
          %dma_start3A_167 = arith.constant 0 : i32
          %dma_start3A_168 = arith.constant 0 : i32
          %dma_start3A_169 = tpu.memref_slice %arg21[%dma_start3A_167, %dma_start3A_168] : memref<10240x128xf32, #tpu.memory_space<vmem_shared>> -> memref<10240x128xf32, #tpu.memory_space<vmem_shared>>
          tpu.enqueue_indirect_dma source(%arg18 : memref<128x128xf32, #tpu.memory_space<vmem>>) target(%dma_start3A_169 : memref<10240x128xf32, #tpu.memory_space<vmem_shared>>) offsets(%dma_start3A_166 : memref<128xi32, #tpu.memory_space<vmem>>) semaphore(%arg27 : memref<!tpu.dma_semaphore, #tpu.memory_space<semaphore_mem>>) {add = true}
          %dma_start3A_170 = arith.constant 0 : i32
          %dma_start3A_171 = tpu.memref_slice %arg17[%add3A_157, %dma_start3A_170] : memref<16x128xi32, #tpu.memory_space<vmem>> -> memref<1x128xi32, #tpu.memory_space<vmem>>
          %dma_start3A_172 = tpu.memref_squeeze %dma_start3A_171 : memref<1x128xi32, #tpu.memory_space<vmem>> -> memref<128xi32, #tpu.memory_space<vmem>>
          %dma_start3A_173 = arith.constant 0 : i32
          %dma_start3A_174 = tpu.memref_slice %arg22[%dma_start3A_173] : memref<10240xf32, #tpu.memory_space<vmem_shared>> -> memref<10240xf32, #tpu.memory_space<vmem_shared>>
          tpu.enqueue_indirect_dma source(%arg20 : memref<128xf32, #tpu.memory_space<vmem>>) target(%dma_start3A_174 : memref<10240xf32, #tpu.memory_space<vmem_shared>>) offsets(%dma_start3A_172 : memref<128xi32, #tpu.memory_space<vmem>>) semaphore(%arg29 : memref<!tpu.dma_semaphore, #tpu.memory_space<semaphore_mem>>) {add = true}
          %eq3A_175 = arith.constant 1 : i32
          %eq3A_176 = arith.cmpi eq, %scan3A_152, %eq3A_175 : i32
          %add3A_177 = arith.constant 1 : i32
          %add3A_178 = arith.addi %add3A_131, %add3A_177 : i32
          %lt3A = arith.constant 10 : i32
          %lt3A_179 = arith.cmpi slt, %add3A_178, %lt3A : i32
          %and3A = arith.andi %eq3A_176, %lt3A_179 : i1
          %convert_element_type3A_180 = arith.extui %and3A : i1 to i32
          %cond3A_181 = arith.constant 0 : i32
          %cond3A_182 = arith.cmpi ne, %convert_element_type3A_180, %cond3A_181 : i32
          scf.if %cond3A_182 {
            %add3A_241 = arith.constant 1 : i32
            %add3A_242 = arith.addi %add3A_131, %add3A_241 : i32
            %mul3A_243 = arith.constant 160 : i32
            %mul3A_244 = arith.muli %arg1, %mul3A_243 : i32
            %mul3A_245 = arith.constant 16 : i32
            %mul3A_246 = arith.muli %add3A_242, %mul3A_245 : i32
            %add3A_247 = arith.addi %mul3A_244, %mul3A_246 : i32
            %dma_start3A_248 = arith.constant 0 : i32
            %dma_start3A_249 = tpu.memref_slice %arg6[%add3A_247, %dma_start3A_248] : memref<2560x128xi32, #tpu.memory_space<hbm>> -> memref<16x128xi32, #tpu.memory_space<hbm>>
            %dma_start3A_250 = arith.constant 0 : i32
            %dma_start3A_251 = tpu.memref_slice %arg6[%add3A_247, %dma_start3A_250] : memref<2560x128xi32, #tpu.memory_space<hbm>> -> memref<16x128xi32, #tpu.memory_space<hbm>>
            tpu.enqueue_dma source(%dma_start3A_251 : memref<16x128xi32, #tpu.memory_space<hbm>>) target(%arg14 : memref<16x128xi32, #tpu.memory_space<vmem>>) target_semaphore(%arg25 : memref<!tpu.dma_semaphore, #tpu.memory_space<semaphore_mem>>)
            %dma_start3A_252 = arith.constant 0 : i32
            %dma_start3A_253 = tpu.memref_slice %arg7[%add3A_247, %dma_start3A_252] : memref<2560x128xi32, #tpu.memory_space<hbm>> -> memref<16x128xi32, #tpu.memory_space<hbm>>
            %dma_start3A_254 = arith.constant 0 : i32
            %dma_start3A_255 = tpu.memref_slice %arg7[%add3A_247, %dma_start3A_254] : memref<2560x128xi32, #tpu.memory_space<hbm>> -> memref<16x128xi32, #tpu.memory_space<hbm>>
            tpu.enqueue_dma source(%dma_start3A_255 : memref<16x128xi32, #tpu.memory_space<hbm>>) target(%arg15 : memref<16x128xi32, #tpu.memory_space<vmem>>) target_semaphore(%arg25 : memref<!tpu.dma_semaphore, #tpu.memory_space<semaphore_mem>>)
          } else {
          }
          %gt3A_183 = arith.constant 0 : i32
          %gt3A_184 = arith.cmpi sgt, %add3A_131, %gt3A_183 : i32
          %gt3A_185 = arith.constant 0 : i32
          %gt3A_186 = arith.cmpi sgt, %scan3A_152, %gt3A_185 : i32
          %or3A = arith.ori %gt3A_184, %gt3A_186 : i1
          %convert_element_type3A_187 = arith.extui %or3A : i1 to i32
          %cond3A_188 = arith.constant 0 : i32
          %cond3A_189 = arith.cmpi ne, %convert_element_type3A_187, %cond3A_188 : i32
          scf.if %cond3A_189 {
            %dma_wait3A_241 = arith.constant 0 : i32
            %dma_wait3A_242 = tpu.memref_slice %arg17[%add3A_157, %dma_wait3A_241] : memref<16x128xi32, #tpu.memory_space<vmem>> -> memref<1x128xi32, #tpu.memory_space<vmem>>
            %dma_wait3A_243 = tpu.memref_squeeze %dma_wait3A_242 : memref<1x128xi32, #tpu.memory_space<vmem>> -> memref<128xi32, #tpu.memory_space<vmem>>
            %dma_wait3A_244 = arith.constant 0 : i32
            %dma_wait3A_245 = arith.constant 0 : i32
            %dma_wait3A_246 = tpu.memref_slice %arg21[%dma_wait3A_244, %dma_wait3A_245] : memref<10240x128xf32, #tpu.memory_space<vmem_shared>> -> memref<10240x128xf32, #tpu.memory_space<vmem_shared>>
            tpu.wait_indirect_dma semaphore(%arg28 : memref<!tpu.dma_semaphore, #tpu.memory_space<semaphore_mem>>) src(%arg19 : memref<128x128xf32, #tpu.memory_space<vmem>>) dst(%dma_wait3A_246 : memref<10240x128xf32, #tpu.memory_space<vmem_shared>>)
          } else {
          }
          %add3A_190 = arith.constant 1 : i32
          %add3A_191 = arith.addi %add3A_157, %add3A_190 : i32
          %dma_start3A_192 = arith.constant 0 : i32
          %dma_start3A_193 = tpu.memref_slice %arg16[%add3A_191, %dma_start3A_192] : memref<16x128xi32, #tpu.memory_space<vmem>> -> memref<1x128xi32, #tpu.memory_space<vmem>>
          %dma_start3A_194 = tpu.memref_squeeze %dma_start3A_193 : memref<1x128xi32, #tpu.memory_space<vmem>> -> memref<128xi32, #tpu.memory_space<vmem>>
          %dma_start3A_195 = arith.constant 0 : i32
          %dma_start3A_196 = arith.constant 0 : i32
          %dma_start3A_197 = tpu.memref_slice %arg3[%dma_start3A_195, %dma_start3A_196] : memref<10000x128xf32, #tpu.memory_space<hbm>> -> memref<10000x128xf32, #tpu.memory_space<hbm>>
          tpu.enqueue_indirect_dma source(%dma_start3A_197 : memref<10000x128xf32, #tpu.memory_space<hbm>>) target(%arg19 : memref<128x128xf32, #tpu.memory_space<vmem>>) offsets(%dma_start3A_194 : memref<128xi32, #tpu.memory_space<vmem>>) semaphore(%arg24 : memref<!tpu.dma_semaphore, #tpu.memory_space<semaphore_mem>>)
          %mul3A_198 = arith.constant 2 : i32
          %mul3A_199 = arith.muli %mul3A_198, %scan3A_152 : i32
          %add3A_200 = arith.constant 1 : i32
          %add3A_201 = arith.addi %mul3A_199, %add3A_200 : i32
          %dma_wait3A_202 = arith.constant 0 : i32
          %dma_wait3A_203 = tpu.memref_slice %arg16[%add3A_201, %dma_wait3A_202] : memref<16x128xi32, #tpu.memory_space<vmem>> -> memref<1x128xi32, #tpu.memory_space<vmem>>
          %dma_wait3A_204 = tpu.memref_squeeze %dma_wait3A_203 : memref<1x128xi32, #tpu.memory_space<vmem>> -> memref<128xi32, #tpu.memory_space<vmem>>
          %dma_wait3A_205 = arith.constant 0 : i32
          %dma_wait3A_206 = arith.constant 0 : i32
          %dma_wait3A_207 = tpu.memref_slice %arg3[%dma_wait3A_205, %dma_wait3A_206] : memref<10000x128xf32, #tpu.memory_space<hbm>> -> memref<10000x128xf32, #tpu.memory_space<hbm>>
          tpu.wait_indirect_dma semaphore(%arg24 : memref<!tpu.dma_semaphore, #tpu.memory_space<semaphore_mem>>) src(%dma_wait3A_207 : memref<10000x128xf32, #tpu.memory_space<hbm>>) dst(%arg19 : memref<128x128xf32, #tpu.memory_space<vmem>>)
          %dma_start3A_208 = arith.constant 0 : i32
          %dma_start3A_209 = tpu.memref_slice %arg17[%add3A_201, %dma_start3A_208] : memref<16x128xi32, #tpu.memory_space<vmem>> -> memref<1x128xi32, #tpu.memory_space<vmem>>
          %dma_start3A_210 = tpu.memref_squeeze %dma_start3A_209 : memref<1x128xi32, #tpu.memory_space<vmem>> -> memref<128xi32, #tpu.memory_space<vmem>>
          %dma_start3A_211 = arith.constant 0 : i32
          %dma_start3A_212 = arith.constant 0 : i32
          %dma_start3A_213 = tpu.memref_slice %arg21[%dma_start3A_211, %dma_start3A_212] : memref<10240x128xf32, #tpu.memory_space<vmem_shared>> -> memref<10240x128xf32, #tpu.memory_space<vmem_shared>>
          tpu.enqueue_indirect_dma source(%arg19 : memref<128x128xf32, #tpu.memory_space<vmem>>) target(%dma_start3A_213 : memref<10240x128xf32, #tpu.memory_space<vmem_shared>>) offsets(%dma_start3A_210 : memref<128xi32, #tpu.memory_space<vmem>>) semaphore(%arg28 : memref<!tpu.dma_semaphore, #tpu.memory_space<semaphore_mem>>) {add = true}
          %dma_start3A_214 = arith.constant 0 : i32
          %dma_start3A_215 = tpu.memref_slice %arg17[%add3A_201, %dma_start3A_214] : memref<16x128xi32, #tpu.memory_space<vmem>> -> memref<1x128xi32, #tpu.memory_space<vmem>>
          %dma_start3A_216 = tpu.memref_squeeze %dma_start3A_215 : memref<1x128xi32, #tpu.memory_space<vmem>> -> memref<128xi32, #tpu.memory_space<vmem>>
          %dma_start3A_217 = arith.constant 0 : i32
          %dma_start3A_218 = tpu.memref_slice %arg22[%dma_start3A_217] : memref<10240xf32, #tpu.memory_space<vmem_shared>> -> memref<10240xf32, #tpu.memory_space<vmem_shared>>
          tpu.enqueue_indirect_dma source(%arg20 : memref<128xf32, #tpu.memory_space<vmem>>) target(%dma_start3A_218 : memref<10240xf32, #tpu.memory_space<vmem_shared>>) offsets(%dma_start3A_216 : memref<128xi32, #tpu.memory_space<vmem>>) semaphore(%arg29 : memref<!tpu.dma_semaphore, #tpu.memory_space<semaphore_mem>>) {add = true}
          %dma_wait3A_219 = arith.constant 0 : i32
          %dma_wait3A_220 = tpu.memref_slice %arg17[%add3A_201, %dma_wait3A_219] : memref<16x128xi32, #tpu.memory_space<vmem>> -> memref<1x128xi32, #tpu.memory_space<vmem>>
          %dma_wait3A_221 = tpu.memref_squeeze %dma_wait3A_220 : memref<1x128xi32, #tpu.memory_space<vmem>> -> memref<128xi32, #tpu.memory_space<vmem>>
          %dma_wait3A_222 = arith.constant 0 : i32
          %dma_wait3A_223 = arith.constant 0 : i32
          %dma_wait3A_224 = tpu.memref_slice %arg21[%dma_wait3A_222, %dma_wait3A_223] : memref<10240x128xf32, #tpu.memory_space<vmem_shared>> -> memref<10240x128xf32, #tpu.memory_space<vmem_shared>>
          tpu.wait_indirect_dma semaphore(%arg27 : memref<!tpu.dma_semaphore, #tpu.memory_space<semaphore_mem>>) src(%arg18 : memref<128x128xf32, #tpu.memory_space<vmem>>) dst(%dma_wait3A_224 : memref<10240x128xf32, #tpu.memory_space<vmem_shared>>)
          %lt3A_225 = arith.constant 7 : i32
          %lt3A_226 = arith.cmpi slt, %scan3A_152, %lt3A_225 : i32
          %convert_element_type3A_227 = arith.extui %lt3A_226 : i1 to i32
          %cond3A_228 = arith.constant 0 : i32
          %cond3A_229 = arith.cmpi ne, %convert_element_type3A_227, %cond3A_228 : i32
          scf.if %cond3A_229 {
            %add3A_241 = arith.constant 1 : i32
            %add3A_242 = arith.addi %add3A_201, %add3A_241 : i32
            %dma_start3A_243 = arith.constant 0 : i32
            %dma_start3A_244 = tpu.memref_slice %arg16[%add3A_242, %dma_start3A_243] : memref<16x128xi32, #tpu.memory_space<vmem>> -> memref<1x128xi32, #tpu.memory_space<vmem>>
            %dma_start3A_245 = tpu.memref_squeeze %dma_start3A_244 : memref<1x128xi32, #tpu.memory_space<vmem>> -> memref<128xi32, #tpu.memory_space<vmem>>
            %dma_start3A_246 = arith.constant 0 : i32
            %dma_start3A_247 = arith.constant 0 : i32
            %dma_start3A_248 = tpu.memref_slice %arg3[%dma_start3A_246, %dma_start3A_247] : memref<10000x128xf32, #tpu.memory_space<hbm>> -> memref<10000x128xf32, #tpu.memory_space<hbm>>
            tpu.enqueue_indirect_dma source(%dma_start3A_248 : memref<10000x128xf32, #tpu.memory_space<hbm>>) target(%arg18 : memref<128x128xf32, #tpu.memory_space<vmem>>) offsets(%dma_start3A_245 : memref<128xi32, #tpu.memory_space<vmem>>) semaphore(%arg23 : memref<!tpu.dma_semaphore, #tpu.memory_space<semaphore_mem>>)
          } else {
          }
          %eq3A_230 = arith.constant 7 : i32
          %eq3A_231 = arith.cmpi eq, %scan3A_152, %eq3A_230 : i32
          %add3A_232 = arith.constant 1 : i32
          %add3A_233 = arith.addi %add3A_131, %add3A_232 : i32
          %lt3A_234 = arith.constant 10 : i32
          %lt3A_235 = arith.cmpi slt, %add3A_233, %lt3A_234 : i32
          %and3A_236 = arith.andi %eq3A_231, %lt3A_235 : i1
          %convert_element_type3A_237 = arith.extui %and3A_236 : i1 to i32
          %cond3A_238 = arith.constant 0 : i32
          %cond3A_239 = arith.cmpi ne, %convert_element_type3A_237, %cond3A_238 : i32
          scf.if %cond3A_239 {
            %dma_start3A_241 = arith.constant 0 : i32
            %dma_start3A_242 = arith.constant 0 : i32
            %dma_start3A_243 = tpu.memref_slice %arg14[%dma_start3A_241, %dma_start3A_242] : memref<16x128xi32, #tpu.memory_space<vmem>> -> memref<1x128xi32, #tpu.memory_space<vmem>>
            %dma_start3A_244 = tpu.memref_squeeze %dma_start3A_243 : memref<1x128xi32, #tpu.memory_space<vmem>> -> memref<128xi32, #tpu.memory_space<vmem>>
            %dma_start3A_245 = arith.constant 0 : i32
            %dma_start3A_246 = arith.constant 0 : i32
            %dma_start3A_247 = tpu.memref_slice %arg3[%dma_start3A_245, %dma_start3A_246] : memref<10000x128xf32, #tpu.memory_space<hbm>> -> memref<10000x128xf32, #tpu.memory_space<hbm>>
            tpu.enqueue_indirect_dma source(%dma_start3A_247 : memref<10000x128xf32, #tpu.memory_space<hbm>>) target(%arg18 : memref<128x128xf32, #tpu.memory_space<vmem>>) offsets(%dma_start3A_244 : memref<128xi32, #tpu.memory_space<vmem>>) semaphore(%arg23 : memref<!tpu.dma_semaphore, #tpu.memory_space<semaphore_mem>>)
          } else {
          }
          %scan3A_240 = arith.constant 0 : i32
          scf.yield %scan3A_240 : i32
        }
        %scan3A_143 = arith.constant 8 : i32
        %scan3A_144 = arith.constant 0 : i32
        %scan3A_145 = arith.constant 0 : i32
        %scan3A_146 = arith.constant 16 : i32
        %scan3A_147 = arith.addi %scan3A_145, %scan3A_146 : i32
        %scan3A_148 = arith.constant 1 : i32
        %scan3A_149 = scf.for %scan3A_152 = %scan3A_145 to %scan3A_147 step %scan3A_148 iter_args(%scan3A_153 = %scan3A_144) -> (i32)  : i32 {
          %dma_wait3A_154 = arith.constant 0 : i32
          %dma_wait3A_155 = tpu.memref_slice %arg17[%scan3A_152, %dma_wait3A_154] : memref<16x128xi32, #tpu.memory_space<vmem>> -> memref<1x128xi32, #tpu.memory_space<vmem>>
          %dma_wait3A_156 = tpu.memref_squeeze %dma_wait3A_155 : memref<1x128xi32, #tpu.memory_space<vmem>> -> memref<128xi32, #tpu.memory_space<vmem>>
          %dma_wait3A_157 = arith.constant 0 : i32
          %dma_wait3A_158 = tpu.memref_slice %arg22[%dma_wait3A_157] : memref<10240xf32, #tpu.memory_space<vmem_shared>> -> memref<10240xf32, #tpu.memory_space<vmem_shared>>
          tpu.wait_indirect_dma semaphore(%arg29 : memref<!tpu.dma_semaphore, #tpu.memory_space<semaphore_mem>>) src(%arg20 : memref<128xf32, #tpu.memory_space<vmem>>) dst(%dma_wait3A_158 : memref<10240xf32, #tpu.memory_space<vmem_shared>>)
          %scan3A_159 = arith.constant 0 : i32
          scf.yield %scan3A_159 : i32
        }
        %scan3A_150 = arith.constant 16 : i32
        %scan3A_151 = arith.constant 0 : i32
        scf.yield %scan3A_151 : i32
      }
      %scan3A_71 = arith.constant 5 : i32
      %dma_wait3A_72 = arith.constant 0 : i32
      %dma_wait3A_73 = arith.constant 0 : i32
      %dma_wait3A_74 = tpu.memref_slice %arg17[%dma_wait3A_72, %dma_wait3A_73] : memref<16x128xi32, #tpu.memory_space<vmem>> -> memref<1x128xi32, #tpu.memory_space<vmem>>
      %dma_wait3A_75 = tpu.memref_squeeze %dma_wait3A_74 : memref<1x128xi32, #tpu.memory_space<vmem>> -> memref<128xi32, #tpu.memory_space<vmem>>
      %dma_wait3A_76 = arith.constant 0 : i32
      %dma_wait3A_77 = arith.constant 0 : i32
      %dma_wait3A_78 = tpu.memref_slice %arg21[%dma_wait3A_76, %dma_wait3A_77] : memref<10240x128xf32, #tpu.memory_space<vmem_shared>> -> memref<10240x128xf32, #tpu.memory_space<vmem_shared>>
      tpu.wait_indirect_dma semaphore(%arg28 : memref<!tpu.dma_semaphore, #tpu.memory_space<semaphore_mem>>) src(%arg19 : memref<128x128xf32, #tpu.memory_space<vmem>>) dst(%dma_wait3A_78 : memref<10240x128xf32, #tpu.memory_space<vmem_shared>>)
      %barrier3A_79 = arith.constant 0 : index
      tpu.barrier barrier_id(%barrier3A_79)
      %mul3A_80 = arith.constant 640 : i32
      %mul3A_81 = arith.muli %arg1, %mul3A_80 : i32
      %add3A_82 = arith.constant 0 : i32
      %add3A_83 = arith.addi %mul3A_81, %add3A_82 : i32
      "tpu.region"() ({
        %run_scoped3A = tpu.sem_alloc : memref<!tpu.dma_semaphore, #tpu.memory_space<semaphore_mem>>
        %dma_start3A_104 = arith.constant 0 : i32
        %dma_start3A_105 = tpu.memref_slice %arg12[%add3A_83, %dma_start3A_104] : memref<10240x128xf32, #tpu.memory_space<hbm>> -> memref<128x128xf32, #tpu.memory_space<hbm>>
        %dma_start3A_106 = arith.constant 0 : i32
        %dma_start3A_107 = tpu.memref_slice %arg21[%add3A_83, %dma_start3A_106] : memref<10240x128xf32, #tpu.memory_space<vmem_shared>> -> memref<128x128xf32, #tpu.memory_space<vmem_shared>>
        tpu.enqueue_dma source(%dma_start3A_107 : memref<128x128xf32, #tpu.memory_space<vmem_shared>>) target(%dma_start3A_105 : memref<128x128xf32, #tpu.memory_space<hbm>>) target_semaphore(%run_scoped3A : memref<!tpu.dma_semaphore, #tpu.memory_space<semaphore_mem>>)
        %dma_wait3A_108 = arith.constant 0 : i32
        %dma_wait3A_109 = tpu.memref_slice %arg12[%add3A_83, %dma_wait3A_108] : memref<10240x128xf32, #tpu.memory_space<hbm>> -> memref<128x128xf32, #tpu.memory_space<hbm>>
        %dma_wait3A_110 = arith.constant 0 : i32
        %dma_wait3A_111 = tpu.memref_slice %arg21[%add3A_83, %dma_wait3A_110] : memref<10240x128xf32, #tpu.memory_space<vmem_shared>> -> memref<128x128xf32, #tpu.memory_space<vmem_shared>>
        tpu.wait_dma2 semaphore(%run_scoped3A : memref<!tpu.dma_semaphore, #tpu.memory_space<semaphore_mem>>) src(%dma_wait3A_111 : memref<128x128xf32, #tpu.memory_space<vmem_shared>>) dst(%dma_wait3A_109 : memref<128x128xf32, #tpu.memory_space<hbm>>)
        tpu.yield
      }) : () -> ()
      %mul3A_84 = arith.constant 640 : i32
      %mul3A_85 = arith.muli %arg1, %mul3A_84 : i32
      %add3A_86 = arith.constant 128 : i32
      %add3A_87 = arith.addi %mul3A_85, %add3A_86 : i32
      "tpu.region"() ({
        %run_scoped3A = tpu.sem_alloc : memref<!tpu.dma_semaphore, #tpu.memory_space<semaphore_mem>>
        %dma_start3A_104 = arith.constant 0 : i32
        %dma_start3A_105 = tpu.memref_slice %arg12[%add3A_87, %dma_start3A_104] : memref<10240x128xf32, #tpu.memory_space<hbm>> -> memref<128x128xf32, #tpu.memory_space<hbm>>
        %dma_start3A_106 = arith.constant 0 : i32
        %dma_start3A_107 = tpu.memref_slice %arg21[%add3A_87, %dma_start3A_106] : memref<10240x128xf32, #tpu.memory_space<vmem_shared>> -> memref<128x128xf32, #tpu.memory_space<vmem_shared>>
        tpu.enqueue_dma source(%dma_start3A_107 : memref<128x128xf32, #tpu.memory_space<vmem_shared>>) target(%dma_start3A_105 : memref<128x128xf32, #tpu.memory_space<hbm>>) target_semaphore(%run_scoped3A : memref<!tpu.dma_semaphore, #tpu.memory_space<semaphore_mem>>)
        %dma_wait3A_108 = arith.constant 0 : i32
        %dma_wait3A_109 = tpu.memref_slice %arg12[%add3A_87, %dma_wait3A_108] : memref<10240x128xf32, #tpu.memory_space<hbm>> -> memref<128x128xf32, #tpu.memory_space<hbm>>
        %dma_wait3A_110 = arith.constant 0 : i32
        %dma_wait3A_111 = tpu.memref_slice %arg21[%add3A_87, %dma_wait3A_110] : memref<10240x128xf32, #tpu.memory_space<vmem_shared>> -> memref<128x128xf32, #tpu.memory_space<vmem_shared>>
        tpu.wait_dma2 semaphore(%run_scoped3A : memref<!tpu.dma_semaphore, #tpu.memory_space<semaphore_mem>>) src(%dma_wait3A_111 : memref<128x128xf32, #tpu.memory_space<vmem_shared>>) dst(%dma_wait3A_109 : memref<128x128xf32, #tpu.memory_space<hbm>>)
        tpu.yield
      }) : () -> ()
      %mul3A_88 = arith.constant 640 : i32
      %mul3A_89 = arith.muli %arg1, %mul3A_88 : i32
      %add3A_90 = arith.constant 256 : i32
      %add3A_91 = arith.addi %mul3A_89, %add3A_90 : i32
      "tpu.region"() ({
        %run_scoped3A = tpu.sem_alloc : memref<!tpu.dma_semaphore, #tpu.memory_space<semaphore_mem>>
        %dma_start3A_104 = arith.constant 0 : i32
        %dma_start3A_105 = tpu.memref_slice %arg12[%add3A_91, %dma_start3A_104] : memref<10240x128xf32, #tpu.memory_space<hbm>> -> memref<128x128xf32, #tpu.memory_space<hbm>>
        %dma_start3A_106 = arith.constant 0 : i32
        %dma_start3A_107 = tpu.memref_slice %arg21[%add3A_91, %dma_start3A_106] : memref<10240x128xf32, #tpu.memory_space<vmem_shared>> -> memref<128x128xf32, #tpu.memory_space<vmem_shared>>
        tpu.enqueue_dma source(%dma_start3A_107 : memref<128x128xf32, #tpu.memory_space<vmem_shared>>) target(%dma_start3A_105 : memref<128x128xf32, #tpu.memory_space<hbm>>) target_semaphore(%run_scoped3A : memref<!tpu.dma_semaphore, #tpu.memory_space<semaphore_mem>>)
        %dma_wait3A_108 = arith.constant 0 : i32
        %dma_wait3A_109 = tpu.memref_slice %arg12[%add3A_91, %dma_wait3A_108] : memref<10240x128xf32, #tpu.memory_space<hbm>> -> memref<128x128xf32, #tpu.memory_space<hbm>>
        %dma_wait3A_110 = arith.constant 0 : i32
        %dma_wait3A_111 = tpu.memref_slice %arg21[%add3A_91, %dma_wait3A_110] : memref<10240x128xf32, #tpu.memory_space<vmem_shared>> -> memref<128x128xf32, #tpu.memory_space<vmem_shared>>
        tpu.wait_dma2 semaphore(%run_scoped3A : memref<!tpu.dma_semaphore, #tpu.memory_space<semaphore_mem>>) src(%dma_wait3A_111 : memref<128x128xf32, #tpu.memory_space<vmem_shared>>) dst(%dma_wait3A_109 : memref<128x128xf32, #tpu.memory_space<hbm>>)
        tpu.yield
      }) : () -> ()
      %mul3A_92 = arith.constant 640 : i32
      %mul3A_93 = arith.muli %arg1, %mul3A_92 : i32
      %add3A_94 = arith.constant 384 : i32
      %add3A_95 = arith.addi %mul3A_93, %add3A_94 : i32
      "tpu.region"() ({
        %run_scoped3A = tpu.sem_alloc : memref<!tpu.dma_semaphore, #tpu.memory_space<semaphore_mem>>
        %dma_start3A_104 = arith.constant 0 : i32
        %dma_start3A_105 = tpu.memref_slice %arg12[%add3A_95, %dma_start3A_104] : memref<10240x128xf32, #tpu.memory_space<hbm>> -> memref<128x128xf32, #tpu.memory_space<hbm>>
        %dma_start3A_106 = arith.constant 0 : i32
        %dma_start3A_107 = tpu.memref_slice %arg21[%add3A_95, %dma_start3A_106] : memref<10240x128xf32, #tpu.memory_space<vmem_shared>> -> memref<128x128xf32, #tpu.memory_space<vmem_shared>>
        tpu.enqueue_dma source(%dma_start3A_107 : memref<128x128xf32, #tpu.memory_space<vmem_shared>>) target(%dma_start3A_105 : memref<128x128xf32, #tpu.memory_space<hbm>>) target_semaphore(%run_scoped3A : memref<!tpu.dma_semaphore, #tpu.memory_space<semaphore_mem>>)
        %dma_wait3A_108 = arith.constant 0 : i32
        %dma_wait3A_109 = tpu.memref_slice %arg12[%add3A_95, %dma_wait3A_108] : memref<10240x128xf32, #tpu.memory_space<hbm>> -> memref<128x128xf32, #tpu.memory_space<hbm>>
        %dma_wait3A_110 = arith.constant 0 : i32
        %dma_wait3A_111 = tpu.memref_slice %arg21[%add3A_95, %dma_wait3A_110] : memref<10240x128xf32, #tpu.memory_space<vmem_shared>> -> memref<128x128xf32, #tpu.memory_space<vmem_shared>>
        tpu.wait_dma2 semaphore(%run_scoped3A : memref<!tpu.dma_semaphore, #tpu.memory_space<semaphore_mem>>) src(%dma_wait3A_111 : memref<128x128xf32, #tpu.memory_space<vmem_shared>>) dst(%dma_wait3A_109 : memref<128x128xf32, #tpu.memory_space<hbm>>)
        tpu.yield
      }) : () -> ()
      %mul3A_96 = arith.constant 640 : i32
      %mul3A_97 = arith.muli %arg1, %mul3A_96 : i32
      %add3A_98 = arith.constant 512 : i32
      %add3A_99 = arith.addi %mul3A_97, %add3A_98 : i32
      "tpu.region"() ({
        %run_scoped3A = tpu.sem_alloc : memref<!tpu.dma_semaphore, #tpu.memory_space<semaphore_mem>>
        %dma_start3A_104 = arith.constant 0 : i32
        %dma_start3A_105 = tpu.memref_slice %arg12[%add3A_99, %dma_start3A_104] : memref<10240x128xf32, #tpu.memory_space<hbm>> -> memref<128x128xf32, #tpu.memory_space<hbm>>
        %dma_start3A_106 = arith.constant 0 : i32
        %dma_start3A_107 = tpu.memref_slice %arg21[%add3A_99, %dma_start3A_106] : memref<10240x128xf32, #tpu.memory_space<vmem_shared>> -> memref<128x128xf32, #tpu.memory_space<vmem_shared>>
        tpu.enqueue_dma source(%dma_start3A_107 : memref<128x128xf32, #tpu.memory_space<vmem_shared>>) target(%dma_start3A_105 : memref<128x128xf32, #tpu.memory_space<hbm>>) target_semaphore(%run_scoped3A : memref<!tpu.dma_semaphore, #tpu.memory_space<semaphore_mem>>)
        %dma_wait3A_108 = arith.constant 0 : i32
        %dma_wait3A_109 = tpu.memref_slice %arg12[%add3A_99, %dma_wait3A_108] : memref<10240x128xf32, #tpu.memory_space<hbm>> -> memref<128x128xf32, #tpu.memory_space<hbm>>
        %dma_wait3A_110 = arith.constant 0 : i32
        %dma_wait3A_111 = tpu.memref_slice %arg21[%add3A_99, %dma_wait3A_110] : memref<10240x128xf32, #tpu.memory_space<vmem_shared>> -> memref<128x128xf32, #tpu.memory_space<vmem_shared>>
        tpu.wait_dma2 semaphore(%run_scoped3A : memref<!tpu.dma_semaphore, #tpu.memory_space<semaphore_mem>>) src(%dma_wait3A_111 : memref<128x128xf32, #tpu.memory_space<vmem_shared>>) dst(%dma_wait3A_109 : memref<128x128xf32, #tpu.memory_space<hbm>>)
        tpu.yield
      }) : () -> ()
      %mul3A_100 = arith.constant 640 : i32
      %mul3A_101 = arith.muli %arg1, %mul3A_100 : i32
      %mul3A_102 = arith.constant 640 : i32
      %mul3A_103 = arith.muli %arg1, %mul3A_102 : i32
      "tpu.region"() ({
        %run_scoped3A = tpu.sem_alloc : memref<!tpu.dma_semaphore, #tpu.memory_space<semaphore_mem>>
        %dma_start3A_104 = tpu.memref_slice %arg13[%mul3A_103] : memref<10240xf32, #tpu.memory_space<hbm>> -> memref<640xf32, #tpu.memory_space<hbm>>
        %dma_start3A_105 = tpu.memref_slice %arg22[%mul3A_101] : memref<10240xf32, #tpu.memory_space<vmem_shared>> -> memref<640xf32, #tpu.memory_space<vmem_shared>>
        tpu.enqueue_dma source(%dma_start3A_105 : memref<640xf32, #tpu.memory_space<vmem_shared>>) target(%dma_start3A_104 : memref<640xf32, #tpu.memory_space<hbm>>) target_semaphore(%run_scoped3A : memref<!tpu.dma_semaphore, #tpu.memory_space<semaphore_mem>>)
        %dma_wait3A_106 = tpu.memref_slice %arg13[%mul3A_103] : memref<10240xf32, #tpu.memory_space<hbm>> -> memref<640xf32, #tpu.memory_space<hbm>>
        %dma_wait3A_107 = tpu.memref_slice %arg22[%mul3A_101] : memref<10240xf32, #tpu.memory_space<vmem_shared>> -> memref<640xf32, #tpu.memory_space<vmem_shared>>
        tpu.wait_dma2 semaphore(%run_scoped3A : memref<!tpu.dma_semaphore, #tpu.memory_space<semaphore_mem>>) src(%dma_wait3A_107 : memref<640xf32, #tpu.memory_space<vmem_shared>>) dst(%dma_wait3A_106 : memref<640xf32, #tpu.memory_space<hbm>>)
        tpu.yield
      }) : () -> ()
    } else {
    }
    return
  }
}

module attributes {stable_mosaic.version = 14 : i64} {
  func.func @_mm3_body(%arg0: i32, %arg1: memref<2000x128xf32, #tpu.memory_space<vmem>>, %arg2: memref<128x128xf32, #tpu.memory_space<vmem>>, %arg3: memref<128x128xf32, #tpu.memory_space<vmem>>, %arg4: memref<128x128xf32, #tpu.memory_space<vmem>>, %arg5: memref<1x128xf32, #tpu.memory_space<vmem>>, %arg6: memref<2000x128xf32, #tpu.memory_space<vmem>>, %arg7: memref<2000x128xf32, #tpu.memory_space<vmem>>, %arg8: memref<2000x128xf32, #tpu.memory_space<vmem>>) attributes {dimension_semantics = [#tpu.dimension_semantics<arbitrary>], iteration_bounds = array<i64: 5>, scalar_prefetch = 0 : i64, scratch_operands = 0 : i64, tpu.core_type = #tpu.core_type<tc>, window_params = [{transform_indices = @transform_0, window_bounds = array<i64: 2000, 128>}, {pipeline_mode = #tpu.pipeline_mode<synchronous>, transform_indices = @transform_1, window_bounds = array<i64: 128, 128>}, {pipeline_mode = #tpu.pipeline_mode<synchronous>, transform_indices = @transform_2, window_bounds = array<i64: 128, 128>}, {pipeline_mode = #tpu.pipeline_mode<synchronous>, transform_indices = @transform_3, window_bounds = array<i64: 128, 128>}, {pipeline_mode = #tpu.pipeline_mode<synchronous>, transform_indices = @transform_4, window_bounds = array<i64: 1, 128>}, {transform_indices = @transform_5, window_bounds = array<i64: 2000, 128>}, {transform_indices = @transform_6, window_bounds = array<i64: 2000, 128>}, {transform_indices = @transform_7, window_bounds = array<i64: 2000, 128>}]} {
    %get3A = arith.constant 0 : index
    %get3A_0 = arith.constant 0 : index
    %get3A_1 = vector.load %arg1[%get3A, %get3A_0] : memref<2000x128xf32, #tpu.memory_space<vmem>>, vector<2000x128xf32>
    %get3A_2 = arith.constant 0 : index
    %get3A_3 = arith.constant 0 : index
    %get3A_4 = vector.load %arg2[%get3A_2, %get3A_3] : memref<128x128xf32, #tpu.memory_space<vmem>>, vector<128x128xf32>
    %dot_general3A = arith.constant dense<0.000000e+00> : vector<2000x128xf32>
    %dot_general3A_5 = tpu.matmul %get3A_1, %get3A_4, %dot_general3A {dimension_numbers = #tpu.dot_dimension_numbers<[1], [1], [0], [0], [0, 0, 1, 0], [], []>, transpose_lhs_hint = false} : vector<2000x128xf32>, vector<128x128xf32>, vector<2000x128xf32> -> vector<2000x128xf32>
    %swap3A = arith.constant 0 : index
    %swap3A_6 = arith.constant 0 : index
    %swap3A_7 = vector.load %arg6[%swap3A, %swap3A_6] : memref<2000x128xf32, #tpu.memory_space<vmem>>, vector<2000x128xf32>
    tpu.vector_store %arg6[%swap3A, %swap3A_6], %dot_general3A_5 {strides = array<i32>} : memref<2000x128xf32, #tpu.memory_space<vmem>>, vector<2000x128xf32>,
    %get3A_8 = arith.constant 0 : index
    %get3A_9 = arith.constant 0 : index
    %get3A_10 = vector.load %arg3[%get3A_8, %get3A_9] : memref<128x128xf32, #tpu.memory_space<vmem>>, vector<128x128xf32>
    %dot_general3A_11 = arith.constant dense<0.000000e+00> : vector<2000x128xf32>
    %dot_general3A_12 = tpu.matmul %get3A_1, %get3A_10, %dot_general3A_11 {dimension_numbers = #tpu.dot_dimension_numbers<[1], [1], [0], [0], [0, 0, 1, 0], [], []>, transpose_lhs_hint = false} : vector<2000x128xf32>, vector<128x128xf32>, vector<2000x128xf32> -> vector<2000x128xf32>
    %swap3A_13 = arith.constant 0 : index
    %swap3A_14 = arith.constant 0 : index
    %swap3A_15 = vector.load %arg7[%swap3A_13, %swap3A_14] : memref<2000x128xf32, #tpu.memory_space<vmem>>, vector<2000x128xf32>
    tpu.vector_store %arg7[%swap3A_13, %swap3A_14], %dot_general3A_12 {strides = array<i32>} : memref<2000x128xf32, #tpu.memory_space<vmem>>, vector<2000x128xf32>,
    %get3A_16 = arith.constant 0 : index
    %get3A_17 = arith.constant 0 : index
    %get3A_18 = vector.load %arg4[%get3A_16, %get3A_17] : memref<128x128xf32, #tpu.memory_space<vmem>>, vector<128x128xf32>
    %dot_general3A_19 = arith.constant dense<0.000000e+00> : vector<2000x128xf32>
    %dot_general3A_20 = tpu.matmul %get3A_1, %get3A_18, %dot_general3A_19 {dimension_numbers = #tpu.dot_dimension_numbers<[1], [1], [0], [0], [0, 0, 1, 0], [], []>, transpose_lhs_hint = false} : vector<2000x128xf32>, vector<128x128xf32>, vector<2000x128xf32> -> vector<2000x128xf32>
    %get3A_21 = arith.constant 0 : index
    %get3A_22 = arith.constant 0 : index
    %get3A_23 = vector.load %arg5[%get3A_21, %get3A_22] : memref<1x128xf32, #tpu.memory_space<vmem>>, vector<1x128xf32>
    %add3A = vector.broadcast %get3A_23 : vector<1x128xf32> to vector<2000x128xf32>
    %add3A_24 = arith.addf %dot_general3A_20, %add3A : vector<2000x128xf32>
    %swap3A_25 = arith.constant 0 : index
    %swap3A_26 = arith.constant 0 : index
    %swap3A_27 = vector.load %arg8[%swap3A_25, %swap3A_26] : memref<2000x128xf32, #tpu.memory_space<vmem>>, vector<2000x128xf32>
    tpu.vector_store %arg8[%swap3A_25, %swap3A_26], %add3A_24 {strides = array<i32>} : memref<2000x128xf32, #tpu.memory_space<vmem>>, vector<2000x128xf32>,
    return
  }
  func.func @transform_0(%arg0: i32) -> (i32, i32) {
    %c0_i32 = arith.constant 0 : i32
    %c0_i32_0 = arith.constant 0 : i32
    return %arg0, %c0_i32 : i32, i32
  }
  func.func @transform_1(%arg0: i32) -> (i32, i32) {
    %c0_i32 = arith.constant 0 : i32
    %c0_i32_0 = arith.constant 0 : i32
    %c0_i32_1 = arith.constant 0 : i32
    return %c0_i32, %c0_i32_0 : i32, i32
  }
  func.func @transform_2(%arg0: i32) -> (i32, i32) {
    %c0_i32 = arith.constant 0 : i32
    %c0_i32_0 = arith.constant 0 : i32
    %c0_i32_1 = arith.constant 0 : i32
    return %c0_i32, %c0_i32_0 : i32, i32
  }
  func.func @transform_3(%arg0: i32) -> (i32, i32) {
    %c0_i32 = arith.constant 0 : i32
    %c0_i32_0 = arith.constant 0 : i32
    %c0_i32_1 = arith.constant 0 : i32
    return %c0_i32, %c0_i32_0 : i32, i32
  }
  func.func @transform_4(%arg0: i32) -> (i32, i32) {
    %c0_i32 = arith.constant 0 : i32
    %c0_i32_0 = arith.constant 0 : i32
    %c0_i32_1 = arith.constant 0 : i32
    return %c0_i32, %c0_i32_0 : i32, i32
  }
  func.func @transform_5(%arg0: i32) -> (i32, i32) {
    %c0_i32 = arith.constant 0 : i32
    %c0_i32_0 = arith.constant 0 : i32
    return %arg0, %c0_i32 : i32, i32
  }
  func.func @transform_6(%arg0: i32) -> (i32, i32) {
    %c0_i32 = arith.constant 0 : i32
    %c0_i32_0 = arith.constant 0 : i32
    return %arg0, %c0_i32 : i32, i32
  }
  func.func @transform_7(%arg0: i32) -> (i32, i32) {
    %c0_i32 = arith.constant 0 : i32
    %c0_i32_0 = arith.constant 0 : i32
    return %arg0, %c0_i32 : i32, i32
  }
}

module attributes {stable_mosaic.version = 14 : i64} {
  func.func @_combine_body(%arg0: i32, %arg1: memref<2000x128xf32, #tpu.memory_space<vmem>>, %arg2: memref<2000x128xf32, #tpu.memory_space<vmem>>, %arg3: memref<2000x1xf32, #tpu.memory_space<vmem>>, %arg4: memref<2000x128xf32, #tpu.memory_space<vmem>>, %arg5: memref<2000x1xf32, #tpu.memory_space<vmem>>, %arg6: memref<2000x128xf32, #tpu.memory_space<vmem>>) attributes {dimension_semantics = [#tpu.dimension_semantics<arbitrary>], iteration_bounds = array<i64: 5>, scalar_prefetch = 0 : i64, scratch_operands = 0 : i64, tpu.core_type = #tpu.core_type<tc>, window_params = [{transform_indices = @transform_0, window_bounds = array<i64: 2000, 128>}, {transform_indices = @transform_1, window_bounds = array<i64: 2000, 128>}, {transform_indices = @transform_2, window_bounds = array<i64: 2000, 1>}, {transform_indices = @transform_3, window_bounds = array<i64: 2000, 128>}, {transform_indices = @transform_4, window_bounds = array<i64: 2000, 1>}, {transform_indices = @transform_5, window_bounds = array<i64: 2000, 128>}]} {
    %get3A = arith.constant 0 : index
    %get3A_0 = arith.constant 0 : index
    %get3A_1 = vector.load %arg3[%get3A, %get3A_0] : memref<2000x1xf32, #tpu.memory_space<vmem>>, vector<2000x1xf32>
    %max3A = arith.constant 1.000000e+00 : f32
    %max3A_2 = vector.broadcast %max3A : f32 to vector<2000x1xf32>
    %max3A_3 = arith.maximumf %get3A_1, %max3A_2 : vector<2000x1xf32>
    %get3A_4 = arith.constant 0 : index
    %get3A_5 = arith.constant 0 : index
    %get3A_6 = vector.load %arg5[%get3A_4, %get3A_5] : memref<2000x1xf32, #tpu.memory_space<vmem>>, vector<2000x1xf32>
    %max3A_7 = arith.constant 1.000000e+00 : f32
    %max3A_8 = vector.broadcast %max3A_7 : f32 to vector<2000x1xf32>
    %max3A_9 = arith.maximumf %get3A_6, %max3A_8 : vector<2000x1xf32>
    %get3A_10 = arith.constant 0 : index
    %get3A_11 = arith.constant 0 : index
    %get3A_12 = vector.load %arg1[%get3A_10, %get3A_11] : memref<2000x128xf32, #tpu.memory_space<vmem>>, vector<2000x128xf32>
    %get3A_13 = arith.constant 0 : index
    %get3A_14 = arith.constant 0 : index
    %get3A_15 = vector.load %arg2[%get3A_13, %get3A_14] : memref<2000x128xf32, #tpu.memory_space<vmem>>, vector<2000x128xf32>
    %div3A = vector.broadcast %max3A_3 : vector<2000x1xf32> to vector<2000x128xf32>
    %div3A_16 = arith.divf %get3A_15, %div3A : vector<2000x128xf32>
    %add3A = arith.addf %get3A_12, %div3A_16 : vector<2000x128xf32>
    %get3A_17 = arith.constant 0 : index
    %get3A_18 = arith.constant 0 : index
    %get3A_19 = vector.load %arg4[%get3A_17, %get3A_18] : memref<2000x128xf32, #tpu.memory_space<vmem>>, vector<2000x128xf32>
    %div3A_20 = vector.broadcast %max3A_9 : vector<2000x1xf32> to vector<2000x128xf32>
    %div3A_21 = arith.divf %get3A_19, %div3A_20 : vector<2000x128xf32>
    %add3A_22 = arith.addf %add3A, %div3A_21 : vector<2000x128xf32>
    %max3A_23 = arith.constant 0.000000e+00 : f32
    %max3A_24 = vector.broadcast %max3A_23 : f32 to vector<2000x128xf32>
    %max3A_25 = arith.maximumf %add3A_22, %max3A_24 : vector<2000x128xf32>
    %swap3A = arith.constant 0 : index
    %swap3A_26 = arith.constant 0 : index
    %swap3A_27 = vector.load %arg6[%swap3A, %swap3A_26] : memref<2000x128xf32, #tpu.memory_space<vmem>>, vector<2000x128xf32>
    tpu.vector_store %arg6[%swap3A, %swap3A_26], %max3A_25 {strides = array<i32>} : memref<2000x128xf32, #tpu.memory_space<vmem>>, vector<2000x128xf32>,
    return
  }
  func.func @transform_0(%arg0: i32) -> (i32, i32) {
    %c0_i32 = arith.constant 0 : i32
    %c0_i32_0 = arith.constant 0 : i32
    return %arg0, %c0_i32 : i32, i32
  }
  func.func @transform_1(%arg0: i32) -> (i32, i32) {
    %c0_i32 = arith.constant 0 : i32
    %c0_i32_0 = arith.constant 0 : i32
    return %arg0, %c0_i32 : i32, i32
  }
  func.func @transform_2(%arg0: i32) -> (i32, i32) {
    %c0_i32 = arith.constant 0 : i32
    %c0_i32_0 = arith.constant 0 : i32
    return %arg0, %c0_i32 : i32, i32
  }
  func.func @transform_3(%arg0: i32) -> (i32, i32) {
    %c0_i32 = arith.constant 0 : i32
    %c0_i32_0 = arith.constant 0 : i32
    return %arg0, %c0_i32 : i32, i32
  }
  func.func @transform_4(%arg0: i32) -> (i32, i32) {
    %c0_i32 = arith.constant 0 : i32
    %c0_i32_0 = arith.constant 0 : i32
    return %arg0, %c0_i32 : i32, i32
  }
  func.func @transform_5(%arg0: i32) -> (i32, i32) {
    %c0_i32 = arith.constant 0 : i32
    %c0_i32_0 = arith.constant 0 : i32
    return %arg0, %c0_i32 : i32, i32
  }
}

</mosaic_0001>

<sc_bundles>
// kernel: kernel.5.cloned.1.call-start
scs
__scs_entry_jumppad:
0x0: {  	(pc) =	sbr.rel $0x88, $3  }
0x1: {  	(tag) =	ssettag $0x0;
	lr =	simm.s32 $0x1  }
0x2: {  	[smem:$0x3F9B] =	sst lr;
	_ =	strace $0xD0000000  }
0x3: {  	_ = 	snop  }
0x4: {  	_ = 	snop  }
0x5: {  	_ = 	snop  }
0x6: {  	_ = 	snop  }
0x7: {  	_ = 	snop  }
__scs_overlays_trampoline_lowered:
0x8: {  	[smem:$0x3FAA] =	sst s0  }
0x9: {  	[smem:$0x3FAB] =	sst s1  }
0xa: {  	[smem:$0x3FAC] =	sst s2  }
0xb: {  	[smem:$0x3FAD] =	sst s3  }
0xc: {  	[smem:$0x3FAE] =	sst s4  }
0xd: {  	[smem:$0x3FAF] =	sst s5  }
0xe: {  	[smem:$0x3FB0] =	sst s6  }
0xf: {  	[smem:$0x3FB1] =	sst s7  }
0x10: {  	[smem:$0x3FB2] =	sst s8  }
0x11: {  	[smem:$0x3FB3] =	sst s9;
	s0 =	simm.s32 @!p0 $0x0  }
0x12: {  	s1 =	sld [smem:$0x3F99];
	s0 =	simm.s32 @p0 $0x1  }
0x13: {  	[smem:$0x3FB4] =	sst s0;
	s0 =	simm.s32 @!p1 $0x0  }
0x14: {  	s2 =	sld [smem:$0x3F98];
	s0 =	simm.s32 @p1 $0x1  }
0x15: {  	[smem:$0x3FB5] =	sst s0;
	s0 =	simm.s32 @!p2 $0x0  }
0x16: {  	s3 =	sld [smem:$0x3FDB];
	s0 =	simm.s32 @p2 $0x1  }
0x17: {  	s4 =	simm.s32 $0x1BF5;
	[smem:$0x3FB7] =	sst s0  }
0x18: {  	s0 =	sld [smem:$0x3F9A];
	_ =	swait.ge [sflag:s4], $0x0  }
0x19: {  	s7 =	sld [smem:$0x3F9B]  }
0x1a: {  	s8 =	sadd.s32 $0xFFFFE003, lr  }
0x1b: {  	s9 =	sadd.s32 $0xFFFFFEF7, lr;
	s5 =	simm.s32 $0xFFFFFFFF;
	p2 =	slt.u32 s8, $0xFFFFF086  }
0x1c: {  	p1 =	slt.u32 s9, $0xF7A;
	s5 =	simm.s32 @!p2 $0x0  }
0x1d: {  	s5 =	simm.s32 @p1 $0x1;
	p0 =	seq.s32 s7, s2  }
0x1e: {  	s7 =	smul.u32 @!p0 $0xF7A, s2;
	p2 =	seq.s32 @!p0 s5, $0x0  }
0x1f: {  	s9 =	smul.u32 $0xF7A, s1;
	s8 =	simm.s32 @!p0 $0x1BF5;
	p2 =	por !p2, p0  }
0x20: {  	[sflag:s8] =	ssyncset.s32 @!p0 $0xFFFFF086;
	s6 =	sadd.s32 @!p0 s3, s7;
	s7 =	simm.s32 @!p0 $0x108  }
0x21: {  	s3 =	sadd.s32 s3, s9;
	s6 =	sadd.s32 @!p0 $0x88, s6;
	s7 =	simm.s32 @p2 $0x1082  }
0x22: {  	[simem:s7], [sflag:s8] =	dma.local @!p0 [hbm:s6], $0xF7A  }
0x23: {  	s9 =	sor.u32 $0xD0000000, s2;
	s6 =	simm.s32 $0x108;
	_ =	swait.ge @!p0 [sflag:s8], $0x0  }
0x24: {  	s3 =	sadd.s32 $0x88, s3;
	s6 =	simm.s32 @!p1 $0x1082;
	[sflag:s4] =	ssyncset.s32 $0xFFFFF086  }
0x25: {  	[simem:s6], [sflag:s4] =	dma.local [hbm:s3], $0xF7A  }
0x26: {  	[smem:$0x3F9B] =	sst s1;
	(tag) =	ssettag s2;
	_ =	strace s9  }
0x27: {  	s1 =	sld [smem:$0x3FAB]  }
0x28: {  	s2 =	sld [smem:$0x3FAC]  }
0x29: {  	s4 =	sld [smem:$0x3FAE]  }
0x2a: {  	p0 =	seq.s32 s5, $0x0;
	s5 =	sld [smem:$0x3FAF]  }
0x2b: {  	s6 =	sld [smem:$0x3FB0]  }
0x2c: {  	s7 =	sld [smem:$0x3FB1]  }
0x2d: {  	s3 =	simm.s32 $0x108;
	s8 =	sld [smem:$0x3FB2]  }
0x2e: {  	s3 =	simm.s32 @!p0 $0x1082;
	s9 =	sld [smem:$0x3FB3]  }
0x2f: {  	lr =	sadd.s32 s0, s3;
	s0 =	sld [smem:$0x3FAA]  }
0x30: {  	s3 =	sld [smem:$0x3FAD]  }
0x31: {  	[smem:$0x3FB6] =	sst s10  }
0x32: {  	s10 =	sld [smem:$0x3FB4];
	_ =	sdelay $0x3  }
0x33: {  	p0 =	seq.s32 s10, $0x1;
	s10 =	sld [smem:$0x3FB6];
	_ =	sdelay $0x3  }
0x34: {  	[smem:$0x3FB6] =	sst s10  }
0x35: {  	s10 =	sld [smem:$0x3FB5];
	_ =	sdelay $0x3  }
0x36: {  	p1 =	seq.s32 s10, $0x1;
	s10 =	sld [smem:$0x3FB6];
	_ =	sdelay $0x3  }
0x37: {  	[smem:$0x3FB6] =	sst s10  }
0x38: {  	s10 =	sld [smem:$0x3FB7]  }
0x39: {  	_ = 	snop;
	(pc) =	sbr.ind lr, $3  }
0x3a: {  	_ = 	snop  }
0x3b: {  	_ = 	snop  }
0x3c: {  	p2 =	seq.s32 s10, $0x1;
	s10 =	sld [smem:$0x3FB6]  }
0x3d: {  	_ =	shalt  }
0x3e: {  	_ =	shalt  }
0x3f: {  	_ =	shalt  }
0x40: {  	_ =	shalt  }
0x41: {  	_ =	shalt  }
0x42: {  	_ =	shalt  }
0x43: {  	_ =	shalt  }
0x44: {  	_ =	shalt  }
0x45: {  	_ =	shalt  }
0x46: {  	_ =	shalt  }
0x47: {  	_ =	shalt  }
0x48: {  	_ =	shalt  }
0x49: {  	_ =	shalt  }
0x4a: {  	_ =	shalt  }
0x4b: {  	_ =	shalt  }
0x4c: {  	_ =	shalt  }
0x4d: {  	_ =	shalt  }
0x4e: {  	_ =	shalt  }
0x4f: {  	_ =	shalt  }
0x50: {  	_ =	shalt  }
0x51: {  	_ =	shalt  }
0x52: {  	_ =	shalt  }
0x53: {  	_ =	shalt  }
0x54: {  	_ =	shalt  }
0x55: {  	_ =	shalt  }
0x56: {  	_ =	shalt  }
0x57: {  	_ =	shalt  }
0x58: {  	_ =	shalt  }
0x59: {  	_ =	shalt  }
0x5a: {  	_ =	shalt  }
0x5b: {  	_ =	shalt  }
0x5c: {  	_ =	shalt  }
0x5d: {  	_ =	shalt  }
0x5e: {  	_ =	shalt  }
0x5f: {  	_ =	shalt  }
0x60: {  	_ =	shalt  }
0x61: {  	_ =	shalt  }
0x62: {  	_ =	shalt  }
0x63: {  	_ =	shalt  }
0x64: {  	_ =	shalt  }
0x65: {  	_ =	shalt  }
0x66: {  	_ =	shalt  }
0x67: {  	_ =	shalt  }
0x68: {  	_ =	shalt  }
0x69: {  	_ =	shalt  }
0x6a: {  	_ =	shalt  }
0x6b: {  	_ =	shalt  }
0x6c: {  	_ =	shalt  }
0x6d: {  	_ =	shalt  }
0x6e: {  	_ =	shalt  }
0x6f: {  	_ =	shalt  }
0x70: {  	_ =	shalt  }
0x71: {  	_ =	shalt  }
0x72: {  	_ =	shalt  }
0x73: {  	_ =	shalt  }
0x74: {  	_ =	shalt  }
0x75: {  	_ =	shalt  }
0x76: {  	_ =	shalt  }
0x77: {  	_ =	shalt  }
0x78: {  	_ =	shalt  }
0x79: {  	_ =	shalt  }
0x7a: {  	_ =	shalt  }
0x7b: {  	_ =	shalt  }
0x7c: {  	_ =	shalt  }
0x7d: {  	_ =	shalt  }
0x7e: {  	_ =	shalt  }
0x7f: {  	_ =	shalt  }
0x80: {  	_ =	shalt  }
0x81: {  	_ =	shalt  }
0x82: {  	_ =	shalt  }
0x83: {  	_ =	shalt  }
0x84: {  	_ =	shalt  }
0x85: {  	_ =	shalt  }
0x86: {  	_ =	shalt  }
0x87: {  	_ =	shalt  }
.Lfunc_end0:
.L_simem_size_0:
called_computation_lowered:
.L_overlay_start_0:
0x88: {  	s2 =	sld [smem:$0x3FD9]  }
0x89: {  	s3 =	sld [smem:$0x3FFE];
	_ =	sdelay $0x1  }
0x8a: {  	s1 =	srdreg.scid  }
0x8b: {  	s0 =	sand.u32 $0x1, s1  }
0x8c: {  	s17 =	sshll.u32 s0, $0xA;
	s2 =	sadd.s32 s3, s2  }
0x8d: {  	s2 =	sadd.s32 s2, s17  }
0x8e: {  	[smem:$0x3FC2] =	sst s2  }
0x8f: {  	_ = 	snop  }
0x90: {  	s2 =	sld [smem:$0x3FD0];
	(tm) =	ssettm $0x1  }
0x91: {  	s18 =	sld [smem:$0x3FFB];
	_ =	sdelay $0x3  }
0x92: {  	_ =	strace s18  }
0x93: {  	s3 =	sld [smem:$0x3FFC];
	_ =	sdelay $0x3  }
0x94: {  	_ =	strace s3  }
0x95: {  	s3 =	sld [smem:$0x3FFD];
	_ =	sdelay $0x3  }
0x96: {  	_ =	strace s3  }
0x97: {  	_ =	strace $0x8FFFFFFF  }
0x98: {  	s19 =	sld [smem:$0x3FDB];
	_ =	sdelay $0x1  }
0x99: {  	s4 =	simm.s32 $_scs_section_size  }
0x9a: {  	s5 =	simm.s32 $_size__tile_overlayer_lowered;
	s6 =	simm.s32 $_tile_overlayer_lowered  }
0x9b: {  	s22 =	simm.s32 $0x1BFF;
	s21 =	sshll.u32 s6, $0x1;
	s3 =	sadd.s32 s4, s19  }
0x9c: {  	s7 =	simm.s32 $0x0;
	s20 =	sshll.u32 s5, $0x1;
	s5 =	sadd.s32 s21, s3  }
0x9d: {  	[timem:s7], [sflag:s22] =	dma.local [hbm:s5], s20  }
0x9e: {  	_ =	swait.ge [sflag:s22], s20  }
0x9f: {  	s4 =	ssub.s32 $0x0, s20;
	[sflag:s22] =	ssyncset.done $0x0  }
0xa0: {  	[sflag:s22] =	ssyncadd.s32 s4;
	_ =	sdelay $0x1  }
0xa1: {  	s23 =	simm.s32 $0x1B8B  }
0xa2: {  	_ =	swait.ge [sflag:s23], $0x1  }
0xa3: {  	[sflag:s23] =	ssyncset.done $0x0  }
0xa4: {  	s25 =	simm.s32 $0x1B8E;
	s24 =	sld [smem:$0x3FFE];
	[sflag:s23] =	ssyncadd.s32 $0xFFFFFFFF  }
0xa5: {  	s26 =	simm.s32 $execute0_lowered;
	[smem:$0x3FD2] =	sst s25  }
0xa6: {  	s5 =	sshll.u32 s26, $0x1;
	_ =	strace $0x80000046;
	[dreg:$0x1] =	wrdreg $0xFFFFFFFF  }
0xa7: {  	s28 =	simm.s32 $_size_execute0_lowered;
	s3 =	sadd.s32 s3, s5;
	[dreg:$0x0] =	wrdreg $0x0  }
0xa8: {  	s5 =	sshll.u32 s28, $0x1;
	[dreg:$0x2] =	wrdreg s3  }
0xa9: {  	[dreg:$0x3] =	wrdreg s5  }
0xaa: {  	[dreg:$0x4] =	wrdreg $0xC0  }
0xab: {  	_ =	task [dreg:s7], $0x5FFFF  }
0xac: {  	[dreg:$0x1] =	wrdreg $0xFFFFFFFF  }
0xad: {  	[dreg:$0x0] =	wrdreg $0x60  }
0xae: {  	[dreg:$0x2] =	wrdreg s2  }
0xaf: {  	[dreg:$0x3] =	wrdreg s24  }
0xb0: {  	[dreg:$0x4] =	wrdreg $0xA0800  }
0xb1: {  	[dreg:$0x5] =	wrdreg $0x1E0800  }
0xb2: {  	[dreg:$0x6] =	wrdreg $0x9  }
0xb3: {  	_ =	task.clear_ibuf [dreg:s7], $0x7FFFF;
	_ =	strace $0x90000046  }
0xb4: {  	s29 =	simm.s32 $0x9;
	_ =	strace $0x80000048  }
0xb5: {  	_ =	swait.ge [sflag:s29], $0x1  }
0xb6: {  	[sflag:s29] =	ssyncadd.s32 $0xFFFFFFFF  }
0xb7: {  	_ =	strace $0x90000048  }
0xb8: {  	_ =	sfence  }
0xb9: {  	s30 =	sld [smem:$0x0];
	_ =	sdelay $0x2  }
0xba: {  	s31 =	sshll.u32 s1, $0xD;
	s1 =	sshrl.u32 s1, $0x2  }
0xbb: {  	s3 =	sand.u32 $0x4000, s31;
	s1 =	sadd.s32 s1, s30  }
0xbc: {  	s0 =	sor.u32 s3, s0;
	s1 =	sshll.u32 s1, $0x11  }
0xbd: {  	s0 =	sor.u32 s1, s0  }
0xbe: {  	s0 =	sadd.s32 $0x8F2B, s0  }
0xbf: {  	[sflag:s0] =	ssyncadd.remote.s32 $0x1  }
0xc0: {  	_ =	sfence.sel $0xFFFF  }
0xc1: {  	[dreg:$0x0] =	wrdreg $0xFFFFFFFF;
	(pc) =	sbr.abs _section_cstart, $3  }
0xc2: {  	[dreg:$0x1] =	wrdreg $0xFFFFFFFF  }
0xc3: {  	_ =	task.clear_ibuf [dreg:s7], $0x2FFFF;
	_ =	strace $0x9FFFFFFF  }
0xc4: {  	(tm) =	ssettm $0x7FFFFFFF  }
0xc5: {  	_ =	shalt  }
tec
execute0_lowered:
.L_overlay_start_1:
0x0: {  	(tag) =	ssettag $0x1  }
0x1: {  	s2 =	rddreg [dreg:$0x0]  }
0x2: {  	s0 =	rddreg [dreg:$0x1]  }
0x3: {  	s3 =	rddreg [dreg:$0x2]  }
0x4: {  	s4 =	rddreg [dreg:$0x3];
	s15 =	stileid.u32;
	s5 =	simm.s32 $0x0  }
0x5: {  	s17 =	srdreg.scid;
	s28 =	simm.s32 $0x7;
	s31 =	simm.s32 $0x4  }
0x6: {  	s1 =	smul.u32 $0xA00, s15;
	[smem:$0x7FF] =	sst s5;
	s8 =	sadd.s32 $0x51200, s0  }
0x7: {  	s9 =	sadd.s32 $0x52600, s0;
	_ =	strace $0x80000047;
	[dreg:$0x8] =	wrdreg s8  }
0x8: {  	s5 =	smul.u32 $0x280, s15;
	s18 =	sadd.s32 $0x51A00, s0;
	[dreg:$0x9] =	wrdreg s9  }
0x9: {  	s6 =	sadd.s32 $0x29A00, s0;
	s19 =	sadd.s32 $0x7A600, s0;
	[dreg:$0xa] =	wrdreg s18  }
0xa: {  	s10 =	smul.u32 $0x50000, s15;
	s8 =	sand.u32 $0x1, s17;
	[dreg:$0xb] =	wrdreg s19  }
0xb: {  	s1 =	sadd.s32 s1, s0;
	s7 =	sshrl.u32 s5, $0x3;
	s20 =	ssub.s32 $0x2, s8  }
0xc: {  	s11 =	sadd.s32 $0x80, s5;
	s22 =	sshrl.u32 s10, $0x2;
	p0 =	seq.s32 s8, $0x1  }
0xd: {  	s24 =	sadd.s32 $0x100, s5;
	s25 =	sadd.s32 $0x180, s5;
	s26 =	sadd.s32 $0x200, s5  }
0xe: {  	s5 =	sadd.s32 s5, s4;
	s10 =	simm.s32 $0x80;
	[dreg:$0x7] =	wrdreg s7  }
0xf: {  	s7 =	sadd.s32 s7, s0;
	s0 =	sadd.s32 $0x52000, s0;
	[dreg:$0x12] =	wrdreg s5  }
0x10: {  	s8 =	simm.s32 $0x1000;
	s19 =	sshll.u32 s11, $0x4;
	[dreg:$0xc] =	wrdreg s0  }
0x11: {  	s17 =	sadd.s32 s22, s3;
	s22 =	sshll.u32 s26, $0x4;
	[dreg:$0x14] =	wrdreg s19  }
0x12: {  	s21 =	sshrl.u32 s20, $0x1;
	s13 =	sshll.u32 s25, $0x7;
	[dreg:$0x17] =	wrdreg s22  }
0x13: {  	s14 =	sshll.u32 s26, $0x7;
	s13 =	sadd.s32 s13, s3;
	[dreg:$0xd] =	wrdreg s17  }
0x14: {  	s23 =	sshll.u32 s11, $0x7;
	s16 =	sadd.s32 s14, s3;
	[dreg:$0x10] =	wrdreg s13  }
0x15: {  	s12 =	sshll.u32 s24, $0x7;
	s18 =	sadd.s32 $0x50C00, s7;
	[dreg:$0x11] =	wrdreg s16  }
0x16: {  	s0 =	ssub.s32 s20, s21;
	s20 =	sshll.u32 s24, $0x4;
	[dreg:$0x13] =	wrdreg s18  }
0x17: {  	s26 =	smul.u32 $0x2800, s15;
	s21 =	sshll.u32 s25, $0x4;
	[dreg:$0x15] =	wrdreg s20  }
0x18: {  	s29 =	sadd.s32 s23, s3;
	s23 =	sadd.s32 $0xBA00, s1;
	[dreg:$0x16] =	wrdreg s21  }
0x19: {  	s11 =	simm.s32 $0x2000;
	s24 =	sadd.s32 $0x15A00, s1;
	[dreg:$0x18] =	wrdreg s23  }
0x1a: {  	s5 =	simm.s32 $0x0;
	s25 =	sadd.s32 $0x1FA00, s1;
	[dreg:$0x5] =	wrdreg s24  }
0x1b: {  	s30 =	sadd.s32 s12, s3;
	s14 =	sadd.s32 $0x1A00, s1;
	[dreg:$0x6] =	wrdreg s25  }
.Ltmp0:
0x1c: {  	s12 =	simm.s32 $0x1;
	[dreg:$0x1b] =	wrdreg s26;
	(pc) =	sbr.rel .LBB2_1-.Ltmp0, $4  }
0x1d: {  	s1 =	simm.s32 $0xA000;
	s19 =	simm.s32 $0x6000;
	[dreg:$0xe] =	wrdreg s29  }
0x1e: {  	s22 =	simm.s32 $0x5;
	s7 =	simm.s32 $0x1800;
	[dreg:$0xf] =	wrdreg s30  }
0x1f: {  	s0 =	smax.u32 s0, $0x1;
	s16 =	simm.s32 $0x8;
	[dreg:$0x19] =	wrdreg s14  }
0x20: {  	v0 =	vimm.f32 $1.000000000e+00;
	s20 =	simm.s32 $0x2;
	s13 =	simm.s32 $0x6;
	[dreg:$0x1a] =	wrdreg s0  }
.LBB2_7:
0x21: {  	p1 =	seq.s32 s26, $0x0;
	[sflag:s28] =	ssyncset.done $0x0  }
0x22: {  	s9 =	simm.s32 @!p1 $0x3;
	[sflag:s28] =	ssyncadd.s32 $0xFFFFFF80  }
0x23: {  	_ =	swait.ge @!p1 [sflag:s9], $0x800  }
0x24: {  	[sflag:s9] =	ssyncset.done @!p1 $0x0  }
0x25: {  	[sflag:s9] =	ssyncadd.s32 @!p1 $0xFFFFF800  }
0x26: {  	_ =	swait.ge @!p1 [sflag:s9], $0x800  }
0x27: {  	[sflag:s9] =	ssyncset.done @!p1 $0x0  }
0x28: {  	[sflag:s9] =	ssyncadd.s32 @!p1 $0xFFFFF800  }
0x29: {  	_ =	swait.ge [sflag:s12], $0x4000  }
0x2a: {  	[sflag:s12] =	ssyncset.done $0x0  }
0x2b: {  	s15 =	simm.s32 $0x800;
	[sflag:s12] =	ssyncadd.s32 $0xFFFFC000  }
0x2c: {  	[spmem:s3] =	stream.indirect.scatter.add.f32 [tilespmem:s11], [sflag:$0x5], $0x80, s15, s10, $0xb8;
	[tilespmem:$0x1E300] =	vst v63  }
0x2d: {  	s9 =	simm.s32 @!p1 $0x6  }
0x2e: {  	[spmem:s4] =	stream.indirect.scatter.add.f32 [tilespmem:s1], [sflag:$0x7], $0x1, s15, s10, $0xb8;
	[tilespmem:$0x1E300] =	vst v63  }
0x2f: {  	_ =	swait.ge @!p1 [sflag:s9], $0x4000  }
0x30: {  	[sflag:s9] =	ssyncset.done @!p1 $0x0  }
0x31: {  	[sflag:s9] =	ssyncadd.s32 @!p1 $0xFFFFC000  }
0x32: {  	[tilespmem:s19], [sflag:$0x2] =	stream.indirect.gather [hbm4b:s6+s10], $0x80, s10, s10, $0xb8;
	[tilespmem:$0x1E300] =	vst v63  }
0x33: {  	_ =	swait.ge [sflag:s20], $0x4000  }
0x34: {  	[sflag:s20] =	ssyncset.done $0x0  }
0x35: {  	[sflag:s20] =	ssyncadd.s32 $0xFFFFC000  }
0x36: {  	[spmem:s3] =	stream.indirect.scatter.add.f32 [tilespmem:s19], [sflag:$0x6], $0x80, s23, s10, $0xb8;
	[tilespmem:$0x1E300] =	vst v63  }
0x37: {  	_ = 	snop  }
0x38: {  	[spmem:s4] =	stream.indirect.scatter.add.f32 [tilespmem:s1], [sflag:$0x7], $0x1, s23, s10, $0xb8;
	[tilespmem:$0x1E300] =	vst v63  }
0x39: {  	_ =	swait.ge [sflag:s22], $0x4000  }
0x3a: {  	[sflag:s22] =	ssyncset.done $0x0  }
0x3b: {  	s15 =	simm.s32 $0x100;
	[sflag:s22] =	ssyncadd.s32 $0xFFFFC000  }
0x3c: {  	[tilespmem:s11], [sflag:$0x1] =	stream.indirect.gather [hbm4b:s6+s10], $0x80, s15, s10, $0xb8;
	[tilespmem:$0x1E300] =	vst v63  }
0x3d: {  	_ =	swait.ge [sflag:s12], $0x4000  }
0x3e: {  	[sflag:s12] =	ssyncset.done $0x0  }
0x3f: {  	s0 =	simm.s32 $0x900;
	s21 =	sadd.s32 s26, s30;
	[sflag:s12] =	ssyncadd.s32 $0xFFFFC000  }
0x40: {  	[spmem:s3] =	stream.indirect.scatter.add.f32 [tilespmem:s11], [sflag:$0x5], $0x80, s0, s10, $0xb8;
	[tilespmem:$0x1E300] =	vst v63  }
0x41: {  	s9 =	sadd.s32 $0x100, s21  }
0x42: {  	[spmem:s4] =	stream.indirect.scatter.add.f32 [tilespmem:s1], [sflag:$0x7], $0x1, s0, s10, $0xb8;
	[tilespmem:$0x1E300] =	vst v63  }
0x43: {  	s21 =	simm.s32 $0x1000;
	s23 =	sadd.s32 s26, s14;
	s0 =	simm.s32 $0x0  }
0x44: {  	[tilespmem:s21], [sflag:$0x4] =	stream.linear.gather [hbm4b:s9+s0], $0x800, $0x38;
	[tilespmem:$0x1E300] =	vst v63  }
0x45: {  	s23 =	sadd.s32 $0x100, s23  }
0x46: {  	[tilespmem:s7], [sflag:$0x4] =	stream.linear.gather [hbm4b:s23+s0], $0x800, $0x38;
	[tilespmem:$0x1E300] =	vst v63  }
0x47: {  	_ =	swait.ge [sflag:s13], $0x4000  }
0x48: {  	[sflag:s13] =	ssyncset.done $0x0  }
0x49: {  	s15 =	simm.s32 $0x180;
	[sflag:s13] =	ssyncadd.s32 $0xFFFFC000  }
0x4a: {  	[tilespmem:s19], [sflag:$0x2] =	stream.indirect.gather [hbm4b:s6+s10], $0x80, s15, s10, $0xb8;
	[tilespmem:$0x1E300] =	vst v63  }
0x4b: {  	_ =	swait.ge [sflag:s20], $0x4000  }
0x4c: {  	[sflag:s20] =	ssyncset.done $0x0  }
0x4d: {  	[sflag:s20] =	ssyncadd.s32 $0xFFFFC000  }
0x4e: {  	[spmem:s3] =	stream.indirect.scatter.add.f32 [tilespmem:s19], [sflag:$0x6], $0x80, s5, s10, $0xb8;
	[tilespmem:$0x1E300] =	vst v63  }
0x4f: {  	_ = 	snop  }
0x50: {  	[spmem:s4] =	stream.indirect.scatter.add.f32 [tilespmem:s1], [sflag:$0x7], $0x1, s5, s10, $0xb8;
	[tilespmem:$0x1E300] =	vst v63  }
0x51: {  	_ =	swait.ge [sflag:s22], $0x4000  }
0x52: {  	[sflag:s22] =	ssyncset.done $0x0  }
0x53: {  	s23 =	simm.s32 $0x200;
	[sflag:s22] =	ssyncadd.s32 $0xFFFFC000  }
0x54: {  	[tilespmem:s11], [sflag:$0x1] =	stream.indirect.gather [hbm4b:s6+s10], $0x80, s23, s10, $0xb8;
	[tilespmem:$0x1E300] =	vst v63  }
0x55: {  	_ =	swait.ge [sflag:s12], $0x4000  }
0x56: {  	[sflag:s12] =	ssyncset.done $0x0  }
0x57: {  	[sflag:s12] =	ssyncadd.s32 $0xFFFFC000  }
0x58: {  	[spmem:s3] =	stream.indirect.scatter.add.f32 [tilespmem:s11], [sflag:$0x5], $0x80, s24, s10, $0xb8;
	[tilespmem:$0x1E300] =	vst v63  }
0x59: {  	_ = 	snop  }
0x5a: {  	[spmem:s4] =	stream.indirect.scatter.add.f32 [tilespmem:s1], [sflag:$0x7], $0x1, s24, s10, $0xb8;
	[tilespmem:$0x1E300] =	vst v63  }
0x5b: {  	_ =	swait.ge [sflag:s13], $0x4000  }
0x5c: {  	[sflag:s13] =	ssyncset.done $0x0  }
0x5d: {  	s24 =	simm.s32 $0x280;
	[sflag:s13] =	ssyncadd.s32 $0xFFFFC000  }
0x5e: {  	[tilespmem:s19], [sflag:$0x2] =	stream.indirect.gather [hbm4b:s6+s10], $0x80, s24, s10, $0xb8;
	[tilespmem:$0x1E300] =	vst v63  }
0x5f: {  	_ =	swait.ge [sflag:s20], $0x4000  }
0x60: {  	[sflag:s20] =	ssyncset.done $0x0  }
0x61: {  	[sflag:s20] =	ssyncadd.s32 $0xFFFFC000  }
0x62: {  	[spmem:s3] =	stream.indirect.scatter.add.f32 [tilespmem:s19], [sflag:$0x6], $0x80, s25, s10, $0xb8;
	[tilespmem:$0x1E300] =	vst v63  }
0x63: {  	_ = 	snop  }
0x64: {  	[spmem:s4] =	stream.indirect.scatter.add.f32 [tilespmem:s1], [sflag:$0x7], $0x1, s25, s10, $0xb8;
	[tilespmem:$0x1E300] =	vst v63  }
0x65: {  	_ =	swait.ge [sflag:s22], $0x4000  }
0x66: {  	[sflag:s22] =	ssyncset.done $0x0  }
0x67: {  	s0 =	simm.s32 $0x300;
	[sflag:s22] =	ssyncadd.s32 $0xFFFFC000  }
0x68: {  	[tilespmem:s11], [sflag:$0x1] =	stream.indirect.gather [hbm4b:s6+s10], $0x80, s0, s10, $0xb8;
	[tilespmem:$0x1E300] =	vst v63  }
0x69: {  	_ =	swait.ge [sflag:s12], $0x4000  }
0x6a: {  	[sflag:s12] =	ssyncset.done $0x0  }
0x6b: {  	[sflag:s12] =	ssyncadd.s32 $0xFFFFC000  }
0x6c: {  	[spmem:s3] =	stream.indirect.scatter.add.f32 [tilespmem:s11], [sflag:$0x5], $0x80, s16, s10, $0xb8;
	[tilespmem:$0x1E300] =	vst v63  }
0x6d: {  	_ = 	snop  }
0x6e: {  	[spmem:s4] =	stream.indirect.scatter.add.f32 [tilespmem:s1], [sflag:$0x7], $0x1, s16, s10, $0xb8;
	[tilespmem:$0x1E300] =	vst v63  }
0x6f: {  	_ =	swait.ge [sflag:s13], $0x4000  }
0x70: {  	[sflag:s13] =	ssyncset.done $0x0  }
0x71: {  	s5 =	simm.s32 $0x380;
	[sflag:s13] =	ssyncadd.s32 $0xFFFFC000  }
0x72: {  	[tilespmem:s19], [sflag:$0x2] =	stream.indirect.gather [hbm4b:s6+s10], $0x80, s5, s10, $0xb8;
	[tilespmem:$0x1E300] =	vst v63  }
0x73: {  	_ =	swait.ge [sflag:s20], $0x4000  }
0x74: {  	[sflag:s20] =	ssyncset.done $0x0  }
0x75: {  	[sflag:s20] =	ssyncadd.s32 $0xFFFFC000  }
0x76: {  	[spmem:s3] =	stream.indirect.scatter.add.f32 [tilespmem:s19], [sflag:$0x6], $0x80, s18, s10, $0xb8;
	[tilespmem:$0x1E300] =	vst v63  }
0x77: {  	_ = 	snop  }
0x78: {  	[spmem:s4] =	stream.indirect.scatter.add.f32 [tilespmem:s1], [sflag:$0x7], $0x1, s18, s10, $0xb8;
	[tilespmem:$0x1E300] =	vst v63  }
0x79: {  	_ =	swait.ge [sflag:s22], $0x4000  }
0x7a: {  	[sflag:s22] =	ssyncset.done $0x0  }
0x7b: {  	s9 =	simm.s32 $0x400;
	[sflag:s22] =	ssyncadd.s32 $0xFFFFC000  }
0x7c: {  	[tilespmem:s11], [sflag:$0x1] =	stream.indirect.gather [hbm4b:s6+s10], $0x80, s9, s10, $0xb8;
	[tilespmem:$0x1E300] =	vst v63  }
0x7d: {  	_ =	swait.ge [sflag:s12], $0x4000  }
0x7e: {  	[sflag:s12] =	ssyncset.done $0x0  }
0x7f: {  	s15 =	simm.s32 $0xC00;
	[sflag:s12] =	ssyncadd.s32 $0xFFFFC000  }
0x80: {  	[spmem:s3] =	stream.indirect.scatter.add.f32 [tilespmem:s11], [sflag:$0x5], $0x80, s15, s10, $0xb8;
	[tilespmem:$0x1E300] =	vst v63  }
0x81: {  	_ = 	snop  }
0x82: {  	[spmem:s4] =	stream.indirect.scatter.add.f32 [tilespmem:s1], [sflag:$0x7], $0x1, s15, s10, $0xb8;
	[tilespmem:$0x1E300] =	vst v63  }
0x83: {  	_ =	swait.ge [sflag:s13], $0x4000  }
0x84: {  	[sflag:s13] =	ssyncset.done $0x0  }
0x85: {  	s16 =	simm.s32 $0x480;
	[sflag:s13] =	ssyncadd.s32 $0xFFFFC000  }
0x86: {  	[tilespmem:s19], [sflag:$0x2] =	stream.indirect.gather [hbm4b:s6+s10], $0x80, s16, s10, $0xb8;
	[tilespmem:$0x1E300] =	vst v63  }
0x87: {  	_ =	swait.ge [sflag:s20], $0x4000  }
0x88: {  	[sflag:s20] =	ssyncset.done $0x0  }
0x89: {  	[sflag:s20] =	ssyncadd.s32 $0xFFFFC000  }
0x8a: {  	[spmem:s3] =	stream.indirect.scatter.add.f32 [tilespmem:s19], [sflag:$0x6], $0x80, s8, s10, $0xb8;
	[tilespmem:$0x1E300] =	vst v63  }
0x8b: {  	_ = 	snop  }
0x8c: {  	[spmem:s4] =	stream.indirect.scatter.add.f32 [tilespmem:s1], [sflag:$0x7], $0x1, s8, s10, $0xb8;
	[tilespmem:$0x1E300] =	vst v63  }
0x8d: {  	_ =	swait.ge [sflag:s22], $0x4000  }
0x8e: {  	[sflag:s22] =	ssyncset.done $0x0  }
0x8f: {  	s18 =	simm.s32 $0x500;
	[sflag:s22] =	ssyncadd.s32 $0xFFFFC000  }
0x90: {  	[tilespmem:s11], [sflag:$0x1] =	stream.indirect.gather [hbm4b:s6+s10], $0x80, s18, s10, $0xb8;
	[tilespmem:$0x1E300] =	vst v63  }
0x91: {  	_ =	swait.ge [sflag:s12], $0x4000  }
0x92: {  	[sflag:s12] =	ssyncset.done $0x0  }
0x93: {  	s23 =	simm.s32 $0xD00;
	[sflag:s12] =	ssyncadd.s32 $0xFFFFC000  }
0x94: {  	[spmem:s3] =	stream.indirect.scatter.add.f32 [tilespmem:s11], [sflag:$0x5], $0x80, s23, s10, $0xb8;
	[tilespmem:$0x1E300] =	vst v63  }
0x95: {  	_ = 	snop  }
0x96: {  	[spmem:s4] =	stream.indirect.scatter.add.f32 [tilespmem:s1], [sflag:$0x7], $0x1, s23, s10, $0xb8;
	[tilespmem:$0x1E300] =	vst v63  }
0x97: {  	_ =	swait.ge [sflag:s13], $0x4000  }
0x98: {  	[sflag:s13] =	ssyncset.done $0x0  }
0x99: {  	s24 =	simm.s32 $0x580;
	[sflag:s13] =	ssyncadd.s32 $0xFFFFC000  }
0x9a: {  	[tilespmem:s19], [sflag:$0x2] =	stream.indirect.gather [hbm4b:s6+s10], $0x80, s24, s10, $0xb8;
	[tilespmem:$0x1E300] =	vst v63  }
0x9b: {  	_ =	swait.ge [sflag:s20], $0x4000  }
0x9c: {  	[sflag:s20] =	ssyncset.done $0x0  }
0x9d: {  	s25 =	simm.s32 $0xD80;
	[sflag:s20] =	ssyncadd.s32 $0xFFFFC000  }
0x9e: {  	[spmem:s3] =	stream.indirect.scatter.add.f32 [tilespmem:s19], [sflag:$0x6], $0x80, s25, s10, $0xb8;
	[tilespmem:$0x1E300] =	vst v63  }
0x9f: {  	_ = 	snop  }
0xa0: {  	[spmem:s4] =	stream.indirect.scatter.add.f32 [tilespmem:s1], [sflag:$0x7], $0x1, s25, s10, $0xb8;
	[tilespmem:$0x1E300] =	vst v63  }
0xa1: {  	_ =	swait.ge [sflag:s22], $0x4000  }
0xa2: {  	[sflag:s22] =	ssyncset.done $0x0  }
0xa3: {  	s5 =	simm.s32 $0x600;
	[sflag:s22] =	ssyncadd.s32 $0xFFFFC000  }
0xa4: {  	[tilespmem:s11], [sflag:$0x1] =	stream.indirect.gather [hbm4b:s6+s10], $0x80, s5, s10, $0xb8;
	[tilespmem:$0x1E300] =	vst v63  }
0xa5: {  	_ =	swait.ge [sflag:s12], $0x4000  }
0xa6: {  	[sflag:s12] =	ssyncset.done $0x0  }
0xa7: {  	s8 =	simm.s32 $0xE00;
	[sflag:s12] =	ssyncadd.s32 $0xFFFFC000  }
0xa8: {  	[spmem:s3] =	stream.indirect.scatter.add.f32 [tilespmem:s11], [sflag:$0x5], $0x80, s8, s10, $0xb8;
	[tilespmem:$0x1E300] =	vst v63  }
0xa9: {  	_ = 	snop  }
0xaa: {  	[spmem:s4] =	stream.indirect.scatter.add.f32 [tilespmem:s1], [sflag:$0x7], $0x1, s8, s10, $0xb8;
	[tilespmem:$0x1E300] =	vst v63  }
0xab: {  	_ =	swait.ge [sflag:s13], $0x4000  }
0xac: {  	[sflag:s13] =	ssyncset.done $0x0  }
0xad: {  	s9 =	simm.s32 $0x680;
	[sflag:s13] =	ssyncadd.s32 $0xFFFFC000  }
0xae: {  	[tilespmem:s19], [sflag:$0x2] =	stream.indirect.gather [hbm4b:s6+s10], $0x80, s9, s10, $0xb8;
	[tilespmem:$0x1E300] =	vst v63  }
0xaf: {  	_ =	swait.ge [sflag:s20], $0x4000  }
0xb0: {  	[sflag:s20] =	ssyncset.done $0x0  }
0xb1: {  	s15 =	simm.s32 $0xE80;
	[sflag:s20] =	ssyncadd.s32 $0xFFFFC000  }
0xb2: {  	[spmem:s3] =	stream.indirect.scatter.add.f32 [tilespmem:s19], [sflag:$0x6], $0x80, s15, s10, $0xb8;
	[tilespmem:$0x1E300] =	vst v63  }
0xb3: {  	_ = 	snop  }
0xb4: {  	[spmem:s4] =	stream.indirect.scatter.add.f32 [tilespmem:s1], [sflag:$0x7], $0x1, s15, s10, $0xb8;
	[tilespmem:$0x1E300] =	vst v63  }
0xb5: {  	_ =	swait.ge [sflag:s22], $0x4000  }
0xb6: {  	[sflag:s22] =	ssyncset.done $0x0  }
0xb7: {  	s16 =	simm.s32 $0x700;
	[sflag:s22] =	ssyncadd.s32 $0xFFFFC000  }
0xb8: {  	[tilespmem:s11], [sflag:$0x1] =	stream.indirect.gather [hbm4b:s6+s10], $0x80, s16, s10, $0xb8;
	[tilespmem:$0x1E300] =	vst v63  }
0xb9: {  	_ =	swait.ge [sflag:s12], $0x4000  }
0xba: {  	[sflag:s12] =	ssyncset.done $0x0  }
0xbb: {  	s18 =	simm.s32 $0xF00;
	[sflag:s12] =	ssyncadd.s32 $0xFFFFC000  }
0xbc: {  	[spmem:s3] =	stream.indirect.scatter.add.f32 [tilespmem:s11], [sflag:$0x5], $0x80, s18, s10, $0xb8;
	[tilespmem:$0x1E300] =	vst v63  }
0xbd: {  	_ = 	snop  }
0xbe: {  	[spmem:s4] =	stream.indirect.scatter.add.f32 [tilespmem:s1], [sflag:$0x7], $0x1, s18, s10, $0xb8;
	[tilespmem:$0x1E300] =	vst v63  }
0xbf: {  	_ =	swait.ge [sflag:s13], $0x4000  }
0xc0: {  	[sflag:s13] =	ssyncset.done $0x0  }
0xc1: {  	s23 =	simm.s32 $0x780;
	[sflag:s13] =	ssyncadd.s32 $0xFFFFC000  }
0xc2: {  	[tilespmem:s19], [sflag:$0x2] =	stream.indirect.gather [hbm4b:s6+s10], $0x80, s23, s10, $0xb8;
	[tilespmem:$0x1E300] =	vst v63  }
0xc3: {  	_ =	swait.ge [sflag:s20], $0x4000  }
0xc4: {  	[sflag:s20] =	ssyncset.done $0x0  }
0xc5: {  	s24 =	simm.s32 $0xF80;
	[sflag:s20] =	ssyncadd.s32 $0xFFFFC000  }
0xc6: {  	[spmem:s3] =	stream.indirect.scatter.add.f32 [tilespmem:s19], [sflag:$0x6], $0x80, s24, s10, $0xb8;
	[tilespmem:$0x1E300] =	vst v63  }
0xc7: {  	_ = 	snop  }
0xc8: {  	[spmem:s4] =	stream.indirect.scatter.add.f32 [tilespmem:s1], [sflag:$0x7], $0x1, s24, s10, $0xb8;
	[tilespmem:$0x1E300] =	vst v63  }
0xc9: {  	_ =	swait.ge [sflag:s22], $0x4000  }
0xca: {  	[sflag:s22] =	ssyncset.done $0x0  }
0xcb: {  	[sflag:s22] =	ssyncadd.s32 $0xFFFFC000  }
0xcc: {  	[tilespmem:s11], [sflag:$0x1] =	stream.indirect.gather [hbm4b:s6+s10], $0x80, s21, s10, $0xb8;
	[tilespmem:$0x1E300] =	vst v63  }
0xcd: {  	_ =	swait.ge [sflag:s28], $0x80  }
0xce: {  	[sflag:s28] =	ssyncset.done $0x0  }
0xcf: {  	[sflag:s28] =	ssyncadd.s32 $0xFFFFFF80  }
0xd0: {  	_ =	swait.ge [sflag:s28], $0x80  }
0xd1: {  	[sflag:s28] =	ssyncset.done $0x0  }
0xd2: {  	[sflag:s28] =	ssyncadd.s32 $0xFFFFFF80  }
0xd3: {  	_ =	swait.ge [sflag:s28], $0x80  }
0xd4: {  	[sflag:s28] =	ssyncset.done $0x0  }
0xd5: {  	[sflag:s28] =	ssyncadd.s32 $0xFFFFFF80  }
0xd6: {  	_ =	swait.ge [sflag:s28], $0x80  }
0xd7: {  	[sflag:s28] =	ssyncset.done $0x0  }
0xd8: {  	[sflag:s28] =	ssyncadd.s32 $0xFFFFFF80  }
0xd9: {  	_ =	swait.ge [sflag:s28], $0x80  }
0xda: {  	[sflag:s28] =	ssyncset.done $0x0  }
0xdb: {  	[sflag:s28] =	ssyncadd.s32 $0xFFFFFF80  }
0xdc: {  	_ =	swait.ge [sflag:s28], $0x80  }
0xdd: {  	[sflag:s28] =	ssyncset.done $0x0  }
0xde: {  	[sflag:s28] =	ssyncadd.s32 $0xFFFFFF80  }
0xdf: {  	_ =	swait.ge [sflag:s28], $0x80  }
0xe0: {  	[sflag:s28] =	ssyncset.done $0x0  }
0xe1: {  	[sflag:s28] =	ssyncadd.s32 $0xFFFFFF80  }
0xe2: {  	_ =	swait.ge [sflag:s28], $0x80  }
0xe3: {  	[sflag:s28] =	ssyncset.done $0x0  }
0xe4: {  	[sflag:s28] =	ssyncadd.s32 $0xFFFFFF80  }
0xe5: {  	_ =	swait.ge [sflag:s28], $0x80  }
0xe6: {  	[sflag:s28] =	ssyncset.done $0x0  }
0xe7: {  	[sflag:s28] =	ssyncadd.s32 $0xFFFFFF80  }
0xe8: {  	_ =	swait.ge [sflag:s28], $0x80  }
0xe9: {  	[sflag:s28] =	ssyncset.done $0x0  }
0xea: {  	[sflag:s28] =	ssyncadd.s32 $0xFFFFFF80  }
0xeb: {  	_ =	swait.ge [sflag:s28], $0x80  }
0xec: {  	[sflag:s28] =	ssyncset.done $0x0  }
0xed: {  	[sflag:s28] =	ssyncadd.s32 $0xFFFFFF80  }
0xee: {  	_ =	swait.ge [sflag:s28], $0x80  }
0xef: {  	[sflag:s28] =	ssyncset.done $0x0  }
0xf0: {  	[sflag:s28] =	ssyncadd.s32 $0xFFFFFF80  }
0xf1: {  	_ =	swait.ge [sflag:s28], $0x80  }
0xf2: {  	[sflag:s28] =	ssyncset.done $0x0  }
0xf3: {  	[sflag:s28] =	ssyncadd.s32 $0xFFFFFF80  }
0xf4: {  	_ =	swait.ge [sflag:s28], $0x80  }
0xf5: {  	[sflag:s28] =	ssyncset.done $0x0  }
0xf6: {  	[sflag:s28] =	ssyncadd.s32 $0xFFFFFF80  }
0xf7: {  	_ =	swait.ge [sflag:s28], $0x80  }
0xf8: {  	[sflag:s28] =	ssyncset.done $0x0  }
0xf9: {  	[sflag:s28] =	ssyncadd.s32 $0xFFFFFF80  }
0xfa: {  	_ =	swait.ge [sflag:s28], $0x80  }
0xfb: {  	[sflag:s28] =	ssyncset.done $0x0  }
0xfc: {  	[sflag:s28] =	ssyncadd.s32 $0xFFFFFF80  }
0xfd: {  	_ =	swait.ge [sflag:s31], $0x800  }
0xfe: {  	[sflag:s31] =	ssyncset.done $0x0  }
0xff: {  	[sflag:s31] =	ssyncadd.s32 $0xFFFFF800  }
0x100: {  	_ =	swait.ge [sflag:s31], $0x800  }
0x101: {  	[sflag:s31] =	ssyncset.done $0x0  }
0x102: {  	[sflag:s31] =	ssyncadd.s32 $0xFFFFF800  }
0x103: {  	_ =	swait.ge [sflag:s12], $0x4000  }
0x104: {  	[sflag:s12] =	ssyncset.done $0x0  }
0x105: {  	[sflag:s12] =	ssyncadd.s32 $0xFFFFC000  }
0x106: {  	[spmem:s3] =	stream.indirect.scatter.add.f32 [tilespmem:s11], [sflag:$0x5], $0x80, s7, s10, $0xb8;
	[tilespmem:$0x1E300] =	vst v63  }
0x107: {  	_ = 	snop  }
0x108: {  	[spmem:s4] =	stream.indirect.scatter.add.f32 [tilespmem:s1], [sflag:$0x7], $0x1, s7, s10, $0xb8;
	[tilespmem:$0x1E300] =	vst v63  }
0x109: {  	_ =	swait.ge [sflag:s13], $0x4000  }
0x10a: {  	[sflag:s13] =	ssyncset.done $0x0  }
0x10b: {  	s25 =	simm.s32 $0x1080;
	[sflag:s13] =	ssyncadd.s32 $0xFFFFC000  }
0x10c: {  	[tilespmem:s19], [sflag:$0x2] =	stream.indirect.gather [hbm4b:s6+s10], $0x80, s25, s10, $0xb8;
	[tilespmem:$0x1E300] =	vst v63  }
0x10d: {  	_ =	swait.ge [sflag:s20], $0x4000  }
0x10e: {  	[sflag:s20] =	ssyncset.done $0x0  }
0x10f: {  	s5 =	simm.s32 $0x1880;
	[sflag:s20] =	ssyncadd.s32 $0xFFFFC000  }
0x110: {  	[spmem:s3] =	stream.indirect.scatter.add.f32 [tilespmem:s19], [sflag:$0x6], $0x80, s5, s10, $0xb8;
	[tilespmem:$0x1E300] =	vst v63  }
0x111: {  	_ = 	snop  }
0x112: {  	[spmem:s4] =	stream.indirect.scatter.add.f32 [tilespmem:s1], [sflag:$0x7], $0x1, s5, s10, $0xb8;
	[tilespmem:$0x1E300] =	vst v63  }
0x113: {  	_ =	swait.ge [sflag:s22], $0x4000  }
0x114: {  	[sflag:s22] =	ssyncset.done $0x0  }
0x115: {  	s8 =	simm.s32 $0x1100;
	[sflag:s22] =	ssyncadd.s32 $0xFFFFC000  }
0x116: {  	[tilespmem:s11], [sflag:$0x1] =	stream.indirect.gather [hbm4b:s6+s10], $0x80, s8, s10, $0xb8;
	[tilespmem:$0x1E300] =	vst v63  }
0x117: {  	_ =	swait.ge [sflag:s12], $0x4000  }
0x118: {  	[sflag:s12] =	ssyncset.done $0x0  }
0x119: {  	s9 =	simm.s32 $0x1900;
	[sflag:s12] =	ssyncadd.s32 $0xFFFFC000  }
0x11a: {  	[spmem:s3] =	stream.indirect.scatter.add.f32 [tilespmem:s11], [sflag:$0x5], $0x80, s9, s10, $0xb8;
	[tilespmem:$0x1E300] =	vst v63  }
0x11b: {  	p1 =	seq.s32 s26, $0x800  }
0x11c: {  	[spmem:s4] =	stream.indirect.scatter.add.f32 [tilespmem:s1], [sflag:$0x7], $0x1, s9, s10, $0xb8;
	[tilespmem:$0x1E300] =	vst v63  }
0x11d: {  	s9 =	sadd.s32 @!p1 s26, s30  }
0x11e: {  	s15 =	sadd.s32 @!p1 s26, s14;
	s21 =	simm.s32 @!p1 $0x0;
	s9 =	sadd.s32 @!p1 $0x200, s9  }
0x11f: {  	[tilespmem:s21], [sflag:$0x3] =	stream.linear.gather @!p1 [hbm4b:s9+s21], $0x800, $0x38;
	[tilespmem:$0x1E300] =	vst v63  }
0x120: {  	s9 =	sadd.s32 @!p1 $0x200, s15;
	s15 =	simm.s32 @!p1 $0x800  }
0x121: {  	[tilespmem:s15], [sflag:$0x3] =	stream.linear.gather @!p1 [hbm4b:s9+s21], $0x800, $0x38;
	[tilespmem:$0x1E300] =	vst v63  }
0x122: {  	_ =	swait.ge [sflag:s13], $0x4000  }
0x123: {  	[sflag:s13] =	ssyncset.done $0x0  }
0x124: {  	[sflag:s13] =	ssyncadd.s32 $0xFFFFC000  }
0x125: {  	[tilespmem:s19], [sflag:$0x2] =	stream.indirect.gather [hbm4b:s6+s10], $0x80, s17, s10, $0xb8;
	[tilespmem:$0x1E300] =	vst v63  }
0x126: {  	_ =	swait.ge [sflag:s20], $0x4000  }
0x127: {  	[sflag:s20] =	ssyncset.done $0x0  }
0x128: {  	[sflag:s20] =	ssyncadd.s32 $0xFFFFC000  }
0x129: {  	[spmem:s3] =	stream.indirect.scatter.add.f32 [tilespmem:s19], [sflag:$0x6], $0x80, s29, s10, $0xb8;
	[tilespmem:$0x1E300] =	vst v63  }
0x12a: {  	_ = 	snop  }
0x12b: {  	[spmem:s4] =	stream.indirect.scatter.add.f32 [tilespmem:s1], [sflag:$0x7], $0x1, s29, s10, $0xb8;
	[tilespmem:$0x1E300] =	vst v63  }
0x12c: {  	_ =	swait.ge [sflag:s22], $0x4000  }
0x12d: {  	[sflag:s22] =	ssyncset.done $0x0  }
0x12e: {  	s15 =	simm.s32 $0x1200;
	[sflag:s22] =	ssyncadd.s32 $0xFFFFC000  }
0x12f: {  	[tilespmem:s11], [sflag:$0x1] =	stream.indirect.gather [hbm4b:s6+s10], $0x80, s15, s10, $0xb8;
	[tilespmem:$0x1E300] =	vst v63  }
0x130: {  	_ =	swait.ge [sflag:s12], $0x4000  }
0x131: {  	[sflag:s12] =	ssyncset.done $0x0  }
0x132: {  	s16 =	simm.s32 $0x1A00;
	[sflag:s12] =	ssyncadd.s32 $0xFFFFC000  }
0x133: {  	[spmem:s3] =	stream.indirect.scatter.add.f32 [tilespmem:s11], [sflag:$0x5], $0x80, s16, s10, $0xb8;
	[tilespmem:$0x1E300] =	vst v63  }
0x134: {  	_ = 	snop  }
0x135: {  	[spmem:s4] =	stream.indirect.scatter.add.f32 [tilespmem:s1], [sflag:$0x7], $0x1, s16, s10, $0xb8;
	[tilespmem:$0x1E300] =	vst v63  }
0x136: {  	_ =	swait.ge [sflag:s13], $0x4000  }
0x137: {  	[sflag:s13] =	ssyncset.done $0x0  }
0x138: {  	s17 =	simm.s32 $0x1280;
	[sflag:s13] =	ssyncadd.s32 $0xFFFFC000  }
0x139: {  	[tilespmem:s19], [sflag:$0x2] =	stream.indirect.gather [hbm4b:s6+s10], $0x80, s17, s10, $0xb8;
	[tilespmem:$0x1E300] =	vst v63  }
0x13a: {  	_ =	swait.ge [sflag:s20], $0x4000  }
0x13b: {  	[sflag:s20] =	ssyncset.done $0x0  }
0x13c: {  	s18 =	simm.s32 $0x1A80;
	[sflag:s20] =	ssyncadd.s32 $0xFFFFC000  }
0x13d: {  	[spmem:s3] =	stream.indirect.scatter.add.f32 [tilespmem:s19], [sflag:$0x6], $0x80, s18, s10, $0xb8;
	[tilespmem:$0x1E300] =	vst v63  }
0x13e: {  	_ = 	snop  }
0x13f: {  	[spmem:s4] =	stream.indirect.scatter.add.f32 [tilespmem:s1], [sflag:$0x7], $0x1, s18, s10, $0xb8;
	[tilespmem:$0x1E300] =	vst v63  }
0x140: {  	_ =	swait.ge [sflag:s22], $0x4000  }
0x141: {  	[sflag:s22] =	ssyncset.done $0x0  }
0x142: {  	s23 =	simm.s32 $0x1300;
	[sflag:s22] =	ssyncadd.s32 $0xFFFFC000  }
0x143: {  	[tilespmem:s11], [sflag:$0x1] =	stream.indirect.gather [hbm4b:s6+s10], $0x80, s23, s10, $0xb8;
	[tilespmem:$0x1E300] =	vst v63  }
0x144: {  	_ =	swait.ge [sflag:s12], $0x4000  }
0x145: {  	[sflag:s12] =	ssyncset.done $0x0  }
0x146: {  	s24 =	simm.s32 $0x1B00;
	[sflag:s12] =	ssyncadd.s32 $0xFFFFC000  }
0x147: {  	[spmem:s3] =	stream.indirect.scatter.add.f32 [tilespmem:s11], [sflag:$0x5], $0x80, s24, s10, $0xb8;
	[tilespmem:$0x1E300] =	vst v63  }
0x148: {  	_ = 	snop  }
0x149: {  	[spmem:s4] =	stream.indirect.scatter.add.f32 [tilespmem:s1], [sflag:$0x7], $0x1, s24, s10, $0xb8;
	[tilespmem:$0x1E300] =	vst v63  }
0x14a: {  	_ =	swait.ge [sflag:s13], $0x4000  }
0x14b: {  	[sflag:s13] =	ssyncset.done $0x0  }
0x14c: {  	s25 =	simm.s32 $0x1380;
	[sflag:s13] =	ssyncadd.s32 $0xFFFFC000  }
0x14d: {  	[tilespmem:s19], [sflag:$0x2] =	stream.indirect.gather [hbm4b:s6+s10], $0x80, s25, s10, $0xb8;
	[tilespmem:$0x1E300] =	vst v63  }
0x14e: {  	_ =	swait.ge [sflag:s20], $0x4000  }
0x14f: {  	[sflag:s20] =	ssyncset.done $0x0  }
0x150: {  	s26 =	simm.s32 $0x1B80;
	[sflag:s20] =	ssyncadd.s32 $0xFFFFC000  }
0x151: {  	[spmem:s3] =	stream.indirect.scatter.add.f32 [tilespmem:s19], [sflag:$0x6], $0x80, s26, s10, $0xb8;
	[tilespmem:$0x1E300] =	vst v63  }
0x152: {  	_ = 	snop  }
0x153: {  	[spmem:s4] =	stream.indirect.scatter.add.f32 [tilespmem:s1], [sflag:$0x7], $0x1, s26, s10, $0xb8;
	[tilespmem:$0x1E300] =	vst v63  }
0x154: {  	_ =	swait.ge [sflag:s22], $0x4000  }
0x155: {  	[sflag:s22] =	ssyncset.done $0x0  }
0x156: {  	s29 =	simm.s32 $0x1400;
	[sflag:s22] =	ssyncadd.s32 $0xFFFFC000  }
0x157: {  	[tilespmem:s11], [sflag:$0x1] =	stream.indirect.gather [hbm4b:s6+s10], $0x80, s29, s10, $0xb8;
	[tilespmem:$0x1E300] =	vst v63  }
0x158: {  	_ =	swait.ge [sflag:s12], $0x4000  }
0x159: {  	[sflag:s12] =	ssyncset.done $0x0  }
0x15a: {  	s30 =	simm.s32 $0x1C00;
	[sflag:s12] =	ssyncadd.s32 $0xFFFFC000  }
0x15b: {  	[spmem:s3] =	stream.indirect.scatter.add.f32 [tilespmem:s11], [sflag:$0x5], $0x80, s30, s10, $0xb8;
	[tilespmem:$0x1E300] =	vst v63  }
0x15c: {  	_ = 	snop  }
0x15d: {  	[spmem:s4] =	stream.indirect.scatter.add.f32 [tilespmem:s1], [sflag:$0x7], $0x1, s30, s10, $0xb8;
	[tilespmem:$0x1E300] =	vst v63  }
0x15e: {  	_ =	swait.ge [sflag:s13], $0x4000  }
0x15f: {  	[sflag:s13] =	ssyncset.done $0x0  }
0x160: {  	s5 =	simm.s32 $0x1480;
	[sflag:s13] =	ssyncadd.s32 $0xFFFFC000  }
0x161: {  	[tilespmem:s19], [sflag:$0x2] =	stream.indirect.gather [hbm4b:s6+s10], $0x80, s5, s10, $0xb8;
	[tilespmem:$0x1E300] =	vst v63  }
0x162: {  	_ =	swait.ge [sflag:s20], $0x4000  }
0x163: {  	[sflag:s20] =	ssyncset.done $0x0  }
0x164: {  	s8 =	simm.s32 $0x1C80;
	[sflag:s20] =	ssyncadd.s32 $0xFFFFC000  }
0x165: {  	[spmem:s3] =	stream.indirect.scatter.add.f32 [tilespmem:s19], [sflag:$0x6], $0x80, s8, s10, $0xb8;
	[tilespmem:$0x1E300] =	vst v63  }
0x166: {  	_ = 	snop  }
0x167: {  	[spmem:s4] =	stream.indirect.scatter.add.f32 [tilespmem:s1], [sflag:$0x7], $0x1, s8, s10, $0xb8;
	[tilespmem:$0x1E300] =	vst v63  }
0x168: {  	_ =	swait.ge [sflag:s22], $0x4000  }
0x169: {  	[sflag:s22] =	ssyncset.done $0x0  }
0x16a: {  	s9 =	simm.s32 $0x1500;
	[sflag:s22] =	ssyncadd.s32 $0xFFFFC000  }
0x16b: {  	[tilespmem:s11], [sflag:$0x1] =	stream.indirect.gather [hbm4b:s6+s10], $0x80, s9, s10, $0xb8;
	[tilespmem:$0x1E300] =	vst v63  }
0x16c: {  	_ =	swait.ge [sflag:s12], $0x4000  }
0x16d: {  	[sflag:s12] =	ssyncset.done $0x0  }
0x16e: {  	s14 =	simm.s32 $0x1D00;
	[sflag:s12] =	ssyncadd.s32 $0xFFFFC000  }
0x16f: {  	[spmem:s3] =	stream.indirect.scatter.add.f32 [tilespmem:s11], [sflag:$0x5], $0x80, s14, s10, $0xb8;
	[tilespmem:$0x1E300] =	vst v63  }
0x170: {  	_ = 	snop  }
0x171: {  	[spmem:s4] =	stream.indirect.scatter.add.f32 [tilespmem:s1], [sflag:$0x7], $0x1, s14, s10, $0xb8;
	[tilespmem:$0x1E300] =	vst v63  }
0x172: {  	_ =	swait.ge [sflag:s13], $0x4000  }
0x173: {  	[sflag:s13] =	ssyncset.done $0x0  }
0x174: {  	s15 =	simm.s32 $0x1580;
	[sflag:s13] =	ssyncadd.s32 $0xFFFFC000  }
0x175: {  	[tilespmem:s19], [sflag:$0x2] =	stream.indirect.gather [hbm4b:s6+s10], $0x80, s15, s10, $0xb8;
	[tilespmem:$0x1E300] =	vst v63  }
0x176: {  	_ =	swait.ge [sflag:s20], $0x4000  }
0x177: {  	[sflag:s20] =	ssyncset.done $0x0  }
0x178: {  	s16 =	simm.s32 $0x1D80;
	[sflag:s20] =	ssyncadd.s32 $0xFFFFC000  }
0x179: {  	[spmem:s3] =	stream.indirect.scatter.add.f32 [tilespmem:s19], [sflag:$0x6], $0x80, s16, s10, $0xb8;
	[tilespmem:$0x1E300] =	vst v63  }
0x17a: {  	_ = 	snop  }
0x17b: {  	[spmem:s4] =	stream.indirect.scatter.add.f32 [tilespmem:s1], [sflag:$0x7], $0x1, s16, s10, $0xb8;
	[tilespmem:$0x1E300] =	vst v63  }
0x17c: {  	_ =	swait.ge [sflag:s22], $0x4000  }
0x17d: {  	[sflag:s22] =	ssyncset.done $0x0  }
0x17e: {  	s17 =	simm.s32 $0x1600;
	[sflag:s22] =	ssyncadd.s32 $0xFFFFC000  }
0x17f: {  	[tilespmem:s11], [sflag:$0x1] =	stream.indirect.gather [hbm4b:s6+s10], $0x80, s17, s10, $0xb8;
	[tilespmem:$0x1E300] =	vst v63  }
0x180: {  	_ =	swait.ge [sflag:s12], $0x4000  }
0x181: {  	[sflag:s12] =	ssyncset.done $0x0  }
0x182: {  	s18 =	simm.s32 $0x1E00;
	[sflag:s12] =	ssyncadd.s32 $0xFFFFC000  }
0x183: {  	[spmem:s3] =	stream.indirect.scatter.add.f32 [tilespmem:s11], [sflag:$0x5], $0x80, s18, s10, $0xb8;
	[tilespmem:$0x1E300] =	vst v63  }
0x184: {  	_ = 	snop  }
0x185: {  	[spmem:s4] =	stream.indirect.scatter.add.f32 [tilespmem:s1], [sflag:$0x7], $0x1, s18, s10, $0xb8;
	[tilespmem:$0x1E300] =	vst v63  }
0x186: {  	_ =	swait.ge [sflag:s13], $0x4000  }
0x187: {  	[sflag:s13] =	ssyncset.done $0x0  }
0x188: {  	s23 =	simm.s32 $0x1680;
	[sflag:s13] =	ssyncadd.s32 $0xFFFFC000  }
0x189: {  	[tilespmem:s19], [sflag:$0x2] =	stream.indirect.gather [hbm4b:s6+s10], $0x80, s23, s10, $0xb8;
	[tilespmem:$0x1E300] =	vst v63  }
0x18a: {  	_ =	swait.ge [sflag:s20], $0x4000  }
0x18b: {  	[sflag:s20] =	ssyncset.done $0x0  }
0x18c: {  	s24 =	simm.s32 $0x1E80;
	[sflag:s20] =	ssyncadd.s32 $0xFFFFC000  }
0x18d: {  	[spmem:s3] =	stream.indirect.scatter.add.f32 [tilespmem:s19], [sflag:$0x6], $0x80, s24, s10, $0xb8;
	[tilespmem:$0x1E300] =	vst v63  }
0x18e: {  	_ = 	snop  }
0x18f: {  	[spmem:s4] =	stream.indirect.scatter.add.f32 [tilespmem:s1], [sflag:$0x7], $0x1, s24, s10, $0xb8;
	[tilespmem:$0x1E300] =	vst v63  }
0x190: {  	_ =	swait.ge [sflag:s22], $0x4000  }
0x191: {  	[sflag:s22] =	ssyncset.done $0x0  }
0x192: {  	s25 =	simm.s32 $0x1700;
	[sflag:s22] =	ssyncadd.s32 $0xFFFFC000  }
0x193: {  	[tilespmem:s11], [sflag:$0x1] =	stream.indirect.gather [hbm4b:s6+s10], $0x80, s25, s10, $0xb8;
	[tilespmem:$0x1E300] =	vst v63  }
0x194: {  	_ =	swait.ge [sflag:s12], $0x4000  }
0x195: {  	[sflag:s12] =	ssyncset.done $0x0  }
0x196: {  	s26 =	simm.s32 $0x1F00;
	[sflag:s12] =	ssyncadd.s32 $0xFFFFC000  }
0x197: {  	[spmem:s3] =	stream.indirect.scatter.add.f32 [tilespmem:s11], [sflag:$0x5], $0x80, s26, s10, $0xb8;
	[tilespmem:$0x1E300] =	vst v63  }
0x198: {  	_ = 	snop  }
0x199: {  	[spmem:s4] =	stream.indirect.scatter.add.f32 [tilespmem:s1], [sflag:$0x7], $0x1, s26, s10, $0xb8;
	[tilespmem:$0x1E300] =	vst v63  }
0x19a: {  	_ =	swait.ge [sflag:s13], $0x4000  }
0x19b: {  	[sflag:s13] =	ssyncset.done $0x0  }
0x19c: {  	s29 =	simm.s32 $0x1780;
	[sflag:s13] =	ssyncadd.s32 $0xFFFFC000  }
0x19d: {  	[tilespmem:s19], [sflag:$0x2] =	stream.indirect.gather [hbm4b:s6+s10], $0x80, s29, s10, $0xb8;
	[tilespmem:$0x1E300] =	vst v63  }
0x19e: {  	_ =	swait.ge [sflag:s20], $0x4000  }
0x19f: {  	[sflag:s20] =	ssyncset.done $0x0  }
0x1a0: {  	s30 =	simm.s32 $0x1F80;
	[sflag:s20] =	ssyncadd.s32 $0xFFFFC000  }
0x1a1: {  	[spmem:s3] =	stream.indirect.scatter.add.f32 [tilespmem:s19], [sflag:$0x6], $0x80, s30, s10, $0xb8;
	[tilespmem:$0x1E300] =	vst v63  }
0x1a2: {  	_ = 	snop  }
0x1a3: {  	[spmem:s4] =	stream.indirect.scatter.add.f32 [tilespmem:s1], [sflag:$0x7], $0x1, s30, s10, $0xb8;
	[tilespmem:$0x1E300] =	vst v63  }
0x1a4: {  	_ =	swait.ge [sflag:s22], $0x4000  }
0x1a5: {  	[sflag:s22] =	ssyncset.done $0x0  }
0x1a6: {  	s9 =	simm.s32 @!p1 $0x80;
	s15 =	simm.s32 @!p1 $0x2000;
	[sflag:s22] =	ssyncadd.s32 $0xFFFFC000  }
0x1a7: {  	[tilespmem:s15], [sflag:$0x1] =	stream.indirect.gather @!p1 [hbm4b:s6+s9], $0x80, s21, s9, $0xb8;
	[tilespmem:$0x1E300] =	vst v63  }
0x1a8: {  	_ =	swait.ge [sflag:s28], $0x80  }
0x1a9: {  	[sflag:s28] =	ssyncset.done $0x0  }
0x1aa: {  	[sflag:s28] =	ssyncadd.s32 $0xFFFFFF80  }
0x1ab: {  	_ =	swait.ge [sflag:s28], $0x80  }
0x1ac: {  	[sflag:s28] =	ssyncset.done $0x0  }
0x1ad: {  	[sflag:s28] =	ssyncadd.s32 $0xFFFFFF80  }
0x1ae: {  	_ =	swait.ge [sflag:s28], $0x80  }
0x1af: {  	[sflag:s28] =	ssyncset.done $0x0  }
0x1b0: {  	[sflag:s28] =	ssyncadd.s32 $0xFFFFFF80  }
0x1b1: {  	_ =	swait.ge [sflag:s28], $0x80  }
0x1b2: {  	[sflag:s28] =	ssyncset.done $0x0  }
0x1b3: {  	[sflag:s28] =	ssyncadd.s32 $0xFFFFFF80  }
0x1b4: {  	_ =	swait.ge [sflag:s28], $0x80  }
0x1b5: {  	[sflag:s28] =	ssyncset.done $0x0  }
0x1b6: {  	[sflag:s28] =	ssyncadd.s32 $0xFFFFFF80  }
0x1b7: {  	_ =	swait.ge [sflag:s28], $0x80  }
0x1b8: {  	[sflag:s28] =	ssyncset.done $0x0  }
0x1b9: {  	[sflag:s28] =	ssyncadd.s32 $0xFFFFFF80  }
0x1ba: {  	_ =	swait.ge [sflag:s28], $0x80  }
0x1bb: {  	[sflag:s28] =	ssyncset.done $0x0  }
0x1bc: {  	[sflag:s28] =	ssyncadd.s32 $0xFFFFFF80  }
0x1bd: {  	_ =	swait.ge [sflag:s28], $0x80  }
0x1be: {  	[sflag:s28] =	ssyncset.done $0x0  }
0x1bf: {  	[sflag:s28] =	ssyncadd.s32 $0xFFFFFF80  }
0x1c0: {  	_ =	swait.ge [sflag:s28], $0x80  }
0x1c1: {  	[sflag:s28] =	ssyncset.done $0x0  }
0x1c2: {  	[sflag:s28] =	ssyncadd.s32 $0xFFFFFF80  }
0x1c3: {  	_ =	swait.ge [sflag:s28], $0x80  }
0x1c4: {  	[sflag:s28] =	ssyncset.done $0x0  }
0x1c5: {  	[sflag:s28] =	ssyncadd.s32 $0xFFFFFF80  }
0x1c6: {  	_ =	swait.ge [sflag:s28], $0x80  }
0x1c7: {  	[sflag:s28] =	ssyncset.done $0x0  }
0x1c8: {  	[sflag:s28] =	ssyncadd.s32 $0xFFFFFF80  }
0x1c9: {  	_ =	swait.ge [sflag:s28], $0x80  }
0x1ca: {  	[sflag:s28] =	ssyncset.done $0x0  }
0x1cb: {  	[sflag:s28] =	ssyncadd.s32 $0xFFFFFF80  }
0x1cc: {  	_ =	swait.ge [sflag:s28], $0x80  }
0x1cd: {  	[sflag:s28] =	ssyncset.done $0x0  }
0x1ce: {  	[sflag:s28] =	ssyncadd.s32 $0xFFFFFF80  }
0x1cf: {  	_ =	swait.ge [sflag:s28], $0x80  }
0x1d0: {  	[sflag:s28] =	ssyncset.done $0x0  }
0x1d1: {  	[sflag:s28] =	ssyncadd.s32 $0xFFFFFF80  }
0x1d2: {  	_ =	swait.ge [sflag:s28], $0x80  }
0x1d3: {  	[sflag:s28] =	ssyncset.done $0x0  }
0x1d4: {  	[sflag:s28] =	ssyncadd.s32 $0xFFFFFF80  }
0x1d5: {  	_ =	swait.ge [sflag:s28], $0x80  }
0x1d6: {  	s26 =	rddreg [dreg:$0xb]  }
0x1d7: {  	s8 =	simm.s32 $0x1000;
	[sflag:s28] =	ssyncset.done $0x0;
	s21 =	rddreg [dreg:$0xc]  }
0x1d8: {  	s16 =	simm.s32 $0x8;
	s5 =	rddreg [dreg:$0x1c];
	[sflag:s28] =	ssyncadd.s32 $0xFFFFFF80  }
.LBB2_8:
0x1d9: {  	_ =	swait.ge [sflag:s13], $0x4000  }
0x1da: {  	[sflag:s13] =	ssyncset.done $0x0  }
0x1db: {  	[sflag:s13] =	ssyncadd.s32 $0xFFFFC000  }
0x1dc: {  	s0 =	rddreg [dreg:$0x1b];
	[bflag:$0x0] =	sbarrier.arrive $0xFFFF  }
0x1dd: {  	s17 =	rddreg [dreg:$0xd]  }
0x1de: {  	s9 =	sadd.s32 s26, s0;
	s14 =	rddreg [dreg:$0x1d];
	s15 =	sshrl.u32 s17, $0x3  }
0x1df: {  	[hbm:s9], [sflag:s14] =	dma.local [spmem:s15], $0x800  }
0x1e0: {  	_ =	swait.ge [sflag:s16], $0x800  }
0x1e1: {  	s15 =	rddreg [dreg:$0x14]  }
0x1e2: {  	[sflag:s16] =	ssyncset.done $0x0;
	s29 =	rddreg [dreg:$0xe]  }
0x1e3: {  	s18 =	sadd.s32 s26, s15;
	[sflag:s16] =	ssyncadd.s32 $0xFFFFF800;
	s23 =	sshrl.u32 s29, $0x3  }
0x1e4: {  	[hbm:s18], [sflag:s14] =	dma.local [spmem:s23], $0x800  }
0x1e5: {  	_ =	swait.ge [sflag:s16], $0x800  }
0x1e6: {  	s24 =	rddreg [dreg:$0x15]  }
0x1e7: {  	[sflag:s16] =	ssyncset.done $0x0;
	s30 =	rddreg [dreg:$0xf]  }
0x1e8: {  	s25 =	sadd.s32 s26, s24;
	[sflag:s16] =	ssyncadd.s32 $0xFFFFF800;
	s0 =	sshrl.u32 s30, $0x3  }
0x1e9: {  	[hbm:s25], [sflag:s14] =	dma.local [spmem:s0], $0x800  }
0x1ea: {  	_ =	swait.ge [sflag:s16], $0x800  }
0x1eb: {  	s9 =	rddreg [dreg:$0x16]  }
0x1ec: {  	[sflag:s16] =	ssyncset.done $0x0;
	s18 =	rddreg [dreg:$0x10]  }
0x1ed: {  	s15 =	sadd.s32 s26, s9;
	[sflag:s16] =	ssyncadd.s32 $0xFFFFF800;
	s23 =	sshrl.u32 s18, $0x3  }
0x1ee: {  	[hbm:s15], [sflag:s14] =	dma.local [spmem:s23], $0x800  }
0x1ef: {  	_ =	swait.ge [sflag:s16], $0x800  }
0x1f0: {  	s24 =	rddreg [dreg:$0x17]  }
0x1f1: {  	[sflag:s16] =	ssyncset.done $0x0;
	s25 =	sadd.s32 s26, s24;
	s26 =	rddreg [dreg:$0x11]  }
0x1f2: {  	[sflag:s16] =	ssyncadd.s32 $0xFFFFF800;
	s0 =	sshrl.u32 s26, $0x3  }
0x1f3: {  	[hbm:s25], [sflag:s14] =	dma.local [spmem:s0], $0x800  }
0x1f4: {  	_ =	swait.ge [sflag:s16], $0x800  }
0x1f5: {  	s18 =	rddreg [dreg:$0x7]  }
0x1f6: {  	[sflag:s16] =	ssyncset.done $0x0;
	s24 =	rddreg [dreg:$0x12]  }
0x1f7: {  	s23 =	sadd.s32 s21, s18;
	[sflag:s16] =	ssyncadd.s32 $0xFFFFF800;
	s25 =	sshrl.u32 s24, $0x3  }
0x1f8: {  	[hbm:s23], [sflag:s14] =	dma.local [spmem:s25], $0x50  }
0x1f9: {  	_ =	swait.ge [sflag:s16], $0x50  }
0x1fa: {  	s5 =	sadd.s32 $0x1, s5;
	s26 =	rddreg [dreg:$0x1a]  }
0x1fb: {  	p1 =	sne.s32 s5, s26  }
.Ltmp1:
0x1fc: {  	_ = 	snop;
	(pc) =	sbr.rel @!p1 .LBB2_9-.Ltmp1, $3  }
0x1fd: {  	_ =	sdelay $0x1  }
0x1fe: {  	[sflag:s16] =	ssyncset.done $0x0  }
0x1ff: {  	s14 =	rddreg [dreg:$0x19];
	[sflag:s16] =	ssyncadd.s32 $0xFFFFFFB0  }
.LBB2_1:
0x200: {  	[tilespmem:$0xA000] =	vst v0  }
0x201: {  	[tilespmem:$0xA010] =	vst v0  }
0x202: {  	[tilespmem:$0xA020] =	vst v0  }
.Ltmp2:
0x203: {  	[tilespmem:$0xA030] =	vst v0;
	(pc) =	sbr.rel @!p0 .LBB2_2-.Ltmp2, $4  }
0x204: {  	[tilespmem:$0xA040] =	vst v0  }
0x205: {  	[tilespmem:$0xA050] =	vst v0;
	s9 =	stileid.u32  }
0x206: {  	[tilespmem:$0xA060] =	vst v0;
	s21 =	sshll.u32 s9, $0x6  }
0x207: {  	[dreg:$0x1c] =	wrdreg s5;
	[tilespmem:$0xA070] =	vst v0;
	s5 =	sor.u32 $0x1C08, s21  }
0x208: {  	s15 =	simm.s32 $0x0  }
0x209: {  	s9 =	rddreg [dreg:$0x6];
	s26 =	simm.s32 $0x8;
	s8 =	simm.s32 $0x800  }
0x20a: {  	[tilespmem:s15], [sflag:$0x3] =	stream.linear.gather [hbm4b:s9+s15], $0x800, $0x38;
	[tilespmem:$0x1E300] =	vst v63  }
0x20b: {  	s5 =	sor.u32 $0x1C08, s21;
	s17 =	sshrl.u32 s17, $0x3;
	s0 =	rddreg [dreg:$0x8]  }
0x20c: {  	[tilespmem:s8], [sflag:$0x3] =	stream.linear.gather [hbm4b:s14+s15], $0x800, $0x38;
	[tilespmem:$0x1E300] =	vst v63  }
0x20d: {  	[spmem:s17], [sflag:s5] =	dma.local [hbm:s0], $0x800  }
0x20e: {  	_ =	swait.ge [sflag:s26], $0x800  }
0x20f: {  	[sflag:s26] =	ssyncset.done $0x0  }
0x210: {  	s24 =	sshrl.u32 s29, $0x3;
	[sflag:s26] =	ssyncadd.s32 $0xFFFFF800  }
0x211: {  	[spmem:s24], [sflag:s5] =	dma.local [hbm:s0], $0x800  }
0x212: {  	_ =	swait.ge [sflag:s26], $0x800  }
0x213: {  	[sflag:s26] =	ssyncset.done $0x0  }
0x214: {  	s25 =	sshrl.u32 s30, $0x3;
	[sflag:s26] =	ssyncadd.s32 $0xFFFFF800  }
0x215: {  	[spmem:s25], [sflag:s5] =	dma.local [hbm:s0], $0x800  }
0x216: {  	_ =	swait.ge [sflag:s26], $0x800  }
0x217: {  	[sflag:s26] =	ssyncset.done $0x0;
	s29 =	rddreg [dreg:$0x10]  }
0x218: {  	[sflag:s26] =	ssyncadd.s32 $0xFFFFF800;
	s16 =	sshrl.u32 s29, $0x3  }
0x219: {  	[spmem:s16], [sflag:s5] =	dma.local [hbm:s0], $0x800  }
0x21a: {  	_ =	swait.ge [sflag:s26], $0x800  }
0x21b: {  	[sflag:s26] =	ssyncset.done $0x0;
	s18 =	rddreg [dreg:$0x11]  }
0x21c: {  	[sflag:s26] =	ssyncadd.s32 $0xFFFFF800;
	s21 =	sshrl.u32 s18, $0x3  }
0x21d: {  	[spmem:s21], [sflag:s5] =	dma.local [hbm:s0], $0x800  }
0x21e: {  	_ =	swait.ge [sflag:s26], $0x800;
	[dreg:$0x1d] =	wrdreg s5  }
0x21f: {  	[sflag:s26] =	ssyncset.done $0x0;
	s23 =	rddreg [dreg:$0x12]  }
0x220: {  	s25 =	rddreg [dreg:$0x13];
	[sflag:s26] =	ssyncadd.s32 $0xFFFFF800;
	s24 =	sshrl.u32 s23, $0x3  }
0x221: {  	[spmem:s24], [sflag:s5] =	dma.local [hbm:s25], $0x50  }
0x222: {  	_ =	swait.ge [sflag:s26], $0x50  }
0x223: {  	[sflag:s26] =	ssyncset.done $0x0  }
0x224: {  	s29 =	simm.s32 $0x3;
	[sflag:s26] =	ssyncadd.s32 $0xFFFFFFB0  }
0x225: {  	_ =	swait.ge [sflag:s29], $0x800  }
0x226: {  	[sflag:s29] =	ssyncset.done $0x0  }
0x227: {  	[sflag:s29] =	ssyncadd.s32 $0xFFFFF800  }
0x228: {  	_ =	swait.ge [sflag:s29], $0x800  }
0x229: {  	[sflag:s29] =	ssyncset.done $0x0  }
0x22a: {  	p1 =	por $0x1, $0x1;
	[sflag:s29] =	ssyncadd.s32 $0xFFFFF800  }
0x22b: {  	[tilespmem:s11], [sflag:$0x1] =	stream.indirect.gather [hbm4b:s6+s10], $0x80, s15, s10, $0xb8;
	[tilespmem:$0x1E300] =	vst v63  }
0x22c: {  	s15 =	simm.s32 @!p1 $0x3;
	[bflag:$0x0] =	sbarrier.arrive $0xFFFF  }
0x22d: {  	_ =	swait.ge @!p1 [sflag:s15], $0x800  }
0x22e: {  	[sflag:s15] =	ssyncset.done @!p1 $0x0  }
0x22f: {  	[sflag:s15] =	ssyncadd.s32 @!p1 $0xFFFFF800  }
0x230: {  	_ =	swait.ge @!p1 [sflag:s15], $0x800  }
0x231: {  	[sflag:s15] =	ssyncset.done @!p1 $0x0  }
0x232: {  	[sflag:s15] =	ssyncadd.s32 @!p1 $0xFFFFF800  }
0x233: {  	_ =	swait.ge [sflag:s12], $0x4000  }
0x234: {  	[sflag:s12] =	ssyncset.done $0x0  }
0x235: {  	[sflag:s12] =	ssyncadd.s32 $0xFFFFC000  }
0x236: {  	[spmem:s3] =	stream.indirect.scatter.add.f32 [tilespmem:s11], [sflag:$0x5], $0x80, s8, s10, $0xb8;
	[tilespmem:$0x1E300] =	vst v63  }
0x237: {  	s15 =	simm.s32 @!p1 $0x6  }
0x238: {  	[spmem:s4] =	stream.indirect.scatter.add.f32 [tilespmem:s1], [sflag:$0x7], $0x1, s8, s10, $0xb8;
	[tilespmem:$0x1E300] =	vst v63  }
0x239: {  	_ =	swait.ge @!p1 [sflag:s15], $0x4000  }
0x23a: {  	[sflag:s15] =	ssyncset.done @!p1 $0x0  }
0x23b: {  	[sflag:s15] =	ssyncadd.s32 @!p1 $0xFFFFC000  }
0x23c: {  	[tilespmem:s19], [sflag:$0x2] =	stream.indirect.gather [hbm4b:s6+s10], $0x80, s10, s10, $0xb8;
	[tilespmem:$0x1E300] =	vst v63  }
0x23d: {  	_ =	swait.ge [sflag:s20], $0x4000  }
0x23e: {  	[sflag:s20] =	ssyncset.done $0x0  }
0x23f: {  	s23 =	simm.s32 $0x880;
	[sflag:s20] =	ssyncadd.s32 $0xFFFFC000  }
0x240: {  	[spmem:s3] =	stream.indirect.scatter.add.f32 [tilespmem:s19], [sflag:$0x6], $0x80, s23, s10, $0xb8;
	[tilespmem:$0x1E300] =	vst v63  }
0x241: {  	_ = 	snop  }
0x242: {  	[spmem:s4] =	stream.indirect.scatter.add.f32 [tilespmem:s1], [sflag:$0x7], $0x1, s23, s10, $0xb8;
	[tilespmem:$0x1E300] =	vst v63  }
0x243: {  	_ =	swait.ge [sflag:s22], $0x4000  }
0x244: {  	[sflag:s22] =	ssyncset.done $0x0  }
0x245: {  	s5 =	simm.s32 $0x100;
	[sflag:s22] =	ssyncadd.s32 $0xFFFFC000  }
0x246: {  	[tilespmem:s11], [sflag:$0x1] =	stream.indirect.gather [hbm4b:s6+s10], $0x80, s5, s10, $0xb8;
	[tilespmem:$0x1E300] =	vst v63  }
0x247: {  	_ =	swait.ge [sflag:s12], $0x4000  }
0x248: {  	[sflag:s12] =	ssyncset.done $0x0  }
0x249: {  	s30 =	smov.u32 s9;
	s16 =	simm.s32 $0x900;
	[sflag:s12] =	ssyncadd.s32 $0xFFFFC000  }
0x24a: {  	[spmem:s3] =	stream.indirect.scatter.add.f32 [tilespmem:s11], [sflag:$0x5], $0x80, s16, s10, $0xb8;
	[tilespmem:$0x1E300] =	vst v63  }
0x24b: {  	s9 =	simm.s32 $0x1000;
	s17 =	sadd.s32 $0x0, s30  }
0x24c: {  	[spmem:s4] =	stream.indirect.scatter.add.f32 [tilespmem:s1], [sflag:$0x7], $0x1, s16, s10, $0xb8;
	[tilespmem:$0x1E300] =	vst v63  }
0x24d: {  	s18 =	sadd.s32 $0x0, s14;
	s21 =	simm.s32 $0x0;
	s15 =	sadd.s32 $0x100, s17  }
0x24e: {  	[tilespmem:s9], [sflag:$0x4] =	stream.linear.gather [hbm4b:s15+s21], $0x800, $0x38;
	[tilespmem:$0x1E300] =	vst v63  }
0x24f: {  	s24 =	sadd.s32 $0x100, s18  }
0x250: {  	[tilespmem:s7], [sflag:$0x4] =	stream.linear.gather [hbm4b:s24+s21], $0x800, $0x38;
	[tilespmem:$0x1E300] =	vst v63  }
0x251: {  	_ =	swait.ge [sflag:s13], $0x4000  }
0x252: {  	[sflag:s13] =	ssyncset.done $0x0  }
0x253: {  	s8 =	simm.s32 $0x180;
	[sflag:s13] =	ssyncadd.s32 $0xFFFFC000  }
0x254: {  	[tilespmem:s19], [sflag:$0x2] =	stream.indirect.gather [hbm4b:s6+s10], $0x80, s8, s10, $0xb8;
	[tilespmem:$0x1E300] =	vst v63  }
0x255: {  	_ =	swait.ge [sflag:s20], $0x4000  }
0x256: {  	[sflag:s20] =	ssyncset.done $0x0  }
0x257: {  	s5 =	simm.s32 $0x980;
	[sflag:s20] =	ssyncadd.s32 $0xFFFFC000  }
0x258: {  	[spmem:s3] =	stream.indirect.scatter.add.f32 [tilespmem:s19], [sflag:$0x6], $0x80, s5, s10, $0xb8;
	[tilespmem:$0x1E300] =	vst v63  }
0x259: {  	_ = 	snop  }
0x25a: {  	[spmem:s4] =	stream.indirect.scatter.add.f32 [tilespmem:s1], [sflag:$0x7], $0x1, s5, s10, $0xb8;
	[tilespmem:$0x1E300] =	vst v63  }
0x25b: {  	_ =	swait.ge [sflag:s22], $0x4000  }
0x25c: {  	[sflag:s22] =	ssyncset.done $0x0  }
0x25d: {  	s25 =	simm.s32 $0x200;
	[sflag:s22] =	ssyncadd.s32 $0xFFFFC000  }
0x25e: {  	[tilespmem:s11], [sflag:$0x1] =	stream.indirect.gather [hbm4b:s6+s10], $0x80, s25, s10, $0xb8;
	[tilespmem:$0x1E300] =	vst v63  }
0x25f: {  	_ =	swait.ge [sflag:s12], $0x4000  }
0x260: {  	[sflag:s12] =	ssyncset.done $0x0  }
0x261: {  	s24 =	simm.s32 $0xA00;
	[sflag:s12] =	ssyncadd.s32 $0xFFFFC000  }
0x262: {  	[spmem:s3] =	stream.indirect.scatter.add.f32 [tilespmem:s11], [sflag:$0x5], $0x80, s24, s10, $0xb8;
	[tilespmem:$0x1E300] =	vst v63  }
0x263: {  	_ = 	snop  }
0x264: {  	[spmem:s4] =	stream.indirect.scatter.add.f32 [tilespmem:s1], [sflag:$0x7], $0x1, s24, s10, $0xb8;
	[tilespmem:$0x1E300] =	vst v63  }
0x265: {  	_ =	swait.ge [sflag:s13], $0x4000  }
0x266: {  	[sflag:s13] =	ssyncset.done $0x0  }
0x267: {  	s26 =	simm.s32 $0x280;
	[sflag:s13] =	ssyncadd.s32 $0xFFFFC000  }
0x268: {  	[tilespmem:s19], [sflag:$0x2] =	stream.indirect.gather [hbm4b:s6+s10], $0x80, s26, s10, $0xb8;
	[tilespmem:$0x1E300] =	vst v63  }
0x269: {  	_ =	swait.ge [sflag:s20], $0x4000  }
0x26a: {  	[sflag:s20] =	ssyncset.done $0x0  }
0x26b: {  	s25 =	simm.s32 $0xA80;
	[sflag:s20] =	ssyncadd.s32 $0xFFFFC000  }
0x26c: {  	[spmem:s3] =	stream.indirect.scatter.add.f32 [tilespmem:s19], [sflag:$0x6], $0x80, s25, s10, $0xb8;
	[tilespmem:$0x1E300] =	vst v63  }
0x26d: {  	_ = 	snop  }
0x26e: {  	[spmem:s4] =	stream.indirect.scatter.add.f32 [tilespmem:s1], [sflag:$0x7], $0x1, s25, s10, $0xb8;
	[tilespmem:$0x1E300] =	vst v63  }
0x26f: {  	_ =	swait.ge [sflag:s22], $0x4000  }
0x270: {  	[sflag:s22] =	ssyncset.done $0x0  }
0x271: {  	s29 =	simm.s32 $0x300;
	[sflag:s22] =	ssyncadd.s32 $0xFFFFC000  }
0x272: {  	[tilespmem:s11], [sflag:$0x1] =	stream.indirect.gather [hbm4b:s6+s10], $0x80, s29, s10, $0xb8;
	[tilespmem:$0x1E300] =	vst v63  }
0x273: {  	_ =	swait.ge [sflag:s12], $0x4000  }
0x274: {  	[sflag:s12] =	ssyncset.done $0x0  }
0x275: {  	s16 =	simm.s32 $0xB00;
	[sflag:s12] =	ssyncadd.s32 $0xFFFFC000  }
0x276: {  	[spmem:s3] =	stream.indirect.scatter.add.f32 [tilespmem:s11], [sflag:$0x5], $0x80, s16, s10, $0xb8;
	[tilespmem:$0x1E300] =	vst v63  }
0x277: {  	_ = 	snop  }
0x278: {  	[spmem:s4] =	stream.indirect.scatter.add.f32 [tilespmem:s1], [sflag:$0x7], $0x1, s16, s10, $0xb8;
	[tilespmem:$0x1E300] =	vst v63  }
0x279: {  	_ =	swait.ge [sflag:s13], $0x4000  }
0x27a: {  	[sflag:s13] =	ssyncset.done $0x0  }
0x27b: {  	s8 =	simm.s32 $0x380;
	[sflag:s13] =	ssyncadd.s32 $0xFFFFC000  }
0x27c: {  	[tilespmem:s19], [sflag:$0x2] =	stream.indirect.gather [hbm4b:s6+s10], $0x80, s8, s10, $0xb8;
	[tilespmem:$0x1E300] =	vst v63  }
0x27d: {  	_ =	swait.ge [sflag:s20], $0x4000  }
0x27e: {  	[sflag:s20] =	ssyncset.done $0x0  }
0x27f: {  	s18 =	simm.s32 $0xB80;
	[sflag:s20] =	ssyncadd.s32 $0xFFFFC000  }
0x280: {  	[spmem:s3] =	stream.indirect.scatter.add.f32 [tilespmem:s19], [sflag:$0x6], $0x80, s18, s10, $0xb8;
	[tilespmem:$0x1E300] =	vst v63  }
0x281: {  	_ = 	snop  }
0x282: {  	[spmem:s4] =	stream.indirect.scatter.add.f32 [tilespmem:s1], [sflag:$0x7], $0x1, s18, s10, $0xb8;
	[tilespmem:$0x1E300] =	vst v63  }
0x283: {  	_ =	swait.ge [sflag:s22], $0x4000  }
0x284: {  	[sflag:s22] =	ssyncset.done $0x0  }
0x285: {  	s15 =	simm.s32 $0x400;
	[sflag:s22] =	ssyncadd.s32 $0xFFFFC000  }
0x286: {  	[tilespmem:s11], [sflag:$0x1] =	stream.indirect.gather [hbm4b:s6+s10], $0x80, s15, s10, $0xb8;
	[tilespmem:$0x1E300] =	vst v63  }
0x287: {  	_ =	swait.ge [sflag:s12], $0x4000  }
0x288: {  	[sflag:s12] =	ssyncset.done $0x0  }
0x289: {  	s17 =	simm.s32 $0xC00;
	[sflag:s12] =	ssyncadd.s32 $0xFFFFC000  }
0x28a: {  	[spmem:s3] =	stream.indirect.scatter.add.f32 [tilespmem:s11], [sflag:$0x5], $0x80, s17, s10, $0xb8;
	[tilespmem:$0x1E300] =	vst v63  }
0x28b: {  	_ = 	snop  }
0x28c: {  	[spmem:s4] =	stream.indirect.scatter.add.f32 [tilespmem:s1], [sflag:$0x7], $0x1, s17, s10, $0xb8;
	[tilespmem:$0x1E300] =	vst v63  }
0x28d: {  	_ =	swait.ge [sflag:s13], $0x4000  }
0x28e: {  	[sflag:s13] =	ssyncset.done $0x0  }
0x28f: {  	s21 =	simm.s32 $0x480;
	[sflag:s13] =	ssyncadd.s32 $0xFFFFC000  }
0x290: {  	[tilespmem:s19], [sflag:$0x2] =	stream.indirect.gather [hbm4b:s6+s10], $0x80, s21, s10, $0xb8;
	[tilespmem:$0x1E300] =	vst v63  }
0x291: {  	_ =	swait.ge [sflag:s20], $0x4000  }
0x292: {  	[sflag:s20] =	ssyncset.done $0x0  }
0x293: {  	s8 =	simm.s32 $0xC80;
	[sflag:s20] =	ssyncadd.s32 $0xFFFFC000  }
0x294: {  	[spmem:s3] =	stream.indirect.scatter.add.f32 [tilespmem:s19], [sflag:$0x6], $0x80, s8, s10, $0xb8;
	[tilespmem:$0x1E300] =	vst v63  }
0x295: {  	_ = 	snop  }
0x296: {  	[spmem:s4] =	stream.indirect.scatter.add.f32 [tilespmem:s1], [sflag:$0x7], $0x1, s8, s10, $0xb8;
	[tilespmem:$0x1E300] =	vst v63  }
0x297: {  	_ =	swait.ge [sflag:s22], $0x4000  }
0x298: {  	[sflag:s22] =	ssyncset.done $0x0  }
0x299: {  	s26 =	simm.s32 $0x500;
	[sflag:s22] =	ssyncadd.s32 $0xFFFFC000  }
0x29a: {  	[tilespmem:s11], [sflag:$0x1] =	stream.indirect.gather [hbm4b:s6+s10], $0x80, s26, s10, $0xb8;
	[tilespmem:$0x1E300] =	vst v63  }
0x29b: {  	_ =	swait.ge [sflag:s12], $0x4000  }
0x29c: {  	[sflag:s12] =	ssyncset.done $0x0  }
0x29d: {  	s29 =	simm.s32 $0xD00;
	[sflag:s12] =	ssyncadd.s32 $0xFFFFC000  }
0x29e: {  	[spmem:s3] =	stream.indirect.scatter.add.f32 [tilespmem:s11], [sflag:$0x5], $0x80, s29, s10, $0xb8;
	[tilespmem:$0x1E300] =	vst v63  }
0x29f: {  	_ = 	snop  }
0x2a0: {  	[spmem:s4] =	stream.indirect.scatter.add.f32 [tilespmem:s1], [sflag:$0x7], $0x1, s29, s10, $0xb8;
	[tilespmem:$0x1E300] =	vst v63  }
0x2a1: {  	_ =	swait.ge [sflag:s13], $0x4000  }
0x2a2: {  	[sflag:s13] =	ssyncset.done $0x0  }
0x2a3: {  	s15 =	simm.s32 $0x580;
	[sflag:s13] =	ssyncadd.s32 $0xFFFFC000  }
0x2a4: {  	[tilespmem:s19], [sflag:$0x2] =	stream.indirect.gather [hbm4b:s6+s10], $0x80, s15, s10, $0xb8;
	[tilespmem:$0x1E300] =	vst v63  }
0x2a5: {  	_ =	swait.ge [sflag:s20], $0x4000  }
0x2a6: {  	[sflag:s20] =	ssyncset.done $0x0  }
0x2a7: {  	s17 =	simm.s32 $0xD80;
	[sflag:s20] =	ssyncadd.s32 $0xFFFFC000  }
0x2a8: {  	[spmem:s3] =	stream.indirect.scatter.add.f32 [tilespmem:s19], [sflag:$0x6], $0x80, s17, s10, $0xb8;
	[tilespmem:$0x1E300] =	vst v63  }
0x2a9: {  	_ = 	snop  }
0x2aa: {  	[spmem:s4] =	stream.indirect.scatter.add.f32 [tilespmem:s1], [sflag:$0x7], $0x1, s17, s10, $0xb8;
	[tilespmem:$0x1E300] =	vst v63  }
0x2ab: {  	_ =	swait.ge [sflag:s22], $0x4000  }
0x2ac: {  	[sflag:s22] =	ssyncset.done $0x0  }
0x2ad: {  	s21 =	simm.s32 $0x600;
	[sflag:s22] =	ssyncadd.s32 $0xFFFFC000  }
0x2ae: {  	[tilespmem:s11], [sflag:$0x1] =	stream.indirect.gather [hbm4b:s6+s10], $0x80, s21, s10, $0xb8;
	[tilespmem:$0x1E300] =	vst v63  }
0x2af: {  	_ =	swait.ge [sflag:s12], $0x4000  }
0x2b0: {  	[sflag:s12] =	ssyncset.done $0x0  }
0x2b1: {  	s26 =	simm.s32 $0xE00;
	[sflag:s12] =	ssyncadd.s32 $0xFFFFC000  }
0x2b2: {  	[spmem:s3] =	stream.indirect.scatter.add.f32 [tilespmem:s11], [sflag:$0x5], $0x80, s26, s10, $0xb8;
	[tilespmem:$0x1E300] =	vst v63  }
0x2b3: {  	_ = 	snop  }
0x2b4: {  	[spmem:s4] =	stream.indirect.scatter.add.f32 [tilespmem:s1], [sflag:$0x7], $0x1, s26, s10, $0xb8;
	[tilespmem:$0x1E300] =	vst v63  }
0x2b5: {  	_ =	swait.ge [sflag:s13], $0x4000  }
0x2b6: {  	[sflag:s13] =	ssyncset.done $0x0  }
0x2b7: {  	s29 =	simm.s32 $0x680;
	[sflag:s13] =	ssyncadd.s32 $0xFFFFC000  }
0x2b8: {  	[tilespmem:s19], [sflag:$0x2] =	stream.indirect.gather [hbm4b:s6+s10], $0x80, s29, s10, $0xb8;
	[tilespmem:$0x1E300] =	vst v63  }
0x2b9: {  	_ =	swait.ge [sflag:s20], $0x4000  }
0x2ba: {  	[sflag:s20] =	ssyncset.done $0x0  }
0x2bb: {  	s15 =	simm.s32 $0xE80;
	[sflag:s20] =	ssyncadd.s32 $0xFFFFC000  }
0x2bc: {  	[spmem:s3] =	stream.indirect.scatter.add.f32 [tilespmem:s19], [sflag:$0x6], $0x80, s15, s10, $0xb8;
	[tilespmem:$0x1E300] =	vst v63  }
0x2bd: {  	_ = 	snop  }
0x2be: {  	[spmem:s4] =	stream.indirect.scatter.add.f32 [tilespmem:s1], [sflag:$0x7], $0x1, s15, s10, $0xb8;
	[tilespmem:$0x1E300] =	vst v63  }
0x2bf: {  	_ =	swait.ge [sflag:s22], $0x4000  }
0x2c0: {  	[sflag:s22] =	ssyncset.done $0x0  }
0x2c1: {  	s17 =	simm.s32 $0x700;
	[sflag:s22] =	ssyncadd.s32 $0xFFFFC000  }
0x2c2: {  	[tilespmem:s11], [sflag:$0x1] =	stream.indirect.gather [hbm4b:s6+s10], $0x80, s17, s10, $0xb8;
	[tilespmem:$0x1E300] =	vst v63  }
0x2c3: {  	_ =	swait.ge [sflag:s12], $0x4000  }
0x2c4: {  	[sflag:s12] =	ssyncset.done $0x0  }
0x2c5: {  	s21 =	simm.s32 $0xF00;
	[sflag:s12] =	ssyncadd.s32 $0xFFFFC000  }
0x2c6: {  	[spmem:s3] =	stream.indirect.scatter.add.f32 [tilespmem:s11], [sflag:$0x5], $0x80, s21, s10, $0xb8;
	[tilespmem:$0x1E300] =	vst v63  }
0x2c7: {  	_ = 	snop  }
0x2c8: {  	[spmem:s4] =	stream.indirect.scatter.add.f32 [tilespmem:s1], [sflag:$0x7], $0x1, s21, s10, $0xb8;
	[tilespmem:$0x1E300] =	vst v63  }
0x2c9: {  	_ =	swait.ge [sflag:s13], $0x4000  }
0x2ca: {  	[sflag:s13] =	ssyncset.done $0x0  }
0x2cb: {  	s26 =	simm.s32 $0x780;
	[sflag:s13] =	ssyncadd.s32 $0xFFFFC000  }
0x2cc: {  	[tilespmem:s19], [sflag:$0x2] =	stream.indirect.gather [hbm4b:s6+s10], $0x80, s26, s10, $0xb8;
	[tilespmem:$0x1E300] =	vst v63  }
0x2cd: {  	_ =	swait.ge [sflag:s20], $0x4000  }
0x2ce: {  	[sflag:s20] =	ssyncset.done $0x0  }
0x2cf: {  	s29 =	simm.s32 $0xF80;
	[sflag:s20] =	ssyncadd.s32 $0xFFFFC000  }
0x2d0: {  	[spmem:s3] =	stream.indirect.scatter.add.f32 [tilespmem:s19], [sflag:$0x6], $0x80, s29, s10, $0xb8;
	[tilespmem:$0x1E300] =	vst v63  }
0x2d1: {  	_ = 	snop  }
0x2d2: {  	[spmem:s4] =	stream.indirect.scatter.add.f32 [tilespmem:s1], [sflag:$0x7], $0x1, s29, s10, $0xb8;
	[tilespmem:$0x1E300] =	vst v63  }
0x2d3: {  	_ =	swait.ge [sflag:s22], $0x4000  }
0x2d4: {  	[sflag:s22] =	ssyncset.done $0x0  }
0x2d5: {  	[sflag:s22] =	ssyncadd.s32 $0xFFFFC000  }
0x2d6: {  	[tilespmem:s11], [sflag:$0x1] =	stream.indirect.gather [hbm4b:s6+s10], $0x80, s9, s10, $0xb8;
	[tilespmem:$0x1E300] =	vst v63  }
0x2d7: {  	_ =	swait.ge [sflag:s28], $0x80  }
0x2d8: {  	[sflag:s28] =	ssyncset.done $0x0  }
0x2d9: {  	[sflag:s28] =	ssyncadd.s32 $0xFFFFFF80  }
0x2da: {  	_ =	swait.ge [sflag:s28], $0x80  }
0x2db: {  	[sflag:s28] =	ssyncset.done $0x0  }
0x2dc: {  	[sflag:s28] =	ssyncadd.s32 $0xFFFFFF80  }
0x2dd: {  	_ =	swait.ge [sflag:s28], $0x80  }
0x2de: {  	[sflag:s28] =	ssyncset.done $0x0  }
0x2df: {  	[sflag:s28] =	ssyncadd.s32 $0xFFFFFF80  }
0x2e0: {  	_ =	swait.ge [sflag:s28], $0x80  }
0x2e1: {  	[sflag:s28] =	ssyncset.done $0x0  }
0x2e2: {  	[sflag:s28] =	ssyncadd.s32 $0xFFFFFF80  }
0x2e3: {  	_ =	swait.ge [sflag:s28], $0x80  }
0x2e4: {  	[sflag:s28] =	ssyncset.done $0x0  }
0x2e5: {  	[sflag:s28] =	ssyncadd.s32 $0xFFFFFF80  }
0x2e6: {  	_ =	swait.ge [sflag:s28], $0x80  }
0x2e7: {  	[sflag:s28] =	ssyncset.done $0x0  }
0x2e8: {  	[sflag:s28] =	ssyncadd.s32 $0xFFFFFF80  }
0x2e9: {  	_ =	swait.ge [sflag:s28], $0x80  }
0x2ea: {  	[sflag:s28] =	ssyncset.done $0x0  }
0x2eb: {  	[sflag:s28] =	ssyncadd.s32 $0xFFFFFF80  }
0x2ec: {  	_ =	swait.ge [sflag:s28], $0x80  }
0x2ed: {  	[sflag:s28] =	ssyncset.done $0x0  }
0x2ee: {  	[sflag:s28] =	ssyncadd.s32 $0xFFFFFF80  }
0x2ef: {  	_ =	swait.ge [sflag:s28], $0x80  }
0x2f0: {  	[sflag:s28] =	ssyncset.done $0x0  }
0x2f1: {  	[sflag:s28] =	ssyncadd.s32 $0xFFFFFF80  }
0x2f2: {  	_ =	swait.ge [sflag:s28], $0x80  }
0x2f3: {  	[sflag:s28] =	ssyncset.done $0x0  }
0x2f4: {  	[sflag:s28] =	ssyncadd.s32 $0xFFFFFF80  }
0x2f5: {  	_ =	swait.ge [sflag:s28], $0x80  }
0x2f6: {  	[sflag:s28] =	ssyncset.done $0x0  }
0x2f7: {  	[sflag:s28] =	ssyncadd.s32 $0xFFFFFF80  }
0x2f8: {  	_ =	swait.ge [sflag:s28], $0x80  }
0x2f9: {  	[sflag:s28] =	ssyncset.done $0x0  }
0x2fa: {  	[sflag:s28] =	ssyncadd.s32 $0xFFFFFF80  }
0x2fb: {  	_ =	swait.ge [sflag:s28], $0x80  }
0x2fc: {  	[sflag:s28] =	ssyncset.done $0x0  }
0x2fd: {  	[sflag:s28] =	ssyncadd.s32 $0xFFFFFF80  }
0x2fe: {  	_ =	swait.ge [sflag:s28], $0x80  }
0x2ff: {  	[sflag:s28] =	ssyncset.done $0x0  }
0x300: {  	[sflag:s28] =	ssyncadd.s32 $0xFFFFFF80  }
0x301: {  	_ =	swait.ge [sflag:s28], $0x80  }
0x302: {  	[sflag:s28] =	ssyncset.done $0x0  }
0x303: {  	[sflag:s28] =	ssyncadd.s32 $0xFFFFFF80  }
0x304: {  	_ =	swait.ge [sflag:s28], $0x80  }
0x305: {  	[sflag:s28] =	ssyncset.done $0x0  }
0x306: {  	[sflag:s28] =	ssyncadd.s32 $0xFFFFFF80  }
0x307: {  	_ =	swait.ge [sflag:s31], $0x800  }
0x308: {  	[sflag:s31] =	ssyncset.done $0x0  }
0x309: {  	[sflag:s31] =	ssyncadd.s32 $0xFFFFF800  }
0x30a: {  	_ =	swait.ge [sflag:s31], $0x800  }
0x30b: {  	[sflag:s31] =	ssyncset.done $0x0  }
0x30c: {  	[sflag:s31] =	ssyncadd.s32 $0xFFFFF800  }
0x30d: {  	_ =	swait.ge [sflag:s12], $0x4000  }
0x30e: {  	[sflag:s12] =	ssyncset.done $0x0  }
0x30f: {  	[sflag:s12] =	ssyncadd.s32 $0xFFFFC000  }
0x310: {  	[spmem:s3] =	stream.indirect.scatter.add.f32 [tilespmem:s11], [sflag:$0x5], $0x80, s7, s10, $0xb8;
	[tilespmem:$0x1E300] =	vst v63  }
0x311: {  	_ = 	snop  }
0x312: {  	[spmem:s4] =	stream.indirect.scatter.add.f32 [tilespmem:s1], [sflag:$0x7], $0x1, s7, s10, $0xb8;
	[tilespmem:$0x1E300] =	vst v63  }
0x313: {  	_ =	swait.ge [sflag:s13], $0x4000  }
0x314: {  	[sflag:s13] =	ssyncset.done $0x0  }
0x315: {  	s15 =	simm.s32 $0x1080;
	[sflag:s13] =	ssyncadd.s32 $0xFFFFC000  }
0x316: {  	[tilespmem:s19], [sflag:$0x2] =	stream.indirect.gather [hbm4b:s6+s10], $0x80, s15, s10, $0xb8;
	[tilespmem:$0x1E300] =	vst v63  }
0x317: {  	_ =	swait.ge [sflag:s20], $0x4000  }
0x318: {  	[sflag:s20] =	ssyncset.done $0x0  }
0x319: {  	s17 =	simm.s32 $0x1880;
	[sflag:s20] =	ssyncadd.s32 $0xFFFFC000  }
0x31a: {  	[spmem:s3] =	stream.indirect.scatter.add.f32 [tilespmem:s19], [sflag:$0x6], $0x80, s17, s10, $0xb8;
	[tilespmem:$0x1E300] =	vst v63  }
0x31b: {  	_ = 	snop  }
0x31c: {  	[spmem:s4] =	stream.indirect.scatter.add.f32 [tilespmem:s1], [sflag:$0x7], $0x1, s17, s10, $0xb8;
	[tilespmem:$0x1E300] =	vst v63  }
0x31d: {  	_ =	swait.ge [sflag:s22], $0x4000  }
0x31e: {  	[sflag:s22] =	ssyncset.done $0x0  }
0x31f: {  	s21 =	simm.s32 $0x1100;
	[sflag:s22] =	ssyncadd.s32 $0xFFFFC000  }
0x320: {  	[tilespmem:s11], [sflag:$0x1] =	stream.indirect.gather [hbm4b:s6+s10], $0x80, s21, s10, $0xb8;
	[tilespmem:$0x1E300] =	vst v63  }
0x321: {  	_ =	swait.ge [sflag:s12], $0x4000  }
0x322: {  	[sflag:s12] =	ssyncset.done $0x0  }
0x323: {  	p1 =	por $0x0, $0x0;
	s26 =	simm.s32 $0x1900;
	[sflag:s12] =	ssyncadd.s32 $0xFFFFC000  }
0x324: {  	[spmem:s3] =	stream.indirect.scatter.add.f32 [tilespmem:s11], [sflag:$0x5], $0x80, s26, s10, $0xb8;
	[tilespmem:$0x1E300] =	vst v63  }
0x325: {  	s15 =	sadd.s32 @!p1 $0x0, s30  }
0x326: {  	[spmem:s4] =	stream.indirect.scatter.add.f32 [tilespmem:s1], [sflag:$0x7], $0x1, s26, s10, $0xb8;
	[tilespmem:$0x1E300] =	vst v63  }
0x327: {  	s15 =	sadd.s32 @!p1 $0x200, s15;
	s17 =	sadd.s32 @!p1 $0x0, s14;
	s21 =	simm.s32 @!p1 $0x0  }
0x328: {  	[tilespmem:s21], [sflag:$0x3] =	stream.linear.gather @!p1 [hbm4b:s15+s21], $0x800, $0x38;
	[tilespmem:$0x1E300] =	vst v63  }
0x329: {  	s15 =	sadd.s32 @!p1 $0x200, s17;
	s17 =	simm.s32 @!p1 $0x800  }
0x32a: {  	[tilespmem:s17], [sflag:$0x3] =	stream.linear.gather @!p1 [hbm4b:s15+s21], $0x800, $0x38;
	[tilespmem:$0x1E300] =	vst v63  }
0x32b: {  	_ =	swait.ge [sflag:s13], $0x4000  }
0x32c: {  	[sflag:s13] =	ssyncset.done $0x0  }
0x32d: {  	s29 =	simm.s32 $0x1180;
	[sflag:s13] =	ssyncadd.s32 $0xFFFFC000  }
0x32e: {  	[tilespmem:s19], [sflag:$0x2] =	stream.indirect.gather [hbm4b:s6+s10], $0x80, s29, s10, $0xb8;
	[tilespmem:$0x1E300] =	vst v63  }
0x32f: {  	_ =	swait.ge [sflag:s20], $0x4000  }
0x330: {  	[sflag:s20] =	ssyncset.done $0x0  }
0x331: {  	s0 =	simm.s32 $0x1980;
	[sflag:s20] =	ssyncadd.s32 $0xFFFFC000  }
0x332: {  	[spmem:s3] =	stream.indirect.scatter.add.f32 [tilespmem:s19], [sflag:$0x6], $0x80, s0, s10, $0xb8;
	[tilespmem:$0x1E300] =	vst v63  }
0x333: {  	_ = 	snop  }
0x334: {  	[spmem:s4] =	stream.indirect.scatter.add.f32 [tilespmem:s1], [sflag:$0x7], $0x1, s0, s10, $0xb8;
	[tilespmem:$0x1E300] =	vst v63  }
0x335: {  	_ =	swait.ge [sflag:s22], $0x4000  }
0x336: {  	[sflag:s22] =	ssyncset.done $0x0  }
0x337: {  	s15 =	simm.s32 $0x1200;
	[sflag:s22] =	ssyncadd.s32 $0xFFFFC000  }
0x338: {  	[tilespmem:s11], [sflag:$0x1] =	stream.indirect.gather [hbm4b:s6+s10], $0x80, s15, s10, $0xb8;
	[tilespmem:$0x1E300] =	vst v63  }
0x339: {  	_ =	swait.ge [sflag:s12], $0x4000  }
0x33a: {  	[sflag:s12] =	ssyncset.done $0x0  }
0x33b: {  	s17 =	simm.s32 $0x1A00;
	[sflag:s12] =	ssyncadd.s32 $0xFFFFC000  }
0x33c: {  	[spmem:s3] =	stream.indirect.scatter.add.f32 [tilespmem:s11], [sflag:$0x5], $0x80, s17, s10, $0xb8;
	[tilespmem:$0x1E300] =	vst v63  }
0x33d: {  	_ = 	snop  }
0x33e: {  	[spmem:s4] =	stream.indirect.scatter.add.f32 [tilespmem:s1], [sflag:$0x7], $0x1, s17, s10, $0xb8;
	[tilespmem:$0x1E300] =	vst v63  }
0x33f: {  	_ =	swait.ge [sflag:s13], $0x4000  }
0x340: {  	[sflag:s13] =	ssyncset.done $0x0  }
0x341: {  	s26 =	simm.s32 $0x1280;
	[sflag:s13] =	ssyncadd.s32 $0xFFFFC000  }
0x342: {  	[tilespmem:s19], [sflag:$0x2] =	stream.indirect.gather [hbm4b:s6+s10], $0x80, s26, s10, $0xb8;
	[tilespmem:$0x1E300] =	vst v63  }
0x343: {  	_ =	swait.ge [sflag:s20], $0x4000  }
0x344: {  	[sflag:s20] =	ssyncset.done $0x0  }
0x345: {  	s29 =	simm.s32 $0x1A80;
	[sflag:s20] =	ssyncadd.s32 $0xFFFFC000  }
0x346: {  	[spmem:s3] =	stream.indirect.scatter.add.f32 [tilespmem:s19], [sflag:$0x6], $0x80, s29, s10, $0xb8;
	[tilespmem:$0x1E300] =	vst v63  }
0x347: {  	_ = 	snop  }
0x348: {  	[spmem:s4] =	stream.indirect.scatter.add.f32 [tilespmem:s1], [sflag:$0x7], $0x1, s29, s10, $0xb8;
	[tilespmem:$0x1E300] =	vst v63  }
0x349: {  	_ =	swait.ge [sflag:s22], $0x4000  }
0x34a: {  	[sflag:s22] =	ssyncset.done $0x0  }
0x34b: {  	s9 =	simm.s32 $0x1300;
	[sflag:s22] =	ssyncadd.s32 $0xFFFFC000  }
0x34c: {  	[tilespmem:s11], [sflag:$0x1] =	stream.indirect.gather [hbm4b:s6+s10], $0x80, s9, s10, $0xb8;
	[tilespmem:$0x1E300] =	vst v63  }
0x34d: {  	_ =	swait.ge [sflag:s12], $0x4000  }
0x34e: {  	[sflag:s12] =	ssyncset.done $0x0  }
0x34f: {  	s15 =	simm.s32 $0x1B00;
	[sflag:s12] =	ssyncadd.s32 $0xFFFFC000  }
0x350: {  	[spmem:s3] =	stream.indirect.scatter.add.f32 [tilespmem:s11], [sflag:$0x5], $0x80, s15, s10, $0xb8;
	[tilespmem:$0x1E300] =	vst v63  }
0x351: {  	_ = 	snop  }
0x352: {  	[spmem:s4] =	stream.indirect.scatter.add.f32 [tilespmem:s1], [sflag:$0x7], $0x1, s15, s10, $0xb8;
	[tilespmem:$0x1E300] =	vst v63  }
0x353: {  	_ =	swait.ge [sflag:s13], $0x4000  }
0x354: {  	[sflag:s13] =	ssyncset.done $0x0  }
0x355: {  	s17 =	simm.s32 $0x1380;
	[sflag:s13] =	ssyncadd.s32 $0xFFFFC000  }
0x356: {  	[tilespmem:s19], [sflag:$0x2] =	stream.indirect.gather [hbm4b:s6+s10], $0x80, s17, s10, $0xb8;
	[tilespmem:$0x1E300] =	vst v63  }
0x357: {  	_ =	swait.ge [sflag:s20], $0x4000  }
0x358: {  	[sflag:s20] =	ssyncset.done $0x0  }
0x359: {  	s26 =	simm.s32 $0x1B80;
	[sflag:s20] =	ssyncadd.s32 $0xFFFFC000  }
0x35a: {  	[spmem:s3] =	stream.indirect.scatter.add.f32 [tilespmem:s19], [sflag:$0x6], $0x80, s26, s10, $0xb8;
	[tilespmem:$0x1E300] =	vst v63  }
0x35b: {  	_ = 	snop  }
0x35c: {  	[spmem:s4] =	stream.indirect.scatter.add.f32 [tilespmem:s1], [sflag:$0x7], $0x1, s26, s10, $0xb8;
	[tilespmem:$0x1E300] =	vst v63  }
0x35d: {  	_ =	swait.ge [sflag:s22], $0x4000  }
0x35e: {  	[sflag:s22] =	ssyncset.done $0x0  }
0x35f: {  	s29 =	simm.s32 $0x1400;
	[sflag:s22] =	ssyncadd.s32 $0xFFFFC000  }
0x360: {  	[tilespmem:s11], [sflag:$0x1] =	stream.indirect.gather [hbm4b:s6+s10], $0x80, s29, s10, $0xb8;
	[tilespmem:$0x1E300] =	vst v63  }
0x361: {  	_ =	swait.ge [sflag:s12], $0x4000  }
0x362: {  	[sflag:s12] =	ssyncset.done $0x0  }
0x363: {  	s9 =	simm.s32 $0x1C00;
	[sflag:s12] =	ssyncadd.s32 $0xFFFFC000  }
0x364: {  	[spmem:s3] =	stream.indirect.scatter.add.f32 [tilespmem:s11], [sflag:$0x5], $0x80, s9, s10, $0xb8;
	[tilespmem:$0x1E300] =	vst v63  }
0x365: {  	_ = 	snop  }
0x366: {  	[spmem:s4] =	stream.indirect.scatter.add.f32 [tilespmem:s1], [sflag:$0x7], $0x1, s9, s10, $0xb8;
	[tilespmem:$0x1E300] =	vst v63  }
0x367: {  	_ =	swait.ge [sflag:s13], $0x4000  }
0x368: {  	[sflag:s13] =	ssyncset.done $0x0  }
0x369: {  	s15 =	simm.s32 $0x1480;
	[sflag:s13] =	ssyncadd.s32 $0xFFFFC000  }
0x36a: {  	[tilespmem:s19], [sflag:$0x2] =	stream.indirect.gather [hbm4b:s6+s10], $0x80, s15, s10, $0xb8;
	[tilespmem:$0x1E300] =	vst v63  }
0x36b: {  	_ =	swait.ge [sflag:s20], $0x4000  }
0x36c: {  	[sflag:s20] =	ssyncset.done $0x0  }
0x36d: {  	s17 =	simm.s32 $0x1C80;
	[sflag:s20] =	ssyncadd.s32 $0xFFFFC000  }
0x36e: {  	[spmem:s3] =	stream.indirect.scatter.add.f32 [tilespmem:s19], [sflag:$0x6], $0x80, s17, s10, $0xb8;
	[tilespmem:$0x1E300] =	vst v63  }
0x36f: {  	_ = 	snop  }
0x370: {  	[spmem:s4] =	stream.indirect.scatter.add.f32 [tilespmem:s1], [sflag:$0x7], $0x1, s17, s10, $0xb8;
	[tilespmem:$0x1E300] =	vst v63  }
0x371: {  	_ =	swait.ge [sflag:s22], $0x4000  }
0x372: {  	[sflag:s22] =	ssyncset.done $0x0  }
0x373: {  	s26 =	simm.s32 $0x1500;
	[sflag:s22] =	ssyncadd.s32 $0xFFFFC000  }
0x374: {  	[tilespmem:s11], [sflag:$0x1] =	stream.indirect.gather [hbm4b:s6+s10], $0x80, s26, s10, $0xb8;
	[tilespmem:$0x1E300] =	vst v63  }
0x375: {  	_ =	swait.ge [sflag:s12], $0x4000  }
0x376: {  	[sflag:s12] =	ssyncset.done $0x0  }
0x377: {  	s29 =	simm.s32 $0x1D00;
	[sflag:s12] =	ssyncadd.s32 $0xFFFFC000  }
0x378: {  	[spmem:s3] =	stream.indirect.scatter.add.f32 [tilespmem:s11], [sflag:$0x5], $0x80, s29, s10, $0xb8;
	[tilespmem:$0x1E300] =	vst v63  }
0x379: {  	_ = 	snop  }
0x37a: {  	[spmem:s4] =	stream.indirect.scatter.add.f32 [tilespmem:s1], [sflag:$0x7], $0x1, s29, s10, $0xb8;
	[tilespmem:$0x1E300] =	vst v63  }
0x37b: {  	_ =	swait.ge [sflag:s13], $0x4000  }
0x37c: {  	[sflag:s13] =	ssyncset.done $0x0  }
0x37d: {  	s9 =	simm.s32 $0x1580;
	[sflag:s13] =	ssyncadd.s32 $0xFFFFC000  }
0x37e: {  	[tilespmem:s19], [sflag:$0x2] =	stream.indirect.gather [hbm4b:s6+s10], $0x80, s9, s10, $0xb8;
	[tilespmem:$0x1E300] =	vst v63  }
0x37f: {  	_ =	swait.ge [sflag:s20], $0x4000  }
0x380: {  	[sflag:s20] =	ssyncset.done $0x0  }
0x381: {  	s15 =	simm.s32 $0x1D80;
	[sflag:s20] =	ssyncadd.s32 $0xFFFFC000  }
0x382: {  	[spmem:s3] =	stream.indirect.scatter.add.f32 [tilespmem:s19], [sflag:$0x6], $0x80, s15, s10, $0xb8;
	[tilespmem:$0x1E300] =	vst v63  }
0x383: {  	_ = 	snop  }
0x384: {  	[spmem:s4] =	stream.indirect.scatter.add.f32 [tilespmem:s1], [sflag:$0x7], $0x1, s15, s10, $0xb8;
	[tilespmem:$0x1E300] =	vst v63  }
0x385: {  	_ =	swait.ge [sflag:s22], $0x4000  }
0x386: {  	[sflag:s22] =	ssyncset.done $0x0  }
0x387: {  	s17 =	simm.s32 $0x1600;
	[sflag:s22] =	ssyncadd.s32 $0xFFFFC000  }
0x388: {  	[tilespmem:s11], [sflag:$0x1] =	stream.indirect.gather [hbm4b:s6+s10], $0x80, s17, s10, $0xb8;
	[tilespmem:$0x1E300] =	vst v63  }
0x389: {  	_ =	swait.ge [sflag:s12], $0x4000  }
0x38a: {  	[sflag:s12] =	ssyncset.done $0x0  }
0x38b: {  	s26 =	simm.s32 $0x1E00;
	[sflag:s12] =	ssyncadd.s32 $0xFFFFC000  }
0x38c: {  	[spmem:s3] =	stream.indirect.scatter.add.f32 [tilespmem:s11], [sflag:$0x5], $0x80, s26, s10, $0xb8;
	[tilespmem:$0x1E300] =	vst v63  }
0x38d: {  	_ = 	snop  }
0x38e: {  	[spmem:s4] =	stream.indirect.scatter.add.f32 [tilespmem:s1], [sflag:$0x7], $0x1, s26, s10, $0xb8;
	[tilespmem:$0x1E300] =	vst v63  }
0x38f: {  	_ =	swait.ge [sflag:s13], $0x4000  }
0x390: {  	[sflag:s13] =	ssyncset.done $0x0  }
0x391: {  	s29 =	simm.s32 $0x1680;
	[sflag:s13] =	ssyncadd.s32 $0xFFFFC000  }
0x392: {  	[tilespmem:s19], [sflag:$0x2] =	stream.indirect.gather [hbm4b:s6+s10], $0x80, s29, s10, $0xb8;
	[tilespmem:$0x1E300] =	vst v63  }
0x393: {  	_ =	swait.ge [sflag:s20], $0x4000  }
0x394: {  	[sflag:s20] =	ssyncset.done $0x0  }
0x395: {  	s9 =	simm.s32 $0x1E80;
	[sflag:s20] =	ssyncadd.s32 $0xFFFFC000  }
0x396: {  	[spmem:s3] =	stream.indirect.scatter.add.f32 [tilespmem:s19], [sflag:$0x6], $0x80, s9, s10, $0xb8;
	[tilespmem:$0x1E300] =	vst v63  }
0x397: {  	_ = 	snop  }
0x398: {  	[spmem:s4] =	stream.indirect.scatter.add.f32 [tilespmem:s1], [sflag:$0x7], $0x1, s9, s10, $0xb8;
	[tilespmem:$0x1E300] =	vst v63  }
0x399: {  	_ =	swait.ge [sflag:s22], $0x4000  }
0x39a: {  	[sflag:s22] =	ssyncset.done $0x0  }
0x39b: {  	s15 =	simm.s32 $0x1700;
	[sflag:s22] =	ssyncadd.s32 $0xFFFFC000  }
0x39c: {  	[tilespmem:s11], [sflag:$0x1] =	stream.indirect.gather [hbm4b:s6+s10], $0x80, s15, s10, $0xb8;
	[tilespmem:$0x1E300] =	vst v63  }
0x39d: {  	_ =	swait.ge [sflag:s12], $0x4000  }
0x39e: {  	[sflag:s12] =	ssyncset.done $0x0  }
0x39f: {  	s17 =	simm.s32 $0x1F00;
	[sflag:s12] =	ssyncadd.s32 $0xFFFFC000  }
0x3a0: {  	[spmem:s3] =	stream.indirect.scatter.add.f32 [tilespmem:s11], [sflag:$0x5], $0x80, s17, s10, $0xb8;
	[tilespmem:$0x1E300] =	vst v63  }
0x3a1: {  	_ = 	snop  }
0x3a2: {  	[spmem:s4] =	stream.indirect.scatter.add.f32 [tilespmem:s1], [sflag:$0x7], $0x1, s17, s10, $0xb8;
	[tilespmem:$0x1E300] =	vst v63  }
0x3a3: {  	_ =	swait.ge [sflag:s13], $0x4000  }
0x3a4: {  	[sflag:s13] =	ssyncset.done $0x0  }
0x3a5: {  	s26 =	simm.s32 $0x1780;
	[sflag:s13] =	ssyncadd.s32 $0xFFFFC000  }
0x3a6: {  	[tilespmem:s19], [sflag:$0x2] =	stream.indirect.gather [hbm4b:s6+s10], $0x80, s26, s10, $0xb8;
	[tilespmem:$0x1E300] =	vst v63  }
0x3a7: {  	_ =	swait.ge [sflag:s20], $0x4000  }
0x3a8: {  	[sflag:s20] =	ssyncset.done $0x0  }
0x3a9: {  	s29 =	simm.s32 $0x1F80;
	[sflag:s20] =	ssyncadd.s32 $0xFFFFC000  }
0x3aa: {  	[spmem:s3] =	stream.indirect.scatter.add.f32 [tilespmem:s19], [sflag:$0x6], $0x80, s29, s10, $0xb8;
	[tilespmem:$0x1E300] =	vst v63  }
0x3ab: {  	_ = 	snop  }
0x3ac: {  	[spmem:s4] =	stream.indirect.scatter.add.f32 [tilespmem:s1], [sflag:$0x7], $0x1, s29, s10, $0xb8;
	[tilespmem:$0x1E300] =	vst v63  }
0x3ad: {  	_ =	swait.ge [sflag:s22], $0x4000  }
0x3ae: {  	[sflag:s22] =	ssyncset.done $0x0  }
0x3af: {  	s15 =	simm.s32 @!p1 $0x80;
	s17 =	simm.s32 @!p1 $0x2000;
	[sflag:s22] =	ssyncadd.s32 $0xFFFFC000  }
0x3b0: {  	[tilespmem:s17], [sflag:$0x1] =	stream.indirect.gather @!p1 [hbm4b:s6+s15], $0x80, s21, s15, $0xb8;
	[tilespmem:$0x1E300] =	vst v63  }
0x3b1: {  	_ =	swait.ge [sflag:s28], $0x80  }
0x3b2: {  	[sflag:s28] =	ssyncset.done $0x0  }
0x3b3: {  	[sflag:s28] =	ssyncadd.s32 $0xFFFFFF80  }
0x3b4: {  	_ =	swait.ge [sflag:s28], $0x80  }
0x3b5: {  	[sflag:s28] =	ssyncset.done $0x0  }
0x3b6: {  	[sflag:s28] =	ssyncadd.s32 $0xFFFFFF80  }
0x3b7: {  	_ =	swait.ge [sflag:s28], $0x80  }
0x3b8: {  	[sflag:s28] =	ssyncset.done $0x0  }
0x3b9: {  	[sflag:s28] =	ssyncadd.s32 $0xFFFFFF80  }
0x3ba: {  	_ =	swait.ge [sflag:s28], $0x80  }
0x3bb: {  	[sflag:s28] =	ssyncset.done $0x0  }
0x3bc: {  	[sflag:s28] =	ssyncadd.s32 $0xFFFFFF80  }
0x3bd: {  	_ =	swait.ge [sflag:s28], $0x80  }
0x3be: {  	[sflag:s28] =	ssyncset.done $0x0  }
0x3bf: {  	[sflag:s28] =	ssyncadd.s32 $0xFFFFFF80  }
0x3c0: {  	_ =	swait.ge [sflag:s28], $0x80  }
0x3c1: {  	[sflag:s28] =	ssyncset.done $0x0  }
0x3c2: {  	[sflag:s28] =	ssyncadd.s32 $0xFFFFFF80  }
0x3c3: {  	_ =	swait.ge [sflag:s28], $0x80  }
0x3c4: {  	[sflag:s28] =	ssyncset.done $0x0  }
0x3c5: {  	[sflag:s28] =	ssyncadd.s32 $0xFFFFFF80  }
0x3c6: {  	_ =	swait.ge [sflag:s28], $0x80  }
0x3c7: {  	[sflag:s28] =	ssyncset.done $0x0  }
0x3c8: {  	[sflag:s28] =	ssyncadd.s32 $0xFFFFFF80  }
0x3c9: {  	_ =	swait.ge [sflag:s28], $0x80  }
0x3ca: {  	[sflag:s28] =	ssyncset.done $0x0  }
0x3cb: {  	[sflag:s28] =	ssyncadd.s32 $0xFFFFFF80  }
0x3cc: {  	_ =	swait.ge [sflag:s28], $0x80  }
0x3cd: {  	[sflag:s28] =	ssyncset.done $0x0  }
0x3ce: {  	[sflag:s28] =	ssyncadd.s32 $0xFFFFFF80  }
0x3cf: {  	_ =	swait.ge [sflag:s28], $0x80  }
0x3d0: {  	[sflag:s28] =	ssyncset.done $0x0  }
0x3d1: {  	[sflag:s28] =	ssyncadd.s32 $0xFFFFFF80  }
0x3d2: {  	_ =	swait.ge [sflag:s28], $0x80  }
0x3d3: {  	[sflag:s28] =	ssyncset.done $0x0  }
0x3d4: {  	[sflag:s28] =	ssyncadd.s32 $0xFFFFFF80  }
0x3d5: {  	_ =	swait.ge [sflag:s28], $0x80  }
0x3d6: {  	[sflag:s28] =	ssyncset.done $0x0  }
0x3d7: {  	[sflag:s28] =	ssyncadd.s32 $0xFFFFFF80  }
0x3d8: {  	_ =	swait.ge [sflag:s28], $0x80  }
0x3d9: {  	[sflag:s28] =	ssyncset.done $0x0  }
0x3da: {  	[sflag:s28] =	ssyncadd.s32 $0xFFFFFF80  }
0x3db: {  	_ =	swait.ge [sflag:s28], $0x80  }
0x3dc: {  	[sflag:s28] =	ssyncset.done $0x0  }
0x3dd: {  	[sflag:s28] =	ssyncadd.s32 $0xFFFFFF80  }
0x3de: {  	s26 =	simm.s32 $0x200;
	s21 =	simm.s32 $0x400;
	_ =	swait.ge [sflag:s28], $0x80  }
.LBB2_6:
0x3df: {  	p2 =	seq.s32 s26, $0x0;
	[sflag:s28] =	ssyncset.done $0x0  }
0x3e0: {  	s15 =	simm.s32 @!p2 $0x3;
	[sflag:s28] =	ssyncadd.s32 $0xFFFFFF80  }
0x3e1: {  	_ =	swait.ge @!p2 [sflag:s15], $0x800  }
0x3e2: {  	[sflag:s15] =	ssyncset.done @!p2 $0x0  }
0x3e3: {  	[sflag:s15] =	ssyncadd.s32 @!p2 $0xFFFFF800  }
0x3e4: {  	_ =	swait.ge @!p2 [sflag:s15], $0x800  }
0x3e5: {  	[sflag:s15] =	ssyncset.done @!p2 $0x0  }
0x3e6: {  	[sflag:s15] =	ssyncadd.s32 @!p2 $0xFFFFF800  }
0x3e7: {  	_ =	swait.ge [sflag:s12], $0x4000  }
0x3e8: {  	[sflag:s12] =	ssyncset.done $0x0  }
0x3e9: {  	s9 =	simm.s32 $0x800;
	[sflag:s12] =	ssyncadd.s32 $0xFFFFC000  }
0x3ea: {  	[spmem:s3] =	stream.indirect.scatter.add.f32 [tilespmem:s11], [sflag:$0x5], $0x80, s9, s10, $0xb8;
	[tilespmem:$0x1E300] =	vst v63  }
0x3eb: {  	s15 =	simm.s32 @!p2 $0x6  }
0x3ec: {  	[spmem:s4] =	stream.indirect.scatter.add.f32 [tilespmem:s1], [sflag:$0x7], $0x1, s9, s10, $0xb8;
	[tilespmem:$0x1E300] =	vst v63  }
0x3ed: {  	_ =	swait.ge @!p2 [sflag:s15], $0x4000  }
0x3ee: {  	[sflag:s15] =	ssyncset.done @!p2 $0x0  }
0x3ef: {  	[sflag:s15] =	ssyncadd.s32 @!p2 $0xFFFFC000  }
0x3f0: {  	[tilespmem:s19], [sflag:$0x2] =	stream.indirect.gather [hbm4b:s6+s10], $0x80, s10, s10, $0xb8;
	[tilespmem:$0x1E300] =	vst v63  }
0x3f1: {  	_ =	swait.ge [sflag:s20], $0x4000  }
0x3f2: {  	[sflag:s20] =	ssyncset.done $0x0  }
0x3f3: {  	[sflag:s20] =	ssyncadd.s32 $0xFFFFC000  }
0x3f4: {  	[spmem:s3] =	stream.indirect.scatter.add.f32 [tilespmem:s19], [sflag:$0x6], $0x80, s23, s10, $0xb8;
	[tilespmem:$0x1E300] =	vst v63  }
0x3f5: {  	_ = 	snop  }
0x3f6: {  	[spmem:s4] =	stream.indirect.scatter.add.f32 [tilespmem:s1], [sflag:$0x7], $0x1, s23, s10, $0xb8;
	[tilespmem:$0x1E300] =	vst v63  }
0x3f7: {  	_ =	swait.ge [sflag:s22], $0x4000  }
0x3f8: {  	[sflag:s22] =	ssyncset.done $0x0  }
0x3f9: {  	s0 =	simm.s32 $0x100;
	[sflag:s22] =	ssyncadd.s32 $0xFFFFC000  }
0x3fa: {  	[tilespmem:s11], [sflag:$0x1] =	stream.indirect.gather [hbm4b:s6+s10], $0x80, s0, s10, $0xb8;
	[tilespmem:$0x1E300] =	vst v63  }
0x3fb: {  	_ =	swait.ge [sflag:s12], $0x4000  }
0x3fc: {  	[sflag:s12] =	ssyncset.done $0x0  }
0x3fd: {  	s0 =	simm.s32 $0x900;
	[sflag:s12] =	ssyncadd.s32 $0xFFFFC000  }
0x3fe: {  	[spmem:s3] =	stream.indirect.scatter.add.f32 [tilespmem:s11], [sflag:$0x5], $0x80, s0, s10, $0xb8;
	[tilespmem:$0x1E300] =	vst v63  }
0x3ff: {  	s17 =	sadd.s32 s26, s14;
	s9 =	sadd.s32 s26, s30  }
0x400: {  	[spmem:s4] =	stream.indirect.scatter.add.f32 [tilespmem:s1], [sflag:$0x7], $0x1, s0, s10, $0xb8;
	[tilespmem:$0x1E300] =	vst v63  }
0x401: {  	s15 =	sadd.s32 $0x100, s9;
	s9 =	simm.s32 $0x1000;
	s0 =	simm.s32 $0x0  }
0x402: {  	[tilespmem:s9], [sflag:$0x4] =	stream.linear.gather [hbm4b:s15+s0], $0x800, $0x38;
	[tilespmem:$0x1E300] =	vst v63  }
0x403: {  	s17 =	sadd.s32 $0x100, s17  }
0x404: {  	[tilespmem:s7], [sflag:$0x4] =	stream.linear.gather [hbm4b:s17+s0], $0x800, $0x38;
	[tilespmem:$0x1E300] =	vst v63  }
0x405: {  	_ =	swait.ge [sflag:s13], $0x4000  }
0x406: {  	[sflag:s13] =	ssyncset.done $0x0  }
0x407: {  	s17 =	simm.s32 $0x180;
	[sflag:s13] =	ssyncadd.s32 $0xFFFFC000  }
0x408: {  	[tilespmem:s19], [sflag:$0x2] =	stream.indirect.gather [hbm4b:s6+s10], $0x80, s17, s10, $0xb8;
	[tilespmem:$0x1E300] =	vst v63  }
0x409: {  	_ =	swait.ge [sflag:s20], $0x4000  }
0x40a: {  	[sflag:s20] =	ssyncset.done $0x0  }
0x40b: {  	[sflag:s20] =	ssyncadd.s32 $0xFFFFC000  }
0x40c: {  	[spmem:s3] =	stream.indirect.scatter.add.f32 [tilespmem:s19], [sflag:$0x6], $0x80, s5, s10, $0xb8;
	[tilespmem:$0x1E300] =	vst v63  }
0x40d: {  	_ = 	snop  }
0x40e: {  	[spmem:s4] =	stream.indirect.scatter.add.f32 [tilespmem:s1], [sflag:$0x7], $0x1, s5, s10, $0xb8;
	[tilespmem:$0x1E300] =	vst v63  }
0x40f: {  	_ =	swait.ge [sflag:s22], $0x4000  }
0x410: {  	[sflag:s22] =	ssyncset.done $0x0  }
0x411: {  	s0 =	simm.s32 $0x200;
	[sflag:s22] =	ssyncadd.s32 $0xFFFFC000  }
0x412: {  	[tilespmem:s11], [sflag:$0x1] =	stream.indirect.gather [hbm4b:s6+s10], $0x80, s0, s10, $0xb8;
	[tilespmem:$0x1E300] =	vst v63  }
0x413: {  	_ =	swait.ge [sflag:s12], $0x4000  }
0x414: {  	[sflag:s12] =	ssyncset.done $0x0  }
0x415: {  	[sflag:s12] =	ssyncadd.s32 $0xFFFFC000  }
0x416: {  	[spmem:s3] =	stream.indirect.scatter.add.f32 [tilespmem:s11], [sflag:$0x5], $0x80, s24, s10, $0xb8;
	[tilespmem:$0x1E300] =	vst v63  }
0x417: {  	_ = 	snop  }
0x418: {  	[spmem:s4] =	stream.indirect.scatter.add.f32 [tilespmem:s1], [sflag:$0x7], $0x1, s24, s10, $0xb8;
	[tilespmem:$0x1E300] =	vst v63  }
0x419: {  	_ =	swait.ge [sflag:s13], $0x4000  }
0x41a: {  	[sflag:s13] =	ssyncset.done $0x0  }
0x41b: {  	s17 =	simm.s32 $0x280;
	[sflag:s13] =	ssyncadd.s32 $0xFFFFC000  }
0x41c: {  	[tilespmem:s19], [sflag:$0x2] =	stream.indirect.gather [hbm4b:s6+s10], $0x80, s17, s10, $0xb8;
	[tilespmem:$0x1E300] =	vst v63  }
0x41d: {  	_ =	swait.ge [sflag:s20], $0x4000  }
0x41e: {  	[sflag:s20] =	ssyncset.done $0x0  }
0x41f: {  	[sflag:s20] =	ssyncadd.s32 $0xFFFFC000  }
0x420: {  	[spmem:s3] =	stream.indirect.scatter.add.f32 [tilespmem:s19], [sflag:$0x6], $0x80, s25, s10, $0xb8;
	[tilespmem:$0x1E300] =	vst v63  }
0x421: {  	_ = 	snop  }
0x422: {  	[spmem:s4] =	stream.indirect.scatter.add.f32 [tilespmem:s1], [sflag:$0x7], $0x1, s25, s10, $0xb8;
	[tilespmem:$0x1E300] =	vst v63  }
0x423: {  	_ =	swait.ge [sflag:s22], $0x4000  }
0x424: {  	[sflag:s22] =	ssyncset.done $0x0  }
0x425: {  	s0 =	simm.s32 $0x300;
	[sflag:s22] =	ssyncadd.s32 $0xFFFFC000  }
0x426: {  	[tilespmem:s11], [sflag:$0x1] =	stream.indirect.gather [hbm4b:s6+s10], $0x80, s0, s10, $0xb8;
	[tilespmem:$0x1E300] =	vst v63  }
0x427: {  	_ =	swait.ge [sflag:s12], $0x4000  }
0x428: {  	[sflag:s12] =	ssyncset.done $0x0  }
0x429: {  	[sflag:s12] =	ssyncadd.s32 $0xFFFFC000  }
0x42a: {  	[spmem:s3] =	stream.indirect.scatter.add.f32 [tilespmem:s11], [sflag:$0x5], $0x80, s16, s10, $0xb8;
	[tilespmem:$0x1E300] =	vst v63  }
0x42b: {  	_ = 	snop  }
0x42c: {  	[spmem:s4] =	stream.indirect.scatter.add.f32 [tilespmem:s1], [sflag:$0x7], $0x1, s16, s10, $0xb8;
	[tilespmem:$0x1E300] =	vst v63  }
0x42d: {  	_ =	swait.ge [sflag:s13], $0x4000  }
0x42e: {  	[sflag:s13] =	ssyncset.done $0x0  }
0x42f: {  	s17 =	simm.s32 $0x380;
	[sflag:s13] =	ssyncadd.s32 $0xFFFFC000  }
0x430: {  	[tilespmem:s19], [sflag:$0x2] =	stream.indirect.gather [hbm4b:s6+s10], $0x80, s17, s10, $0xb8;
	[tilespmem:$0x1E300] =	vst v63  }
0x431: {  	_ =	swait.ge [sflag:s20], $0x4000  }
0x432: {  	[sflag:s20] =	ssyncset.done $0x0  }
0x433: {  	[sflag:s20] =	ssyncadd.s32 $0xFFFFC000  }
0x434: {  	[spmem:s3] =	stream.indirect.scatter.add.f32 [tilespmem:s19], [sflag:$0x6], $0x80, s18, s10, $0xb8;
	[tilespmem:$0x1E300] =	vst v63  }
0x435: {  	_ = 	snop  }
0x436: {  	[spmem:s4] =	stream.indirect.scatter.add.f32 [tilespmem:s1], [sflag:$0x7], $0x1, s18, s10, $0xb8;
	[tilespmem:$0x1E300] =	vst v63  }
0x437: {  	_ =	swait.ge [sflag:s22], $0x4000  }
0x438: {  	[sflag:s22] =	ssyncset.done $0x0  }
0x439: {  	s15 =	simm.s32 $0x400;
	[sflag:s22] =	ssyncadd.s32 $0xFFFFC000  }
0x43a: {  	[tilespmem:s11], [sflag:$0x1] =	stream.indirect.gather [hbm4b:s6+s10], $0x80, s15, s10, $0xb8;
	[tilespmem:$0x1E300] =	vst v63  }
0x43b: {  	_ =	swait.ge [sflag:s12], $0x4000  }
0x43c: {  	[sflag:s12] =	ssyncset.done $0x0  }
0x43d: {  	s17 =	simm.s32 $0xC00;
	[sflag:s12] =	ssyncadd.s32 $0xFFFFC000  }
0x43e: {  	[spmem:s3] =	stream.indirect.scatter.add.f32 [tilespmem:s11], [sflag:$0x5], $0x80, s17, s10, $0xb8;
	[tilespmem:$0x1E300] =	vst v63  }
0x43f: {  	_ = 	snop  }
0x440: {  	[spmem:s4] =	stream.indirect.scatter.add.f32 [tilespmem:s1], [sflag:$0x7], $0x1, s17, s10, $0xb8;
	[tilespmem:$0x1E300] =	vst v63  }
0x441: {  	_ =	swait.ge [sflag:s13], $0x4000  }
0x442: {  	[sflag:s13] =	ssyncset.done $0x0  }
0x443: {  	s15 =	simm.s32 $0x480;
	[sflag:s13] =	ssyncadd.s32 $0xFFFFC000  }
0x444: {  	[tilespmem:s19], [sflag:$0x2] =	stream.indirect.gather [hbm4b:s6+s10], $0x80, s15, s10, $0xb8;
	[tilespmem:$0x1E300] =	vst v63  }
0x445: {  	_ =	swait.ge [sflag:s20], $0x4000  }
0x446: {  	[sflag:s20] =	ssyncset.done $0x0  }
0x447: {  	[sflag:s20] =	ssyncadd.s32 $0xFFFFC000  }
0x448: {  	[spmem:s3] =	stream.indirect.scatter.add.f32 [tilespmem:s19], [sflag:$0x6], $0x80, s8, s10, $0xb8;
	[tilespmem:$0x1E300] =	vst v63  }
0x449: {  	_ = 	snop  }
0x44a: {  	[spmem:s4] =	stream.indirect.scatter.add.f32 [tilespmem:s1], [sflag:$0x7], $0x1, s8, s10, $0xb8;
	[tilespmem:$0x1E300] =	vst v63  }
0x44b: {  	_ =	swait.ge [sflag:s22], $0x4000  }
0x44c: {  	[sflag:s22] =	ssyncset.done $0x0  }
0x44d: {  	s17 =	simm.s32 $0x500;
	[sflag:s22] =	ssyncadd.s32 $0xFFFFC000  }
0x44e: {  	[tilespmem:s11], [sflag:$0x1] =	stream.indirect.gather [hbm4b:s6+s10], $0x80, s17, s10, $0xb8;
	[tilespmem:$0x1E300] =	vst v63  }
0x44f: {  	_ =	swait.ge [sflag:s12], $0x4000  }
0x450: {  	[sflag:s12] =	ssyncset.done $0x0  }
0x451: {  	s15 =	simm.s32 $0xD00;
	[sflag:s12] =	ssyncadd.s32 $0xFFFFC000  }
0x452: {  	[spmem:s3] =	stream.indirect.scatter.add.f32 [tilespmem:s11], [sflag:$0x5], $0x80, s15, s10, $0xb8;
	[tilespmem:$0x1E300] =	vst v63  }
0x453: {  	_ = 	snop  }
0x454: {  	[spmem:s4] =	stream.indirect.scatter.add.f32 [tilespmem:s1], [sflag:$0x7], $0x1, s15, s10, $0xb8;
	[tilespmem:$0x1E300] =	vst v63  }
0x455: {  	_ =	swait.ge [sflag:s13], $0x4000  }
0x456: {  	[sflag:s13] =	ssyncset.done $0x0  }
0x457: {  	s17 =	simm.s32 $0x580;
	[sflag:s13] =	ssyncadd.s32 $0xFFFFC000  }
0x458: {  	[tilespmem:s19], [sflag:$0x2] =	stream.indirect.gather [hbm4b:s6+s10], $0x80, s17, s10, $0xb8;
	[tilespmem:$0x1E300] =	vst v63  }
0x459: {  	_ =	swait.ge [sflag:s20], $0x4000  }
0x45a: {  	[sflag:s20] =	ssyncset.done $0x0  }
0x45b: {  	s15 =	simm.s32 $0xD80;
	[sflag:s20] =	ssyncadd.s32 $0xFFFFC000  }
0x45c: {  	[spmem:s3] =	stream.indirect.scatter.add.f32 [tilespmem:s19], [sflag:$0x6], $0x80, s15, s10, $0xb8;
	[tilespmem:$0x1E300] =	vst v63  }
0x45d: {  	_ = 	snop  }
0x45e: {  	[spmem:s4] =	stream.indirect.scatter.add.f32 [tilespmem:s1], [sflag:$0x7], $0x1, s15, s10, $0xb8;
	[tilespmem:$0x1E300] =	vst v63  }
0x45f: {  	_ =	swait.ge [sflag:s22], $0x4000  }
0x460: {  	[sflag:s22] =	ssyncset.done $0x0  }
0x461: {  	s17 =	simm.s32 $0x600;
	[sflag:s22] =	ssyncadd.s32 $0xFFFFC000  }
0x462: {  	[tilespmem:s11], [sflag:$0x1] =	stream.indirect.gather [hbm4b:s6+s10], $0x80, s17, s10, $0xb8;
	[tilespmem:$0x1E300] =	vst v63  }
0x463: {  	_ =	swait.ge [sflag:s12], $0x4000  }
0x464: {  	[sflag:s12] =	ssyncset.done $0x0  }
0x465: {  	s15 =	simm.s32 $0xE00;
	[sflag:s12] =	ssyncadd.s32 $0xFFFFC000  }
0x466: {  	[spmem:s3] =	stream.indirect.scatter.add.f32 [tilespmem:s11], [sflag:$0x5], $0x80, s15, s10, $0xb8;
	[tilespmem:$0x1E300] =	vst v63  }
0x467: {  	_ = 	snop  }
0x468: {  	[spmem:s4] =	stream.indirect.scatter.add.f32 [tilespmem:s1], [sflag:$0x7], $0x1, s15, s10, $0xb8;
	[tilespmem:$0x1E300] =	vst v63  }
0x469: {  	_ =	swait.ge [sflag:s13], $0x4000  }
0x46a: {  	[sflag:s13] =	ssyncset.done $0x0  }
0x46b: {  	s17 =	simm.s32 $0x680;
	[sflag:s13] =	ssyncadd.s32 $0xFFFFC000  }
0x46c: {  	[tilespmem:s19], [sflag:$0x2] =	stream.indirect.gather [hbm4b:s6+s10], $0x80, s17, s10, $0xb8;
	[tilespmem:$0x1E300] =	vst v63  }
0x46d: {  	_ =	swait.ge [sflag:s20], $0x4000  }
0x46e: {  	[sflag:s20] =	ssyncset.done $0x0  }
0x46f: {  	s15 =	simm.s32 $0xE80;
	[sflag:s20] =	ssyncadd.s32 $0xFFFFC000  }
0x470: {  	[spmem:s3] =	stream.indirect.scatter.add.f32 [tilespmem:s19], [sflag:$0x6], $0x80, s15, s10, $0xb8;
	[tilespmem:$0x1E300] =	vst v63  }
0x471: {  	_ = 	snop  }
0x472: {  	[spmem:s4] =	stream.indirect.scatter.add.f32 [tilespmem:s1], [sflag:$0x7], $0x1, s15, s10, $0xb8;
	[tilespmem:$0x1E300] =	vst v63  }
0x473: {  	_ =	swait.ge [sflag:s22], $0x4000  }
0x474: {  	[sflag:s22] =	ssyncset.done $0x0  }
0x475: {  	s17 =	simm.s32 $0x700;
	[sflag:s22] =	ssyncadd.s32 $0xFFFFC000  }
0x476: {  	[tilespmem:s11], [sflag:$0x1] =	stream.indirect.gather [hbm4b:s6+s10], $0x80, s17, s10, $0xb8;
	[tilespmem:$0x1E300] =	vst v63  }
0x477: {  	_ =	swait.ge [sflag:s12], $0x4000  }
0x478: {  	[sflag:s12] =	ssyncset.done $0x0  }
0x479: {  	s15 =	simm.s32 $0xF00;
	[sflag:s12] =	ssyncadd.s32 $0xFFFFC000  }
0x47a: {  	[spmem:s3] =	stream.indirect.scatter.add.f32 [tilespmem:s11], [sflag:$0x5], $0x80, s15, s10, $0xb8;
	[tilespmem:$0x1E300] =	vst v63  }
0x47b: {  	_ = 	snop  }
0x47c: {  	[spmem:s4] =	stream.indirect.scatter.add.f32 [tilespmem:s1], [sflag:$0x7], $0x1, s15, s10, $0xb8;
	[tilespmem:$0x1E300] =	vst v63  }
0x47d: {  	_ =	swait.ge [sflag:s13], $0x4000  }
0x47e: {  	[sflag:s13] =	ssyncset.done $0x0  }
0x47f: {  	s17 =	simm.s32 $0x780;
	[sflag:s13] =	ssyncadd.s32 $0xFFFFC000  }
0x480: {  	[tilespmem:s19], [sflag:$0x2] =	stream.indirect.gather [hbm4b:s6+s10], $0x80, s17, s10, $0xb8;
	[tilespmem:$0x1E300] =	vst v63  }
0x481: {  	_ =	swait.ge [sflag:s20], $0x4000  }
0x482: {  	[sflag:s20] =	ssyncset.done $0x0  }
0x483: {  	s15 =	simm.s32 $0xF80;
	[sflag:s20] =	ssyncadd.s32 $0xFFFFC000  }
0x484: {  	[spmem:s3] =	stream.indirect.scatter.add.f32 [tilespmem:s19], [sflag:$0x6], $0x80, s15, s10, $0xb8;
	[tilespmem:$0x1E300] =	vst v63  }
0x485: {  	_ = 	snop  }
0x486: {  	[spmem:s4] =	stream.indirect.scatter.add.f32 [tilespmem:s1], [sflag:$0x7], $0x1, s15, s10, $0xb8;
	[tilespmem:$0x1E300] =	vst v63  }
0x487: {  	_ =	swait.ge [sflag:s22], $0x4000  }
0x488: {  	[sflag:s22] =	ssyncset.done $0x0  }
0x489: {  	[sflag:s22] =	ssyncadd.s32 $0xFFFFC000  }
0x48a: {  	[tilespmem:s11], [sflag:$0x1] =	stream.indirect.gather [hbm4b:s6+s10], $0x80, s9, s10, $0xb8;
	[tilespmem:$0x1E300] =	vst v63  }
0x48b: {  	_ =	swait.ge [sflag:s28], $0x80  }
0x48c: {  	[sflag:s28] =	ssyncset.done $0x0  }
0x48d: {  	[sflag:s28] =	ssyncadd.s32 $0xFFFFFF80  }
0x48e: {  	_ =	swait.ge [sflag:s28], $0x80  }
0x48f: {  	[sflag:s28] =	ssyncset.done $0x0  }
0x490: {  	[sflag:s28] =	ssyncadd.s32 $0xFFFFFF80  }
0x491: {  	_ =	swait.ge [sflag:s28], $0x80  }
0x492: {  	[sflag:s28] =	ssyncset.done $0x0  }
0x493: {  	[sflag:s28] =	ssyncadd.s32 $0xFFFFFF80  }
0x494: {  	_ =	swait.ge [sflag:s28], $0x80  }
0x495: {  	[sflag:s28] =	ssyncset.done $0x0  }
0x496: {  	[sflag:s28] =	ssyncadd.s32 $0xFFFFFF80  }
0x497: {  	_ =	swait.ge [sflag:s28], $0x80  }
0x498: {  	[sflag:s28] =	ssyncset.done $0x0  }
0x499: {  	[sflag:s28] =	ssyncadd.s32 $0xFFFFFF80  }
0x49a: {  	_ =	swait.ge [sflag:s28], $0x80  }
0x49b: {  	[sflag:s28] =	ssyncset.done $0x0  }
0x49c: {  	[sflag:s28] =	ssyncadd.s32 $0xFFFFFF80  }
0x49d: {  	_ =	swait.ge [sflag:s28], $0x80  }
0x49e: {  	[sflag:s28] =	ssyncset.done $0x0  }
0x49f: {  	[sflag:s28] =	ssyncadd.s32 $0xFFFFFF80  }
0x4a0: {  	_ =	swait.ge [sflag:s28], $0x80  }
0x4a1: {  	[sflag:s28] =	ssyncset.done $0x0  }
0x4a2: {  	[sflag:s28] =	ssyncadd.s32 $0xFFFFFF80  }
0x4a3: {  	_ =	swait.ge [sflag:s28], $0x80  }
0x4a4: {  	[sflag:s28] =	ssyncset.done $0x0  }
0x4a5: {  	[sflag:s28] =	ssyncadd.s32 $0xFFFFFF80  }
0x4a6: {  	_ =	swait.ge [sflag:s28], $0x80  }
0x4a7: {  	[sflag:s28] =	ssyncset.done $0x0  }
0x4a8: {  	[sflag:s28] =	ssyncadd.s32 $0xFFFFFF80  }
0x4a9: {  	_ =	swait.ge [sflag:s28], $0x80  }
0x4aa: {  	[sflag:s28] =	ssyncset.done $0x0  }
0x4ab: {  	[sflag:s28] =	ssyncadd.s32 $0xFFFFFF80  }
0x4ac: {  	_ =	swait.ge [sflag:s28], $0x80  }
0x4ad: {  	[sflag:s28] =	ssyncset.done $0x0  }
0x4ae: {  	[sflag:s28] =	ssyncadd.s32 $0xFFFFFF80  }
0x4af: {  	_ =	swait.ge [sflag:s28], $0x80  }
0x4b0: {  	[sflag:s28] =	ssyncset.done $0x0  }
0x4b1: {  	[sflag:s28] =	ssyncadd.s32 $0xFFFFFF80  }
0x4b2: {  	_ =	swait.ge [sflag:s28], $0x80  }
0x4b3: {  	[sflag:s28] =	ssyncset.done $0x0  }
0x4b4: {  	[sflag:s28] =	ssyncadd.s32 $0xFFFFFF80  }
0x4b5: {  	_ =	swait.ge [sflag:s28], $0x80  }
0x4b6: {  	[sflag:s28] =	ssyncset.done $0x0  }
0x4b7: {  	[sflag:s28] =	ssyncadd.s32 $0xFFFFFF80  }
0x4b8: {  	_ =	swait.ge [sflag:s28], $0x80  }
0x4b9: {  	[sflag:s28] =	ssyncset.done $0x0  }
0x4ba: {  	[sflag:s28] =	ssyncadd.s32 $0xFFFFFF80  }
0x4bb: {  	_ =	swait.ge [sflag:s31], $0x800  }
0x4bc: {  	[sflag:s31] =	ssyncset.done $0x0  }
0x4bd: {  	[sflag:s31] =	ssyncadd.s32 $0xFFFFF800  }
0x4be: {  	_ =	swait.ge [sflag:s31], $0x800  }
0x4bf: {  	[sflag:s31] =	ssyncset.done $0x0  }
0x4c0: {  	[sflag:s31] =	ssyncadd.s32 $0xFFFFF800  }
0x4c1: {  	_ =	swait.ge [sflag:s12], $0x4000  }
0x4c2: {  	[sflag:s12] =	ssyncset.done $0x0  }
0x4c3: {  	[sflag:s12] =	ssyncadd.s32 $0xFFFFC000  }
0x4c4: {  	[spmem:s3] =	stream.indirect.scatter.add.f32 [tilespmem:s11], [sflag:$0x5], $0x80, s7, s10, $0xb8;
	[tilespmem:$0x1E300] =	vst v63  }
0x4c5: {  	_ = 	snop  }
0x4c6: {  	[spmem:s4] =	stream.indirect.scatter.add.f32 [tilespmem:s1], [sflag:$0x7], $0x1, s7, s10, $0xb8;
	[tilespmem:$0x1E300] =	vst v63  }
0x4c7: {  	_ =	swait.ge [sflag:s13], $0x4000  }
0x4c8: {  	[sflag:s13] =	ssyncset.done $0x0  }
0x4c9: {  	s17 =	simm.s32 $0x1080;
	[sflag:s13] =	ssyncadd.s32 $0xFFFFC000  }
0x4ca: {  	[tilespmem:s19], [sflag:$0x2] =	stream.indirect.gather [hbm4b:s6+s10], $0x80, s17, s10, $0xb8;
	[tilespmem:$0x1E300] =	vst v63  }
0x4cb: {  	_ =	swait.ge [sflag:s20], $0x4000  }
0x4cc: {  	[sflag:s20] =	ssyncset.done $0x0  }
0x4cd: {  	s9 =	simm.s32 $0x1880;
	[sflag:s20] =	ssyncadd.s32 $0xFFFFC000  }
0x4ce: {  	[spmem:s3] =	stream.indirect.scatter.add.f32 [tilespmem:s19], [sflag:$0x6], $0x80, s9, s10, $0xb8;
	[tilespmem:$0x1E300] =	vst v63  }
0x4cf: {  	_ = 	snop  }
0x4d0: {  	[spmem:s4] =	stream.indirect.scatter.add.f32 [tilespmem:s1], [sflag:$0x7], $0x1, s9, s10, $0xb8;
	[tilespmem:$0x1E300] =	vst v63  }
0x4d1: {  	_ =	swait.ge [sflag:s22], $0x4000  }
0x4d2: {  	[sflag:s22] =	ssyncset.done $0x0  }
0x4d3: {  	s15 =	simm.s32 $0x1100;
	[sflag:s22] =	ssyncadd.s32 $0xFFFFC000  }
0x4d4: {  	[tilespmem:s11], [sflag:$0x1] =	stream.indirect.gather [hbm4b:s6+s10], $0x80, s15, s10, $0xb8;
	[tilespmem:$0x1E300] =	vst v63  }
0x4d5: {  	_ =	swait.ge [sflag:s12], $0x4000  }
0x4d6: {  	[sflag:s12] =	ssyncset.done $0x0  }
0x4d7: {  	s17 =	simm.s32 $0x1900;
	[sflag:s12] =	ssyncadd.s32 $0xFFFFC000  }
0x4d8: {  	[spmem:s3] =	stream.indirect.scatter.add.f32 [tilespmem:s11], [sflag:$0x5], $0x80, s17, s10, $0xb8;
	[tilespmem:$0x1E300] =	vst v63  }
0x4d9: {  	p2 =	seq.s32 s26, $0x800  }
0x4da: {  	[spmem:s4] =	stream.indirect.scatter.add.f32 [tilespmem:s1], [sflag:$0x7], $0x1, s17, s10, $0xb8;
	[tilespmem:$0x1E300] =	vst v63  }
0x4db: {  	s17 =	sadd.s32 @!p2 s26, s30  }
0x4dc: {  	s15 =	sadd.s32 @!p2 s26, s14;
	s30 =	simm.s32 @!p2 $0x0;
	s17 =	sadd.s32 @!p2 $0x200, s17  }
0x4dd: {  	[tilespmem:s30], [sflag:$0x3] =	stream.linear.gather @!p2 [hbm4b:s17+s30], $0x800, $0x38;
	[tilespmem:$0x1E300] =	vst v63  }
0x4de: {  	s9 =	simm.s32 @!p2 $0x800;
	s15 =	sadd.s32 @!p2 $0x200, s15  }
0x4df: {  	[tilespmem:s9], [sflag:$0x3] =	stream.linear.gather @!p2 [hbm4b:s15+s30], $0x800, $0x38;
	[tilespmem:$0x1E300] =	vst v63  }
0x4e0: {  	_ =	swait.ge [sflag:s13], $0x4000  }
0x4e1: {  	[sflag:s13] =	ssyncset.done $0x0  }
0x4e2: {  	s17 =	simm.s32 $0x1180;
	[sflag:s13] =	ssyncadd.s32 $0xFFFFC000  }
0x4e3: {  	[tilespmem:s19], [sflag:$0x2] =	stream.indirect.gather [hbm4b:s6+s10], $0x80, s17, s10, $0xb8;
	[tilespmem:$0x1E300] =	vst v63  }
0x4e4: {  	_ =	swait.ge [sflag:s20], $0x4000  }
0x4e5: {  	s29 =	smov.u32 s21;
	[sflag:s20] =	ssyncset.done $0x0  }
0x4e6: {  	s26 =	smov.u32 s29;
	s29 =	simm.s32 $0x1980;
	[sflag:s20] =	ssyncadd.s32 $0xFFFFC000  }
0x4e7: {  	[spmem:s3] =	stream.indirect.scatter.add.f32 [tilespmem:s19], [sflag:$0x6], $0x80, s29, s10, $0xb8;
	[tilespmem:$0x1E300] =	vst v63  }
0x4e8: {  	_ = 	snop  }
0x4e9: {  	[spmem:s4] =	stream.indirect.scatter.add.f32 [tilespmem:s1], [sflag:$0x7], $0x1, s29, s10, $0xb8;
	[tilespmem:$0x1E300] =	vst v63  }
0x4ea: {  	_ =	swait.ge [sflag:s22], $0x4000  }
0x4eb: {  	[sflag:s22] =	ssyncset.done $0x0  }
0x4ec: {  	s9 =	simm.s32 $0x1200;
	[sflag:s22] =	ssyncadd.s32 $0xFFFFC000  }
0x4ed: {  	[tilespmem:s11], [sflag:$0x1] =	stream.indirect.gather [hbm4b:s6+s10], $0x80, s9, s10, $0xb8;
	[tilespmem:$0x1E300] =	vst v63  }
0x4ee: {  	_ =	swait.ge [sflag:s12], $0x4000  }
0x4ef: {  	[sflag:s12] =	ssyncset.done $0x0  }
0x4f0: {  	s15 =	simm.s32 $0x1A00;
	[sflag:s12] =	ssyncadd.s32 $0xFFFFC000  }
0x4f1: {  	[spmem:s3] =	stream.indirect.scatter.add.f32 [tilespmem:s11], [sflag:$0x5], $0x80, s15, s10, $0xb8;
	[tilespmem:$0x1E300] =	vst v63  }
0x4f2: {  	_ = 	snop  }
0x4f3: {  	[spmem:s4] =	stream.indirect.scatter.add.f32 [tilespmem:s1], [sflag:$0x7], $0x1, s15, s10, $0xb8;
	[tilespmem:$0x1E300] =	vst v63  }
0x4f4: {  	_ =	swait.ge [sflag:s13], $0x4000  }
0x4f5: {  	[sflag:s13] =	ssyncset.done $0x0  }
0x4f6: {  	s9 =	simm.s32 $0x1280;
	[sflag:s13] =	ssyncadd.s32 $0xFFFFC000  }
0x4f7: {  	[tilespmem:s19], [sflag:$0x2] =	stream.indirect.gather [hbm4b:s6+s10], $0x80, s9, s10, $0xb8;
	[tilespmem:$0x1E300] =	vst v63  }
0x4f8: {  	_ =	swait.ge [sflag:s20], $0x4000  }
0x4f9: {  	[sflag:s20] =	ssyncset.done $0x0  }
0x4fa: {  	s15 =	simm.s32 $0x1A80;
	[sflag:s20] =	ssyncadd.s32 $0xFFFFC000  }
0x4fb: {  	[spmem:s3] =	stream.indirect.scatter.add.f32 [tilespmem:s19], [sflag:$0x6], $0x80, s15, s10, $0xb8;
	[tilespmem:$0x1E300] =	vst v63  }
0x4fc: {  	_ = 	snop  }
0x4fd: {  	[spmem:s4] =	stream.indirect.scatter.add.f32 [tilespmem:s1], [sflag:$0x7], $0x1, s15, s10, $0xb8;
	[tilespmem:$0x1E300] =	vst v63  }
0x4fe: {  	_ =	swait.ge [sflag:s22], $0x4000  }
0x4ff: {  	[sflag:s22] =	ssyncset.done $0x0  }
0x500: {  	s9 =	simm.s32 $0x1300;
	[sflag:s22] =	ssyncadd.s32 $0xFFFFC000  }
0x501: {  	[tilespmem:s11], [sflag:$0x1] =	stream.indirect.gather [hbm4b:s6+s10], $0x80, s9, s10, $0xb8;
	[tilespmem:$0x1E300] =	vst v63  }
0x502: {  	_ =	swait.ge [sflag:s12], $0x4000  }
0x503: {  	[sflag:s12] =	ssyncset.done $0x0  }
0x504: {  	s15 =	simm.s32 $0x1B00;
	[sflag:s12] =	ssyncadd.s32 $0xFFFFC000  }
0x505: {  	[spmem:s3] =	stream.indirect.scatter.add.f32 [tilespmem:s11], [sflag:$0x5], $0x80, s15, s10, $0xb8;
	[tilespmem:$0x1E300] =	vst v63  }
0x506: {  	_ = 	snop  }
0x507: {  	[spmem:s4] =	stream.indirect.scatter.add.f32 [tilespmem:s1], [sflag:$0x7], $0x1, s15, s10, $0xb8;
	[tilespmem:$0x1E300] =	vst v63  }
0x508: {  	_ =	swait.ge [sflag:s13], $0x4000  }
0x509: {  	[sflag:s13] =	ssyncset.done $0x0  }
0x50a: {  	s9 =	simm.s32 $0x1380;
	[sflag:s13] =	ssyncadd.s32 $0xFFFFC000  }
0x50b: {  	[tilespmem:s19], [sflag:$0x2] =	stream.indirect.gather [hbm4b:s6+s10], $0x80, s9, s10, $0xb8;
	[tilespmem:$0x1E300] =	vst v63  }
0x50c: {  	_ =	swait.ge [sflag:s20], $0x4000  }
0x50d: {  	[sflag:s20] =	ssyncset.done $0x0  }
0x50e: {  	s15 =	simm.s32 $0x1B80;
	[sflag:s20] =	ssyncadd.s32 $0xFFFFC000  }
0x50f: {  	[spmem:s3] =	stream.indirect.scatter.add.f32 [tilespmem:s19], [sflag:$0x6], $0x80, s15, s10, $0xb8;
	[tilespmem:$0x1E300] =	vst v63  }
0x510: {  	_ = 	snop  }
0x511: {  	[spmem:s4] =	stream.indirect.scatter.add.f32 [tilespmem:s1], [sflag:$0x7], $0x1, s15, s10, $0xb8;
	[tilespmem:$0x1E300] =	vst v63  }
0x512: {  	_ =	swait.ge [sflag:s22], $0x4000  }
0x513: {  	[sflag:s22] =	ssyncset.done $0x0  }
0x514: {  	s9 =	simm.s32 $0x1400;
	[sflag:s22] =	ssyncadd.s32 $0xFFFFC000  }
0x515: {  	[tilespmem:s11], [sflag:$0x1] =	stream.indirect.gather [hbm4b:s6+s10], $0x80, s9, s10, $0xb8;
	[tilespmem:$0x1E300] =	vst v63  }
0x516: {  	_ =	swait.ge [sflag:s12], $0x4000  }
0x517: {  	[sflag:s12] =	ssyncset.done $0x0  }
0x518: {  	s15 =	simm.s32 $0x1C00;
	[sflag:s12] =	ssyncadd.s32 $0xFFFFC000  }
0x519: {  	[spmem:s3] =	stream.indirect.scatter.add.f32 [tilespmem:s11], [sflag:$0x5], $0x80, s15, s10, $0xb8;
	[tilespmem:$0x1E300] =	vst v63  }
0x51a: {  	_ = 	snop  }
0x51b: {  	[spmem:s4] =	stream.indirect.scatter.add.f32 [tilespmem:s1], [sflag:$0x7], $0x1, s15, s10, $0xb8;
	[tilespmem:$0x1E300] =	vst v63  }
0x51c: {  	_ =	swait.ge [sflag:s13], $0x4000  }
0x51d: {  	[sflag:s13] =	ssyncset.done $0x0  }
0x51e: {  	s9 =	simm.s32 $0x1480;
	[sflag:s13] =	ssyncadd.s32 $0xFFFFC000  }
0x51f: {  	[tilespmem:s19], [sflag:$0x2] =	stream.indirect.gather [hbm4b:s6+s10], $0x80, s9, s10, $0xb8;
	[tilespmem:$0x1E300] =	vst v63  }
0x520: {  	_ =	swait.ge [sflag:s20], $0x4000  }
0x521: {  	[sflag:s20] =	ssyncset.done $0x0  }
0x522: {  	s15 =	simm.s32 $0x1C80;
	[sflag:s20] =	ssyncadd.s32 $0xFFFFC000  }
0x523: {  	[spmem:s3] =	stream.indirect.scatter.add.f32 [tilespmem:s19], [sflag:$0x6], $0x80, s15, s10, $0xb8;
	[tilespmem:$0x1E300] =	vst v63  }
0x524: {  	_ = 	snop  }
0x525: {  	[spmem:s4] =	stream.indirect.scatter.add.f32 [tilespmem:s1], [sflag:$0x7], $0x1, s15, s10, $0xb8;
	[tilespmem:$0x1E300] =	vst v63  }
0x526: {  	_ =	swait.ge [sflag:s22], $0x4000  }
0x527: {  	[sflag:s22] =	ssyncset.done $0x0  }
0x528: {  	s9 =	simm.s32 $0x1500;
	[sflag:s22] =	ssyncadd.s32 $0xFFFFC000  }
0x529: {  	[tilespmem:s11], [sflag:$0x1] =	stream.indirect.gather [hbm4b:s6+s10], $0x80, s9, s10, $0xb8;
	[tilespmem:$0x1E300] =	vst v63  }
0x52a: {  	_ =	swait.ge [sflag:s12], $0x4000  }
0x52b: {  	[sflag:s12] =	ssyncset.done $0x0  }
0x52c: {  	s15 =	simm.s32 $0x1D00;
	[sflag:s12] =	ssyncadd.s32 $0xFFFFC000  }
0x52d: {  	[spmem:s3] =	stream.indirect.scatter.add.f32 [tilespmem:s11], [sflag:$0x5], $0x80, s15, s10, $0xb8;
	[tilespmem:$0x1E300] =	vst v63  }
0x52e: {  	_ = 	snop  }
0x52f: {  	[spmem:s4] =	stream.indirect.scatter.add.f32 [tilespmem:s1], [sflag:$0x7], $0x1, s15, s10, $0xb8;
	[tilespmem:$0x1E300] =	vst v63  }
0x530: {  	_ =	swait.ge [sflag:s13], $0x4000  }
0x531: {  	[sflag:s13] =	ssyncset.done $0x0  }
0x532: {  	s9 =	simm.s32 $0x1580;
	[sflag:s13] =	ssyncadd.s32 $0xFFFFC000  }
0x533: {  	[tilespmem:s19], [sflag:$0x2] =	stream.indirect.gather [hbm4b:s6+s10], $0x80, s9, s10, $0xb8;
	[tilespmem:$0x1E300] =	vst v63  }
0x534: {  	_ =	swait.ge [sflag:s20], $0x4000  }
0x535: {  	[sflag:s20] =	ssyncset.done $0x0  }
0x536: {  	s15 =	simm.s32 $0x1D80;
	[sflag:s20] =	ssyncadd.s32 $0xFFFFC000  }
0x537: {  	[spmem:s3] =	stream.indirect.scatter.add.f32 [tilespmem:s19], [sflag:$0x6], $0x80, s15, s10, $0xb8;
	[tilespmem:$0x1E300] =	vst v63  }
0x538: {  	_ = 	snop  }
0x539: {  	[spmem:s4] =	stream.indirect.scatter.add.f32 [tilespmem:s1], [sflag:$0x7], $0x1, s15, s10, $0xb8;
	[tilespmem:$0x1E300] =	vst v63  }
0x53a: {  	_ =	swait.ge [sflag:s22], $0x4000  }
0x53b: {  	[sflag:s22] =	ssyncset.done $0x0  }
0x53c: {  	s9 =	simm.s32 $0x1600;
	[sflag:s22] =	ssyncadd.s32 $0xFFFFC000  }
0x53d: {  	[tilespmem:s11], [sflag:$0x1] =	stream.indirect.gather [hbm4b:s6+s10], $0x80, s9, s10, $0xb8;
	[tilespmem:$0x1E300] =	vst v63  }
0x53e: {  	_ =	swait.ge [sflag:s12], $0x4000  }
0x53f: {  	[sflag:s12] =	ssyncset.done $0x0  }
0x540: {  	s15 =	simm.s32 $0x1E00;
	[sflag:s12] =	ssyncadd.s32 $0xFFFFC000  }
0x541: {  	[spmem:s3] =	stream.indirect.scatter.add.f32 [tilespmem:s11], [sflag:$0x5], $0x80, s15, s10, $0xb8;
	[tilespmem:$0x1E300] =	vst v63  }
0x542: {  	_ = 	snop  }
0x543: {  	[spmem:s4] =	stream.indirect.scatter.add.f32 [tilespmem:s1], [sflag:$0x7], $0x1, s15, s10, $0xb8;
	[tilespmem:$0x1E300] =	vst v63  }
0x544: {  	_ =	swait.ge [sflag:s13], $0x4000  }
0x545: {  	[sflag:s13] =	ssyncset.done $0x0  }
0x546: {  	s9 =	simm.s32 $0x1680;
	[sflag:s13] =	ssyncadd.s32 $0xFFFFC000  }
0x547: {  	[tilespmem:s19], [sflag:$0x2] =	stream.indirect.gather [hbm4b:s6+s10], $0x80, s9, s10, $0xb8;
	[tilespmem:$0x1E300] =	vst v63  }
0x548: {  	_ =	swait.ge [sflag:s20], $0x4000  }
0x549: {  	[sflag:s20] =	ssyncset.done $0x0  }
0x54a: {  	s15 =	simm.s32 $0x1E80;
	[sflag:s20] =	ssyncadd.s32 $0xFFFFC000  }
0x54b: {  	[spmem:s3] =	stream.indirect.scatter.add.f32 [tilespmem:s19], [sflag:$0x6], $0x80, s15, s10, $0xb8;
	[tilespmem:$0x1E300] =	vst v63  }
0x54c: {  	_ = 	snop  }
0x54d: {  	[spmem:s4] =	stream.indirect.scatter.add.f32 [tilespmem:s1], [sflag:$0x7], $0x1, s15, s10, $0xb8;
	[tilespmem:$0x1E300] =	vst v63  }
0x54e: {  	_ =	swait.ge [sflag:s22], $0x4000  }
0x54f: {  	[sflag:s22] =	ssyncset.done $0x0  }
0x550: {  	s9 =	simm.s32 $0x1700;
	[sflag:s22] =	ssyncadd.s32 $0xFFFFC000  }
0x551: {  	[tilespmem:s11], [sflag:$0x1] =	stream.indirect.gather [hbm4b:s6+s10], $0x80, s9, s10, $0xb8;
	[tilespmem:$0x1E300] =	vst v63  }
0x552: {  	_ =	swait.ge [sflag:s12], $0x4000  }
0x553: {  	[sflag:s12] =	ssyncset.done $0x0  }
0x554: {  	s15 =	simm.s32 $0x1F00;
	[sflag:s12] =	ssyncadd.s32 $0xFFFFC000  }
0x555: {  	[spmem:s3] =	stream.indirect.scatter.add.f32 [tilespmem:s11], [sflag:$0x5], $0x80, s15, s10, $0xb8;
	[tilespmem:$0x1E300] =	vst v63  }
0x556: {  	_ = 	snop  }
0x557: {  	[spmem:s4] =	stream.indirect.scatter.add.f32 [tilespmem:s1], [sflag:$0x7], $0x1, s15, s10, $0xb8;
	[tilespmem:$0x1E300] =	vst v63  }
0x558: {  	_ =	swait.ge [sflag:s13], $0x4000  }
0x559: {  	[sflag:s13] =	ssyncset.done $0x0  }
0x55a: {  	s9 =	simm.s32 $0x1780;
	[sflag:s13] =	ssyncadd.s32 $0xFFFFC000  }
0x55b: {  	[tilespmem:s19], [sflag:$0x2] =	stream.indirect.gather [hbm4b:s6+s10], $0x80, s9, s10, $0xb8;
	[tilespmem:$0x1E300] =	vst v63  }
0x55c: {  	_ =	swait.ge [sflag:s20], $0x4000  }
0x55d: {  	[sflag:s20] =	ssyncset.done $0x0  }
0x55e: {  	s15 =	simm.s32 $0x1F80;
	[sflag:s20] =	ssyncadd.s32 $0xFFFFC000  }
0x55f: {  	[spmem:s3] =	stream.indirect.scatter.add.f32 [tilespmem:s19], [sflag:$0x6], $0x80, s15, s10, $0xb8;
	[tilespmem:$0x1E300] =	vst v63  }
0x560: {  	_ = 	snop  }
0x561: {  	[spmem:s4] =	stream.indirect.scatter.add.f32 [tilespmem:s1], [sflag:$0x7], $0x1, s15, s10, $0xb8;
	[tilespmem:$0x1E300] =	vst v63  }
0x562: {  	_ =	swait.ge [sflag:s22], $0x4000  }
0x563: {  	[sflag:s22] =	ssyncset.done $0x0  }
0x564: {  	s9 =	simm.s32 @!p2 $0x80;
	s15 =	simm.s32 @!p2 $0x2000;
	[sflag:s22] =	ssyncadd.s32 $0xFFFFC000  }
0x565: {  	[tilespmem:s15], [sflag:$0x1] =	stream.indirect.gather @!p2 [hbm4b:s6+s9], $0x80, s30, s9, $0xb8;
	[tilespmem:$0x1E300] =	vst v63  }
0x566: {  	s30 =	rddreg [dreg:$0x6];
	_ =	swait.ge [sflag:s28], $0x80  }
0x567: {  	[sflag:s28] =	ssyncset.done $0x0  }
0x568: {  	[sflag:s28] =	ssyncadd.s32 $0xFFFFFF80  }
0x569: {  	_ =	swait.ge [sflag:s28], $0x80  }
0x56a: {  	[sflag:s28] =	ssyncset.done $0x0  }
0x56b: {  	[sflag:s28] =	ssyncadd.s32 $0xFFFFFF80  }
0x56c: {  	_ =	swait.ge [sflag:s28], $0x80  }
0x56d: {  	[sflag:s28] =	ssyncset.done $0x0  }
0x56e: {  	[sflag:s28] =	ssyncadd.s32 $0xFFFFFF80  }
0x56f: {  	_ =	swait.ge [sflag:s28], $0x80  }
0x570: {  	[sflag:s28] =	ssyncset.done $0x0  }
0x571: {  	[sflag:s28] =	ssyncadd.s32 $0xFFFFFF80  }
0x572: {  	_ =	swait.ge [sflag:s28], $0x80  }
0x573: {  	[sflag:s28] =	ssyncset.done $0x0  }
0x574: {  	[sflag:s28] =	ssyncadd.s32 $0xFFFFFF80  }
0x575: {  	_ =	swait.ge [sflag:s28], $0x80  }
0x576: {  	[sflag:s28] =	ssyncset.done $0x0  }
0x577: {  	[sflag:s28] =	ssyncadd.s32 $0xFFFFFF80  }
0x578: {  	_ =	swait.ge [sflag:s28], $0x80  }
0x579: {  	[sflag:s28] =	ssyncset.done $0x0  }
0x57a: {  	[sflag:s28] =	ssyncadd.s32 $0xFFFFFF80  }
0x57b: {  	_ =	swait.ge [sflag:s28], $0x80  }
0x57c: {  	[sflag:s28] =	ssyncset.done $0x0  }
0x57d: {  	[sflag:s28] =	ssyncadd.s32 $0xFFFFFF80  }
0x57e: {  	_ =	swait.ge [sflag:s28], $0x80  }
0x57f: {  	[sflag:s28] =	ssyncset.done $0x0  }
0x580: {  	[sflag:s28] =	ssyncadd.s32 $0xFFFFFF80  }
0x581: {  	_ =	swait.ge [sflag:s28], $0x80  }
0x582: {  	[sflag:s28] =	ssyncset.done $0x0  }
0x583: {  	[sflag:s28] =	ssyncadd.s32 $0xFFFFFF80  }
0x584: {  	_ =	swait.ge [sflag:s28], $0x80  }
0x585: {  	[sflag:s28] =	ssyncset.done $0x0  }
0x586: {  	[sflag:s28] =	ssyncadd.s32 $0xFFFFFF80  }
0x587: {  	_ =	swait.ge [sflag:s28], $0x80  }
0x588: {  	[sflag:s28] =	ssyncset.done $0x0  }
0x589: {  	[sflag:s28] =	ssyncadd.s32 $0xFFFFFF80  }
0x58a: {  	_ =	swait.ge [sflag:s28], $0x80  }
0x58b: {  	[sflag:s28] =	ssyncset.done $0x0  }
0x58c: {  	[sflag:s28] =	ssyncadd.s32 $0xFFFFFF80  }
0x58d: {  	s21 =	sadd.s32 $0x200, s21;
	_ =	swait.ge [sflag:s28], $0x80  }
0x58e: {  	p1 =	sne.s32 s21, $0xA00;
	[sflag:s28] =	ssyncset.done $0x0  }
.Ltmp3:
0x58f: {  	[sflag:s28] =	ssyncadd.s32 $0xFFFFFF80;
	(pc) =	sbr.rel @p1 .LBB2_6-.Ltmp3, $4  }
0x590: {  	_ =	swait.ge [sflag:s28], $0x80  }
0x591: {  	[sflag:s28] =	ssyncset.done $0x0  }
0x592: {  	[sflag:s28] =	ssyncadd.s32 $0xFFFFFF80  }
0x593: {  	_ =	swait.ge [sflag:s28], $0x80  }
.Ltmp4:
0x594: {  	_ = 	snop;
	(pc) =	sbr.rel .LBB2_7-.Ltmp4, $1  }
0x595: {  	_ =	sdelay $0x3  }
.LBB2_2:
0x596: {  	s15 =	rddreg [dreg:$0x18]  }
0x597: {  	s21 =	simm.s32 $0x0;
	s0 =	rddreg [dreg:$0x5]  }
0x598: {  	[tilespmem:s21], [sflag:$0x3] =	stream.linear.gather [hbm4b:s15+s21], $0x800, $0x38;
	[tilespmem:$0x1E300] =	vst v63  }
0x599: {  	s14 =	simm.s32 $0x800;
	s26 =	sshrl.u32 s17, $0x3;
	s23 =	rddreg [dreg:$0x8]  }
0x59a: {  	[tilespmem:s14], [sflag:$0x3] =	stream.linear.gather [hbm4b:s0+s21], $0x800, $0x38;
	[tilespmem:$0x1E300] =	vst v63  }
0x59b: {  	[spmem:s26], [sflag:s5] =	dma.local [hbm:s23], $0x800  }
0x59c: {  	_ =	swait.ge [sflag:s16], $0x800  }
0x59d: {  	[sflag:s16] =	ssyncset.done $0x0  }
0x59e: {  	s24 =	sshrl.u32 s29, $0x3;
	[sflag:s16] =	ssyncadd.s32 $0xFFFFF800  }
0x59f: {  	[spmem:s24], [sflag:s5] =	dma.local [hbm:s23], $0x800  }
0x5a0: {  	_ =	swait.ge [sflag:s16], $0x800  }
0x5a1: {  	[sflag:s16] =	ssyncset.done $0x0  }
0x5a2: {  	s25 =	sshrl.u32 s30, $0x3;
	[sflag:s16] =	ssyncadd.s32 $0xFFFFF800  }
0x5a3: {  	[spmem:s25], [sflag:s5] =	dma.local [hbm:s23], $0x800  }
0x5a4: {  	_ =	swait.ge [sflag:s16], $0x800  }
0x5a5: {  	[sflag:s16] =	ssyncset.done $0x0;
	s9 =	rddreg [dreg:$0x10]  }
0x5a6: {  	[sflag:s16] =	ssyncadd.s32 $0xFFFFF800;
	s29 =	sshrl.u32 s9, $0x3  }
0x5a7: {  	[spmem:s29], [sflag:s5] =	dma.local [hbm:s23], $0x800  }
0x5a8: {  	_ =	swait.ge [sflag:s16], $0x800  }
0x5a9: {  	[sflag:s16] =	ssyncset.done $0x0;
	s30 =	rddreg [dreg:$0x11]  }
0x5aa: {  	[sflag:s16] =	ssyncadd.s32 $0xFFFFF800;
	s18 =	sshrl.u32 s30, $0x3  }
0x5ab: {  	[spmem:s18], [sflag:s5] =	dma.local [hbm:s23], $0x800  }
0x5ac: {  	_ =	swait.ge [sflag:s16], $0x800;
	[dreg:$0x1d] =	wrdreg s5  }
0x5ad: {  	[sflag:s16] =	ssyncset.done $0x0;
	s23 =	rddreg [dreg:$0x12]  }
0x5ae: {  	s25 =	rddreg [dreg:$0x13];
	[sflag:s16] =	ssyncadd.s32 $0xFFFFF800;
	s24 =	sshrl.u32 s23, $0x3  }
0x5af: {  	[spmem:s24], [sflag:s5] =	dma.local [hbm:s25], $0x50  }
0x5b0: {  	_ =	swait.ge [sflag:s16], $0x50  }
0x5b1: {  	[sflag:s16] =	ssyncset.done $0x0  }
0x5b2: {  	s26 =	simm.s32 $0x3;
	[sflag:s16] =	ssyncadd.s32 $0xFFFFFFB0  }
0x5b3: {  	_ =	swait.ge [sflag:s26], $0x800  }
0x5b4: {  	[sflag:s26] =	ssyncset.done $0x0  }
0x5b5: {  	[sflag:s26] =	ssyncadd.s32 $0xFFFFF800  }
0x5b6: {  	_ =	swait.ge [sflag:s26], $0x800  }
0x5b7: {  	[sflag:s26] =	ssyncset.done $0x0  }
0x5b8: {  	p1 =	por $0x1, $0x1;
	[sflag:s26] =	ssyncadd.s32 $0xFFFFF800  }
0x5b9: {  	[tilespmem:s11], [sflag:$0x1] =	stream.indirect.gather [hbm4b:s2+s10], $0x80, s21, s10, $0xb8;
	[tilespmem:$0x1E300] =	vst v63  }
0x5ba: {  	s21 =	simm.s32 @!p1 $0x3;
	[bflag:$0x0] =	sbarrier.arrive $0xFFFF  }
0x5bb: {  	_ =	swait.ge @!p1 [sflag:s21], $0x800  }
0x5bc: {  	[sflag:s21] =	ssyncset.done @!p1 $0x0  }
0x5bd: {  	[sflag:s21] =	ssyncadd.s32 @!p1 $0xFFFFF800  }
0x5be: {  	_ =	swait.ge @!p1 [sflag:s21], $0x800  }
0x5bf: {  	[sflag:s21] =	ssyncset.done @!p1 $0x0  }
0x5c0: {  	[sflag:s21] =	ssyncadd.s32 @!p1 $0xFFFFF800  }
0x5c1: {  	_ =	swait.ge [sflag:s12], $0x4000  }
0x5c2: {  	[sflag:s12] =	ssyncset.done $0x0  }
0x5c3: {  	[sflag:s12] =	ssyncadd.s32 $0xFFFFC000  }
0x5c4: {  	[spmem:s3] =	stream.indirect.scatter.add.f32 [tilespmem:s11], [sflag:$0x5], $0x80, s14, s10, $0xb8;
	[tilespmem:$0x1E300] =	vst v63  }
0x5c5: {  	s21 =	simm.s32 @!p1 $0x6  }
0x5c6: {  	[spmem:s4] =	stream.indirect.scatter.add.f32 [tilespmem:s1], [sflag:$0x7], $0x1, s14, s10, $0xb8;
	[tilespmem:$0x1E300] =	vst v63  }
0x5c7: {  	_ =	swait.ge @!p1 [sflag:s21], $0x4000  }
0x5c8: {  	[sflag:s21] =	ssyncset.done @!p1 $0x0  }
0x5c9: {  	[sflag:s21] =	ssyncadd.s32 @!p1 $0xFFFFC000  }
0x5ca: {  	[tilespmem:s19], [sflag:$0x2] =	stream.indirect.gather [hbm4b:s2+s10], $0x80, s10, s10, $0xb8;
	[tilespmem:$0x1E300] =	vst v63  }
0x5cb: {  	_ =	swait.ge [sflag:s20], $0x4000  }
0x5cc: {  	[sflag:s20] =	ssyncset.done $0x0  }
0x5cd: {  	s18 =	simm.s32 $0x880;
	[sflag:s20] =	ssyncadd.s32 $0xFFFFC000  }
0x5ce: {  	[spmem:s3] =	stream.indirect.scatter.add.f32 [tilespmem:s19], [sflag:$0x6], $0x80, s18, s10, $0xb8;
	[tilespmem:$0x1E300] =	vst v63  }
0x5cf: {  	_ = 	snop  }
0x5d0: {  	[spmem:s4] =	stream.indirect.scatter.add.f32 [tilespmem:s1], [sflag:$0x7], $0x1, s18, s10, $0xb8;
	[tilespmem:$0x1E300] =	vst v63  }
0x5d1: {  	_ =	swait.ge [sflag:s22], $0x4000  }
0x5d2: {  	[sflag:s22] =	ssyncset.done $0x0  }
0x5d3: {  	s29 =	simm.s32 $0x100;
	[sflag:s22] =	ssyncadd.s32 $0xFFFFC000  }
0x5d4: {  	[tilespmem:s11], [sflag:$0x1] =	stream.indirect.gather [hbm4b:s2+s10], $0x80, s29, s10, $0xb8;
	[tilespmem:$0x1E300] =	vst v63  }
0x5d5: {  	_ =	swait.ge [sflag:s12], $0x4000  }
0x5d6: {  	s17 =	smov.u32 s0;
	[sflag:s12] =	ssyncset.done $0x0  }
0x5d7: {  	s0 =	smov.u32 s15;
	s21 =	simm.s32 $0x900;
	[sflag:s12] =	ssyncadd.s32 $0xFFFFC000  }
0x5d8: {  	[spmem:s3] =	stream.indirect.scatter.add.f32 [tilespmem:s11], [sflag:$0x5], $0x80, s21, s10, $0xb8;
	[tilespmem:$0x1E300] =	vst v63  }
0x5d9: {  	s23 =	sadd.s32 $0x0, s0  }
0x5da: {  	[spmem:s4] =	stream.indirect.scatter.add.f32 [tilespmem:s1], [sflag:$0x7], $0x1, s21, s10, $0xb8;
	[tilespmem:$0x1E300] =	vst v63  }
0x5db: {  	s24 =	sadd.s32 $0x0, s17;
	s25 =	simm.s32 $0x0;
	s21 =	sadd.s32 $0x100, s23  }
0x5dc: {  	[tilespmem:s8], [sflag:$0x4] =	stream.linear.gather [hbm4b:s21+s25], $0x800, $0x38;
	[tilespmem:$0x1E300] =	vst v63  }
0x5dd: {  	s29 =	sadd.s32 $0x100, s24  }
0x5de: {  	[tilespmem:s7], [sflag:$0x4] =	stream.linear.gather [hbm4b:s29+s25], $0x800, $0x38;
	[tilespmem:$0x1E300] =	vst v63  }
0x5df: {  	_ =	swait.ge [sflag:s13], $0x4000  }
0x5e0: {  	[sflag:s13] =	ssyncset.done $0x0  }
0x5e1: {  	s5 =	simm.s32 $0x180;
	[sflag:s13] =	ssyncadd.s32 $0xFFFFC000  }
0x5e2: {  	[tilespmem:s19], [sflag:$0x2] =	stream.indirect.gather [hbm4b:s2+s10], $0x80, s5, s10, $0xb8;
	[tilespmem:$0x1E300] =	vst v63  }
0x5e3: {  	_ =	swait.ge [sflag:s20], $0x4000  }
0x5e4: {  	[sflag:s20] =	ssyncset.done $0x0  }
0x5e5: {  	s16 =	simm.s32 $0x980;
	[sflag:s20] =	ssyncadd.s32 $0xFFFFC000  }
0x5e6: {  	[spmem:s3] =	stream.indirect.scatter.add.f32 [tilespmem:s19], [sflag:$0x6], $0x80, s16, s10, $0xb8;
	[tilespmem:$0x1E300] =	vst v63  }
0x5e7: {  	_ = 	snop  }
0x5e8: {  	[spmem:s4] =	stream.indirect.scatter.add.f32 [tilespmem:s1], [sflag:$0x7], $0x1, s16, s10, $0xb8;
	[tilespmem:$0x1E300] =	vst v63  }
0x5e9: {  	_ =	swait.ge [sflag:s22], $0x4000  }
0x5ea: {  	[sflag:s22] =	ssyncset.done $0x0  }
0x5eb: {  	s30 =	simm.s32 $0x200;
	[sflag:s22] =	ssyncadd.s32 $0xFFFFC000  }
0x5ec: {  	[tilespmem:s11], [sflag:$0x1] =	stream.indirect.gather [hbm4b:s2+s10], $0x80, s30, s10, $0xb8;
	[tilespmem:$0x1E300] =	vst v63  }
0x5ed: {  	_ =	swait.ge [sflag:s12], $0x4000  }
0x5ee: {  	[sflag:s12] =	ssyncset.done $0x0  }
0x5ef: {  	s30 =	simm.s32 $0xA00;
	[sflag:s12] =	ssyncadd.s32 $0xFFFFC000  }
0x5f0: {  	[spmem:s3] =	stream.indirect.scatter.add.f32 [tilespmem:s11], [sflag:$0x5], $0x80, s30, s10, $0xb8;
	[tilespmem:$0x1E300] =	vst v63  }
0x5f1: {  	_ = 	snop  }
0x5f2: {  	[spmem:s4] =	stream.indirect.scatter.add.f32 [tilespmem:s1], [sflag:$0x7], $0x1, s30, s10, $0xb8;
	[tilespmem:$0x1E300] =	vst v63  }
0x5f3: {  	_ =	swait.ge [sflag:s13], $0x4000  }
0x5f4: {  	[sflag:s13] =	ssyncset.done $0x0  }
0x5f5: {  	s14 =	simm.s32 $0x280;
	[sflag:s13] =	ssyncadd.s32 $0xFFFFC000  }
0x5f6: {  	[tilespmem:s19], [sflag:$0x2] =	stream.indirect.gather [hbm4b:s2+s10], $0x80, s14, s10, $0xb8;
	[tilespmem:$0x1E300] =	vst v63  }
0x5f7: {  	_ =	swait.ge [sflag:s20], $0x4000  }
0x5f8: {  	[sflag:s20] =	ssyncset.done $0x0  }
0x5f9: {  	s24 =	simm.s32 $0xA80;
	[sflag:s20] =	ssyncadd.s32 $0xFFFFC000  }
0x5fa: {  	[spmem:s3] =	stream.indirect.scatter.add.f32 [tilespmem:s19], [sflag:$0x6], $0x80, s24, s10, $0xb8;
	[tilespmem:$0x1E300] =	vst v63  }
0x5fb: {  	_ = 	snop  }
0x5fc: {  	[spmem:s4] =	stream.indirect.scatter.add.f32 [tilespmem:s1], [sflag:$0x7], $0x1, s24, s10, $0xb8;
	[tilespmem:$0x1E300] =	vst v63  }
0x5fd: {  	_ =	swait.ge [sflag:s22], $0x4000  }
0x5fe: {  	[sflag:s22] =	ssyncset.done $0x0  }
0x5ff: {  	s9 =	simm.s32 $0x300;
	[sflag:s22] =	ssyncadd.s32 $0xFFFFC000  }
0x600: {  	[tilespmem:s11], [sflag:$0x1] =	stream.indirect.gather [hbm4b:s2+s10], $0x80, s9, s10, $0xb8;
	[tilespmem:$0x1E300] =	vst v63  }
0x601: {  	_ =	swait.ge [sflag:s12], $0x4000  }
0x602: {  	[sflag:s12] =	ssyncset.done $0x0  }
0x603: {  	s25 =	simm.s32 $0xB00;
	[sflag:s12] =	ssyncadd.s32 $0xFFFFC000  }
0x604: {  	[spmem:s3] =	stream.indirect.scatter.add.f32 [tilespmem:s11], [sflag:$0x5], $0x80, s25, s10, $0xb8;
	[tilespmem:$0x1E300] =	vst v63  }
0x605: {  	_ = 	snop  }
0x606: {  	[spmem:s4] =	stream.indirect.scatter.add.f32 [tilespmem:s1], [sflag:$0x7], $0x1, s25, s10, $0xb8;
	[tilespmem:$0x1E300] =	vst v63  }
0x607: {  	_ =	swait.ge [sflag:s13], $0x4000  }
0x608: {  	[sflag:s13] =	ssyncset.done $0x0  }
0x609: {  	s15 =	simm.s32 $0x380;
	[sflag:s13] =	ssyncadd.s32 $0xFFFFC000  }
0x60a: {  	[tilespmem:s19], [sflag:$0x2] =	stream.indirect.gather [hbm4b:s2+s10], $0x80, s15, s10, $0xb8;
	[tilespmem:$0x1E300] =	vst v63  }
0x60b: {  	_ =	swait.ge [sflag:s20], $0x4000  }
0x60c: {  	[sflag:s20] =	ssyncset.done $0x0  }
0x60d: {  	s14 =	simm.s32 $0xB80;
	[sflag:s20] =	ssyncadd.s32 $0xFFFFC000  }
0x60e: {  	[spmem:s3] =	stream.indirect.scatter.add.f32 [tilespmem:s19], [sflag:$0x6], $0x80, s14, s10, $0xb8;
	[tilespmem:$0x1E300] =	vst v63  }
0x60f: {  	_ = 	snop  }
0x610: {  	[spmem:s4] =	stream.indirect.scatter.add.f32 [tilespmem:s1], [sflag:$0x7], $0x1, s14, s10, $0xb8;
	[tilespmem:$0x1E300] =	vst v63  }
0x611: {  	_ =	swait.ge [sflag:s22], $0x4000  }
0x612: {  	[sflag:s22] =	ssyncset.done $0x0  }
0x613: {  	s21 =	simm.s32 $0x400;
	[sflag:s22] =	ssyncadd.s32 $0xFFFFC000  }
0x614: {  	[tilespmem:s11], [sflag:$0x1] =	stream.indirect.gather [hbm4b:s2+s10], $0x80, s21, s10, $0xb8;
	[tilespmem:$0x1E300] =	vst v63  }
0x615: {  	_ =	swait.ge [sflag:s12], $0x4000  }
0x616: {  	[sflag:s12] =	ssyncset.done $0x0  }
0x617: {  	s9 =	simm.s32 $0xC00;
	[sflag:s12] =	ssyncadd.s32 $0xFFFFC000  }
0x618: {  	[spmem:s3] =	stream.indirect.scatter.add.f32 [tilespmem:s11], [sflag:$0x5], $0x80, s9, s10, $0xb8;
	[tilespmem:$0x1E300] =	vst v63  }
0x619: {  	_ = 	snop  }
0x61a: {  	[spmem:s4] =	stream.indirect.scatter.add.f32 [tilespmem:s1], [sflag:$0x7], $0x1, s9, s10, $0xb8;
	[tilespmem:$0x1E300] =	vst v63  }
0x61b: {  	_ =	swait.ge [sflag:s13], $0x4000  }
0x61c: {  	[sflag:s13] =	ssyncset.done $0x0  }
0x61d: {  	s23 =	simm.s32 $0x480;
	[sflag:s13] =	ssyncadd.s32 $0xFFFFC000  }
0x61e: {  	[tilespmem:s19], [sflag:$0x2] =	stream.indirect.gather [hbm4b:s2+s10], $0x80, s23, s10, $0xb8;
	[tilespmem:$0x1E300] =	vst v63  }
0x61f: {  	_ =	swait.ge [sflag:s20], $0x4000  }
0x620: {  	[sflag:s20] =	ssyncset.done $0x0  }
0x621: {  	s23 =	simm.s32 $0xC80;
	[sflag:s20] =	ssyncadd.s32 $0xFFFFC000  }
0x622: {  	[spmem:s3] =	stream.indirect.scatter.add.f32 [tilespmem:s19], [sflag:$0x6], $0x80, s23, s10, $0xb8;
	[tilespmem:$0x1E300] =	vst v63  }
0x623: {  	_ = 	snop  }
0x624: {  	[spmem:s4] =	stream.indirect.scatter.add.f32 [tilespmem:s1], [sflag:$0x7], $0x1, s23, s10, $0xb8;
	[tilespmem:$0x1E300] =	vst v63  }
0x625: {  	_ =	swait.ge [sflag:s22], $0x4000  }
0x626: {  	[sflag:s22] =	ssyncset.done $0x0  }
0x627: {  	s26 =	simm.s32 $0x500;
	[sflag:s22] =	ssyncadd.s32 $0xFFFFC000  }
0x628: {  	[tilespmem:s11], [sflag:$0x1] =	stream.indirect.gather [hbm4b:s2+s10], $0x80, s26, s10, $0xb8;
	[tilespmem:$0x1E300] =	vst v63  }
0x629: {  	_ =	swait.ge [sflag:s12], $0x4000  }
0x62a: {  	[sflag:s12] =	ssyncset.done $0x0  }
0x62b: {  	s29 =	simm.s32 $0xD00;
	[sflag:s12] =	ssyncadd.s32 $0xFFFFC000  }
0x62c: {  	[spmem:s3] =	stream.indirect.scatter.add.f32 [tilespmem:s11], [sflag:$0x5], $0x80, s29, s10, $0xb8;
	[tilespmem:$0x1E300] =	vst v63  }
0x62d: {  	_ = 	snop  }
0x62e: {  	[spmem:s4] =	stream.indirect.scatter.add.f32 [tilespmem:s1], [sflag:$0x7], $0x1, s29, s10, $0xb8;
	[tilespmem:$0x1E300] =	vst v63  }
0x62f: {  	_ =	swait.ge [sflag:s13], $0x4000  }
0x630: {  	[sflag:s13] =	ssyncset.done $0x0  }
0x631: {  	s30 =	simm.s32 $0x580;
	[sflag:s13] =	ssyncadd.s32 $0xFFFFC000  }
0x632: {  	[tilespmem:s19], [sflag:$0x2] =	stream.indirect.gather [hbm4b:s2+s10], $0x80, s30, s10, $0xb8;
	[tilespmem:$0x1E300] =	vst v63  }
0x633: {  	_ =	swait.ge [sflag:s20], $0x4000  }
0x634: {  	[sflag:s20] =	ssyncset.done $0x0  }
0x635: {  	s15 =	simm.s32 $0xD80;
	[sflag:s20] =	ssyncadd.s32 $0xFFFFC000  }
0x636: {  	[spmem:s3] =	stream.indirect.scatter.add.f32 [tilespmem:s19], [sflag:$0x6], $0x80, s15, s10, $0xb8;
	[tilespmem:$0x1E300] =	vst v63  }
0x637: {  	_ = 	snop  }
0x638: {  	[spmem:s4] =	stream.indirect.scatter.add.f32 [tilespmem:s1], [sflag:$0x7], $0x1, s15, s10, $0xb8;
	[tilespmem:$0x1E300] =	vst v63  }
0x639: {  	_ =	swait.ge [sflag:s22], $0x4000  }
0x63a: {  	[sflag:s22] =	ssyncset.done $0x0  }
0x63b: {  	s21 =	simm.s32 $0x600;
	[sflag:s22] =	ssyncadd.s32 $0xFFFFC000  }
0x63c: {  	[tilespmem:s11], [sflag:$0x1] =	stream.indirect.gather [hbm4b:s2+s10], $0x80, s21, s10, $0xb8;
	[tilespmem:$0x1E300] =	vst v63  }
0x63d: {  	_ =	swait.ge [sflag:s12], $0x4000  }
0x63e: {  	[sflag:s12] =	ssyncset.done $0x0  }
0x63f: {  	s26 =	simm.s32 $0xE00;
	[sflag:s12] =	ssyncadd.s32 $0xFFFFC000  }
0x640: {  	[spmem:s3] =	stream.indirect.scatter.add.f32 [tilespmem:s11], [sflag:$0x5], $0x80, s26, s10, $0xb8;
	[tilespmem:$0x1E300] =	vst v63  }
0x641: {  	_ = 	snop  }
0x642: {  	[spmem:s4] =	stream.indirect.scatter.add.f32 [tilespmem:s1], [sflag:$0x7], $0x1, s26, s10, $0xb8;
	[tilespmem:$0x1E300] =	vst v63  }
0x643: {  	_ =	swait.ge [sflag:s13], $0x4000  }
0x644: {  	[sflag:s13] =	ssyncset.done $0x0  }
0x645: {  	s29 =	simm.s32 $0x680;
	[sflag:s13] =	ssyncadd.s32 $0xFFFFC000  }
0x646: {  	[tilespmem:s19], [sflag:$0x2] =	stream.indirect.gather [hbm4b:s2+s10], $0x80, s29, s10, $0xb8;
	[tilespmem:$0x1E300] =	vst v63  }
0x647: {  	_ =	swait.ge [sflag:s20], $0x4000  }
0x648: {  	[sflag:s20] =	ssyncset.done $0x0  }
0x649: {  	s30 =	simm.s32 $0xE80;
	[sflag:s20] =	ssyncadd.s32 $0xFFFFC000  }
0x64a: {  	[spmem:s3] =	stream.indirect.scatter.add.f32 [tilespmem:s19], [sflag:$0x6], $0x80, s30, s10, $0xb8;
	[tilespmem:$0x1E300] =	vst v63  }
0x64b: {  	_ = 	snop  }
0x64c: {  	[spmem:s4] =	stream.indirect.scatter.add.f32 [tilespmem:s1], [sflag:$0x7], $0x1, s30, s10, $0xb8;
	[tilespmem:$0x1E300] =	vst v63  }
0x64d: {  	_ =	swait.ge [sflag:s22], $0x4000  }
0x64e: {  	[sflag:s22] =	ssyncset.done $0x0  }
0x64f: {  	s15 =	simm.s32 $0x700;
	[sflag:s22] =	ssyncadd.s32 $0xFFFFC000  }
0x650: {  	[tilespmem:s11], [sflag:$0x1] =	stream.indirect.gather [hbm4b:s2+s10], $0x80, s15, s10, $0xb8;
	[tilespmem:$0x1E300] =	vst v63  }
0x651: {  	_ =	swait.ge [sflag:s12], $0x4000  }
0x652: {  	[sflag:s12] =	ssyncset.done $0x0  }
0x653: {  	s21 =	simm.s32 $0xF00;
	[sflag:s12] =	ssyncadd.s32 $0xFFFFC000  }
0x654: {  	[spmem:s3] =	stream.indirect.scatter.add.f32 [tilespmem:s11], [sflag:$0x5], $0x80, s21, s10, $0xb8;
	[tilespmem:$0x1E300] =	vst v63  }
0x655: {  	_ = 	snop  }
0x656: {  	[spmem:s4] =	stream.indirect.scatter.add.f32 [tilespmem:s1], [sflag:$0x7], $0x1, s21, s10, $0xb8;
	[tilespmem:$0x1E300] =	vst v63  }
0x657: {  	_ =	swait.ge [sflag:s13], $0x4000  }
0x658: {  	[sflag:s13] =	ssyncset.done $0x0  }
0x659: {  	s26 =	simm.s32 $0x780;
	[sflag:s13] =	ssyncadd.s32 $0xFFFFC000  }
0x65a: {  	[tilespmem:s19], [sflag:$0x2] =	stream.indirect.gather [hbm4b:s2+s10], $0x80, s26, s10, $0xb8;
	[tilespmem:$0x1E300] =	vst v63  }
0x65b: {  	_ =	swait.ge [sflag:s20], $0x4000  }
0x65c: {  	[sflag:s20] =	ssyncset.done $0x0  }
0x65d: {  	s29 =	simm.s32 $0xF80;
	[sflag:s20] =	ssyncadd.s32 $0xFFFFC000  }
0x65e: {  	[spmem:s3] =	stream.indirect.scatter.add.f32 [tilespmem:s19], [sflag:$0x6], $0x80, s29, s10, $0xb8;
	[tilespmem:$0x1E300] =	vst v63  }
0x65f: {  	_ = 	snop  }
0x660: {  	[spmem:s4] =	stream.indirect.scatter.add.f32 [tilespmem:s1], [sflag:$0x7], $0x1, s29, s10, $0xb8;
	[tilespmem:$0x1E300] =	vst v63  }
0x661: {  	_ =	swait.ge [sflag:s22], $0x4000  }
0x662: {  	[sflag:s22] =	ssyncset.done $0x0  }
0x663: {  	[sflag:s22] =	ssyncadd.s32 $0xFFFFC000  }
0x664: {  	[tilespmem:s11], [sflag:$0x1] =	stream.indirect.gather [hbm4b:s2+s10], $0x80, s8, s10, $0xb8;
	[tilespmem:$0x1E300] =	vst v63  }
0x665: {  	_ =	swait.ge [sflag:s28], $0x80  }
0x666: {  	[sflag:s28] =	ssyncset.done $0x0  }
0x667: {  	[sflag:s28] =	ssyncadd.s32 $0xFFFFFF80  }
0x668: {  	_ =	swait.ge [sflag:s28], $0x80  }
0x669: {  	[sflag:s28] =	ssyncset.done $0x0  }
0x66a: {  	[sflag:s28] =	ssyncadd.s32 $0xFFFFFF80  }
0x66b: {  	_ =	swait.ge [sflag:s28], $0x80  }
0x66c: {  	[sflag:s28] =	ssyncset.done $0x0  }
0x66d: {  	[sflag:s28] =	ssyncadd.s32 $0xFFFFFF80  }
0x66e: {  	_ =	swait.ge [sflag:s28], $0x80  }
0x66f: {  	[sflag:s28] =	ssyncset.done $0x0  }
0x670: {  	[sflag:s28] =	ssyncadd.s32 $0xFFFFFF80  }
0x671: {  	_ =	swait.ge [sflag:s28], $0x80  }
0x672: {  	[sflag:s28] =	ssyncset.done $0x0  }
0x673: {  	[sflag:s28] =	ssyncadd.s32 $0xFFFFFF80  }
0x674: {  	_ =	swait.ge [sflag:s28], $0x80  }
0x675: {  	[sflag:s28] =	ssyncset.done $0x0  }
0x676: {  	[sflag:s28] =	ssyncadd.s32 $0xFFFFFF80  }
0x677: {  	_ =	swait.ge [sflag:s28], $0x80  }
0x678: {  	[sflag:s28] =	ssyncset.done $0x0  }
0x679: {  	[sflag:s28] =	ssyncadd.s32 $0xFFFFFF80  }
0x67a: {  	_ =	swait.ge [sflag:s28], $0x80  }
0x67b: {  	[sflag:s28] =	ssyncset.done $0x0  }
0x67c: {  	[sflag:s28] =	ssyncadd.s32 $0xFFFFFF80  }
0x67d: {  	_ =	swait.ge [sflag:s28], $0x80  }
0x67e: {  	[sflag:s28] =	ssyncset.done $0x0  }
0x67f: {  	[sflag:s28] =	ssyncadd.s32 $0xFFFFFF80  }
0x680: {  	_ =	swait.ge [sflag:s28], $0x80  }
0x681: {  	[sflag:s28] =	ssyncset.done $0x0  }
0x682: {  	[sflag:s28] =	ssyncadd.s32 $0xFFFFFF80  }
0x683: {  	_ =	swait.ge [sflag:s28], $0x80  }
0x684: {  	[sflag:s28] =	ssyncset.done $0x0  }
0x685: {  	[sflag:s28] =	ssyncadd.s32 $0xFFFFFF80  }
0x686: {  	_ =	swait.ge [sflag:s28], $0x80  }
0x687: {  	[sflag:s28] =	ssyncset.done $0x0  }
0x688: {  	[sflag:s28] =	ssyncadd.s32 $0xFFFFFF80  }
0x689: {  	_ =	swait.ge [sflag:s28], $0x80  }
0x68a: {  	[sflag:s28] =	ssyncset.done $0x0  }
0x68b: {  	[sflag:s28] =	ssyncadd.s32 $0xFFFFFF80  }
0x68c: {  	_ =	swait.ge [sflag:s28], $0x80  }
0x68d: {  	[sflag:s28] =	ssyncset.done $0x0  }
0x68e: {  	[sflag:s28] =	ssyncadd.s32 $0xFFFFFF80  }
0x68f: {  	_ =	swait.ge [sflag:s28], $0x80  }
0x690: {  	[sflag:s28] =	ssyncset.done $0x0  }
0x691: {  	[sflag:s28] =	ssyncadd.s32 $0xFFFFFF80  }
0x692: {  	_ =	swait.ge [sflag:s28], $0x80  }
0x693: {  	[sflag:s28] =	ssyncset.done $0x0  }
0x694: {  	[sflag:s28] =	ssyncadd.s32 $0xFFFFFF80  }
0x695: {  	_ =	swait.ge [sflag:s31], $0x800  }
0x696: {  	[sflag:s31] =	ssyncset.done $0x0  }
0x697: {  	[sflag:s31] =	ssyncadd.s32 $0xFFFFF800  }
0x698: {  	_ =	swait.ge [sflag:s31], $0x800  }
0x699: {  	[sflag:s31] =	ssyncset.done $0x0  }
0x69a: {  	[sflag:s31] =	ssyncadd.s32 $0xFFFFF800  }
0x69b: {  	_ =	swait.ge [sflag:s12], $0x4000  }
0x69c: {  	[sflag:s12] =	ssyncset.done $0x0  }
0x69d: {  	[sflag:s12] =	ssyncadd.s32 $0xFFFFC000  }
0x69e: {  	[spmem:s3] =	stream.indirect.scatter.add.f32 [tilespmem:s11], [sflag:$0x5], $0x80, s7, s10, $0xb8;
	[tilespmem:$0x1E300] =	vst v63  }
0x69f: {  	_ = 	snop  }
0x6a0: {  	[spmem:s4] =	stream.indirect.scatter.add.f32 [tilespmem:s1], [sflag:$0x7], $0x1, s7, s10, $0xb8;
	[tilespmem:$0x1E300] =	vst v63  }
0x6a1: {  	_ =	swait.ge [sflag:s13], $0x4000  }
0x6a2: {  	[sflag:s13] =	ssyncset.done $0x0  }
0x6a3: {  	s30 =	simm.s32 $0x1080;
	[sflag:s13] =	ssyncadd.s32 $0xFFFFC000  }
0x6a4: {  	[tilespmem:s19], [sflag:$0x2] =	stream.indirect.gather [hbm4b:s2+s10], $0x80, s30, s10, $0xb8;
	[tilespmem:$0x1E300] =	vst v63  }
0x6a5: {  	_ =	swait.ge [sflag:s20], $0x4000  }
0x6a6: {  	[sflag:s20] =	ssyncset.done $0x0  }
0x6a7: {  	s15 =	simm.s32 $0x1880;
	[sflag:s20] =	ssyncadd.s32 $0xFFFFC000  }
0x6a8: {  	[spmem:s3] =	stream.indirect.scatter.add.f32 [tilespmem:s19], [sflag:$0x6], $0x80, s15, s10, $0xb8;
	[tilespmem:$0x1E300] =	vst v63  }
0x6a9: {  	_ = 	snop  }
0x6aa: {  	[spmem:s4] =	stream.indirect.scatter.add.f32 [tilespmem:s1], [sflag:$0x7], $0x1, s15, s10, $0xb8;
	[tilespmem:$0x1E300] =	vst v63  }
0x6ab: {  	_ =	swait.ge [sflag:s22], $0x4000  }
0x6ac: {  	[sflag:s22] =	ssyncset.done $0x0  }
0x6ad: {  	s21 =	simm.s32 $0x1100;
	[sflag:s22] =	ssyncadd.s32 $0xFFFFC000  }
0x6ae: {  	[tilespmem:s11], [sflag:$0x1] =	stream.indirect.gather [hbm4b:s2+s10], $0x80, s21, s10, $0xb8;
	[tilespmem:$0x1E300] =	vst v63  }
0x6af: {  	_ =	swait.ge [sflag:s12], $0x4000  }
0x6b0: {  	[sflag:s12] =	ssyncset.done $0x0  }
0x6b1: {  	s26 =	simm.s32 $0x1900;
	[sflag:s12] =	ssyncadd.s32 $0xFFFFC000  }
0x6b2: {  	[spmem:s3] =	stream.indirect.scatter.add.f32 [tilespmem:s11], [sflag:$0x5], $0x80, s26, s10, $0xb8;
	[tilespmem:$0x1E300] =	vst v63  }
0x6b3: {  	p1 =	por $0x0, $0x0  }
0x6b4: {  	[spmem:s4] =	stream.indirect.scatter.add.f32 [tilespmem:s1], [sflag:$0x7], $0x1, s26, s10, $0xb8;
	[tilespmem:$0x1E300] =	vst v63  }
0x6b5: {  	s26 =	sadd.s32 @!p1 $0x0, s0  }
0x6b6: {  	s29 =	sadd.s32 @!p1 $0x0, s17;
	s21 =	simm.s32 @!p1 $0x0;
	s26 =	sadd.s32 @!p1 $0x200, s26  }
0x6b7: {  	[tilespmem:s21], [sflag:$0x3] =	stream.linear.gather @!p1 [hbm4b:s26+s21], $0x800, $0x38;
	[tilespmem:$0x1E300] =	vst v63  }
0x6b8: {  	s26 =	sadd.s32 @!p1 $0x200, s29;
	s29 =	simm.s32 @!p1 $0x800  }
0x6b9: {  	[tilespmem:s29], [sflag:$0x3] =	stream.linear.gather @!p1 [hbm4b:s26+s21], $0x800, $0x38;
	[tilespmem:$0x1E300] =	vst v63  }
0x6ba: {  	_ =	swait.ge [sflag:s13], $0x4000  }
0x6bb: {  	[sflag:s13] =	ssyncset.done $0x0  }
0x6bc: {  	s29 =	simm.s32 $0x1180;
	[sflag:s13] =	ssyncadd.s32 $0xFFFFC000  }
0x6bd: {  	[tilespmem:s19], [sflag:$0x2] =	stream.indirect.gather [hbm4b:s2+s10], $0x80, s29, s10, $0xb8;
	[tilespmem:$0x1E300] =	vst v63  }
0x6be: {  	_ =	swait.ge [sflag:s20], $0x4000  }
0x6bf: {  	[sflag:s20] =	ssyncset.done $0x0  }
0x6c0: {  	s30 =	simm.s32 $0x1980;
	[sflag:s20] =	ssyncadd.s32 $0xFFFFC000  }
0x6c1: {  	[spmem:s3] =	stream.indirect.scatter.add.f32 [tilespmem:s19], [sflag:$0x6], $0x80, s30, s10, $0xb8;
	[tilespmem:$0x1E300] =	vst v63  }
0x6c2: {  	_ = 	snop  }
0x6c3: {  	[spmem:s4] =	stream.indirect.scatter.add.f32 [tilespmem:s1], [sflag:$0x7], $0x1, s30, s10, $0xb8;
	[tilespmem:$0x1E300] =	vst v63  }
0x6c4: {  	_ =	swait.ge [sflag:s22], $0x4000  }
0x6c5: {  	[sflag:s22] =	ssyncset.done $0x0  }
0x6c6: {  	s15 =	simm.s32 $0x1200;
	[sflag:s22] =	ssyncadd.s32 $0xFFFFC000  }
0x6c7: {  	[tilespmem:s11], [sflag:$0x1] =	stream.indirect.gather [hbm4b:s2+s10], $0x80, s15, s10, $0xb8;
	[tilespmem:$0x1E300] =	vst v63  }
0x6c8: {  	_ =	swait.ge [sflag:s12], $0x4000  }
0x6c9: {  	[sflag:s12] =	ssyncset.done $0x0  }
0x6ca: {  	s26 =	simm.s32 $0x1A00;
	[sflag:s12] =	ssyncadd.s32 $0xFFFFC000  }
0x6cb: {  	[spmem:s3] =	stream.indirect.scatter.add.f32 [tilespmem:s11], [sflag:$0x5], $0x80, s26, s10, $0xb8;
	[tilespmem:$0x1E300] =	vst v63  }
0x6cc: {  	_ = 	snop  }
0x6cd: {  	[spmem:s4] =	stream.indirect.scatter.add.f32 [tilespmem:s1], [sflag:$0x7], $0x1, s26, s10, $0xb8;
	[tilespmem:$0x1E300] =	vst v63  }
0x6ce: {  	_ =	swait.ge [sflag:s13], $0x4000  }
0x6cf: {  	[sflag:s13] =	ssyncset.done $0x0  }
0x6d0: {  	s29 =	simm.s32 $0x1280;
	[sflag:s13] =	ssyncadd.s32 $0xFFFFC000  }
0x6d1: {  	[tilespmem:s19], [sflag:$0x2] =	stream.indirect.gather [hbm4b:s2+s10], $0x80, s29, s10, $0xb8;
	[tilespmem:$0x1E300] =	vst v63  }
0x6d2: {  	_ =	swait.ge [sflag:s20], $0x4000  }
0x6d3: {  	[sflag:s20] =	ssyncset.done $0x0  }
0x6d4: {  	s30 =	simm.s32 $0x1A80;
	[sflag:s20] =	ssyncadd.s32 $0xFFFFC000  }
0x6d5: {  	[spmem:s3] =	stream.indirect.scatter.add.f32 [tilespmem:s19], [sflag:$0x6], $0x80, s30, s10, $0xb8;
	[tilespmem:$0x1E300] =	vst v63  }
0x6d6: {  	_ = 	snop  }
0x6d7: {  	[spmem:s4] =	stream.indirect.scatter.add.f32 [tilespmem:s1], [sflag:$0x7], $0x1, s30, s10, $0xb8;
	[tilespmem:$0x1E300] =	vst v63  }
0x6d8: {  	_ =	swait.ge [sflag:s22], $0x4000  }
0x6d9: {  	[sflag:s22] =	ssyncset.done $0x0  }
0x6da: {  	s15 =	simm.s32 $0x1300;
	[sflag:s22] =	ssyncadd.s32 $0xFFFFC000  }
0x6db: {  	[tilespmem:s11], [sflag:$0x1] =	stream.indirect.gather [hbm4b:s2+s10], $0x80, s15, s10, $0xb8;
	[tilespmem:$0x1E300] =	vst v63  }
0x6dc: {  	_ =	swait.ge [sflag:s12], $0x4000  }
0x6dd: {  	[sflag:s12] =	ssyncset.done $0x0  }
0x6de: {  	s26 =	simm.s32 $0x1B00;
	[sflag:s12] =	ssyncadd.s32 $0xFFFFC000  }
0x6df: {  	[spmem:s3] =	stream.indirect.scatter.add.f32 [tilespmem:s11], [sflag:$0x5], $0x80, s26, s10, $0xb8;
	[tilespmem:$0x1E300] =	vst v63  }
0x6e0: {  	_ = 	snop  }
0x6e1: {  	[spmem:s4] =	stream.indirect.scatter.add.f32 [tilespmem:s1], [sflag:$0x7], $0x1, s26, s10, $0xb8;
	[tilespmem:$0x1E300] =	vst v63  }
0x6e2: {  	_ =	swait.ge [sflag:s13], $0x4000  }
0x6e3: {  	[sflag:s13] =	ssyncset.done $0x0  }
0x6e4: {  	s29 =	simm.s32 $0x1380;
	[sflag:s13] =	ssyncadd.s32 $0xFFFFC000  }
0x6e5: {  	[tilespmem:s19], [sflag:$0x2] =	stream.indirect.gather [hbm4b:s2+s10], $0x80, s29, s10, $0xb8;
	[tilespmem:$0x1E300] =	vst v63  }
0x6e6: {  	_ =	swait.ge [sflag:s20], $0x4000  }
0x6e7: {  	[sflag:s20] =	ssyncset.done $0x0  }
0x6e8: {  	s30 =	simm.s32 $0x1B80;
	[sflag:s20] =	ssyncadd.s32 $0xFFFFC000  }
0x6e9: {  	[spmem:s3] =	stream.indirect.scatter.add.f32 [tilespmem:s19], [sflag:$0x6], $0x80, s30, s10, $0xb8;
	[tilespmem:$0x1E300] =	vst v63  }
0x6ea: {  	_ = 	snop  }
0x6eb: {  	[spmem:s4] =	stream.indirect.scatter.add.f32 [tilespmem:s1], [sflag:$0x7], $0x1, s30, s10, $0xb8;
	[tilespmem:$0x1E300] =	vst v63  }
0x6ec: {  	_ =	swait.ge [sflag:s22], $0x4000  }
0x6ed: {  	[sflag:s22] =	ssyncset.done $0x0  }
0x6ee: {  	s15 =	simm.s32 $0x1400;
	[sflag:s22] =	ssyncadd.s32 $0xFFFFC000  }
0x6ef: {  	[tilespmem:s11], [sflag:$0x1] =	stream.indirect.gather [hbm4b:s2+s10], $0x80, s15, s10, $0xb8;
	[tilespmem:$0x1E300] =	vst v63  }
0x6f0: {  	_ =	swait.ge [sflag:s12], $0x4000  }
0x6f1: {  	[sflag:s12] =	ssyncset.done $0x0  }
0x6f2: {  	s26 =	simm.s32 $0x1C00;
	[sflag:s12] =	ssyncadd.s32 $0xFFFFC000  }
0x6f3: {  	[spmem:s3] =	stream.indirect.scatter.add.f32 [tilespmem:s11], [sflag:$0x5], $0x80, s26, s10, $0xb8;
	[tilespmem:$0x1E300] =	vst v63  }
0x6f4: {  	_ = 	snop  }
0x6f5: {  	[spmem:s4] =	stream.indirect.scatter.add.f32 [tilespmem:s1], [sflag:$0x7], $0x1, s26, s10, $0xb8;
	[tilespmem:$0x1E300] =	vst v63  }
0x6f6: {  	_ =	swait.ge [sflag:s13], $0x4000  }
0x6f7: {  	[sflag:s13] =	ssyncset.done $0x0  }
0x6f8: {  	s29 =	simm.s32 $0x1480;
	[sflag:s13] =	ssyncadd.s32 $0xFFFFC000  }
0x6f9: {  	[tilespmem:s19], [sflag:$0x2] =	stream.indirect.gather [hbm4b:s2+s10], $0x80, s29, s10, $0xb8;
	[tilespmem:$0x1E300] =	vst v63  }
0x6fa: {  	_ =	swait.ge [sflag:s20], $0x4000  }
0x6fb: {  	[sflag:s20] =	ssyncset.done $0x0  }
0x6fc: {  	s30 =	simm.s32 $0x1C80;
	[sflag:s20] =	ssyncadd.s32 $0xFFFFC000  }
0x6fd: {  	[spmem:s3] =	stream.indirect.scatter.add.f32 [tilespmem:s19], [sflag:$0x6], $0x80, s30, s10, $0xb8;
	[tilespmem:$0x1E300] =	vst v63  }
0x6fe: {  	_ = 	snop  }
0x6ff: {  	[spmem:s4] =	stream.indirect.scatter.add.f32 [tilespmem:s1], [sflag:$0x7], $0x1, s30, s10, $0xb8;
	[tilespmem:$0x1E300] =	vst v63  }
0x700: {  	_ =	swait.ge [sflag:s22], $0x4000  }
0x701: {  	[sflag:s22] =	ssyncset.done $0x0  }
0x702: {  	s15 =	simm.s32 $0x1500;
	[sflag:s22] =	ssyncadd.s32 $0xFFFFC000  }
0x703: {  	[tilespmem:s11], [sflag:$0x1] =	stream.indirect.gather [hbm4b:s2+s10], $0x80, s15, s10, $0xb8;
	[tilespmem:$0x1E300] =	vst v63  }
0x704: {  	_ =	swait.ge [sflag:s12], $0x4000  }
0x705: {  	[sflag:s12] =	ssyncset.done $0x0  }
0x706: {  	s26 =	simm.s32 $0x1D00;
	[sflag:s12] =	ssyncadd.s32 $0xFFFFC000  }
0x707: {  	[spmem:s3] =	stream.indirect.scatter.add.f32 [tilespmem:s11], [sflag:$0x5], $0x80, s26, s10, $0xb8;
	[tilespmem:$0x1E300] =	vst v63  }
0x708: {  	_ = 	snop  }
0x709: {  	[spmem:s4] =	stream.indirect.scatter.add.f32 [tilespmem:s1], [sflag:$0x7], $0x1, s26, s10, $0xb8;
	[tilespmem:$0x1E300] =	vst v63  }
0x70a: {  	_ =	swait.ge [sflag:s13], $0x4000  }
0x70b: {  	[sflag:s13] =	ssyncset.done $0x0  }
0x70c: {  	s29 =	simm.s32 $0x1580;
	[sflag:s13] =	ssyncadd.s32 $0xFFFFC000  }
0x70d: {  	[tilespmem:s19], [sflag:$0x2] =	stream.indirect.gather [hbm4b:s2+s10], $0x80, s29, s10, $0xb8;
	[tilespmem:$0x1E300] =	vst v63  }
0x70e: {  	_ =	swait.ge [sflag:s20], $0x4000  }
0x70f: {  	[sflag:s20] =	ssyncset.done $0x0  }
0x710: {  	s30 =	simm.s32 $0x1D80;
	[sflag:s20] =	ssyncadd.s32 $0xFFFFC000  }
0x711: {  	[spmem:s3] =	stream.indirect.scatter.add.f32 [tilespmem:s19], [sflag:$0x6], $0x80, s30, s10, $0xb8;
	[tilespmem:$0x1E300] =	vst v63  }
0x712: {  	_ = 	snop  }
0x713: {  	[spmem:s4] =	stream.indirect.scatter.add.f32 [tilespmem:s1], [sflag:$0x7], $0x1, s30, s10, $0xb8;
	[tilespmem:$0x1E300] =	vst v63  }
0x714: {  	_ =	swait.ge [sflag:s22], $0x4000  }
0x715: {  	[sflag:s22] =	ssyncset.done $0x0  }
0x716: {  	s15 =	simm.s32 $0x1600;
	[sflag:s22] =	ssyncadd.s32 $0xFFFFC000  }
0x717: {  	[tilespmem:s11], [sflag:$0x1] =	stream.indirect.gather [hbm4b:s2+s10], $0x80, s15, s10, $0xb8;
	[tilespmem:$0x1E300] =	vst v63  }
0x718: {  	_ =	swait.ge [sflag:s12], $0x4000  }
0x719: {  	[sflag:s12] =	ssyncset.done $0x0  }
0x71a: {  	s26 =	simm.s32 $0x1E00;
	[sflag:s12] =	ssyncadd.s32 $0xFFFFC000  }
0x71b: {  	[spmem:s3] =	stream.indirect.scatter.add.f32 [tilespmem:s11], [sflag:$0x5], $0x80, s26, s10, $0xb8;
	[tilespmem:$0x1E300] =	vst v63  }
0x71c: {  	_ = 	snop  }
0x71d: {  	[spmem:s4] =	stream.indirect.scatter.add.f32 [tilespmem:s1], [sflag:$0x7], $0x1, s26, s10, $0xb8;
	[tilespmem:$0x1E300] =	vst v63  }
0x71e: {  	_ =	swait.ge [sflag:s13], $0x4000  }
0x71f: {  	[sflag:s13] =	ssyncset.done $0x0  }
0x720: {  	s29 =	simm.s32 $0x1680;
	[sflag:s13] =	ssyncadd.s32 $0xFFFFC000  }
0x721: {  	[tilespmem:s19], [sflag:$0x2] =	stream.indirect.gather [hbm4b:s2+s10], $0x80, s29, s10, $0xb8;
	[tilespmem:$0x1E300] =	vst v63  }
0x722: {  	_ =	swait.ge [sflag:s20], $0x4000  }
0x723: {  	[sflag:s20] =	ssyncset.done $0x0  }
0x724: {  	s30 =	simm.s32 $0x1E80;
	[sflag:s20] =	ssyncadd.s32 $0xFFFFC000  }
0x725: {  	[spmem:s3] =	stream.indirect.scatter.add.f32 [tilespmem:s19], [sflag:$0x6], $0x80, s30, s10, $0xb8;
	[tilespmem:$0x1E300] =	vst v63  }
0x726: {  	_ = 	snop  }
0x727: {  	[spmem:s4] =	stream.indirect.scatter.add.f32 [tilespmem:s1], [sflag:$0x7], $0x1, s30, s10, $0xb8;
	[tilespmem:$0x1E300] =	vst v63  }
0x728: {  	_ =	swait.ge [sflag:s22], $0x4000  }
0x729: {  	[sflag:s22] =	ssyncset.done $0x0  }
0x72a: {  	s15 =	simm.s32 $0x1700;
	[sflag:s22] =	ssyncadd.s32 $0xFFFFC000  }
0x72b: {  	[tilespmem:s11], [sflag:$0x1] =	stream.indirect.gather [hbm4b:s2+s10], $0x80, s15, s10, $0xb8;
	[tilespmem:$0x1E300] =	vst v63  }
0x72c: {  	_ =	swait.ge [sflag:s12], $0x4000  }
0x72d: {  	[sflag:s12] =	ssyncset.done $0x0  }
0x72e: {  	s26 =	simm.s32 $0x1F00;
	[sflag:s12] =	ssyncadd.s32 $0xFFFFC000  }
0x72f: {  	[spmem:s3] =	stream.indirect.scatter.add.f32 [tilespmem:s11], [sflag:$0x5], $0x80, s26, s10, $0xb8;
	[tilespmem:$0x1E300] =	vst v63  }
0x730: {  	_ = 	snop  }
0x731: {  	[spmem:s4] =	stream.indirect.scatter.add.f32 [tilespmem:s1], [sflag:$0x7], $0x1, s26, s10, $0xb8;
	[tilespmem:$0x1E300] =	vst v63  }
0x732: {  	_ =	swait.ge [sflag:s13], $0x4000  }
0x733: {  	[sflag:s13] =	ssyncset.done $0x0  }
0x734: {  	s29 =	simm.s32 $0x1780;
	[sflag:s13] =	ssyncadd.s32 $0xFFFFC000  }
0x735: {  	[tilespmem:s19], [sflag:$0x2] =	stream.indirect.gather [hbm4b:s2+s10], $0x80, s29, s10, $0xb8;
	[tilespmem:$0x1E300] =	vst v63  }
0x736: {  	_ =	swait.ge [sflag:s20], $0x4000  }
0x737: {  	[sflag:s20] =	ssyncset.done $0x0  }
0x738: {  	s30 =	simm.s32 $0x1F80;
	[sflag:s20] =	ssyncadd.s32 $0xFFFFC000  }
0x739: {  	[spmem:s3] =	stream.indirect.scatter.add.f32 [tilespmem:s19], [sflag:$0x6], $0x80, s30, s10, $0xb8;
	[tilespmem:$0x1E300] =	vst v63  }
0x73a: {  	_ = 	snop  }
0x73b: {  	[spmem:s4] =	stream.indirect.scatter.add.f32 [tilespmem:s1], [sflag:$0x7], $0x1, s30, s10, $0xb8;
	[tilespmem:$0x1E300] =	vst v63  }
0x73c: {  	_ =	swait.ge [sflag:s22], $0x4000  }
0x73d: {  	[sflag:s22] =	ssyncset.done $0x0  }
0x73e: {  	s26 =	simm.s32 @!p1 $0x80;
	s29 =	simm.s32 @!p1 $0x2000;
	[sflag:s22] =	ssyncadd.s32 $0xFFFFC000  }
0x73f: {  	[tilespmem:s29], [sflag:$0x1] =	stream.indirect.gather @!p1 [hbm4b:s2+s26], $0x80, s21, s26, $0xb8;
	[tilespmem:$0x1E300] =	vst v63  }
0x740: {  	_ =	swait.ge [sflag:s28], $0x80  }
0x741: {  	[sflag:s28] =	ssyncset.done $0x0  }
0x742: {  	[sflag:s28] =	ssyncadd.s32 $0xFFFFFF80  }
0x743: {  	_ =	swait.ge [sflag:s28], $0x80  }
0x744: {  	[sflag:s28] =	ssyncset.done $0x0  }
0x745: {  	[sflag:s28] =	ssyncadd.s32 $0xFFFFFF80  }
0x746: {  	_ =	swait.ge [sflag:s28], $0x80  }
0x747: {  	[sflag:s28] =	ssyncset.done $0x0  }
0x748: {  	[sflag:s28] =	ssyncadd.s32 $0xFFFFFF80  }
0x749: {  	_ =	swait.ge [sflag:s28], $0x80  }
0x74a: {  	[sflag:s28] =	ssyncset.done $0x0  }
0x74b: {  	[sflag:s28] =	ssyncadd.s32 $0xFFFFFF80  }
0x74c: {  	_ =	swait.ge [sflag:s28], $0x80  }
0x74d: {  	[sflag:s28] =	ssyncset.done $0x0  }
0x74e: {  	[sflag:s28] =	ssyncadd.s32 $0xFFFFFF80  }
0x74f: {  	_ =	swait.ge [sflag:s28], $0x80  }
0x750: {  	[sflag:s28] =	ssyncset.done $0x0  }
0x751: {  	[sflag:s28] =	ssyncadd.s32 $0xFFFFFF80  }
0x752: {  	_ =	swait.ge [sflag:s28], $0x80  }
0x753: {  	[sflag:s28] =	ssyncset.done $0x0  }
0x754: {  	[sflag:s28] =	ssyncadd.s32 $0xFFFFFF80  }
0x755: {  	_ =	swait.ge [sflag:s28], $0x80  }
0x756: {  	[sflag:s28] =	ssyncset.done $0x0  }
0x757: {  	[sflag:s28] =	ssyncadd.s32 $0xFFFFFF80  }
0x758: {  	_ =	swait.ge [sflag:s28], $0x80  }
0x759: {  	[sflag:s28] =	ssyncset.done $0x0  }
0x75a: {  	[sflag:s28] =	ssyncadd.s32 $0xFFFFFF80  }
0x75b: {  	_ =	swait.ge [sflag:s28], $0x80  }
0x75c: {  	[sflag:s28] =	ssyncset.done $0x0  }
0x75d: {  	[sflag:s28] =	ssyncadd.s32 $0xFFFFFF80  }
0x75e: {  	_ =	swait.ge [sflag:s28], $0x80  }
0x75f: {  	[sflag:s28] =	ssyncset.done $0x0  }
0x760: {  	[sflag:s28] =	ssyncadd.s32 $0xFFFFFF80  }
0x761: {  	_ =	swait.ge [sflag:s28], $0x80  }
0x762: {  	[sflag:s28] =	ssyncset.done $0x0  }
0x763: {  	[sflag:s28] =	ssyncadd.s32 $0xFFFFFF80  }
0x764: {  	_ =	swait.ge [sflag:s28], $0x80  }
0x765: {  	[sflag:s28] =	ssyncset.done $0x0  }
0x766: {  	[sflag:s28] =	ssyncadd.s32 $0xFFFFFF80  }
0x767: {  	_ =	swait.ge [sflag:s28], $0x80  }
0x768: {  	[sflag:s28] =	ssyncset.done $0x0  }
0x769: {  	[sflag:s28] =	ssyncadd.s32 $0xFFFFFF80  }
0x76a: {  	_ =	swait.ge [sflag:s28], $0x80  }
0x76b: {  	[sflag:s28] =	ssyncset.done $0x0  }
0x76c: {  	[sflag:s28] =	ssyncadd.s32 $0xFFFFFF80  }
0x76d: {  	s26 =	simm.s32 $0x200;
	s21 =	simm.s32 $0x400;
	_ =	swait.ge [sflag:s28], $0x80  }
.LBB2_3:
0x76e: {  	p2 =	seq.s32 s26, $0x0;
	[sflag:s28] =	ssyncset.done $0x0  }
0x76f: {  	s30 =	simm.s32 @!p2 $0x3;
	[sflag:s28] =	ssyncadd.s32 $0xFFFFFF80  }
0x770: {  	_ =	swait.ge @!p2 [sflag:s30], $0x800  }
0x771: {  	[sflag:s30] =	ssyncset.done @!p2 $0x0  }
0x772: {  	[sflag:s30] =	ssyncadd.s32 @!p2 $0xFFFFF800  }
0x773: {  	_ =	swait.ge @!p2 [sflag:s30], $0x800  }
0x774: {  	[sflag:s30] =	ssyncset.done @!p2 $0x0  }
0x775: {  	[sflag:s30] =	ssyncadd.s32 @!p2 $0xFFFFF800  }
0x776: {  	_ =	swait.ge [sflag:s12], $0x4000  }
0x777: {  	[sflag:s12] =	ssyncset.done $0x0  }
0x778: {  	s15 =	simm.s32 $0x800;
	[sflag:s12] =	ssyncadd.s32 $0xFFFFC000  }
0x779: {  	[spmem:s3] =	stream.indirect.scatter.add.f32 [tilespmem:s11], [sflag:$0x5], $0x80, s15, s10, $0xb8;
	[tilespmem:$0x1E300] =	vst v63  }
0x77a: {  	s30 =	simm.s32 @!p2 $0x6  }
0x77b: {  	[spmem:s4] =	stream.indirect.scatter.add.f32 [tilespmem:s1], [sflag:$0x7], $0x1, s15, s10, $0xb8;
	[tilespmem:$0x1E300] =	vst v63  }
0x77c: {  	_ =	swait.ge @!p2 [sflag:s30], $0x4000  }
0x77d: {  	[sflag:s30] =	ssyncset.done @!p2 $0x0  }
0x77e: {  	[sflag:s30] =	ssyncadd.s32 @!p2 $0xFFFFC000  }
0x77f: {  	[tilespmem:s19], [sflag:$0x2] =	stream.indirect.gather [hbm4b:s2+s10], $0x80, s10, s10, $0xb8;
	[tilespmem:$0x1E300] =	vst v63  }
0x780: {  	_ =	swait.ge [sflag:s20], $0x4000  }
0x781: {  	[sflag:s20] =	ssyncset.done $0x0  }
0x782: {  	[sflag:s20] =	ssyncadd.s32 $0xFFFFC000  }
0x783: {  	[spmem:s3] =	stream.indirect.scatter.add.f32 [tilespmem:s19], [sflag:$0x6], $0x80, s18, s10, $0xb8;
	[tilespmem:$0x1E300] =	vst v63  }
0x784: {  	_ = 	snop  }
0x785: {  	[spmem:s4] =	stream.indirect.scatter.add.f32 [tilespmem:s1], [sflag:$0x7], $0x1, s18, s10, $0xb8;
	[tilespmem:$0x1E300] =	vst v63  }
0x786: {  	_ =	swait.ge [sflag:s22], $0x4000  }
0x787: {  	[sflag:s22] =	ssyncset.done $0x0  }
0x788: {  	s5 =	simm.s32 $0x100;
	[sflag:s22] =	ssyncadd.s32 $0xFFFFC000  }
0x789: {  	[tilespmem:s11], [sflag:$0x1] =	stream.indirect.gather [hbm4b:s2+s10], $0x80, s5, s10, $0xb8;
	[tilespmem:$0x1E300] =	vst v63  }
0x78a: {  	_ =	swait.ge [sflag:s12], $0x4000  }
0x78b: {  	[sflag:s12] =	ssyncset.done $0x0  }
0x78c: {  	s5 =	simm.s32 $0x900;
	[sflag:s12] =	ssyncadd.s32 $0xFFFFC000  }
0x78d: {  	[spmem:s3] =	stream.indirect.scatter.add.f32 [tilespmem:s11], [sflag:$0x5], $0x80, s5, s10, $0xb8;
	[tilespmem:$0x1E300] =	vst v63  }
0x78e: {  	s15 =	sadd.s32 s26, s0  }
0x78f: {  	[spmem:s4] =	stream.indirect.scatter.add.f32 [tilespmem:s1], [sflag:$0x7], $0x1, s5, s10, $0xb8;
	[tilespmem:$0x1E300] =	vst v63  }
0x790: {  	s30 =	sadd.s32 $0x100, s15;
	s15 =	sadd.s32 s26, s17;
	s5 =	simm.s32 $0x0  }
0x791: {  	[tilespmem:s8], [sflag:$0x4] =	stream.linear.gather [hbm4b:s30+s5], $0x800, $0x38;
	[tilespmem:$0x1E300] =	vst v63  }
0x792: {  	s15 =	sadd.s32 $0x100, s15  }
0x793: {  	[tilespmem:s7], [sflag:$0x4] =	stream.linear.gather [hbm4b:s15+s5], $0x800, $0x38;
	[tilespmem:$0x1E300] =	vst v63  }
0x794: {  	_ =	swait.ge [sflag:s13], $0x4000  }
0x795: {  	[sflag:s13] =	ssyncset.done $0x0  }
0x796: {  	s30 =	simm.s32 $0x180;
	[sflag:s13] =	ssyncadd.s32 $0xFFFFC000  }
0x797: {  	[tilespmem:s19], [sflag:$0x2] =	stream.indirect.gather [hbm4b:s2+s10], $0x80, s30, s10, $0xb8;
	[tilespmem:$0x1E300] =	vst v63  }
0x798: {  	_ =	swait.ge [sflag:s20], $0x4000  }
0x799: {  	[sflag:s20] =	ssyncset.done $0x0  }
0x79a: {  	[sflag:s20] =	ssyncadd.s32 $0xFFFFC000  }
0x79b: {  	[spmem:s3] =	stream.indirect.scatter.add.f32 [tilespmem:s19], [sflag:$0x6], $0x80, s16, s10, $0xb8;
	[tilespmem:$0x1E300] =	vst v63  }
0x79c: {  	_ = 	snop  }
0x79d: {  	[spmem:s4] =	stream.indirect.scatter.add.f32 [tilespmem:s1], [sflag:$0x7], $0x1, s16, s10, $0xb8;
	[tilespmem:$0x1E300] =	vst v63  }
0x79e: {  	_ =	swait.ge [sflag:s22], $0x4000  }
0x79f: {  	[sflag:s22] =	ssyncset.done $0x0  }
0x7a0: {  	s5 =	simm.s32 $0x200;
	[sflag:s22] =	ssyncadd.s32 $0xFFFFC000  }
0x7a1: {  	[tilespmem:s11], [sflag:$0x1] =	stream.indirect.gather [hbm4b:s2+s10], $0x80, s5, s10, $0xb8;
	[tilespmem:$0x1E300] =	vst v63  }
0x7a2: {  	_ =	swait.ge [sflag:s12], $0x4000  }
0x7a3: {  	[sflag:s12] =	ssyncset.done $0x0  }
0x7a4: {  	s15 =	simm.s32 $0xA00;
	[sflag:s12] =	ssyncadd.s32 $0xFFFFC000  }
0x7a5: {  	[spmem:s3] =	stream.indirect.scatter.add.f32 [tilespmem:s11], [sflag:$0x5], $0x80, s15, s10, $0xb8;
	[tilespmem:$0x1E300] =	vst v63  }
0x7a6: {  	_ = 	snop  }
0x7a7: {  	[spmem:s4] =	stream.indirect.scatter.add.f32 [tilespmem:s1], [sflag:$0x7], $0x1, s15, s10, $0xb8;
	[tilespmem:$0x1E300] =	vst v63  }
0x7a8: {  	_ =	swait.ge [sflag:s13], $0x4000  }
0x7a9: {  	[sflag:s13] =	ssyncset.done $0x0  }
0x7aa: {  	s30 =	simm.s32 $0x280;
	[sflag:s13] =	ssyncadd.s32 $0xFFFFC000  }
0x7ab: {  	[tilespmem:s19], [sflag:$0x2] =	stream.indirect.gather [hbm4b:s2+s10], $0x80, s30, s10, $0xb8;
	[tilespmem:$0x1E300] =	vst v63  }
0x7ac: {  	_ =	swait.ge [sflag:s20], $0x4000  }
0x7ad: {  	[sflag:s20] =	ssyncset.done $0x0  }
0x7ae: {  	[sflag:s20] =	ssyncadd.s32 $0xFFFFC000  }
0x7af: {  	[spmem:s3] =	stream.indirect.scatter.add.f32 [tilespmem:s19], [sflag:$0x6], $0x80, s24, s10, $0xb8;
	[tilespmem:$0x1E300] =	vst v63  }
0x7b0: {  	_ = 	snop  }
0x7b1: {  	[spmem:s4] =	stream.indirect.scatter.add.f32 [tilespmem:s1], [sflag:$0x7], $0x1, s24, s10, $0xb8;
	[tilespmem:$0x1E300] =	vst v63  }
0x7b2: {  	_ =	swait.ge [sflag:s22], $0x4000  }
0x7b3: {  	[sflag:s22] =	ssyncset.done $0x0  }
0x7b4: {  	s5 =	simm.s32 $0x300;
	[sflag:s22] =	ssyncadd.s32 $0xFFFFC000  }
0x7b5: {  	[tilespmem:s11], [sflag:$0x1] =	stream.indirect.gather [hbm4b:s2+s10], $0x80, s5, s10, $0xb8;
	[tilespmem:$0x1E300] =	vst v63  }
0x7b6: {  	_ =	swait.ge [sflag:s12], $0x4000  }
0x7b7: {  	[sflag:s12] =	ssyncset.done $0x0  }
0x7b8: {  	[sflag:s12] =	ssyncadd.s32 $0xFFFFC000  }
0x7b9: {  	[spmem:s3] =	stream.indirect.scatter.add.f32 [tilespmem:s11], [sflag:$0x5], $0x80, s25, s10, $0xb8;
	[tilespmem:$0x1E300] =	vst v63  }
0x7ba: {  	_ = 	snop  }
0x7bb: {  	[spmem:s4] =	stream.indirect.scatter.add.f32 [tilespmem:s1], [sflag:$0x7], $0x1, s25, s10, $0xb8;
	[tilespmem:$0x1E300] =	vst v63  }
0x7bc: {  	_ =	swait.ge [sflag:s13], $0x4000  }
0x7bd: {  	[sflag:s13] =	ssyncset.done $0x0  }
0x7be: {  	s15 =	simm.s32 $0x380;
	[sflag:s13] =	ssyncadd.s32 $0xFFFFC000  }
0x7bf: {  	[tilespmem:s19], [sflag:$0x2] =	stream.indirect.gather [hbm4b:s2+s10], $0x80, s15, s10, $0xb8;
	[tilespmem:$0x1E300] =	vst v63  }
0x7c0: {  	_ =	swait.ge [sflag:s20], $0x4000  }
0x7c1: {  	[sflag:s20] =	ssyncset.done $0x0  }
0x7c2: {  	[sflag:s20] =	ssyncadd.s32 $0xFFFFC000  }
0x7c3: {  	[spmem:s3] =	stream.indirect.scatter.add.f32 [tilespmem:s19], [sflag:$0x6], $0x80, s14, s10, $0xb8;
	[tilespmem:$0x1E300] =	vst v63  }
0x7c4: {  	_ = 	snop  }
0x7c5: {  	[spmem:s4] =	stream.indirect.scatter.add.f32 [tilespmem:s1], [sflag:$0x7], $0x1, s14, s10, $0xb8;
	[tilespmem:$0x1E300] =	vst v63  }
0x7c6: {  	_ =	swait.ge [sflag:s22], $0x4000  }
0x7c7: {  	[sflag:s22] =	ssyncset.done $0x0  }
0x7c8: {  	s30 =	simm.s32 $0x400;
	[sflag:s22] =	ssyncadd.s32 $0xFFFFC000  }
0x7c9: {  	[tilespmem:s11], [sflag:$0x1] =	stream.indirect.gather [hbm4b:s2+s10], $0x80, s30, s10, $0xb8;
	[tilespmem:$0x1E300] =	vst v63  }
0x7ca: {  	_ =	swait.ge [sflag:s12], $0x4000  }
0x7cb: {  	[sflag:s12] =	ssyncset.done $0x0  }
0x7cc: {  	[sflag:s12] =	ssyncadd.s32 $0xFFFFC000  }
0x7cd: {  	[spmem:s3] =	stream.indirect.scatter.add.f32 [tilespmem:s11], [sflag:$0x5], $0x80, s9, s10, $0xb8;
	[tilespmem:$0x1E300] =	vst v63  }
0x7ce: {  	_ = 	snop  }
0x7cf: {  	[spmem:s4] =	stream.indirect.scatter.add.f32 [tilespmem:s1], [sflag:$0x7], $0x1, s9, s10, $0xb8;
	[tilespmem:$0x1E300] =	vst v63  }
0x7d0: {  	_ =	swait.ge [sflag:s13], $0x4000  }
0x7d1: {  	[sflag:s13] =	ssyncset.done $0x0  }
0x7d2: {  	s15 =	simm.s32 $0x480;
	[sflag:s13] =	ssyncadd.s32 $0xFFFFC000  }
0x7d3: {  	[tilespmem:s19], [sflag:$0x2] =	stream.indirect.gather [hbm4b:s2+s10], $0x80, s15, s10, $0xb8;
	[tilespmem:$0x1E300] =	vst v63  }
0x7d4: {  	_ =	swait.ge [sflag:s20], $0x4000  }
0x7d5: {  	[sflag:s20] =	ssyncset.done $0x0  }
0x7d6: {  	[sflag:s20] =	ssyncadd.s32 $0xFFFFC000  }
0x7d7: {  	[spmem:s3] =	stream.indirect.scatter.add.f32 [tilespmem:s19], [sflag:$0x6], $0x80, s23, s10, $0xb8;
	[tilespmem:$0x1E300] =	vst v63  }
0x7d8: {  	_ = 	snop  }
0x7d9: {  	[spmem:s4] =	stream.indirect.scatter.add.f32 [tilespmem:s1], [sflag:$0x7], $0x1, s23, s10, $0xb8;
	[tilespmem:$0x1E300] =	vst v63  }
0x7da: {  	_ =	swait.ge [sflag:s22], $0x4000  }
0x7db: {  	[sflag:s22] =	ssyncset.done $0x0  }
0x7dc: {  	s30 =	simm.s32 $0x500;
	[sflag:s22] =	ssyncadd.s32 $0xFFFFC000  }
0x7dd: {  	[tilespmem:s11], [sflag:$0x1] =	stream.indirect.gather [hbm4b:s2+s10], $0x80, s30, s10, $0xb8;
	[tilespmem:$0x1E300] =	vst v63  }
0x7de: {  	_ =	swait.ge [sflag:s12], $0x4000  }
0x7df: {  	[sflag:s12] =	ssyncset.done $0x0  }
0x7e0: {  	s15 =	simm.s32 $0xD00;
	[sflag:s12] =	ssyncadd.s32 $0xFFFFC000  }
0x7e1: {  	[spmem:s3] =	stream.indirect.scatter.add.f32 [tilespmem:s11], [sflag:$0x5], $0x80, s15, s10, $0xb8;
	[tilespmem:$0x1E300] =	vst v63  }
0x7e2: {  	_ = 	snop  }
0x7e3: {  	[spmem:s4] =	stream.indirect.scatter.add.f32 [tilespmem:s1], [sflag:$0x7], $0x1, s15, s10, $0xb8;
	[tilespmem:$0x1E300] =	vst v63  }
0x7e4: {  	_ =	swait.ge [sflag:s13], $0x4000  }
0x7e5: {  	[sflag:s13] =	ssyncset.done $0x0  }
0x7e6: {  	s30 =	simm.s32 $0x580;
	[sflag:s13] =	ssyncadd.s32 $0xFFFFC000  }
0x7e7: {  	[tilespmem:s19], [sflag:$0x2] =	stream.indirect.gather [hbm4b:s2+s10], $0x80, s30, s10, $0xb8;
	[tilespmem:$0x1E300] =	vst v63  }
0x7e8: {  	_ =	swait.ge [sflag:s20], $0x4000  }
0x7e9: {  	[sflag:s20] =	ssyncset.done $0x0  }
0x7ea: {  	s15 =	simm.s32 $0xD80;
	[sflag:s20] =	ssyncadd.s32 $0xFFFFC000  }
0x7eb: {  	[spmem:s3] =	stream.indirect.scatter.add.f32 [tilespmem:s19], [sflag:$0x6], $0x80, s15, s10, $0xb8;
	[tilespmem:$0x1E300] =	vst v63  }
0x7ec: {  	_ = 	snop  }
0x7ed: {  	[spmem:s4] =	stream.indirect.scatter.add.f32 [tilespmem:s1], [sflag:$0x7], $0x1, s15, s10, $0xb8;
	[tilespmem:$0x1E300] =	vst v63  }
0x7ee: {  	_ =	swait.ge [sflag:s22], $0x4000  }
0x7ef: {  	[sflag:s22] =	ssyncset.done $0x0  }
0x7f0: {  	s30 =	simm.s32 $0x600;
	[sflag:s22] =	ssyncadd.s32 $0xFFFFC000  }
0x7f1: {  	[tilespmem:s11], [sflag:$0x1] =	stream.indirect.gather [hbm4b:s2+s10], $0x80, s30, s10, $0xb8;
	[tilespmem:$0x1E300] =	vst v63  }
0x7f2: {  	_ =	swait.ge [sflag:s12], $0x4000  }
0x7f3: {  	[sflag:s12] =	ssyncset.done $0x0  }
0x7f4: {  	s15 =	simm.s32 $0xE00;
	[sflag:s12] =	ssyncadd.s32 $0xFFFFC000  }
0x7f5: {  	[spmem:s3] =	stream.indirect.scatter.add.f32 [tilespmem:s11], [sflag:$0x5], $0x80, s15, s10, $0xb8;
	[tilespmem:$0x1E300] =	vst v63  }
0x7f6: {  	_ = 	snop  }
0x7f7: {  	[spmem:s4] =	stream.indirect.scatter.add.f32 [tilespmem:s1], [sflag:$0x7], $0x1, s15, s10, $0xb8;
	[tilespmem:$0x1E300] =	vst v63  }
0x7f8: {  	_ =	swait.ge [sflag:s13], $0x4000  }
0x7f9: {  	[sflag:s13] =	ssyncset.done $0x0  }
0x7fa: {  	s30 =	simm.s32 $0x680;
	[sflag:s13] =	ssyncadd.s32 $0xFFFFC000  }
0x7fb: {  	[tilespmem:s19], [sflag:$0x2] =	stream.indirect.gather [hbm4b:s2+s10], $0x80, s30, s10, $0xb8;
	[tilespmem:$0x1E300] =	vst v63  }
0x7fc: {  	_ =	swait.ge [sflag:s20], $0x4000  }
0x7fd: {  	[sflag:s20] =	ssyncset.done $0x0  }
0x7fe: {  	s15 =	simm.s32 $0xE80;
	[sflag:s20] =	ssyncadd.s32 $0xFFFFC000  }
0x7ff: {  	[spmem:s3] =	stream.indirect.scatter.add.f32 [tilespmem:s19], [sflag:$0x6], $0x80, s15, s10, $0xb8;
	[tilespmem:$0x1E300] =	vst v63  }
0x800: {  	_ = 	snop  }
0x801: {  	[spmem:s4] =	stream.indirect.scatter.add.f32 [tilespmem:s1], [sflag:$0x7], $0x1, s15, s10, $0xb8;
	[tilespmem:$0x1E300] =	vst v63  }
0x802: {  	_ =	swait.ge [sflag:s22], $0x4000  }
0x803: {  	[sflag:s22] =	ssyncset.done $0x0  }
0x804: {  	s30 =	simm.s32 $0x700;
	[sflag:s22] =	ssyncadd.s32 $0xFFFFC000  }
0x805: {  	[tilespmem:s11], [sflag:$0x1] =	stream.indirect.gather [hbm4b:s2+s10], $0x80, s30, s10, $0xb8;
	[tilespmem:$0x1E300] =	vst v63  }
0x806: {  	_ =	swait.ge [sflag:s12], $0x4000  }
0x807: {  	[sflag:s12] =	ssyncset.done $0x0  }
0x808: {  	s15 =	simm.s32 $0xF00;
	[sflag:s12] =	ssyncadd.s32 $0xFFFFC000  }
0x809: {  	[spmem:s3] =	stream.indirect.scatter.add.f32 [tilespmem:s11], [sflag:$0x5], $0x80, s15, s10, $0xb8;
	[tilespmem:$0x1E300] =	vst v63  }
0x80a: {  	_ = 	snop  }
0x80b: {  	[spmem:s4] =	stream.indirect.scatter.add.f32 [tilespmem:s1], [sflag:$0x7], $0x1, s15, s10, $0xb8;
	[tilespmem:$0x1E300] =	vst v63  }
0x80c: {  	_ =	swait.ge [sflag:s13], $0x4000  }
0x80d: {  	[sflag:s13] =	ssyncset.done $0x0  }
0x80e: {  	s30 =	simm.s32 $0x780;
	[sflag:s13] =	ssyncadd.s32 $0xFFFFC000  }
0x80f: {  	[tilespmem:s19], [sflag:$0x2] =	stream.indirect.gather [hbm4b:s2+s10], $0x80, s30, s10, $0xb8;
	[tilespmem:$0x1E300] =	vst v63  }
0x810: {  	_ =	swait.ge [sflag:s20], $0x4000  }
0x811: {  	[sflag:s20] =	ssyncset.done $0x0  }
0x812: {  	s15 =	simm.s32 $0xF80;
	[sflag:s20] =	ssyncadd.s32 $0xFFFFC000  }
0x813: {  	[spmem:s3] =	stream.indirect.scatter.add.f32 [tilespmem:s19], [sflag:$0x6], $0x80, s15, s10, $0xb8;
	[tilespmem:$0x1E300] =	vst v63  }
0x814: {  	_ = 	snop  }
0x815: {  	[spmem:s4] =	stream.indirect.scatter.add.f32 [tilespmem:s1], [sflag:$0x7], $0x1, s15, s10, $0xb8;
	[tilespmem:$0x1E300] =	vst v63  }
0x816: {  	_ =	swait.ge [sflag:s22], $0x4000  }
0x817: {  	[sflag:s22] =	ssyncset.done $0x0  }
0x818: {  	[sflag:s22] =	ssyncadd.s32 $0xFFFFC000  }
0x819: {  	[tilespmem:s11], [sflag:$0x1] =	stream.indirect.gather [hbm4b:s2+s10], $0x80, s8, s10, $0xb8;
	[tilespmem:$0x1E300] =	vst v63  }
0x81a: {  	_ =	swait.ge [sflag:s28], $0x80  }
0x81b: {  	[sflag:s28] =	ssyncset.done $0x0  }
0x81c: {  	[sflag:s28] =	ssyncadd.s32 $0xFFFFFF80  }
0x81d: {  	_ =	swait.ge [sflag:s28], $0x80  }
0x81e: {  	[sflag:s28] =	ssyncset.done $0x0  }
0x81f: {  	[sflag:s28] =	ssyncadd.s32 $0xFFFFFF80  }
0x820: {  	_ =	swait.ge [sflag:s28], $0x80  }
0x821: {  	[sflag:s28] =	ssyncset.done $0x0  }
0x822: {  	[sflag:s28] =	ssyncadd.s32 $0xFFFFFF80  }
0x823: {  	_ =	swait.ge [sflag:s28], $0x80  }
0x824: {  	[sflag:s28] =	ssyncset.done $0x0  }
0x825: {  	[sflag:s28] =	ssyncadd.s32 $0xFFFFFF80  }
0x826: {  	_ =	swait.ge [sflag:s28], $0x80  }
0x827: {  	[sflag:s28] =	ssyncset.done $0x0  }
0x828: {  	[sflag:s28] =	ssyncadd.s32 $0xFFFFFF80  }
0x829: {  	_ =	swait.ge [sflag:s28], $0x80  }
0x82a: {  	[sflag:s28] =	ssyncset.done $0x0  }
0x82b: {  	[sflag:s28] =	ssyncadd.s32 $0xFFFFFF80  }
0x82c: {  	_ =	swait.ge [sflag:s28], $0x80  }
0x82d: {  	[sflag:s28] =	ssyncset.done $0x0  }
0x82e: {  	[sflag:s28] =	ssyncadd.s32 $0xFFFFFF80  }
0x82f: {  	_ =	swait.ge [sflag:s28], $0x80  }
0x830: {  	[sflag:s28] =	ssyncset.done $0x0  }
0x831: {  	[sflag:s28] =	ssyncadd.s32 $0xFFFFFF80  }
0x832: {  	_ =	swait.ge [sflag:s28], $0x80  }
0x833: {  	[sflag:s28] =	ssyncset.done $0x0  }
0x834: {  	[sflag:s28] =	ssyncadd.s32 $0xFFFFFF80  }
0x835: {  	_ =	swait.ge [sflag:s28], $0x80  }
0x836: {  	[sflag:s28] =	ssyncset.done $0x0  }
0x837: {  	[sflag:s28] =	ssyncadd.s32 $0xFFFFFF80  }
0x838: {  	_ =	swait.ge [sflag:s28], $0x80  }
0x839: {  	[sflag:s28] =	ssyncset.done $0x0  }
0x83a: {  	[sflag:s28] =	ssyncadd.s32 $0xFFFFFF80  }
0x83b: {  	_ =	swait.ge [sflag:s28], $0x80  }
0x83c: {  	[sflag:s28] =	ssyncset.done $0x0  }
0x83d: {  	[sflag:s28] =	ssyncadd.s32 $0xFFFFFF80  }
0x83e: {  	_ =	swait.ge [sflag:s28], $0x80  }
0x83f: {  	[sflag:s28] =	ssyncset.done $0x0  }
0x840: {  	[sflag:s28] =	ssyncadd.s32 $0xFFFFFF80  }
0x841: {  	_ =	swait.ge [sflag:s28], $0x80  }
0x842: {  	[sflag:s28] =	ssyncset.done $0x0  }
0x843: {  	[sflag:s28] =	ssyncadd.s32 $0xFFFFFF80  }
0x844: {  	_ =	swait.ge [sflag:s28], $0x80  }
0x845: {  	[sflag:s28] =	ssyncset.done $0x0  }
0x846: {  	[sflag:s28] =	ssyncadd.s32 $0xFFFFFF80  }
0x847: {  	_ =	swait.ge [sflag:s28], $0x80  }
0x848: {  	[sflag:s28] =	ssyncset.done $0x0  }
0x849: {  	[sflag:s28] =	ssyncadd.s32 $0xFFFFFF80  }
0x84a: {  	_ =	swait.ge [sflag:s31], $0x800  }
0x84b: {  	[sflag:s31] =	ssyncset.done $0x0  }
0x84c: {  	[sflag:s31] =	ssyncadd.s32 $0xFFFFF800  }
0x84d: {  	_ =	swait.ge [sflag:s31], $0x800  }
0x84e: {  	[sflag:s31] =	ssyncset.done $0x0  }
0x84f: {  	[sflag:s31] =	ssyncadd.s32 $0xFFFFF800  }
0x850: {  	_ =	swait.ge [sflag:s12], $0x4000  }
0x851: {  	[sflag:s12] =	ssyncset.done $0x0  }
0x852: {  	[sflag:s12] =	ssyncadd.s32 $0xFFFFC000  }
0x853: {  	[spmem:s3] =	stream.indirect.scatter.add.f32 [tilespmem:s11], [sflag:$0x5], $0x80, s7, s10, $0xb8;
	[tilespmem:$0x1E300] =	vst v63  }
0x854: {  	_ = 	snop  }
0x855: {  	[spmem:s4] =	stream.indirect.scatter.add.f32 [tilespmem:s1], [sflag:$0x7], $0x1, s7, s10, $0xb8;
	[tilespmem:$0x1E300] =	vst v63  }
0x856: {  	_ =	swait.ge [sflag:s13], $0x4000  }
0x857: {  	[sflag:s13] =	ssyncset.done $0x0  }
0x858: {  	s30 =	simm.s32 $0x1080;
	[sflag:s13] =	ssyncadd.s32 $0xFFFFC000  }
0x859: {  	[tilespmem:s19], [sflag:$0x2] =	stream.indirect.gather [hbm4b:s2+s10], $0x80, s30, s10, $0xb8;
	[tilespmem:$0x1E300] =	vst v63  }
0x85a: {  	_ =	swait.ge [sflag:s20], $0x4000  }
0x85b: {  	[sflag:s20] =	ssyncset.done $0x0  }
0x85c: {  	s15 =	simm.s32 $0x1880;
	[sflag:s20] =	ssyncadd.s32 $0xFFFFC000  }
0x85d: {  	[spmem:s3] =	stream.indirect.scatter.add.f32 [tilespmem:s19], [sflag:$0x6], $0x80, s15, s10, $0xb8;
	[tilespmem:$0x1E300] =	vst v63  }
0x85e: {  	_ = 	snop  }
0x85f: {  	[spmem:s4] =	stream.indirect.scatter.add.f32 [tilespmem:s1], [sflag:$0x7], $0x1, s15, s10, $0xb8;
	[tilespmem:$0x1E300] =	vst v63  }
0x860: {  	_ =	swait.ge [sflag:s22], $0x4000  }
0x861: {  	[sflag:s22] =	ssyncset.done $0x0  }
0x862: {  	s30 =	simm.s32 $0x1100;
	[sflag:s22] =	ssyncadd.s32 $0xFFFFC000  }
0x863: {  	[tilespmem:s11], [sflag:$0x1] =	stream.indirect.gather [hbm4b:s2+s10], $0x80, s30, s10, $0xb8;
	[tilespmem:$0x1E300] =	vst v63  }
0x864: {  	_ =	swait.ge [sflag:s12], $0x4000  }
0x865: {  	[sflag:s12] =	ssyncset.done $0x0  }
0x866: {  	s15 =	simm.s32 $0x1900;
	[sflag:s12] =	ssyncadd.s32 $0xFFFFC000  }
0x867: {  	[spmem:s3] =	stream.indirect.scatter.add.f32 [tilespmem:s11], [sflag:$0x5], $0x80, s15, s10, $0xb8;
	[tilespmem:$0x1E300] =	vst v63  }
0x868: {  	p2 =	seq.s32 s26, $0x800  }
0x869: {  	[spmem:s4] =	stream.indirect.scatter.add.f32 [tilespmem:s1], [sflag:$0x7], $0x1, s15, s10, $0xb8;
	[tilespmem:$0x1E300] =	vst v63  }
0x86a: {  	s15 =	sadd.s32 @!p2 s26, s17;
	s26 =	sadd.s32 @!p2 s26, s0  }
0x86b: {  	s30 =	simm.s32 @!p2 $0x0;
	s26 =	sadd.s32 @!p2 $0x200, s26  }
0x86c: {  	[tilespmem:s30], [sflag:$0x3] =	stream.linear.gather @!p2 [hbm4b:s26+s30], $0x800, $0x38;
	[tilespmem:$0x1E300] =	vst v63  }
0x86d: {  	s17 =	simm.s32 @!p2 $0x800;
	s15 =	sadd.s32 @!p2 $0x200, s15  }
0x86e: {  	[tilespmem:s17], [sflag:$0x3] =	stream.linear.gather @!p2 [hbm4b:s15+s30], $0x800, $0x38;
	[tilespmem:$0x1E300] =	vst v63  }
0x86f: {  	_ =	swait.ge [sflag:s13], $0x4000  }
0x870: {  	[sflag:s13] =	ssyncset.done $0x0  }
0x871: {  	s17 =	simm.s32 $0x1180;
	[sflag:s13] =	ssyncadd.s32 $0xFFFFC000  }
0x872: {  	[tilespmem:s19], [sflag:$0x2] =	stream.indirect.gather [hbm4b:s2+s10], $0x80, s17, s10, $0xb8;
	[tilespmem:$0x1E300] =	vst v63  }
0x873: {  	_ =	swait.ge [sflag:s20], $0x4000  }
0x874: {  	s29 =	smov.u32 s21;
	[sflag:s20] =	ssyncset.done $0x0  }
0x875: {  	s26 =	smov.u32 s29;
	s29 =	simm.s32 $0x1980;
	[sflag:s20] =	ssyncadd.s32 $0xFFFFC000  }
0x876: {  	[spmem:s3] =	stream.indirect.scatter.add.f32 [tilespmem:s19], [sflag:$0x6], $0x80, s29, s10, $0xb8;
	[tilespmem:$0x1E300] =	vst v63  }
0x877: {  	_ = 	snop  }
0x878: {  	[spmem:s4] =	stream.indirect.scatter.add.f32 [tilespmem:s1], [sflag:$0x7], $0x1, s29, s10, $0xb8;
	[tilespmem:$0x1E300] =	vst v63  }
0x879: {  	_ =	swait.ge [sflag:s22], $0x4000  }
0x87a: {  	[sflag:s22] =	ssyncset.done $0x0  }
0x87b: {  	s15 =	simm.s32 $0x1200;
	[sflag:s22] =	ssyncadd.s32 $0xFFFFC000  }
0x87c: {  	[tilespmem:s11], [sflag:$0x1] =	stream.indirect.gather [hbm4b:s2+s10], $0x80, s15, s10, $0xb8;
	[tilespmem:$0x1E300] =	vst v63  }
0x87d: {  	_ =	swait.ge [sflag:s12], $0x4000  }
0x87e: {  	[sflag:s12] =	ssyncset.done $0x0  }
0x87f: {  	s17 =	simm.s32 $0x1A00;
	[sflag:s12] =	ssyncadd.s32 $0xFFFFC000  }
0x880: {  	[spmem:s3] =	stream.indirect.scatter.add.f32 [tilespmem:s11], [sflag:$0x5], $0x80, s17, s10, $0xb8;
	[tilespmem:$0x1E300] =	vst v63  }
0x881: {  	_ = 	snop  }
0x882: {  	[spmem:s4] =	stream.indirect.scatter.add.f32 [tilespmem:s1], [sflag:$0x7], $0x1, s17, s10, $0xb8;
	[tilespmem:$0x1E300] =	vst v63  }
0x883: {  	_ =	swait.ge [sflag:s13], $0x4000  }
0x884: {  	[sflag:s13] =	ssyncset.done $0x0  }
0x885: {  	s29 =	simm.s32 $0x1280;
	[sflag:s13] =	ssyncadd.s32 $0xFFFFC000  }
0x886: {  	[tilespmem:s19], [sflag:$0x2] =	stream.indirect.gather [hbm4b:s2+s10], $0x80, s29, s10, $0xb8;
	[tilespmem:$0x1E300] =	vst v63  }
0x887: {  	_ =	swait.ge [sflag:s20], $0x4000  }
0x888: {  	[sflag:s20] =	ssyncset.done $0x0  }
0x889: {  	s15 =	simm.s32 $0x1A80;
	[sflag:s20] =	ssyncadd.s32 $0xFFFFC000  }
0x88a: {  	[spmem:s3] =	stream.indirect.scatter.add.f32 [tilespmem:s19], [sflag:$0x6], $0x80, s15, s10, $0xb8;
	[tilespmem:$0x1E300] =	vst v63  }
0x88b: {  	_ = 	snop  }
0x88c: {  	[spmem:s4] =	stream.indirect.scatter.add.f32 [tilespmem:s1], [sflag:$0x7], $0x1, s15, s10, $0xb8;
	[tilespmem:$0x1E300] =	vst v63  }
0x88d: {  	_ =	swait.ge [sflag:s22], $0x4000  }
0x88e: {  	[sflag:s22] =	ssyncset.done $0x0  }
0x88f: {  	s17 =	simm.s32 $0x1300;
	[sflag:s22] =	ssyncadd.s32 $0xFFFFC000  }
0x890: {  	[tilespmem:s11], [sflag:$0x1] =	stream.indirect.gather [hbm4b:s2+s10], $0x80, s17, s10, $0xb8;
	[tilespmem:$0x1E300] =	vst v63  }
0x891: {  	_ =	swait.ge [sflag:s12], $0x4000  }
0x892: {  	[sflag:s12] =	ssyncset.done $0x0  }
0x893: {  	s29 =	simm.s32 $0x1B00;
	[sflag:s12] =	ssyncadd.s32 $0xFFFFC000  }
0x894: {  	[spmem:s3] =	stream.indirect.scatter.add.f32 [tilespmem:s11], [sflag:$0x5], $0x80, s29, s10, $0xb8;
	[tilespmem:$0x1E300] =	vst v63  }
0x895: {  	_ = 	snop  }
0x896: {  	[spmem:s4] =	stream.indirect.scatter.add.f32 [tilespmem:s1], [sflag:$0x7], $0x1, s29, s10, $0xb8;
	[tilespmem:$0x1E300] =	vst v63  }
0x897: {  	_ =	swait.ge [sflag:s13], $0x4000  }
0x898: {  	[sflag:s13] =	ssyncset.done $0x0  }
0x899: {  	s15 =	simm.s32 $0x1380;
	[sflag:s13] =	ssyncadd.s32 $0xFFFFC000  }
0x89a: {  	[tilespmem:s19], [sflag:$0x2] =	stream.indirect.gather [hbm4b:s2+s10], $0x80, s15, s10, $0xb8;
	[tilespmem:$0x1E300] =	vst v63  }
0x89b: {  	_ =	swait.ge [sflag:s20], $0x4000  }
0x89c: {  	[sflag:s20] =	ssyncset.done $0x0  }
0x89d: {  	s17 =	simm.s32 $0x1B80;
	[sflag:s20] =	ssyncadd.s32 $0xFFFFC000  }
0x89e: {  	[spmem:s3] =	stream.indirect.scatter.add.f32 [tilespmem:s19], [sflag:$0x6], $0x80, s17, s10, $0xb8;
	[tilespmem:$0x1E300] =	vst v63  }
0x89f: {  	_ = 	snop  }
0x8a0: {  	[spmem:s4] =	stream.indirect.scatter.add.f32 [tilespmem:s1], [sflag:$0x7], $0x1, s17, s10, $0xb8;
	[tilespmem:$0x1E300] =	vst v63  }
0x8a1: {  	_ =	swait.ge [sflag:s22], $0x4000  }
0x8a2: {  	[sflag:s22] =	ssyncset.done $0x0  }
0x8a3: {  	s29 =	simm.s32 $0x1400;
	[sflag:s22] =	ssyncadd.s32 $0xFFFFC000  }
0x8a4: {  	[tilespmem:s11], [sflag:$0x1] =	stream.indirect.gather [hbm4b:s2+s10], $0x80, s29, s10, $0xb8;
	[tilespmem:$0x1E300] =	vst v63  }
0x8a5: {  	_ =	swait.ge [sflag:s12], $0x4000  }
0x8a6: {  	[sflag:s12] =	ssyncset.done $0x0  }
0x8a7: {  	s15 =	simm.s32 $0x1C00;
	[sflag:s12] =	ssyncadd.s32 $0xFFFFC000  }
0x8a8: {  	[spmem:s3] =	stream.indirect.scatter.add.f32 [tilespmem:s11], [sflag:$0x5], $0x80, s15, s10, $0xb8;
	[tilespmem:$0x1E300] =	vst v63  }
0x8a9: {  	_ = 	snop  }
0x8aa: {  	[spmem:s4] =	stream.indirect.scatter.add.f32 [tilespmem:s1], [sflag:$0x7], $0x1, s15, s10, $0xb8;
	[tilespmem:$0x1E300] =	vst v63  }
0x8ab: {  	_ =	swait.ge [sflag:s13], $0x4000  }
0x8ac: {  	[sflag:s13] =	ssyncset.done $0x0  }
0x8ad: {  	s17 =	simm.s32 $0x1480;
	[sflag:s13] =	ssyncadd.s32 $0xFFFFC000  }
0x8ae: {  	[tilespmem:s19], [sflag:$0x2] =	stream.indirect.gather [hbm4b:s2+s10], $0x80, s17, s10, $0xb8;
	[tilespmem:$0x1E300] =	vst v63  }
0x8af: {  	_ =	swait.ge [sflag:s20], $0x4000  }
0x8b0: {  	[sflag:s20] =	ssyncset.done $0x0  }
0x8b1: {  	s29 =	simm.s32 $0x1C80;
	[sflag:s20] =	ssyncadd.s32 $0xFFFFC000  }
0x8b2: {  	[spmem:s3] =	stream.indirect.scatter.add.f32 [tilespmem:s19], [sflag:$0x6], $0x80, s29, s10, $0xb8;
	[tilespmem:$0x1E300] =	vst v63  }
0x8b3: {  	_ = 	snop  }
0x8b4: {  	[spmem:s4] =	stream.indirect.scatter.add.f32 [tilespmem:s1], [sflag:$0x7], $0x1, s29, s10, $0xb8;
	[tilespmem:$0x1E300] =	vst v63  }
0x8b5: {  	_ =	swait.ge [sflag:s22], $0x4000  }
0x8b6: {  	[sflag:s22] =	ssyncset.done $0x0  }
0x8b7: {  	s15 =	simm.s32 $0x1500;
	[sflag:s22] =	ssyncadd.s32 $0xFFFFC000  }
0x8b8: {  	[tilespmem:s11], [sflag:$0x1] =	stream.indirect.gather [hbm4b:s2+s10], $0x80, s15, s10, $0xb8;
	[tilespmem:$0x1E300] =	vst v63  }
0x8b9: {  	_ =	swait.ge [sflag:s12], $0x4000  }
0x8ba: {  	[sflag:s12] =	ssyncset.done $0x0  }
0x8bb: {  	s17 =	simm.s32 $0x1D00;
	[sflag:s12] =	ssyncadd.s32 $0xFFFFC000  }
0x8bc: {  	[spmem:s3] =	stream.indirect.scatter.add.f32 [tilespmem:s11], [sflag:$0x5], $0x80, s17, s10, $0xb8;
	[tilespmem:$0x1E300] =	vst v63  }
0x8bd: {  	_ = 	snop  }
0x8be: {  	[spmem:s4] =	stream.indirect.scatter.add.f32 [tilespmem:s1], [sflag:$0x7], $0x1, s17, s10, $0xb8;
	[tilespmem:$0x1E300] =	vst v63  }
0x8bf: {  	_ =	swait.ge [sflag:s13], $0x4000  }
0x8c0: {  	[sflag:s13] =	ssyncset.done $0x0  }
0x8c1: {  	s29 =	simm.s32 $0x1580;
	[sflag:s13] =	ssyncadd.s32 $0xFFFFC000  }
0x8c2: {  	[tilespmem:s19], [sflag:$0x2] =	stream.indirect.gather [hbm4b:s2+s10], $0x80, s29, s10, $0xb8;
	[tilespmem:$0x1E300] =	vst v63  }
0x8c3: {  	_ =	swait.ge [sflag:s20], $0x4000  }
0x8c4: {  	[sflag:s20] =	ssyncset.done $0x0  }
0x8c5: {  	s15 =	simm.s32 $0x1D80;
	[sflag:s20] =	ssyncadd.s32 $0xFFFFC000  }
0x8c6: {  	[spmem:s3] =	stream.indirect.scatter.add.f32 [tilespmem:s19], [sflag:$0x6], $0x80, s15, s10, $0xb8;
	[tilespmem:$0x1E300] =	vst v63  }
0x8c7: {  	_ = 	snop  }
0x8c8: {  	[spmem:s4] =	stream.indirect.scatter.add.f32 [tilespmem:s1], [sflag:$0x7], $0x1, s15, s10, $0xb8;
	[tilespmem:$0x1E300] =	vst v63  }
0x8c9: {  	_ =	swait.ge [sflag:s22], $0x4000  }
0x8ca: {  	[sflag:s22] =	ssyncset.done $0x0  }
0x8cb: {  	s17 =	simm.s32 $0x1600;
	[sflag:s22] =	ssyncadd.s32 $0xFFFFC000  }
0x8cc: {  	[tilespmem:s11], [sflag:$0x1] =	stream.indirect.gather [hbm4b:s2+s10], $0x80, s17, s10, $0xb8;
	[tilespmem:$0x1E300] =	vst v63  }
0x8cd: {  	_ =	swait.ge [sflag:s12], $0x4000  }
0x8ce: {  	[sflag:s12] =	ssyncset.done $0x0  }
0x8cf: {  	s29 =	simm.s32 $0x1E00;
	[sflag:s12] =	ssyncadd.s32 $0xFFFFC000  }
0x8d0: {  	[spmem:s3] =	stream.indirect.scatter.add.f32 [tilespmem:s11], [sflag:$0x5], $0x80, s29, s10, $0xb8;
	[tilespmem:$0x1E300] =	vst v63  }
0x8d1: {  	_ = 	snop  }
0x8d2: {  	[spmem:s4] =	stream.indirect.scatter.add.f32 [tilespmem:s1], [sflag:$0x7], $0x1, s29, s10, $0xb8;
	[tilespmem:$0x1E300] =	vst v63  }
0x8d3: {  	_ =	swait.ge [sflag:s13], $0x4000  }
0x8d4: {  	[sflag:s13] =	ssyncset.done $0x0  }
0x8d5: {  	s15 =	simm.s32 $0x1680;
	[sflag:s13] =	ssyncadd.s32 $0xFFFFC000  }
0x8d6: {  	[tilespmem:s19], [sflag:$0x2] =	stream.indirect.gather [hbm4b:s2+s10], $0x80, s15, s10, $0xb8;
	[tilespmem:$0x1E300] =	vst v63  }
0x8d7: {  	_ =	swait.ge [sflag:s20], $0x4000  }
0x8d8: {  	[sflag:s20] =	ssyncset.done $0x0  }
0x8d9: {  	s17 =	simm.s32 $0x1E80;
	[sflag:s20] =	ssyncadd.s32 $0xFFFFC000  }
0x8da: {  	[spmem:s3] =	stream.indirect.scatter.add.f32 [tilespmem:s19], [sflag:$0x6], $0x80, s17, s10, $0xb8;
	[tilespmem:$0x1E300] =	vst v63  }
0x8db: {  	_ = 	snop  }
0x8dc: {  	[spmem:s4] =	stream.indirect.scatter.add.f32 [tilespmem:s1], [sflag:$0x7], $0x1, s17, s10, $0xb8;
	[tilespmem:$0x1E300] =	vst v63  }
0x8dd: {  	_ =	swait.ge [sflag:s22], $0x4000  }
0x8de: {  	[sflag:s22] =	ssyncset.done $0x0  }
0x8df: {  	s29 =	simm.s32 $0x1700;
	[sflag:s22] =	ssyncadd.s32 $0xFFFFC000  }
0x8e0: {  	[tilespmem:s11], [sflag:$0x1] =	stream.indirect.gather [hbm4b:s2+s10], $0x80, s29, s10, $0xb8;
	[tilespmem:$0x1E300] =	vst v63  }
0x8e1: {  	_ =	swait.ge [sflag:s12], $0x4000  }
0x8e2: {  	[sflag:s12] =	ssyncset.done $0x0  }
0x8e3: {  	s15 =	simm.s32 $0x1F00;
	[sflag:s12] =	ssyncadd.s32 $0xFFFFC000  }
0x8e4: {  	[spmem:s3] =	stream.indirect.scatter.add.f32 [tilespmem:s11], [sflag:$0x5], $0x80, s15, s10, $0xb8;
	[tilespmem:$0x1E300] =	vst v63  }
0x8e5: {  	_ = 	snop  }
0x8e6: {  	[spmem:s4] =	stream.indirect.scatter.add.f32 [tilespmem:s1], [sflag:$0x7], $0x1, s15, s10, $0xb8;
	[tilespmem:$0x1E300] =	vst v63  }
0x8e7: {  	_ =	swait.ge [sflag:s13], $0x4000  }
0x8e8: {  	[sflag:s13] =	ssyncset.done $0x0  }
0x8e9: {  	s17 =	simm.s32 $0x1780;
	[sflag:s13] =	ssyncadd.s32 $0xFFFFC000  }
0x8ea: {  	[tilespmem:s19], [sflag:$0x2] =	stream.indirect.gather [hbm4b:s2+s10], $0x80, s17, s10, $0xb8;
	[tilespmem:$0x1E300] =	vst v63  }
0x8eb: {  	_ =	swait.ge [sflag:s20], $0x4000  }
0x8ec: {  	[sflag:s20] =	ssyncset.done $0x0  }
0x8ed: {  	s29 =	simm.s32 $0x1F80;
	[sflag:s20] =	ssyncadd.s32 $0xFFFFC000  }
0x8ee: {  	[spmem:s3] =	stream.indirect.scatter.add.f32 [tilespmem:s19], [sflag:$0x6], $0x80, s29, s10, $0xb8;
	[tilespmem:$0x1E300] =	vst v63  }
0x8ef: {  	_ = 	snop  }
0x8f0: {  	[spmem:s4] =	stream.indirect.scatter.add.f32 [tilespmem:s1], [sflag:$0x7], $0x1, s29, s10, $0xb8;
	[tilespmem:$0x1E300] =	vst v63  }
0x8f1: {  	_ =	swait.ge [sflag:s22], $0x4000  }
0x8f2: {  	[sflag:s22] =	ssyncset.done $0x0  }
0x8f3: {  	s15 =	simm.s32 @!p2 $0x80;
	s17 =	simm.s32 @!p2 $0x2000;
	[sflag:s22] =	ssyncadd.s32 $0xFFFFC000  }
0x8f4: {  	[tilespmem:s17], [sflag:$0x1] =	stream.indirect.gather @!p2 [hbm4b:s2+s15], $0x80, s30, s15, $0xb8;
	[tilespmem:$0x1E300] =	vst v63  }
0x8f5: {  	s17 =	rddreg [dreg:$0x5];
	_ =	swait.ge [sflag:s28], $0x80  }
0x8f6: {  	[sflag:s28] =	ssyncset.done $0x0  }
0x8f7: {  	[sflag:s28] =	ssyncadd.s32 $0xFFFFFF80  }
0x8f8: {  	_ =	swait.ge [sflag:s28], $0x80  }
0x8f9: {  	[sflag:s28] =	ssyncset.done $0x0  }
0x8fa: {  	[sflag:s28] =	ssyncadd.s32 $0xFFFFFF80  }
0x8fb: {  	_ =	swait.ge [sflag:s28], $0x80  }
0x8fc: {  	[sflag:s28] =	ssyncset.done $0x0  }
0x8fd: {  	[sflag:s28] =	ssyncadd.s32 $0xFFFFFF80  }
0x8fe: {  	_ =	swait.ge [sflag:s28], $0x80  }
0x8ff: {  	[sflag:s28] =	ssyncset.done $0x0  }
0x900: {  	[sflag:s28] =	ssyncadd.s32 $0xFFFFFF80  }
0x901: {  	_ =	swait.ge [sflag:s28], $0x80  }
0x902: {  	[sflag:s28] =	ssyncset.done $0x0  }
0x903: {  	[sflag:s28] =	ssyncadd.s32 $0xFFFFFF80  }
0x904: {  	_ =	swait.ge [sflag:s28], $0x80  }
0x905: {  	[sflag:s28] =	ssyncset.done $0x0  }
0x906: {  	[sflag:s28] =	ssyncadd.s32 $0xFFFFFF80  }
0x907: {  	_ =	swait.ge [sflag:s28], $0x80  }
0x908: {  	[sflag:s28] =	ssyncset.done $0x0  }
0x909: {  	[sflag:s28] =	ssyncadd.s32 $0xFFFFFF80  }
0x90a: {  	_ =	swait.ge [sflag:s28], $0x80  }
0x90b: {  	[sflag:s28] =	ssyncset.done $0x0  }
0x90c: {  	[sflag:s28] =	ssyncadd.s32 $0xFFFFFF80  }
0x90d: {  	_ =	swait.ge [sflag:s28], $0x80  }
0x90e: {  	[sflag:s28] =	ssyncset.done $0x0  }
0x90f: {  	[sflag:s28] =	ssyncadd.s32 $0xFFFFFF80  }
0x910: {  	_ =	swait.ge [sflag:s28], $0x80  }
0x911: {  	[sflag:s28] =	ssyncset.done $0x0  }
0x912: {  	[sflag:s28] =	ssyncadd.s32 $0xFFFFFF80  }
0x913: {  	_ =	swait.ge [sflag:s28], $0x80  }
0x914: {  	[sflag:s28] =	ssyncset.done $0x0  }
0x915: {  	[sflag:s28] =	ssyncadd.s32 $0xFFFFFF80  }
0x916: {  	_ =	swait.ge [sflag:s28], $0x80  }
0x917: {  	[sflag:s28] =	ssyncset.done $0x0  }
0x918: {  	[sflag:s28] =	ssyncadd.s32 $0xFFFFFF80  }
0x919: {  	_ =	swait.ge [sflag:s28], $0x80  }
0x91a: {  	[sflag:s28] =	ssyncset.done $0x0  }
0x91b: {  	[sflag:s28] =	ssyncadd.s32 $0xFFFFFF80  }
0x91c: {  	s21 =	sadd.s32 $0x200, s21;
	_ =	swait.ge [sflag:s28], $0x80  }
0x91d: {  	p1 =	seq.s32 s21, $0xA00;
	[sflag:s28] =	ssyncset.done $0x0  }
.Ltmp5:
0x91e: {  	[sflag:s28] =	ssyncadd.s32 $0xFFFFFF80;
	(pc) =	sbr.rel @!p1 .LBB2_3-.Ltmp5, $4  }
0x91f: {  	_ =	swait.ge [sflag:s28], $0x80  }
0x920: {  	[sflag:s28] =	ssyncset.done $0x0  }
0x921: {  	[sflag:s28] =	ssyncadd.s32 $0xFFFFFF80  }
0x922: {  	_ =	swait.ge [sflag:s28], $0x80  }
0x923: {  	p1 =	seq.s32 s26, $0x0;
	[sflag:s28] =	ssyncset.done $0x0  }
0x924: {  	s15 =	simm.s32 @!p1 $0x3;
	[sflag:s28] =	ssyncadd.s32 $0xFFFFFF80  }
0x925: {  	_ =	swait.ge @!p1 [sflag:s15], $0x800  }
0x926: {  	[sflag:s15] =	ssyncset.done @!p1 $0x0  }
0x927: {  	[sflag:s15] =	ssyncadd.s32 @!p1 $0xFFFFF800  }
0x928: {  	_ =	swait.ge @!p1 [sflag:s15], $0x800  }
0x929: {  	[sflag:s15] =	ssyncset.done @!p1 $0x0  }
0x92a: {  	[sflag:s15] =	ssyncadd.s32 @!p1 $0xFFFFF800  }
0x92b: {  	_ =	swait.ge [sflag:s12], $0x4000  }
0x92c: {  	[sflag:s12] =	ssyncset.done $0x0  }
0x92d: {  	s21 =	simm.s32 $0x800;
	[sflag:s12] =	ssyncadd.s32 $0xFFFFC000  }
0x92e: {  	[spmem:s3] =	stream.indirect.scatter.add.f32 [tilespmem:s11], [sflag:$0x5], $0x80, s21, s10, $0xb8;
	[tilespmem:$0x1E300] =	vst v63  }
0x92f: {  	s15 =	simm.s32 @!p1 $0x6  }
0x930: {  	[spmem:s4] =	stream.indirect.scatter.add.f32 [tilespmem:s1], [sflag:$0x7], $0x1, s21, s10, $0xb8;
	[tilespmem:$0x1E300] =	vst v63  }
0x931: {  	_ =	swait.ge @!p1 [sflag:s15], $0x4000  }
0x932: {  	[sflag:s15] =	ssyncset.done @!p1 $0x0  }
0x933: {  	[sflag:s15] =	ssyncadd.s32 @!p1 $0xFFFFC000  }
0x934: {  	[tilespmem:s19], [sflag:$0x2] =	stream.indirect.gather [hbm4b:s2+s10], $0x80, s10, s10, $0xb8;
	[tilespmem:$0x1E300] =	vst v63  }
0x935: {  	_ =	swait.ge [sflag:s20], $0x4000  }
0x936: {  	[sflag:s20] =	ssyncset.done $0x0  }
0x937: {  	[sflag:s20] =	ssyncadd.s32 $0xFFFFC000  }
0x938: {  	[spmem:s3] =	stream.indirect.scatter.add.f32 [tilespmem:s19], [sflag:$0x6], $0x80, s18, s10, $0xb8;
	[tilespmem:$0x1E300] =	vst v63  }
0x939: {  	_ = 	snop  }
0x93a: {  	[spmem:s4] =	stream.indirect.scatter.add.f32 [tilespmem:s1], [sflag:$0x7], $0x1, s18, s10, $0xb8;
	[tilespmem:$0x1E300] =	vst v63  }
0x93b: {  	_ =	swait.ge [sflag:s22], $0x4000  }
0x93c: {  	[sflag:s22] =	ssyncset.done $0x0  }
0x93d: {  	s29 =	simm.s32 $0x100;
	[sflag:s22] =	ssyncadd.s32 $0xFFFFC000  }
0x93e: {  	[tilespmem:s11], [sflag:$0x1] =	stream.indirect.gather [hbm4b:s2+s10], $0x80, s29, s10, $0xb8;
	[tilespmem:$0x1E300] =	vst v63  }
0x93f: {  	_ =	swait.ge [sflag:s12], $0x4000  }
0x940: {  	[sflag:s12] =	ssyncset.done $0x0  }
0x941: {  	s5 =	simm.s32 $0x900;
	[sflag:s12] =	ssyncadd.s32 $0xFFFFC000  }
0x942: {  	[spmem:s3] =	stream.indirect.scatter.add.f32 [tilespmem:s11], [sflag:$0x5], $0x80, s5, s10, $0xb8;
	[tilespmem:$0x1E300] =	vst v63  }
0x943: {  	s30 =	sadd.s32 s26, s0  }
0x944: {  	[spmem:s4] =	stream.indirect.scatter.add.f32 [tilespmem:s1], [sflag:$0x7], $0x1, s5, s10, $0xb8;
	[tilespmem:$0x1E300] =	vst v63  }
0x945: {  	s15 =	sadd.s32 $0x100, s30;
	s18 =	sadd.s32 s26, s17;
	s29 =	simm.s32 $0x0  }
0x946: {  	[tilespmem:s8], [sflag:$0x4] =	stream.linear.gather [hbm4b:s15+s29], $0x800, $0x38;
	[tilespmem:$0x1E300] =	vst v63  }
0x947: {  	s30 =	sadd.s32 $0x100, s18  }
0x948: {  	[tilespmem:s7], [sflag:$0x4] =	stream.linear.gather [hbm4b:s30+s29], $0x800, $0x38;
	[tilespmem:$0x1E300] =	vst v63  }
0x949: {  	_ =	swait.ge [sflag:s13], $0x4000  }
0x94a: {  	[sflag:s13] =	ssyncset.done $0x0  }
0x94b: {  	s21 =	smov.u32 s17;
	s17 =	simm.s32 $0x180;
	[sflag:s13] =	ssyncadd.s32 $0xFFFFC000  }
0x94c: {  	[tilespmem:s19], [sflag:$0x2] =	stream.indirect.gather [hbm4b:s2+s10], $0x80, s17, s10, $0xb8;
	[tilespmem:$0x1E300] =	vst v63  }
0x94d: {  	_ =	swait.ge [sflag:s20], $0x4000  }
0x94e: {  	[sflag:s20] =	ssyncset.done $0x0  }
0x94f: {  	[sflag:s20] =	ssyncadd.s32 $0xFFFFC000  }
0x950: {  	[spmem:s3] =	stream.indirect.scatter.add.f32 [tilespmem:s19], [sflag:$0x6], $0x80, s16, s10, $0xb8;
	[tilespmem:$0x1E300] =	vst v63  }
0x951: {  	_ = 	snop  }
0x952: {  	[spmem:s4] =	stream.indirect.scatter.add.f32 [tilespmem:s1], [sflag:$0x7], $0x1, s16, s10, $0xb8;
	[tilespmem:$0x1E300] =	vst v63  }
0x953: {  	_ =	swait.ge [sflag:s22], $0x4000  }
0x954: {  	[sflag:s22] =	ssyncset.done $0x0  }
0x955: {  	s18 =	simm.s32 $0x200;
	[sflag:s22] =	ssyncadd.s32 $0xFFFFC000  }
0x956: {  	[tilespmem:s11], [sflag:$0x1] =	stream.indirect.gather [hbm4b:s2+s10], $0x80, s18, s10, $0xb8;
	[tilespmem:$0x1E300] =	vst v63  }
0x957: {  	_ =	swait.ge [sflag:s12], $0x4000  }
0x958: {  	[sflag:s12] =	ssyncset.done $0x0  }
0x959: {  	s29 =	simm.s32 $0xA00;
	[sflag:s12] =	ssyncadd.s32 $0xFFFFC000  }
0x95a: {  	[spmem:s3] =	stream.indirect.scatter.add.f32 [tilespmem:s11], [sflag:$0x5], $0x80, s29, s10, $0xb8;
	[tilespmem:$0x1E300] =	vst v63  }
0x95b: {  	_ = 	snop  }
0x95c: {  	[spmem:s4] =	stream.indirect.scatter.add.f32 [tilespmem:s1], [sflag:$0x7], $0x1, s29, s10, $0xb8;
	[tilespmem:$0x1E300] =	vst v63  }
0x95d: {  	_ =	swait.ge [sflag:s13], $0x4000  }
0x95e: {  	[sflag:s13] =	ssyncset.done $0x0  }
0x95f: {  	s30 =	simm.s32 $0x280;
	[sflag:s13] =	ssyncadd.s32 $0xFFFFC000  }
0x960: {  	[tilespmem:s19], [sflag:$0x2] =	stream.indirect.gather [hbm4b:s2+s10], $0x80, s30, s10, $0xb8;
	[tilespmem:$0x1E300] =	vst v63  }
0x961: {  	_ =	swait.ge [sflag:s20], $0x4000  }
0x962: {  	[sflag:s20] =	ssyncset.done $0x0  }
0x963: {  	[sflag:s20] =	ssyncadd.s32 $0xFFFFC000  }
0x964: {  	[spmem:s3] =	stream.indirect.scatter.add.f32 [tilespmem:s19], [sflag:$0x6], $0x80, s24, s10, $0xb8;
	[tilespmem:$0x1E300] =	vst v63  }
0x965: {  	_ = 	snop  }
0x966: {  	[spmem:s4] =	stream.indirect.scatter.add.f32 [tilespmem:s1], [sflag:$0x7], $0x1, s24, s10, $0xb8;
	[tilespmem:$0x1E300] =	vst v63  }
0x967: {  	_ =	swait.ge [sflag:s22], $0x4000  }
0x968: {  	[sflag:s22] =	ssyncset.done $0x0  }
0x969: {  	s15 =	simm.s32 $0x300;
	[sflag:s22] =	ssyncadd.s32 $0xFFFFC000  }
0x96a: {  	[tilespmem:s11], [sflag:$0x1] =	stream.indirect.gather [hbm4b:s2+s10], $0x80, s15, s10, $0xb8;
	[tilespmem:$0x1E300] =	vst v63  }
0x96b: {  	_ =	swait.ge [sflag:s12], $0x4000  }
0x96c: {  	[sflag:s12] =	ssyncset.done $0x0  }
0x96d: {  	[sflag:s12] =	ssyncadd.s32 $0xFFFFC000  }
0x96e: {  	[spmem:s3] =	stream.indirect.scatter.add.f32 [tilespmem:s11], [sflag:$0x5], $0x80, s25, s10, $0xb8;
	[tilespmem:$0x1E300] =	vst v63  }
0x96f: {  	_ = 	snop  }
0x970: {  	[spmem:s4] =	stream.indirect.scatter.add.f32 [tilespmem:s1], [sflag:$0x7], $0x1, s25, s10, $0xb8;
	[tilespmem:$0x1E300] =	vst v63  }
0x971: {  	_ =	swait.ge [sflag:s13], $0x4000  }
0x972: {  	[sflag:s13] =	ssyncset.done $0x0  }
0x973: {  	s16 =	simm.s32 $0x380;
	[sflag:s13] =	ssyncadd.s32 $0xFFFFC000  }
0x974: {  	[tilespmem:s19], [sflag:$0x2] =	stream.indirect.gather [hbm4b:s2+s10], $0x80, s16, s10, $0xb8;
	[tilespmem:$0x1E300] =	vst v63  }
0x975: {  	_ =	swait.ge [sflag:s20], $0x4000  }
0x976: {  	[sflag:s20] =	ssyncset.done $0x0  }
0x977: {  	[sflag:s20] =	ssyncadd.s32 $0xFFFFC000  }
0x978: {  	[spmem:s3] =	stream.indirect.scatter.add.f32 [tilespmem:s19], [sflag:$0x6], $0x80, s14, s10, $0xb8;
	[tilespmem:$0x1E300] =	vst v63  }
0x979: {  	_ = 	snop  }
0x97a: {  	[spmem:s4] =	stream.indirect.scatter.add.f32 [tilespmem:s1], [sflag:$0x7], $0x1, s14, s10, $0xb8;
	[tilespmem:$0x1E300] =	vst v63  }
0x97b: {  	_ =	swait.ge [sflag:s22], $0x4000  }
0x97c: {  	[sflag:s22] =	ssyncset.done $0x0  }
0x97d: {  	s17 =	simm.s32 $0x400;
	[sflag:s22] =	ssyncadd.s32 $0xFFFFC000  }
0x97e: {  	[tilespmem:s11], [sflag:$0x1] =	stream.indirect.gather [hbm4b:s2+s10], $0x80, s17, s10, $0xb8;
	[tilespmem:$0x1E300] =	vst v63  }
0x97f: {  	_ =	swait.ge [sflag:s12], $0x4000  }
0x980: {  	[sflag:s12] =	ssyncset.done $0x0  }
0x981: {  	[sflag:s12] =	ssyncadd.s32 $0xFFFFC000  }
0x982: {  	[spmem:s3] =	stream.indirect.scatter.add.f32 [tilespmem:s11], [sflag:$0x5], $0x80, s9, s10, $0xb8;
	[tilespmem:$0x1E300] =	vst v63  }
0x983: {  	_ = 	snop  }
0x984: {  	[spmem:s4] =	stream.indirect.scatter.add.f32 [tilespmem:s1], [sflag:$0x7], $0x1, s9, s10, $0xb8;
	[tilespmem:$0x1E300] =	vst v63  }
0x985: {  	_ =	swait.ge [sflag:s13], $0x4000  }
0x986: {  	[sflag:s13] =	ssyncset.done $0x0  }
0x987: {  	s18 =	simm.s32 $0x480;
	[sflag:s13] =	ssyncadd.s32 $0xFFFFC000  }
0x988: {  	[tilespmem:s19], [sflag:$0x2] =	stream.indirect.gather [hbm4b:s2+s10], $0x80, s18, s10, $0xb8;
	[tilespmem:$0x1E300] =	vst v63  }
0x989: {  	_ =	swait.ge [sflag:s20], $0x4000  }
0x98a: {  	[sflag:s20] =	ssyncset.done $0x0  }
0x98b: {  	[sflag:s20] =	ssyncadd.s32 $0xFFFFC000  }
0x98c: {  	[spmem:s3] =	stream.indirect.scatter.add.f32 [tilespmem:s19], [sflag:$0x6], $0x80, s23, s10, $0xb8;
	[tilespmem:$0x1E300] =	vst v63  }
0x98d: {  	_ = 	snop  }
0x98e: {  	[spmem:s4] =	stream.indirect.scatter.add.f32 [tilespmem:s1], [sflag:$0x7], $0x1, s23, s10, $0xb8;
	[tilespmem:$0x1E300] =	vst v63  }
0x98f: {  	_ =	swait.ge [sflag:s22], $0x4000  }
0x990: {  	[sflag:s22] =	ssyncset.done $0x0  }
0x991: {  	s23 =	simm.s32 $0x500;
	[sflag:s22] =	ssyncadd.s32 $0xFFFFC000  }
0x992: {  	[tilespmem:s11], [sflag:$0x1] =	stream.indirect.gather [hbm4b:s2+s10], $0x80, s23, s10, $0xb8;
	[tilespmem:$0x1E300] =	vst v63  }
0x993: {  	_ =	swait.ge [sflag:s12], $0x4000  }
0x994: {  	[sflag:s12] =	ssyncset.done $0x0  }
0x995: {  	s24 =	simm.s32 $0xD00;
	[sflag:s12] =	ssyncadd.s32 $0xFFFFC000  }
0x996: {  	[spmem:s3] =	stream.indirect.scatter.add.f32 [tilespmem:s11], [sflag:$0x5], $0x80, s24, s10, $0xb8;
	[tilespmem:$0x1E300] =	vst v63  }
0x997: {  	_ = 	snop  }
0x998: {  	[spmem:s4] =	stream.indirect.scatter.add.f32 [tilespmem:s1], [sflag:$0x7], $0x1, s24, s10, $0xb8;
	[tilespmem:$0x1E300] =	vst v63  }
0x999: {  	_ =	swait.ge [sflag:s13], $0x4000  }
0x99a: {  	[sflag:s13] =	ssyncset.done $0x0  }
0x99b: {  	s25 =	simm.s32 $0x580;
	[sflag:s13] =	ssyncadd.s32 $0xFFFFC000  }
0x99c: {  	[tilespmem:s19], [sflag:$0x2] =	stream.indirect.gather [hbm4b:s2+s10], $0x80, s25, s10, $0xb8;
	[tilespmem:$0x1E300] =	vst v63  }
0x99d: {  	_ =	swait.ge [sflag:s20], $0x4000  }
0x99e: {  	[sflag:s20] =	ssyncset.done $0x0  }
0x99f: {  	s29 =	simm.s32 $0xD80;
	[sflag:s20] =	ssyncadd.s32 $0xFFFFC000  }
0x9a0: {  	[spmem:s3] =	stream.indirect.scatter.add.f32 [tilespmem:s19], [sflag:$0x6], $0x80, s29, s10, $0xb8;
	[tilespmem:$0x1E300] =	vst v63  }
0x9a1: {  	_ = 	snop  }
0x9a2: {  	[spmem:s4] =	stream.indirect.scatter.add.f32 [tilespmem:s1], [sflag:$0x7], $0x1, s29, s10, $0xb8;
	[tilespmem:$0x1E300] =	vst v63  }
0x9a3: {  	_ =	swait.ge [sflag:s22], $0x4000  }
0x9a4: {  	[sflag:s22] =	ssyncset.done $0x0  }
0x9a5: {  	s30 =	simm.s32 $0x600;
	[sflag:s22] =	ssyncadd.s32 $0xFFFFC000  }
0x9a6: {  	[tilespmem:s11], [sflag:$0x1] =	stream.indirect.gather [hbm4b:s2+s10], $0x80, s30, s10, $0xb8;
	[tilespmem:$0x1E300] =	vst v63  }
0x9a7: {  	_ =	swait.ge [sflag:s12], $0x4000  }
0x9a8: {  	[sflag:s12] =	ssyncset.done $0x0  }
0x9a9: {  	s9 =	simm.s32 $0xE00;
	[sflag:s12] =	ssyncadd.s32 $0xFFFFC000  }
0x9aa: {  	[spmem:s3] =	stream.indirect.scatter.add.f32 [tilespmem:s11], [sflag:$0x5], $0x80, s9, s10, $0xb8;
	[tilespmem:$0x1E300] =	vst v63  }
0x9ab: {  	_ = 	snop  }
0x9ac: {  	[spmem:s4] =	stream.indirect.scatter.add.f32 [tilespmem:s1], [sflag:$0x7], $0x1, s9, s10, $0xb8;
	[tilespmem:$0x1E300] =	vst v63  }
0x9ad: {  	_ =	swait.ge [sflag:s13], $0x4000  }
0x9ae: {  	[sflag:s13] =	ssyncset.done $0x0  }
0x9af: {  	s14 =	simm.s32 $0x680;
	[sflag:s13] =	ssyncadd.s32 $0xFFFFC000  }
0x9b0: {  	[tilespmem:s19], [sflag:$0x2] =	stream.indirect.gather [hbm4b:s2+s10], $0x80, s14, s10, $0xb8;
	[tilespmem:$0x1E300] =	vst v63  }
0x9b1: {  	_ =	swait.ge [sflag:s20], $0x4000  }
0x9b2: {  	[sflag:s20] =	ssyncset.done $0x0  }
0x9b3: {  	s15 =	simm.s32 $0xE80;
	[sflag:s20] =	ssyncadd.s32 $0xFFFFC000  }
0x9b4: {  	[spmem:s3] =	stream.indirect.scatter.add.f32 [tilespmem:s19], [sflag:$0x6], $0x80, s15, s10, $0xb8;
	[tilespmem:$0x1E300] =	vst v63  }
0x9b5: {  	_ = 	snop  }
0x9b6: {  	[spmem:s4] =	stream.indirect.scatter.add.f32 [tilespmem:s1], [sflag:$0x7], $0x1, s15, s10, $0xb8;
	[tilespmem:$0x1E300] =	vst v63  }
0x9b7: {  	_ =	swait.ge [sflag:s22], $0x4000  }
0x9b8: {  	[sflag:s22] =	ssyncset.done $0x0  }
0x9b9: {  	s16 =	simm.s32 $0x700;
	[sflag:s22] =	ssyncadd.s32 $0xFFFFC000  }
0x9ba: {  	[tilespmem:s11], [sflag:$0x1] =	stream.indirect.gather [hbm4b:s2+s10], $0x80, s16, s10, $0xb8;
	[tilespmem:$0x1E300] =	vst v63  }
0x9bb: {  	_ =	swait.ge [sflag:s12], $0x4000  }
0x9bc: {  	[sflag:s12] =	ssyncset.done $0x0  }
0x9bd: {  	s17 =	simm.s32 $0xF00;
	[sflag:s12] =	ssyncadd.s32 $0xFFFFC000  }
0x9be: {  	[spmem:s3] =	stream.indirect.scatter.add.f32 [tilespmem:s11], [sflag:$0x5], $0x80, s17, s10, $0xb8;
	[tilespmem:$0x1E300] =	vst v63  }
0x9bf: {  	_ = 	snop  }
0x9c0: {  	[spmem:s4] =	stream.indirect.scatter.add.f32 [tilespmem:s1], [sflag:$0x7], $0x1, s17, s10, $0xb8;
	[tilespmem:$0x1E300] =	vst v63  }
0x9c1: {  	_ =	swait.ge [sflag:s13], $0x4000  }
0x9c2: {  	[sflag:s13] =	ssyncset.done $0x0  }
0x9c3: {  	s18 =	simm.s32 $0x780;
	[sflag:s13] =	ssyncadd.s32 $0xFFFFC000  }
0x9c4: {  	[tilespmem:s19], [sflag:$0x2] =	stream.indirect.gather [hbm4b:s2+s10], $0x80, s18, s10, $0xb8;
	[tilespmem:$0x1E300] =	vst v63  }
0x9c5: {  	_ =	swait.ge [sflag:s20], $0x4000  }
0x9c6: {  	[sflag:s20] =	ssyncset.done $0x0  }
0x9c7: {  	s23 =	simm.s32 $0xF80;
	[sflag:s20] =	ssyncadd.s32 $0xFFFFC000  }
0x9c8: {  	[spmem:s3] =	stream.indirect.scatter.add.f32 [tilespmem:s19], [sflag:$0x6], $0x80, s23, s10, $0xb8;
	[tilespmem:$0x1E300] =	vst v63  }
0x9c9: {  	_ = 	snop  }
0x9ca: {  	[spmem:s4] =	stream.indirect.scatter.add.f32 [tilespmem:s1], [sflag:$0x7], $0x1, s23, s10, $0xb8;
	[tilespmem:$0x1E300] =	vst v63  }
0x9cb: {  	_ =	swait.ge [sflag:s22], $0x4000  }
0x9cc: {  	[sflag:s22] =	ssyncset.done $0x0  }
0x9cd: {  	[sflag:s22] =	ssyncadd.s32 $0xFFFFC000  }
0x9ce: {  	[tilespmem:s11], [sflag:$0x1] =	stream.indirect.gather [hbm4b:s2+s10], $0x80, s8, s10, $0xb8;
	[tilespmem:$0x1E300] =	vst v63  }
0x9cf: {  	_ =	swait.ge [sflag:s28], $0x80  }
0x9d0: {  	[sflag:s28] =	ssyncset.done $0x0  }
0x9d1: {  	[sflag:s28] =	ssyncadd.s32 $0xFFFFFF80  }
0x9d2: {  	_ =	swait.ge [sflag:s28], $0x80  }
0x9d3: {  	[sflag:s28] =	ssyncset.done $0x0  }
0x9d4: {  	[sflag:s28] =	ssyncadd.s32 $0xFFFFFF80  }
0x9d5: {  	_ =	swait.ge [sflag:s28], $0x80  }
0x9d6: {  	[sflag:s28] =	ssyncset.done $0x0  }
0x9d7: {  	[sflag:s28] =	ssyncadd.s32 $0xFFFFFF80  }
0x9d8: {  	_ =	swait.ge [sflag:s28], $0x80  }
0x9d9: {  	[sflag:s28] =	ssyncset.done $0x0  }
0x9da: {  	[sflag:s28] =	ssyncadd.s32 $0xFFFFFF80  }
0x9db: {  	_ =	swait.ge [sflag:s28], $0x80  }
0x9dc: {  	[sflag:s28] =	ssyncset.done $0x0  }
0x9dd: {  	[sflag:s28] =	ssyncadd.s32 $0xFFFFFF80  }
0x9de: {  	_ =	swait.ge [sflag:s28], $0x80  }
0x9df: {  	[sflag:s28] =	ssyncset.done $0x0  }
0x9e0: {  	[sflag:s28] =	ssyncadd.s32 $0xFFFFFF80  }
0x9e1: {  	_ =	swait.ge [sflag:s28], $0x80  }
0x9e2: {  	[sflag:s28] =	ssyncset.done $0x0  }
0x9e3: {  	[sflag:s28] =	ssyncadd.s32 $0xFFFFFF80  }
0x9e4: {  	_ =	swait.ge [sflag:s28], $0x80  }
0x9e5: {  	[sflag:s28] =	ssyncset.done $0x0  }
0x9e6: {  	[sflag:s28] =	ssyncadd.s32 $0xFFFFFF80  }
0x9e7: {  	_ =	swait.ge [sflag:s28], $0x80  }
0x9e8: {  	[sflag:s28] =	ssyncset.done $0x0  }
0x9e9: {  	[sflag:s28] =	ssyncadd.s32 $0xFFFFFF80  }
0x9ea: {  	_ =	swait.ge [sflag:s28], $0x80  }
0x9eb: {  	[sflag:s28] =	ssyncset.done $0x0  }
0x9ec: {  	[sflag:s28] =	ssyncadd.s32 $0xFFFFFF80  }
0x9ed: {  	_ =	swait.ge [sflag:s28], $0x80  }
0x9ee: {  	[sflag:s28] =	ssyncset.done $0x0  }
0x9ef: {  	[sflag:s28] =	ssyncadd.s32 $0xFFFFFF80  }
0x9f0: {  	_ =	swait.ge [sflag:s28], $0x80  }
0x9f1: {  	[sflag:s28] =	ssyncset.done $0x0  }
0x9f2: {  	[sflag:s28] =	ssyncadd.s32 $0xFFFFFF80  }
0x9f3: {  	_ =	swait.ge [sflag:s28], $0x80  }
0x9f4: {  	[sflag:s28] =	ssyncset.done $0x0  }
0x9f5: {  	[sflag:s28] =	ssyncadd.s32 $0xFFFFFF80  }
0x9f6: {  	_ =	swait.ge [sflag:s28], $0x80  }
0x9f7: {  	[sflag:s28] =	ssyncset.done $0x0  }
0x9f8: {  	[sflag:s28] =	ssyncadd.s32 $0xFFFFFF80  }
0x9f9: {  	_ =	swait.ge [sflag:s28], $0x80  }
0x9fa: {  	[sflag:s28] =	ssyncset.done $0x0  }
0x9fb: {  	[sflag:s28] =	ssyncadd.s32 $0xFFFFFF80  }
0x9fc: {  	_ =	swait.ge [sflag:s28], $0x80  }
0x9fd: {  	[sflag:s28] =	ssyncset.done $0x0  }
0x9fe: {  	[sflag:s28] =	ssyncadd.s32 $0xFFFFFF80  }
0x9ff: {  	_ =	swait.ge [sflag:s31], $0x800  }
0xa00: {  	[sflag:s31] =	ssyncset.done $0x0  }
0xa01: {  	[sflag:s31] =	ssyncadd.s32 $0xFFFFF800  }
0xa02: {  	_ =	swait.ge [sflag:s31], $0x800  }
0xa03: {  	[sflag:s31] =	ssyncset.done $0x0  }
0xa04: {  	[sflag:s31] =	ssyncadd.s32 $0xFFFFF800  }
0xa05: {  	_ =	swait.ge [sflag:s12], $0x4000  }
0xa06: {  	[sflag:s12] =	ssyncset.done $0x0  }
0xa07: {  	[sflag:s12] =	ssyncadd.s32 $0xFFFFC000  }
0xa08: {  	[spmem:s3] =	stream.indirect.scatter.add.f32 [tilespmem:s11], [sflag:$0x5], $0x80, s7, s10, $0xb8;
	[tilespmem:$0x1E300] =	vst v63  }
0xa09: {  	_ = 	snop  }
0xa0a: {  	[spmem:s4] =	stream.indirect.scatter.add.f32 [tilespmem:s1], [sflag:$0x7], $0x1, s7, s10, $0xb8;
	[tilespmem:$0x1E300] =	vst v63  }
0xa0b: {  	_ =	swait.ge [sflag:s13], $0x4000  }
0xa0c: {  	[sflag:s13] =	ssyncset.done $0x0  }
0xa0d: {  	s24 =	simm.s32 $0x1080;
	[sflag:s13] =	ssyncadd.s32 $0xFFFFC000  }
0xa0e: {  	[tilespmem:s19], [sflag:$0x2] =	stream.indirect.gather [hbm4b:s2+s10], $0x80, s24, s10, $0xb8;
	[tilespmem:$0x1E300] =	vst v63  }
0xa0f: {  	_ =	swait.ge [sflag:s20], $0x4000  }
0xa10: {  	[sflag:s20] =	ssyncset.done $0x0  }
0xa11: {  	s25 =	simm.s32 $0x1880;
	[sflag:s20] =	ssyncadd.s32 $0xFFFFC000  }
0xa12: {  	[spmem:s3] =	stream.indirect.scatter.add.f32 [tilespmem:s19], [sflag:$0x6], $0x80, s25, s10, $0xb8;
	[tilespmem:$0x1E300] =	vst v63  }
0xa13: {  	_ = 	snop  }
0xa14: {  	[spmem:s4] =	stream.indirect.scatter.add.f32 [tilespmem:s1], [sflag:$0x7], $0x1, s25, s10, $0xb8;
	[tilespmem:$0x1E300] =	vst v63  }
0xa15: {  	_ =	swait.ge [sflag:s22], $0x4000  }
0xa16: {  	[sflag:s22] =	ssyncset.done $0x0  }
0xa17: {  	s29 =	simm.s32 $0x1100;
	[sflag:s22] =	ssyncadd.s32 $0xFFFFC000  }
0xa18: {  	[tilespmem:s11], [sflag:$0x1] =	stream.indirect.gather [hbm4b:s2+s10], $0x80, s29, s10, $0xb8;
	[tilespmem:$0x1E300] =	vst v63  }
0xa19: {  	_ =	swait.ge [sflag:s12], $0x4000  }
0xa1a: {  	[sflag:s12] =	ssyncset.done $0x0  }
0xa1b: {  	p1 =	seq.s32 s26, $0x800;
	s30 =	simm.s32 $0x1900;
	[sflag:s12] =	ssyncadd.s32 $0xFFFFC000  }
0xa1c: {  	[spmem:s3] =	stream.indirect.scatter.add.f32 [tilespmem:s11], [sflag:$0x5], $0x80, s30, s10, $0xb8;
	[tilespmem:$0x1E300] =	vst v63  }
0xa1d: {  	s15 =	sadd.s32 @!p1 s26, s0  }
0xa1e: {  	[spmem:s4] =	stream.indirect.scatter.add.f32 [tilespmem:s1], [sflag:$0x7], $0x1, s30, s10, $0xb8;
	[tilespmem:$0x1E300] =	vst v63  }
0xa1f: {  	s15 =	sadd.s32 @!p1 $0x200, s15;
	s17 =	sadd.s32 @!p1 s26, s21;
	s21 =	simm.s32 @!p1 $0x0  }
0xa20: {  	[tilespmem:s21], [sflag:$0x3] =	stream.linear.gather @!p1 [hbm4b:s15+s21], $0x800, $0x38;
	[tilespmem:$0x1E300] =	vst v63  }
0xa21: {  	s15 =	sadd.s32 @!p1 $0x200, s17;
	s17 =	simm.s32 @!p1 $0x800  }
0xa22: {  	[tilespmem:s17], [sflag:$0x3] =	stream.linear.gather @!p1 [hbm4b:s15+s21], $0x800, $0x38;
	[tilespmem:$0x1E300] =	vst v63  }
0xa23: {  	_ =	swait.ge [sflag:s13], $0x4000  }
0xa24: {  	[sflag:s13] =	ssyncset.done $0x0  }
0xa25: {  	s5 =	simm.s32 $0x1180;
	[sflag:s13] =	ssyncadd.s32 $0xFFFFC000  }
0xa26: {  	[tilespmem:s19], [sflag:$0x2] =	stream.indirect.gather [hbm4b:s2+s10], $0x80, s5, s10, $0xb8;
	[tilespmem:$0x1E300] =	vst v63  }
0xa27: {  	_ =	swait.ge [sflag:s20], $0x4000  }
0xa28: {  	[sflag:s20] =	ssyncset.done $0x0  }
0xa29: {  	s9 =	simm.s32 $0x1980;
	[sflag:s20] =	ssyncadd.s32 $0xFFFFC000  }
0xa2a: {  	[spmem:s3] =	stream.indirect.scatter.add.f32 [tilespmem:s19], [sflag:$0x6], $0x80, s9, s10, $0xb8;
	[tilespmem:$0x1E300] =	vst v63  }
0xa2b: {  	_ = 	snop  }
0xa2c: {  	[spmem:s4] =	stream.indirect.scatter.add.f32 [tilespmem:s1], [sflag:$0x7], $0x1, s9, s10, $0xb8;
	[tilespmem:$0x1E300] =	vst v63  }
0xa2d: {  	_ =	swait.ge [sflag:s22], $0x4000  }
0xa2e: {  	[sflag:s22] =	ssyncset.done $0x0  }
0xa2f: {  	s14 =	simm.s32 $0x1200;
	[sflag:s22] =	ssyncadd.s32 $0xFFFFC000  }
0xa30: {  	[tilespmem:s11], [sflag:$0x1] =	stream.indirect.gather [hbm4b:s2+s10], $0x80, s14, s10, $0xb8;
	[tilespmem:$0x1E300] =	vst v63  }
0xa31: {  	_ =	swait.ge [sflag:s12], $0x4000  }
0xa32: {  	[sflag:s12] =	ssyncset.done $0x0  }
0xa33: {  	s15 =	simm.s32 $0x1A00;
	[sflag:s12] =	ssyncadd.s32 $0xFFFFC000  }
0xa34: {  	[spmem:s3] =	stream.indirect.scatter.add.f32 [tilespmem:s11], [sflag:$0x5], $0x80, s15, s10, $0xb8;
	[tilespmem:$0x1E300] =	vst v63  }
0xa35: {  	_ = 	snop  }
0xa36: {  	[spmem:s4] =	stream.indirect.scatter.add.f32 [tilespmem:s1], [sflag:$0x7], $0x1, s15, s10, $0xb8;
	[tilespmem:$0x1E300] =	vst v63  }
0xa37: {  	_ =	swait.ge [sflag:s13], $0x4000  }
0xa38: {  	[sflag:s13] =	ssyncset.done $0x0  }
0xa39: {  	s16 =	simm.s32 $0x1280;
	[sflag:s13] =	ssyncadd.s32 $0xFFFFC000  }
0xa3a: {  	[tilespmem:s19], [sflag:$0x2] =	stream.indirect.gather [hbm4b:s2+s10], $0x80, s16, s10, $0xb8;
	[tilespmem:$0x1E300] =	vst v63  }
0xa3b: {  	_ =	swait.ge [sflag:s20], $0x4000  }
0xa3c: {  	[sflag:s20] =	ssyncset.done $0x0  }
0xa3d: {  	s17 =	simm.s32 $0x1A80;
	[sflag:s20] =	ssyncadd.s32 $0xFFFFC000  }
0xa3e: {  	[spmem:s3] =	stream.indirect.scatter.add.f32 [tilespmem:s19], [sflag:$0x6], $0x80, s17, s10, $0xb8;
	[tilespmem:$0x1E300] =	vst v63  }
0xa3f: {  	_ = 	snop  }
0xa40: {  	[spmem:s4] =	stream.indirect.scatter.add.f32 [tilespmem:s1], [sflag:$0x7], $0x1, s17, s10, $0xb8;
	[tilespmem:$0x1E300] =	vst v63  }
0xa41: {  	_ =	swait.ge [sflag:s22], $0x4000  }
0xa42: {  	[sflag:s22] =	ssyncset.done $0x0  }
0xa43: {  	s18 =	simm.s32 $0x1300;
	[sflag:s22] =	ssyncadd.s32 $0xFFFFC000  }
0xa44: {  	[tilespmem:s11], [sflag:$0x1] =	stream.indirect.gather [hbm4b:s2+s10], $0x80, s18, s10, $0xb8;
	[tilespmem:$0x1E300] =	vst v63  }
0xa45: {  	_ =	swait.ge [sflag:s12], $0x4000  }
0xa46: {  	[sflag:s12] =	ssyncset.done $0x0  }
0xa47: {  	s23 =	simm.s32 $0x1B00;
	[sflag:s12] =	ssyncadd.s32 $0xFFFFC000  }
0xa48: {  	[spmem:s3] =	stream.indirect.scatter.add.f32 [tilespmem:s11], [sflag:$0x5], $0x80, s23, s10, $0xb8;
	[tilespmem:$0x1E300] =	vst v63  }
0xa49: {  	_ = 	snop  }
0xa4a: {  	[spmem:s4] =	stream.indirect.scatter.add.f32 [tilespmem:s1], [sflag:$0x7], $0x1, s23, s10, $0xb8;
	[tilespmem:$0x1E300] =	vst v63  }
0xa4b: {  	_ =	swait.ge [sflag:s13], $0x4000  }
0xa4c: {  	[sflag:s13] =	ssyncset.done $0x0  }
0xa4d: {  	s24 =	simm.s32 $0x1380;
	[sflag:s13] =	ssyncadd.s32 $0xFFFFC000  }
0xa4e: {  	[tilespmem:s19], [sflag:$0x2] =	stream.indirect.gather [hbm4b:s2+s10], $0x80, s24, s10, $0xb8;
	[tilespmem:$0x1E300] =	vst v63  }
0xa4f: {  	_ =	swait.ge [sflag:s20], $0x4000  }
0xa50: {  	[sflag:s20] =	ssyncset.done $0x0  }
0xa51: {  	s25 =	simm.s32 $0x1B80;
	[sflag:s20] =	ssyncadd.s32 $0xFFFFC000  }
0xa52: {  	[spmem:s3] =	stream.indirect.scatter.add.f32 [tilespmem:s19], [sflag:$0x6], $0x80, s25, s10, $0xb8;
	[tilespmem:$0x1E300] =	vst v63  }
0xa53: {  	_ = 	snop  }
0xa54: {  	[spmem:s4] =	stream.indirect.scatter.add.f32 [tilespmem:s1], [sflag:$0x7], $0x1, s25, s10, $0xb8;
	[tilespmem:$0x1E300] =	vst v63  }
0xa55: {  	_ =	swait.ge [sflag:s22], $0x4000  }
0xa56: {  	[sflag:s22] =	ssyncset.done $0x0  }
0xa57: {  	s26 =	simm.s32 $0x1400;
	[sflag:s22] =	ssyncadd.s32 $0xFFFFC000  }
0xa58: {  	[tilespmem:s11], [sflag:$0x1] =	stream.indirect.gather [hbm4b:s2+s10], $0x80, s26, s10, $0xb8;
	[tilespmem:$0x1E300] =	vst v63  }
0xa59: {  	_ =	swait.ge [sflag:s12], $0x4000  }
0xa5a: {  	[sflag:s12] =	ssyncset.done $0x0  }
0xa5b: {  	s29 =	simm.s32 $0x1C00;
	[sflag:s12] =	ssyncadd.s32 $0xFFFFC000  }
0xa5c: {  	[spmem:s3] =	stream.indirect.scatter.add.f32 [tilespmem:s11], [sflag:$0x5], $0x80, s29, s10, $0xb8;
	[tilespmem:$0x1E300] =	vst v63  }
0xa5d: {  	_ = 	snop  }
0xa5e: {  	[spmem:s4] =	stream.indirect.scatter.add.f32 [tilespmem:s1], [sflag:$0x7], $0x1, s29, s10, $0xb8;
	[tilespmem:$0x1E300] =	vst v63  }
0xa5f: {  	_ =	swait.ge [sflag:s13], $0x4000  }
0xa60: {  	[sflag:s13] =	ssyncset.done $0x0  }
0xa61: {  	s30 =	simm.s32 $0x1480;
	[sflag:s13] =	ssyncadd.s32 $0xFFFFC000  }
0xa62: {  	[tilespmem:s19], [sflag:$0x2] =	stream.indirect.gather [hbm4b:s2+s10], $0x80, s30, s10, $0xb8;
	[tilespmem:$0x1E300] =	vst v63  }
0xa63: {  	_ =	swait.ge [sflag:s20], $0x4000  }
0xa64: {  	[sflag:s20] =	ssyncset.done $0x0  }
0xa65: {  	s5 =	simm.s32 $0x1C80;
	[sflag:s20] =	ssyncadd.s32 $0xFFFFC000  }
0xa66: {  	[spmem:s3] =	stream.indirect.scatter.add.f32 [tilespmem:s19], [sflag:$0x6], $0x80, s5, s10, $0xb8;
	[tilespmem:$0x1E300] =	vst v63  }
0xa67: {  	_ = 	snop  }
0xa68: {  	[spmem:s4] =	stream.indirect.scatter.add.f32 [tilespmem:s1], [sflag:$0x7], $0x1, s5, s10, $0xb8;
	[tilespmem:$0x1E300] =	vst v63  }
0xa69: {  	_ =	swait.ge [sflag:s22], $0x4000  }
0xa6a: {  	[sflag:s22] =	ssyncset.done $0x0  }
0xa6b: {  	s9 =	simm.s32 $0x1500;
	[sflag:s22] =	ssyncadd.s32 $0xFFFFC000  }
0xa6c: {  	[tilespmem:s11], [sflag:$0x1] =	stream.indirect.gather [hbm4b:s2+s10], $0x80, s9, s10, $0xb8;
	[tilespmem:$0x1E300] =	vst v63  }
0xa6d: {  	_ =	swait.ge [sflag:s12], $0x4000  }
0xa6e: {  	[sflag:s12] =	ssyncset.done $0x0  }
0xa6f: {  	s14 =	simm.s32 $0x1D00;
	[sflag:s12] =	ssyncadd.s32 $0xFFFFC000  }
0xa70: {  	[spmem:s3] =	stream.indirect.scatter.add.f32 [tilespmem:s11], [sflag:$0x5], $0x80, s14, s10, $0xb8;
	[tilespmem:$0x1E300] =	vst v63  }
0xa71: {  	_ = 	snop  }
0xa72: {  	[spmem:s4] =	stream.indirect.scatter.add.f32 [tilespmem:s1], [sflag:$0x7], $0x1, s14, s10, $0xb8;
	[tilespmem:$0x1E300] =	vst v63  }
0xa73: {  	_ =	swait.ge [sflag:s13], $0x4000  }
0xa74: {  	[sflag:s13] =	ssyncset.done $0x0  }
0xa75: {  	s15 =	simm.s32 $0x1580;
	[sflag:s13] =	ssyncadd.s32 $0xFFFFC000  }
0xa76: {  	[tilespmem:s19], [sflag:$0x2] =	stream.indirect.gather [hbm4b:s2+s10], $0x80, s15, s10, $0xb8;
	[tilespmem:$0x1E300] =	vst v63  }
0xa77: {  	_ =	swait.ge [sflag:s20], $0x4000  }
0xa78: {  	[sflag:s20] =	ssyncset.done $0x0  }
0xa79: {  	s16 =	simm.s32 $0x1D80;
	[sflag:s20] =	ssyncadd.s32 $0xFFFFC000  }
0xa7a: {  	[spmem:s3] =	stream.indirect.scatter.add.f32 [tilespmem:s19], [sflag:$0x6], $0x80, s16, s10, $0xb8;
	[tilespmem:$0x1E300] =	vst v63  }
0xa7b: {  	_ = 	snop  }
0xa7c: {  	[spmem:s4] =	stream.indirect.scatter.add.f32 [tilespmem:s1], [sflag:$0x7], $0x1, s16, s10, $0xb8;
	[tilespmem:$0x1E300] =	vst v63  }
0xa7d: {  	_ =	swait.ge [sflag:s22], $0x4000  }
0xa7e: {  	[sflag:s22] =	ssyncset.done $0x0  }
0xa7f: {  	s17 =	simm.s32 $0x1600;
	[sflag:s22] =	ssyncadd.s32 $0xFFFFC000  }
0xa80: {  	[tilespmem:s11], [sflag:$0x1] =	stream.indirect.gather [hbm4b:s2+s10], $0x80, s17, s10, $0xb8;
	[tilespmem:$0x1E300] =	vst v63  }
0xa81: {  	_ =	swait.ge [sflag:s12], $0x4000  }
0xa82: {  	[sflag:s12] =	ssyncset.done $0x0  }
0xa83: {  	s18 =	simm.s32 $0x1E00;
	[sflag:s12] =	ssyncadd.s32 $0xFFFFC000  }
0xa84: {  	[spmem:s3] =	stream.indirect.scatter.add.f32 [tilespmem:s11], [sflag:$0x5], $0x80, s18, s10, $0xb8;
	[tilespmem:$0x1E300] =	vst v63  }
0xa85: {  	_ = 	snop  }
0xa86: {  	[spmem:s4] =	stream.indirect.scatter.add.f32 [tilespmem:s1], [sflag:$0x7], $0x1, s18, s10, $0xb8;
	[tilespmem:$0x1E300] =	vst v63  }
0xa87: {  	_ =	swait.ge [sflag:s13], $0x4000  }
0xa88: {  	[sflag:s13] =	ssyncset.done $0x0  }
0xa89: {  	s23 =	simm.s32 $0x1680;
	[sflag:s13] =	ssyncadd.s32 $0xFFFFC000  }
0xa8a: {  	[tilespmem:s19], [sflag:$0x2] =	stream.indirect.gather [hbm4b:s2+s10], $0x80, s23, s10, $0xb8;
	[tilespmem:$0x1E300] =	vst v63  }
0xa8b: {  	_ =	swait.ge [sflag:s20], $0x4000  }
0xa8c: {  	[sflag:s20] =	ssyncset.done $0x0  }
0xa8d: {  	s24 =	simm.s32 $0x1E80;
	[sflag:s20] =	ssyncadd.s32 $0xFFFFC000  }
0xa8e: {  	[spmem:s3] =	stream.indirect.scatter.add.f32 [tilespmem:s19], [sflag:$0x6], $0x80, s24, s10, $0xb8;
	[tilespmem:$0x1E300] =	vst v63  }
0xa8f: {  	_ = 	snop  }
0xa90: {  	[spmem:s4] =	stream.indirect.scatter.add.f32 [tilespmem:s1], [sflag:$0x7], $0x1, s24, s10, $0xb8;
	[tilespmem:$0x1E300] =	vst v63  }
0xa91: {  	_ =	swait.ge [sflag:s22], $0x4000  }
0xa92: {  	[sflag:s22] =	ssyncset.done $0x0  }
0xa93: {  	s25 =	simm.s32 $0x1700;
	[sflag:s22] =	ssyncadd.s32 $0xFFFFC000  }
0xa94: {  	[tilespmem:s11], [sflag:$0x1] =	stream.indirect.gather [hbm4b:s2+s10], $0x80, s25, s10, $0xb8;
	[tilespmem:$0x1E300] =	vst v63  }
0xa95: {  	_ =	swait.ge [sflag:s12], $0x4000  }
0xa96: {  	[sflag:s12] =	ssyncset.done $0x0  }
0xa97: {  	s26 =	simm.s32 $0x1F00;
	[sflag:s12] =	ssyncadd.s32 $0xFFFFC000  }
0xa98: {  	[spmem:s3] =	stream.indirect.scatter.add.f32 [tilespmem:s11], [sflag:$0x5], $0x80, s26, s10, $0xb8;
	[tilespmem:$0x1E300] =	vst v63  }
0xa99: {  	_ = 	snop  }
0xa9a: {  	[spmem:s4] =	stream.indirect.scatter.add.f32 [tilespmem:s1], [sflag:$0x7], $0x1, s26, s10, $0xb8;
	[tilespmem:$0x1E300] =	vst v63  }
0xa9b: {  	_ =	swait.ge [sflag:s13], $0x4000  }
0xa9c: {  	[sflag:s13] =	ssyncset.done $0x0  }
0xa9d: {  	s29 =	simm.s32 $0x1780;
	[sflag:s13] =	ssyncadd.s32 $0xFFFFC000  }
0xa9e: {  	[tilespmem:s19], [sflag:$0x2] =	stream.indirect.gather [hbm4b:s2+s10], $0x80, s29, s10, $0xb8;
	[tilespmem:$0x1E300] =	vst v63  }
0xa9f: {  	_ =	swait.ge [sflag:s20], $0x4000  }
0xaa0: {  	[sflag:s20] =	ssyncset.done $0x0  }
0xaa1: {  	s30 =	simm.s32 $0x1F80;
	[sflag:s20] =	ssyncadd.s32 $0xFFFFC000  }
0xaa2: {  	[spmem:s3] =	stream.indirect.scatter.add.f32 [tilespmem:s19], [sflag:$0x6], $0x80, s30, s10, $0xb8;
	[tilespmem:$0x1E300] =	vst v63  }
0xaa3: {  	_ = 	snop  }
0xaa4: {  	[spmem:s4] =	stream.indirect.scatter.add.f32 [tilespmem:s1], [sflag:$0x7], $0x1, s30, s10, $0xb8;
	[tilespmem:$0x1E300] =	vst v63  }
0xaa5: {  	_ =	swait.ge [sflag:s22], $0x4000  }
0xaa6: {  	[sflag:s22] =	ssyncset.done $0x0  }
0xaa7: {  	s15 =	simm.s32 @!p1 $0x80;
	s17 =	simm.s32 @!p1 $0x2000;
	[sflag:s22] =	ssyncadd.s32 $0xFFFFC000  }
0xaa8: {  	[tilespmem:s17], [sflag:$0x1] =	stream.indirect.gather @!p1 [hbm4b:s2+s15], $0x80, s21, s15, $0xb8;
	[tilespmem:$0x1E300] =	vst v63  }
0xaa9: {  	_ =	swait.ge [sflag:s28], $0x80  }
0xaaa: {  	[sflag:s28] =	ssyncset.done $0x0  }
0xaab: {  	[sflag:s28] =	ssyncadd.s32 $0xFFFFFF80  }
0xaac: {  	_ =	swait.ge [sflag:s28], $0x80  }
0xaad: {  	[sflag:s28] =	ssyncset.done $0x0  }
0xaae: {  	[sflag:s28] =	ssyncadd.s32 $0xFFFFFF80  }
0xaaf: {  	_ =	swait.ge [sflag:s28], $0x80  }
0xab0: {  	[sflag:s28] =	ssyncset.done $0x0  }
0xab1: {  	[sflag:s28] =	ssyncadd.s32 $0xFFFFFF80  }
0xab2: {  	_ =	swait.ge [sflag:s28], $0x80  }
0xab3: {  	[sflag:s28] =	ssyncset.done $0x0  }
0xab4: {  	[sflag:s28] =	ssyncadd.s32 $0xFFFFFF80  }
0xab5: {  	_ =	swait.ge [sflag:s28], $0x80  }
0xab6: {  	[sflag:s28] =	ssyncset.done $0x0  }
0xab7: {  	[sflag:s28] =	ssyncadd.s32 $0xFFFFFF80  }
0xab8: {  	_ =	swait.ge [sflag:s28], $0x80  }
0xab9: {  	[sflag:s28] =	ssyncset.done $0x0  }
0xaba: {  	[sflag:s28] =	ssyncadd.s32 $0xFFFFFF80  }
0xabb: {  	_ =	swait.ge [sflag:s28], $0x80  }
0xabc: {  	[sflag:s28] =	ssyncset.done $0x0  }
0xabd: {  	[sflag:s28] =	ssyncadd.s32 $0xFFFFFF80  }
0xabe: {  	_ =	swait.ge [sflag:s28], $0x80  }
0xabf: {  	[sflag:s28] =	ssyncset.done $0x0  }
0xac0: {  	[sflag:s28] =	ssyncadd.s32 $0xFFFFFF80  }
0xac1: {  	_ =	swait.ge [sflag:s28], $0x80  }
0xac2: {  	[sflag:s28] =	ssyncset.done $0x0  }
0xac3: {  	[sflag:s28] =	ssyncadd.s32 $0xFFFFFF80  }
0xac4: {  	_ =	swait.ge [sflag:s28], $0x80  }
0xac5: {  	[sflag:s28] =	ssyncset.done $0x0  }
0xac6: {  	[sflag:s28] =	ssyncadd.s32 $0xFFFFFF80  }
0xac7: {  	_ =	swait.ge [sflag:s28], $0x80  }
0xac8: {  	[sflag:s28] =	ssyncset.done $0x0  }
0xac9: {  	[sflag:s28] =	ssyncadd.s32 $0xFFFFFF80  }
0xaca: {  	_ =	swait.ge [sflag:s28], $0x80  }
0xacb: {  	[sflag:s28] =	ssyncset.done $0x0  }
0xacc: {  	[sflag:s28] =	ssyncadd.s32 $0xFFFFFF80  }
0xacd: {  	_ =	swait.ge [sflag:s28], $0x80  }
0xace: {  	[sflag:s28] =	ssyncset.done $0x0  }
0xacf: {  	[sflag:s28] =	ssyncadd.s32 $0xFFFFFF80  }
0xad0: {  	_ =	swait.ge [sflag:s28], $0x80  }
0xad1: {  	[sflag:s28] =	ssyncset.done $0x0  }
0xad2: {  	[sflag:s28] =	ssyncadd.s32 $0xFFFFFF80  }
0xad3: {  	_ =	swait.ge [sflag:s28], $0x80  }
0xad4: {  	[sflag:s28] =	ssyncset.done $0x0  }
.Ltmp6:
0xad5: {  	[sflag:s28] =	ssyncadd.s32 $0xFFFFFF80;
	(pc) =	sbr.rel .LBB2_8-.Ltmp6, $4  }
0xad6: {  	_ =	swait.ge [sflag:s28], $0x80  }
0xad7: {  	s26 =	rddreg [dreg:$0x9]  }
0xad8: {  	[sflag:s28] =	ssyncset.done $0x0;
	s21 =	rddreg [dreg:$0xa]  }
0xad9: {  	s16 =	simm.s32 $0x8;
	s5 =	rddreg [dreg:$0x1c];
	[sflag:s28] =	ssyncadd.s32 $0xFFFFFF80  }
.LBB2_9:
0xada: {  	_ =	sfence.sel $0x180000  }
0xadb: {  	[bflag:$0x0] =	sbarrier.arrive $0xFFFF  }
0xadc: {  	_ =	strace $0x90000047  }
0xadd: {  	s0 =	stileid.u32;
	[bflag:$0x2] =	sbarrier.arrive $0xFFFF  }
0xade: {  	p0 =	sne.s32 s0, $0x0;
	s0 =	rddreg [dreg:$0x4]  }
0xadf: {  	s0 =	sadd.s32 @!p0 $0x100000, s0  }
0xae0: {  	[sflag:s0] =	ssyncadd.tile.s32 @!p0 $0x1;
	_ =	shalt  }
.Lfunc_end2:
_tile_overlayer_lowered:
.L_overlay_start_2:
0xae1: {  	(tag) =	ssettag $0x2  }
0xae2: {  	s0 =	rddreg [dreg:$0x0];
	s2 =	stileid.u32  }
0xae3: {  	s1 =	rddreg [dreg:$0x1];
	p0 =	sne.s32 s2, $0x0  }
0xae4: {  	s3 =	rddreg [dreg:$0x2];
	[bflag:$0x3] =	sbarrier.arrive $0xFFFF;
	s2 =	simm.s32 @!p0 $0x1C08  }
0xae5: {  	[timem:s3], [sflag:s2] =	dma.local @!p0 [hbm:s0], s1  }
0xae6: {  	s0 =	simm.s32 @!p0 $0x8  }
0xae7: {  	_ =	swait.ge @!p0 [sflag:s0], s1  }
0xae8: {  	s1 =	ssub.s32 @!p0 $0x0, s1;
	[sflag:s0] =	ssyncset.done @!p0 $0x0  }
0xae9: {  	[sflag:s0] =	ssyncadd.s32 @!p0 s1  }
0xaea: {  	[bflag:$0x3] =	sbarrier.arrive $0xFFFF  }
0xaeb: {  	_ =	shalt  }

</sc_bundles>
